<compile_context>
chip_gen: v7x
topology: tpu7x:2x2x1
jax: 0.10.2.dev20260603
libtpu: 0.0.44.dev20260713+nightly
codegen_flags: <defaults>
</compile_context>

<pallas_src>
import jax
import jax.numpy as jnp
from jax import lax
from jax.experimental import pallas as pl
from jax.experimental.pallas import tpu as pltpu
from jax.experimental.pallas import tpu_sc as plsc

_V = 100000
_E = 64
_B = 1024
_L = 16
_NC, _NS = 2, 16
_NW = _NC * _NS
_BPW = _B // _NW
_NRING = 8


def _rsqrt(x):
    i = lax.bitcast_convert_type(x, jnp.int32)
    y = lax.bitcast_convert_type(jnp.int32(0x5F3759DF) - (i >> 1), jnp.float32)
    for _ in range(3):
        y = y * (1.5 - 0.5 * x * y * y)
    return y


def _body(x_hbm, w_hbm, b_hbm, out_hbm, x_v, blk_v, b_v, out_v, *sems):
    wid = lax.axis_index("s") * _NC + lax.axis_index("c")
    base = wid * _BPW

    pltpu.sync_copy(x_hbm.at[pl.ds(base, _BPW)], x_v)

    xv0 = x_v[pl.ds(0, _L)]
    xv1 = x_v[pl.ds(_L, _L)]
    xs = [xv0[i] for i in range(_L)] + [xv1[i] for i in range(_L)]

    def fire(i):
        ci = pl.multiple_of((xs[i] >> 7) << 7, 128)
        return pltpu.async_copy(
            w_hbm.at[:, pl.ds(ci, 128)], blk_v.at[i % _NRING], sems[i % _NRING]
        )

    copies = {}
    for i in range(_NRING):
        copies[i] = fire(i)

    pltpu.sync_copy(b_hbm, b_v)
    bv = [b_v[pl.ds(k * _L, _L)] for k in range(_E // _L)]
    iota = lax.iota(jnp.int32, _L)

    for i in range(_BPW):
        copies[i].wait()
        s = i % _NRING
        li = jnp.full((_L,), xs[i] & 127, jnp.int32)
        si = jnp.full((_L,), s, jnp.int32)
        ck = [
            plsc.load_gather(blk_v, [si, k * _L + iota, li]) + bv[k]
            for k in range(_E // _L)
        ]
        if i + _NRING < _BPW:
            copies[i + _NRING] = fire(i + _NRING)
        sq = (ck[0] * ck[0] + ck[1] * ck[1]) + (ck[2] * ck[2] + ck[3] * ck[3])
        ss = lax.reduce_sum_p.bind(sq, axes=(0,))
        r = _rsqrt(jnp.maximum(ss, 1e-24))
        ii = jnp.full((_L,), i, jnp.int32)
        for k in range(_E // _L):
            plsc.store_scatter(out_v, [ii, k * _L + iota], ck[k] * r)

    pltpu.sync_copy(out_v, out_hbm.at[pl.ds(base, _BPW)])


@jax.jit
def _road2vec_sc(x, w, b):
    mesh = plsc.VectorSubcoreMesh(core_axis_name="c", subcore_axis_name="s")
    return pl.kernel(
        _body,
        mesh=mesh,
        compiler_params=pltpu.CompilerParams(needs_layout_passes=False),
        out_type=jax.ShapeDtypeStruct((_B, _E), jnp.float32),
        scratch_types=[
            pltpu.VMEM((_BPW,), jnp.int32),
            pltpu.VMEM((_NRING, _E, 128), jnp.float32),
            pltpu.VMEM((_E,), jnp.float32),
            pltpu.VMEM((_BPW, _E), jnp.float32),
        ]
        + [pltpu.SemaphoreType.DMA] * _NRING,
    )(x, w, b)


def kernel(x, W, b):
    return _road2vec_sc(x.astype(jnp.int32), W, b)

# --- scband reference (transcript-rebuilt; emitter-appended) ---
"""Pipeline reference for scband-road2vec-75411035783382 (READ-ONLY COPY).

The authoritative reference and input builder live on the scoring server;
editing this copy changes nothing except your own understanding.
"""

import jax, jax.numpy as jnp
import numpy as np

INPUT_SIZE = 100000
EMBED_SIZE = 64
BATCH = 1024


def setup_inputs(seed: int = 0) -> dict:
    key = jax.random.key(seed)
    k1, k2, k3 = jax.random.split(key, 3)
    x = jax.random.randint(k1, (BATCH,), 0, INPUT_SIZE)
    # torch.nn.Linear(input_size, embedding_size): weight [embed, vocab], bias [embed]
    bound = 1.0 / np.sqrt(INPUT_SIZE)
    W = jax.random.uniform(k2, (EMBED_SIZE, INPUT_SIZE), dtype=jnp.float32, minval=-bound, maxval=bound)
    b = jax.random.uniform(k3, (EMBED_SIZE,), dtype=jnp.float32, minval=-bound, maxval=bound)
    return {"x": x, "W": W, "b": b}


def reference(x, W, b):
    # one_hot(x, V).float() @ W.T + b  ==  gather rows of W.T at x, then add bias
    emb = jnp.take(jnp.transpose(W), x, axis=0) + b  # [B, embed]
    # f.normalize(emb, p=2, dim=-1): emb / max(||emb||_2, eps), eps=1e-12
    norm = jnp.linalg.norm(emb, ord=2, axis=-1, keepdims=True)
    return emb / jnp.maximum(norm, 1e-12)

if __name__ == "__main__":
    import jax
    _d = setup_inputs()
    print(jax.jit(kernel)(*tuple(_d.values())))

</pallas_src>

<mosaic_0001>
#map = affine_map<(d0, d1) -> (0)>
#map1 = affine_map<(d0, d1) -> (0, 0)>
module attributes {stable_mosaic.version = 14 : i64} {
  func.func @_body(%arg0: i32, %arg1: i32, %arg2: memref<1024xi32, #tpu.memory_space<hbm>>, %arg3: memref<64x100000xf32, #tpu.memory_space<hbm>>, %arg4: memref<64xf32, #tpu.memory_space<hbm>>, %arg5: memref<1024x64xf32, #tpu.memory_space<hbm>>, %arg6: memref<32xi32, #tpu.memory_space<vmem>>, %arg7: memref<8x64x128xf32, #tpu.memory_space<vmem>>, %arg8: memref<64xf32, #tpu.memory_space<vmem>>, %arg9: memref<32x64xf32, #tpu.memory_space<vmem>>, %arg10: memref<!tpu.dma_semaphore, #tpu.memory_space<semaphore_mem>>, %arg11: memref<!tpu.dma_semaphore, #tpu.memory_space<semaphore_mem>>, %arg12: memref<!tpu.dma_semaphore, #tpu.memory_space<semaphore_mem>>, %arg13: memref<!tpu.dma_semaphore, #tpu.memory_space<semaphore_mem>>, %arg14: memref<!tpu.dma_semaphore, #tpu.memory_space<semaphore_mem>>, %arg15: memref<!tpu.dma_semaphore, #tpu.memory_space<semaphore_mem>>, %arg16: memref<!tpu.dma_semaphore, #tpu.memory_space<semaphore_mem>>, %arg17: memref<!tpu.dma_semaphore, #tpu.memory_space<semaphore_mem>>) attributes {dimension_semantics = [#tpu.dimension_semantics<core_parallel>, #tpu.dimension_semantics<subcore_parallel>], iteration_bounds = array<i64: 2, 16>, scalar_prefetch = 0 : i64, scratch_operands = 12 : i64, tpu.core_type = #tpu.core_type<sc_vector_subcore>, window_params = [{transform_indices = #map}, {transform_indices = #map1}, {transform_indices = #map}, {transform_indices = #map1}]} {
    %mul3A = arith.constant 2 : i32
    %mul3A_0 = arith.muli %arg1, %mul3A : i32
    %add3A = arith.addi %mul3A_0, %arg0 : i32
    %mul3A_1 = arith.constant 32 : i32
    %mul3A_2 = arith.muli %add3A, %mul3A_1 : i32
    "tpu.region"() ({
      %run_scoped3A = tpu.sem_alloc : memref<!tpu.dma_semaphore, #tpu.memory_space<semaphore_mem>>
      %dma_start3A_3840 = tpu.memref_slice %arg2[%mul3A_2] : memref<1024xi32, #tpu.memory_space<hbm>> -> memref<32xi32, #tpu.memory_space<hbm>>
      %dma_start3A_3841 = tpu.memref_slice %arg2[%mul3A_2] : memref<1024xi32, #tpu.memory_space<hbm>> -> memref<32xi32, #tpu.memory_space<hbm>>
      tpu.enqueue_dma source(%dma_start3A_3841 : memref<32xi32, #tpu.memory_space<hbm>>) target(%arg6 : memref<32xi32, #tpu.memory_space<vmem>>) target_semaphore(%run_scoped3A : memref<!tpu.dma_semaphore, #tpu.memory_space<semaphore_mem>>)
      %dma_wait3A_3842 = tpu.memref_slice %arg2[%mul3A_2] : memref<1024xi32, #tpu.memory_space<hbm>> -> memref<32xi32, #tpu.memory_space<hbm>>
      %dma_wait3A_3843 = tpu.memref_slice %arg2[%mul3A_2] : memref<1024xi32, #tpu.memory_space<hbm>> -> memref<32xi32, #tpu.memory_space<hbm>>
      tpu.wait_dma2 semaphore(%run_scoped3A : memref<!tpu.dma_semaphore, #tpu.memory_space<semaphore_mem>>) src(%dma_wait3A_3843 : memref<32xi32, #tpu.memory_space<hbm>>) dst(%arg6 : memref<32xi32, #tpu.memory_space<vmem>>)
      tpu.yield
    }) : () -> ()
    %get3A = arith.constant 0 : index
    %get3A_3 = tpu.vector_load %arg6[%get3A] {strides = array<i32>} : memref<32xi32, #tpu.memory_space<vmem>>, vector<16xi32>,
    %get3A_4 = arith.constant 16 : index
    %get3A_5 = tpu.vector_load %arg6[%get3A_4] {strides = array<i32>} : memref<32xi32, #tpu.memory_space<vmem>>, vector<16xi32>,
    %slice3A = vector.extract_strided_slice %get3A_3 {offsets = [0], sizes = [1], strides = [1]} : vector<16xi32> to vector<1xi32>
    %squeeze3A = vector.extract %slice3A[0] : i32 from vector<1xi32>
    %slice3A_6 = vector.extract_strided_slice %get3A_3 {offsets = [1], sizes = [1], strides = [1]} : vector<16xi32> to vector<1xi32>
    %squeeze3A_7 = vector.extract %slice3A_6[0] : i32 from vector<1xi32>
    %slice3A_8 = vector.extract_strided_slice %get3A_3 {offsets = [2], sizes = [1], strides = [1]} : vector<16xi32> to vector<1xi32>
    %squeeze3A_9 = vector.extract %slice3A_8[0] : i32 from vector<1xi32>
    %slice3A_10 = vector.extract_strided_slice %get3A_3 {offsets = [3], sizes = [1], strides = [1]} : vector<16xi32> to vector<1xi32>
    %squeeze3A_11 = vector.extract %slice3A_10[0] : i32 from vector<1xi32>
    %slice3A_12 = vector.extract_strided_slice %get3A_3 {offsets = [4], sizes = [1], strides = [1]} : vector<16xi32> to vector<1xi32>
    %squeeze3A_13 = vector.extract %slice3A_12[0] : i32 from vector<1xi32>
    %slice3A_14 = vector.extract_strided_slice %get3A_3 {offsets = [5], sizes = [1], strides = [1]} : vector<16xi32> to vector<1xi32>
    %squeeze3A_15 = vector.extract %slice3A_14[0] : i32 from vector<1xi32>
    %slice3A_16 = vector.extract_strided_slice %get3A_3 {offsets = [6], sizes = [1], strides = [1]} : vector<16xi32> to vector<1xi32>
    %squeeze3A_17 = vector.extract %slice3A_16[0] : i32 from vector<1xi32>
    %slice3A_18 = vector.extract_strided_slice %get3A_3 {offsets = [7], sizes = [1], strides = [1]} : vector<16xi32> to vector<1xi32>
    %squeeze3A_19 = vector.extract %slice3A_18[0] : i32 from vector<1xi32>
    %slice3A_20 = vector.extract_strided_slice %get3A_3 {offsets = [8], sizes = [1], strides = [1]} : vector<16xi32> to vector<1xi32>
    %squeeze3A_21 = vector.extract %slice3A_20[0] : i32 from vector<1xi32>
    %slice3A_22 = vector.extract_strided_slice %get3A_3 {offsets = [9], sizes = [1], strides = [1]} : vector<16xi32> to vector<1xi32>
    %squeeze3A_23 = vector.extract %slice3A_22[0] : i32 from vector<1xi32>
    %slice3A_24 = vector.extract_strided_slice %get3A_3 {offsets = [10], sizes = [1], strides = [1]} : vector<16xi32> to vector<1xi32>
    %squeeze3A_25 = vector.extract %slice3A_24[0] : i32 from vector<1xi32>
    %slice3A_26 = vector.extract_strided_slice %get3A_3 {offsets = [11], sizes = [1], strides = [1]} : vector<16xi32> to vector<1xi32>
    %squeeze3A_27 = vector.extract %slice3A_26[0] : i32 from vector<1xi32>
    %slice3A_28 = vector.extract_strided_slice %get3A_3 {offsets = [12], sizes = [1], strides = [1]} : vector<16xi32> to vector<1xi32>
    %squeeze3A_29 = vector.extract %slice3A_28[0] : i32 from vector<1xi32>
    %slice3A_30 = vector.extract_strided_slice %get3A_3 {offsets = [13], sizes = [1], strides = [1]} : vector<16xi32> to vector<1xi32>
    %squeeze3A_31 = vector.extract %slice3A_30[0] : i32 from vector<1xi32>
    %slice3A_32 = vector.extract_strided_slice %get3A_3 {offsets = [14], sizes = [1], strides = [1]} : vector<16xi32> to vector<1xi32>
    %squeeze3A_33 = vector.extract %slice3A_32[0] : i32 from vector<1xi32>
    %slice3A_34 = vector.extract_strided_slice %get3A_3 {offsets = [15], sizes = [1], strides = [1]} : vector<16xi32> to vector<1xi32>
    %squeeze3A_35 = vector.extract %slice3A_34[0] : i32 from vector<1xi32>
    %slice3A_36 = vector.extract_strided_slice %get3A_5 {offsets = [0], sizes = [1], strides = [1]} : vector<16xi32> to vector<1xi32>
    %squeeze3A_37 = vector.extract %slice3A_36[0] : i32 from vector<1xi32>
    %slice3A_38 = vector.extract_strided_slice %get3A_5 {offsets = [1], sizes = [1], strides = [1]} : vector<16xi32> to vector<1xi32>
    %squeeze3A_39 = vector.extract %slice3A_38[0] : i32 from vector<1xi32>
    %slice3A_40 = vector.extract_strided_slice %get3A_5 {offsets = [2], sizes = [1], strides = [1]} : vector<16xi32> to vector<1xi32>
    %squeeze3A_41 = vector.extract %slice3A_40[0] : i32 from vector<1xi32>
    %slice3A_42 = vector.extract_strided_slice %get3A_5 {offsets = [3], sizes = [1], strides = [1]} : vector<16xi32> to vector<1xi32>
    %squeeze3A_43 = vector.extract %slice3A_42[0] : i32 from vector<1xi32>
    %slice3A_44 = vector.extract_strided_slice %get3A_5 {offsets = [4], sizes = [1], strides = [1]} : vector<16xi32> to vector<1xi32>
    %squeeze3A_45 = vector.extract %slice3A_44[0] : i32 from vector<1xi32>
    %slice3A_46 = vector.extract_strided_slice %get3A_5 {offsets = [5], sizes = [1], strides = [1]} : vector<16xi32> to vector<1xi32>
    %squeeze3A_47 = vector.extract %slice3A_46[0] : i32 from vector<1xi32>
    %slice3A_48 = vector.extract_strided_slice %get3A_5 {offsets = [6], sizes = [1], strides = [1]} : vector<16xi32> to vector<1xi32>
    %squeeze3A_49 = vector.extract %slice3A_48[0] : i32 from vector<1xi32>
    %slice3A_50 = vector.extract_strided_slice %get3A_5 {offsets = [7], sizes = [1], strides = [1]} : vector<16xi32> to vector<1xi32>
    %squeeze3A_51 = vector.extract %slice3A_50[0] : i32 from vector<1xi32>
    %slice3A_52 = vector.extract_strided_slice %get3A_5 {offsets = [8], sizes = [1], strides = [1]} : vector<16xi32> to vector<1xi32>
    %squeeze3A_53 = vector.extract %slice3A_52[0] : i32 from vector<1xi32>
    %slice3A_54 = vector.extract_strided_slice %get3A_5 {offsets = [9], sizes = [1], strides = [1]} : vector<16xi32> to vector<1xi32>
    %squeeze3A_55 = vector.extract %slice3A_54[0] : i32 from vector<1xi32>
    %slice3A_56 = vector.extract_strided_slice %get3A_5 {offsets = [10], sizes = [1], strides = [1]} : vector<16xi32> to vector<1xi32>
    %squeeze3A_57 = vector.extract %slice3A_56[0] : i32 from vector<1xi32>
    %slice3A_58 = vector.extract_strided_slice %get3A_5 {offsets = [11], sizes = [1], strides = [1]} : vector<16xi32> to vector<1xi32>
    %squeeze3A_59 = vector.extract %slice3A_58[0] : i32 from vector<1xi32>
    %slice3A_60 = vector.extract_strided_slice %get3A_5 {offsets = [12], sizes = [1], strides = [1]} : vector<16xi32> to vector<1xi32>
    %squeeze3A_61 = vector.extract %slice3A_60[0] : i32 from vector<1xi32>
    %slice3A_62 = vector.extract_strided_slice %get3A_5 {offsets = [13], sizes = [1], strides = [1]} : vector<16xi32> to vector<1xi32>
    %squeeze3A_63 = vector.extract %slice3A_62[0] : i32 from vector<1xi32>
    %slice3A_64 = vector.extract_strided_slice %get3A_5 {offsets = [14], sizes = [1], strides = [1]} : vector<16xi32> to vector<1xi32>
    %squeeze3A_65 = vector.extract %slice3A_64[0] : i32 from vector<1xi32>
    %slice3A_66 = vector.extract_strided_slice %get3A_5 {offsets = [15], sizes = [1], strides = [1]} : vector<16xi32> to vector<1xi32>
    %squeeze3A_67 = vector.extract %slice3A_66[0] : i32 from vector<1xi32>
    %shift_right_arithmetic3A = arith.constant 7 : i32
    %shift_right_arithmetic3A_68 = arith.shrsi %squeeze3A, %shift_right_arithmetic3A : i32
    %shift_left3A = arith.constant 7 : i32
    %shift_left3A_69 = arith.shli %shift_right_arithmetic3A_68, %shift_left3A : i32
    %multiple_of3A = tpu.assume_multiple %shift_left3A_69, 128 : i32
    %dma_start3A = arith.constant 0 : i32
    %dma_start3A_70 = arith.constant 0 : i32
    %dma_start3A_71 = arith.constant 0 : i32
    %dma_start3A_72 = tpu.memref_slice %arg7[%dma_start3A, %dma_start3A_70, %dma_start3A_71] : memref<8x64x128xf32, #tpu.memory_space<vmem>> -> memref<1x64x128xf32, #tpu.memory_space<vmem>>
    %dma_start3A_73 = tpu.memref_squeeze %dma_start3A_72 : memref<1x64x128xf32, #tpu.memory_space<vmem>> -> memref<64x128xf32, #tpu.memory_space<vmem>>
    %dma_start3A_74 = arith.constant 0 : i32
    %dma_start3A_75 = tpu.memref_slice %arg3[%dma_start3A_74, %multiple_of3A] : memref<64x100000xf32, #tpu.memory_space<hbm>> -> memref<64x128xf32, #tpu.memory_space<hbm>>
    %dma_start3A_76 = arith.constant 0 : i32
    %dma_start3A_77 = arith.constant 0 : i32
    %dma_start3A_78 = tpu.memref_slice %arg7[%dma_start3A, %dma_start3A_76, %dma_start3A_77] : memref<8x64x128xf32, #tpu.memory_space<vmem>> -> memref<1x64x128xf32, #tpu.memory_space<vmem>>
    %dma_start3A_79 = tpu.memref_squeeze %dma_start3A_78 : memref<1x64x128xf32, #tpu.memory_space<vmem>> -> memref<64x128xf32, #tpu.memory_space<vmem>>
    %dma_start3A_80 = arith.constant 0 : i32
    %dma_start3A_81 = tpu.memref_slice %arg3[%dma_start3A_80, %multiple_of3A] : memref<64x100000xf32, #tpu.memory_space<hbm>> -> memref<64x128xf32, #tpu.memory_space<hbm>>
    tpu.enqueue_dma source(%dma_start3A_81 : memref<64x128xf32, #tpu.memory_space<hbm>>) target(%dma_start3A_79 : memref<64x128xf32, #tpu.memory_space<vmem>>) target_semaphore(%arg10 : memref<!tpu.dma_semaphore, #tpu.memory_space<semaphore_mem>>)
    %shift_right_arithmetic3A_82 = arith.constant 7 : i32
    %shift_right_arithmetic3A_83 = arith.shrsi %squeeze3A_7, %shift_right_arithmetic3A_82 : i32
    %shift_left3A_84 = arith.constant 7 : i32
    %shift_left3A_85 = arith.shli %shift_right_arithmetic3A_83, %shift_left3A_84 : i32
    %multiple_of3A_86 = tpu.assume_multiple %shift_left3A_85, 128 : i32
    %dma_start3A_87 = arith.constant 1 : i32
    %dma_start3A_88 = arith.constant 0 : i32
    %dma_start3A_89 = arith.constant 0 : i32
    %dma_start3A_90 = tpu.memref_slice %arg7[%dma_start3A_87, %dma_start3A_88, %dma_start3A_89] : memref<8x64x128xf32, #tpu.memory_space<vmem>> -> memref<1x64x128xf32, #tpu.memory_space<vmem>>
    %dma_start3A_91 = tpu.memref_squeeze %dma_start3A_90 : memref<1x64x128xf32, #tpu.memory_space<vmem>> -> memref<64x128xf32, #tpu.memory_space<vmem>>
    %dma_start3A_92 = arith.constant 0 : i32
    %dma_start3A_93 = tpu.memref_slice %arg3[%dma_start3A_92, %multiple_of3A_86] : memref<64x100000xf32, #tpu.memory_space<hbm>> -> memref<64x128xf32, #tpu.memory_space<hbm>>
    %dma_start3A_94 = arith.constant 0 : i32
    %dma_start3A_95 = arith.constant 0 : i32
    %dma_start3A_96 = tpu.memref_slice %arg7[%dma_start3A_87, %dma_start3A_94, %dma_start3A_95] : memref<8x64x128xf32, #tpu.memory_space<vmem>> -> memref<1x64x128xf32, #tpu.memory_space<vmem>>
    %dma_start3A_97 = tpu.memref_squeeze %dma_start3A_96 : memref<1x64x128xf32, #tpu.memory_space<vmem>> -> memref<64x128xf32, #tpu.memory_space<vmem>>
    %dma_start3A_98 = arith.constant 0 : i32
    %dma_start3A_99 = tpu.memref_slice %arg3[%dma_start3A_98, %multiple_of3A_86] : memref<64x100000xf32, #tpu.memory_space<hbm>> -> memref<64x128xf32, #tpu.memory_space<hbm>>
    tpu.enqueue_dma source(%dma_start3A_99 : memref<64x128xf32, #tpu.memory_space<hbm>>) target(%dma_start3A_97 : memref<64x128xf32, #tpu.memory_space<vmem>>) target_semaphore(%arg11 : memref<!tpu.dma_semaphore, #tpu.memory_space<semaphore_mem>>)
    %shift_right_arithmetic3A_100 = arith.constant 7 : i32
    %shift_right_arithmetic3A_101 = arith.shrsi %squeeze3A_9, %shift_right_arithmetic3A_100 : i32
    %shift_left3A_102 = arith.constant 7 : i32
    %shift_left3A_103 = arith.shli %shift_right_arithmetic3A_101, %shift_left3A_102 : i32
    %multiple_of3A_104 = tpu.assume_multiple %shift_left3A_103, 128 : i32
    %dma_start3A_105 = arith.constant 2 : i32
    %dma_start3A_106 = arith.constant 0 : i32
    %dma_start3A_107 = arith.constant 0 : i32
    %dma_start3A_108 = tpu.memref_slice %arg7[%dma_start3A_105, %dma_start3A_106, %dma_start3A_107] : memref<8x64x128xf32, #tpu.memory_space<vmem>> -> memref<1x64x128xf32, #tpu.memory_space<vmem>>
    %dma_start3A_109 = tpu.memref_squeeze %dma_start3A_108 : memref<1x64x128xf32, #tpu.memory_space<vmem>> -> memref<64x128xf32, #tpu.memory_space<vmem>>
    %dma_start3A_110 = arith.constant 0 : i32
    %dma_start3A_111 = tpu.memref_slice %arg3[%dma_start3A_110, %multiple_of3A_104] : memref<64x100000xf32, #tpu.memory_space<hbm>> -> memref<64x128xf32, #tpu.memory_space<hbm>>
    %dma_start3A_112 = arith.constant 0 : i32
    %dma_start3A_113 = arith.constant 0 : i32
    %dma_start3A_114 = tpu.memref_slice %arg7[%dma_start3A_105, %dma_start3A_112, %dma_start3A_113] : memref<8x64x128xf32, #tpu.memory_space<vmem>> -> memref<1x64x128xf32, #tpu.memory_space<vmem>>
    %dma_start3A_115 = tpu.memref_squeeze %dma_start3A_114 : memref<1x64x128xf32, #tpu.memory_space<vmem>> -> memref<64x128xf32, #tpu.memory_space<vmem>>
    %dma_start3A_116 = arith.constant 0 : i32
    %dma_start3A_117 = tpu.memref_slice %arg3[%dma_start3A_116, %multiple_of3A_104] : memref<64x100000xf32, #tpu.memory_space<hbm>> -> memref<64x128xf32, #tpu.memory_space<hbm>>
    tpu.enqueue_dma source(%dma_start3A_117 : memref<64x128xf32, #tpu.memory_space<hbm>>) target(%dma_start3A_115 : memref<64x128xf32, #tpu.memory_space<vmem>>) target_semaphore(%arg12 : memref<!tpu.dma_semaphore, #tpu.memory_space<semaphore_mem>>)
    %shift_right_arithmetic3A_118 = arith.constant 7 : i32
    %shift_right_arithmetic3A_119 = arith.shrsi %squeeze3A_11, %shift_right_arithmetic3A_118 : i32
    %shift_left3A_120 = arith.constant 7 : i32
    %shift_left3A_121 = arith.shli %shift_right_arithmetic3A_119, %shift_left3A_120 : i32
    %multiple_of3A_122 = tpu.assume_multiple %shift_left3A_121, 128 : i32
    %dma_start3A_123 = arith.constant 3 : i32
    %dma_start3A_124 = arith.constant 0 : i32
    %dma_start3A_125 = arith.constant 0 : i32
    %dma_start3A_126 = tpu.memref_slice %arg7[%dma_start3A_123, %dma_start3A_124, %dma_start3A_125] : memref<8x64x128xf32, #tpu.memory_space<vmem>> -> memref<1x64x128xf32, #tpu.memory_space<vmem>>
    %dma_start3A_127 = tpu.memref_squeeze %dma_start3A_126 : memref<1x64x128xf32, #tpu.memory_space<vmem>> -> memref<64x128xf32, #tpu.memory_space<vmem>>
    %dma_start3A_128 = arith.constant 0 : i32
    %dma_start3A_129 = tpu.memref_slice %arg3[%dma_start3A_128, %multiple_of3A_122] : memref<64x100000xf32, #tpu.memory_space<hbm>> -> memref<64x128xf32, #tpu.memory_space<hbm>>
    %dma_start3A_130 = arith.constant 0 : i32
    %dma_start3A_131 = arith.constant 0 : i32
    %dma_start3A_132 = tpu.memref_slice %arg7[%dma_start3A_123, %dma_start3A_130, %dma_start3A_131] : memref<8x64x128xf32, #tpu.memory_space<vmem>> -> memref<1x64x128xf32, #tpu.memory_space<vmem>>
    %dma_start3A_133 = tpu.memref_squeeze %dma_start3A_132 : memref<1x64x128xf32, #tpu.memory_space<vmem>> -> memref<64x128xf32, #tpu.memory_space<vmem>>
    %dma_start3A_134 = arith.constant 0 : i32
    %dma_start3A_135 = tpu.memref_slice %arg3[%dma_start3A_134, %multiple_of3A_122] : memref<64x100000xf32, #tpu.memory_space<hbm>> -> memref<64x128xf32, #tpu.memory_space<hbm>>
    tpu.enqueue_dma source(%dma_start3A_135 : memref<64x128xf32, #tpu.memory_space<hbm>>) target(%dma_start3A_133 : memref<64x128xf32, #tpu.memory_space<vmem>>) target_semaphore(%arg13 : memref<!tpu.dma_semaphore, #tpu.memory_space<semaphore_mem>>)
    %shift_right_arithmetic3A_136 = arith.constant 7 : i32
    %shift_right_arithmetic3A_137 = arith.shrsi %squeeze3A_13, %shift_right_arithmetic3A_136 : i32
    %shift_left3A_138 = arith.constant 7 : i32
    %shift_left3A_139 = arith.shli %shift_right_arithmetic3A_137, %shift_left3A_138 : i32
    %multiple_of3A_140 = tpu.assume_multiple %shift_left3A_139, 128 : i32
    %dma_start3A_141 = arith.constant 4 : i32
    %dma_start3A_142 = arith.constant 0 : i32
    %dma_start3A_143 = arith.constant 0 : i32
    %dma_start3A_144 = tpu.memref_slice %arg7[%dma_start3A_141, %dma_start3A_142, %dma_start3A_143] : memref<8x64x128xf32, #tpu.memory_space<vmem>> -> memref<1x64x128xf32, #tpu.memory_space<vmem>>
    %dma_start3A_145 = tpu.memref_squeeze %dma_start3A_144 : memref<1x64x128xf32, #tpu.memory_space<vmem>> -> memref<64x128xf32, #tpu.memory_space<vmem>>
    %dma_start3A_146 = arith.constant 0 : i32
    %dma_start3A_147 = tpu.memref_slice %arg3[%dma_start3A_146, %multiple_of3A_140] : memref<64x100000xf32, #tpu.memory_space<hbm>> -> memref<64x128xf32, #tpu.memory_space<hbm>>
    %dma_start3A_148 = arith.constant 0 : i32
    %dma_start3A_149 = arith.constant 0 : i32
    %dma_start3A_150 = tpu.memref_slice %arg7[%dma_start3A_141, %dma_start3A_148, %dma_start3A_149] : memref<8x64x128xf32, #tpu.memory_space<vmem>> -> memref<1x64x128xf32, #tpu.memory_space<vmem>>
    %dma_start3A_151 = tpu.memref_squeeze %dma_start3A_150 : memref<1x64x128xf32, #tpu.memory_space<vmem>> -> memref<64x128xf32, #tpu.memory_space<vmem>>
    %dma_start3A_152 = arith.constant 0 : i32
    %dma_start3A_153 = tpu.memref_slice %arg3[%dma_start3A_152, %multiple_of3A_140] : memref<64x100000xf32, #tpu.memory_space<hbm>> -> memref<64x128xf32, #tpu.memory_space<hbm>>
    tpu.enqueue_dma source(%dma_start3A_153 : memref<64x128xf32, #tpu.memory_space<hbm>>) target(%dma_start3A_151 : memref<64x128xf32, #tpu.memory_space<vmem>>) target_semaphore(%arg14 : memref<!tpu.dma_semaphore, #tpu.memory_space<semaphore_mem>>)
    %shift_right_arithmetic3A_154 = arith.constant 7 : i32
    %shift_right_arithmetic3A_155 = arith.shrsi %squeeze3A_15, %shift_right_arithmetic3A_154 : i32
    %shift_left3A_156 = arith.constant 7 : i32
    %shift_left3A_157 = arith.shli %shift_right_arithmetic3A_155, %shift_left3A_156 : i32
    %multiple_of3A_158 = tpu.assume_multiple %shift_left3A_157, 128 : i32
    %dma_start3A_159 = arith.constant 5 : i32
    %dma_start3A_160 = arith.constant 0 : i32
    %dma_start3A_161 = arith.constant 0 : i32
    %dma_start3A_162 = tpu.memref_slice %arg7[%dma_start3A_159, %dma_start3A_160, %dma_start3A_161] : memref<8x64x128xf32, #tpu.memory_space<vmem>> -> memref<1x64x128xf32, #tpu.memory_space<vmem>>
    %dma_start3A_163 = tpu.memref_squeeze %dma_start3A_162 : memref<1x64x128xf32, #tpu.memory_space<vmem>> -> memref<64x128xf32, #tpu.memory_space<vmem>>
    %dma_start3A_164 = arith.constant 0 : i32
    %dma_start3A_165 = tpu.memref_slice %arg3[%dma_start3A_164, %multiple_of3A_158] : memref<64x100000xf32, #tpu.memory_space<hbm>> -> memref<64x128xf32, #tpu.memory_space<hbm>>
    %dma_start3A_166 = arith.constant 0 : i32
    %dma_start3A_167 = arith.constant 0 : i32
    %dma_start3A_168 = tpu.memref_slice %arg7[%dma_start3A_159, %dma_start3A_166, %dma_start3A_167] : memref<8x64x128xf32, #tpu.memory_space<vmem>> -> memref<1x64x128xf32, #tpu.memory_space<vmem>>
    %dma_start3A_169 = tpu.memref_squeeze %dma_start3A_168 : memref<1x64x128xf32, #tpu.memory_space<vmem>> -> memref<64x128xf32, #tpu.memory_space<vmem>>
    %dma_start3A_170 = arith.constant 0 : i32
    %dma_start3A_171 = tpu.memref_slice %arg3[%dma_start3A_170, %multiple_of3A_158] : memref<64x100000xf32, #tpu.memory_space<hbm>> -> memref<64x128xf32, #tpu.memory_space<hbm>>
    tpu.enqueue_dma source(%dma_start3A_171 : memref<64x128xf32, #tpu.memory_space<hbm>>) target(%dma_start3A_169 : memref<64x128xf32, #tpu.memory_space<vmem>>) target_semaphore(%arg15 : memref<!tpu.dma_semaphore, #tpu.memory_space<semaphore_mem>>)
    %shift_right_arithmetic3A_172 = arith.constant 7 : i32
    %shift_right_arithmetic3A_173 = arith.shrsi %squeeze3A_17, %shift_right_arithmetic3A_172 : i32
    %shift_left3A_174 = arith.constant 7 : i32
    %shift_left3A_175 = arith.shli %shift_right_arithmetic3A_173, %shift_left3A_174 : i32
    %multiple_of3A_176 = tpu.assume_multiple %shift_left3A_175, 128 : i32
    %dma_start3A_177 = arith.constant 6 : i32
    %dma_start3A_178 = arith.constant 0 : i32
    %dma_start3A_179 = arith.constant 0 : i32
    %dma_start3A_180 = tpu.memref_slice %arg7[%dma_start3A_177, %dma_start3A_178, %dma_start3A_179] : memref<8x64x128xf32, #tpu.memory_space<vmem>> -> memref<1x64x128xf32, #tpu.memory_space<vmem>>
    %dma_start3A_181 = tpu.memref_squeeze %dma_start3A_180 : memref<1x64x128xf32, #tpu.memory_space<vmem>> -> memref<64x128xf32, #tpu.memory_space<vmem>>
    %dma_start3A_182 = arith.constant 0 : i32
    %dma_start3A_183 = tpu.memref_slice %arg3[%dma_start3A_182, %multiple_of3A_176] : memref<64x100000xf32, #tpu.memory_space<hbm>> -> memref<64x128xf32, #tpu.memory_space<hbm>>
    %dma_start3A_184 = arith.constant 0 : i32
    %dma_start3A_185 = arith.constant 0 : i32
    %dma_start3A_186 = tpu.memref_slice %arg7[%dma_start3A_177, %dma_start3A_184, %dma_start3A_185] : memref<8x64x128xf32, #tpu.memory_space<vmem>> -> memref<1x64x128xf32, #tpu.memory_space<vmem>>
    %dma_start3A_187 = tpu.memref_squeeze %dma_start3A_186 : memref<1x64x128xf32, #tpu.memory_space<vmem>> -> memref<64x128xf32, #tpu.memory_space<vmem>>
    %dma_start3A_188 = arith.constant 0 : i32
    %dma_start3A_189 = tpu.memref_slice %arg3[%dma_start3A_188, %multiple_of3A_176] : memref<64x100000xf32, #tpu.memory_space<hbm>> -> memref<64x128xf32, #tpu.memory_space<hbm>>
    tpu.enqueue_dma source(%dma_start3A_189 : memref<64x128xf32, #tpu.memory_space<hbm>>) target(%dma_start3A_187 : memref<64x128xf32, #tpu.memory_space<vmem>>) target_semaphore(%arg16 : memref<!tpu.dma_semaphore, #tpu.memory_space<semaphore_mem>>)
    %shift_right_arithmetic3A_190 = arith.constant 7 : i32
    %shift_right_arithmetic3A_191 = arith.shrsi %squeeze3A_19, %shift_right_arithmetic3A_190 : i32
    %shift_left3A_192 = arith.constant 7 : i32
    %shift_left3A_193 = arith.shli %shift_right_arithmetic3A_191, %shift_left3A_192 : i32
    %multiple_of3A_194 = tpu.assume_multiple %shift_left3A_193, 128 : i32
    %dma_start3A_195 = arith.constant 7 : i32
    %dma_start3A_196 = arith.constant 0 : i32
    %dma_start3A_197 = arith.constant 0 : i32
    %dma_start3A_198 = tpu.memref_slice %arg7[%dma_start3A_195, %dma_start3A_196, %dma_start3A_197] : memref<8x64x128xf32, #tpu.memory_space<vmem>> -> memref<1x64x128xf32, #tpu.memory_space<vmem>>
    %dma_start3A_199 = tpu.memref_squeeze %dma_start3A_198 : memref<1x64x128xf32, #tpu.memory_space<vmem>> -> memref<64x128xf32, #tpu.memory_space<vmem>>
    %dma_start3A_200 = arith.constant 0 : i32
    %dma_start3A_201 = tpu.memref_slice %arg3[%dma_start3A_200, %multiple_of3A_194] : memref<64x100000xf32, #tpu.memory_space<hbm>> -> memref<64x128xf32, #tpu.memory_space<hbm>>
    %dma_start3A_202 = arith.constant 0 : i32
    %dma_start3A_203 = arith.constant 0 : i32
    %dma_start3A_204 = tpu.memref_slice %arg7[%dma_start3A_195, %dma_start3A_202, %dma_start3A_203] : memref<8x64x128xf32, #tpu.memory_space<vmem>> -> memref<1x64x128xf32, #tpu.memory_space<vmem>>
    %dma_start3A_205 = tpu.memref_squeeze %dma_start3A_204 : memref<1x64x128xf32, #tpu.memory_space<vmem>> -> memref<64x128xf32, #tpu.memory_space<vmem>>
    %dma_start3A_206 = arith.constant 0 : i32
    %dma_start3A_207 = tpu.memref_slice %arg3[%dma_start3A_206, %multiple_of3A_194] : memref<64x100000xf32, #tpu.memory_space<hbm>> -> memref<64x128xf32, #tpu.memory_space<hbm>>
    tpu.enqueue_dma source(%dma_start3A_207 : memref<64x128xf32, #tpu.memory_space<hbm>>) target(%dma_start3A_205 : memref<64x128xf32, #tpu.memory_space<vmem>>) target_semaphore(%arg17 : memref<!tpu.dma_semaphore, #tpu.memory_space<semaphore_mem>>)
    "tpu.region"() ({
      %run_scoped3A = tpu.sem_alloc : memref<!tpu.dma_semaphore, #tpu.memory_space<semaphore_mem>>
      tpu.enqueue_dma source(%arg4 : memref<64xf32, #tpu.memory_space<hbm>>) target(%arg8 : memref<64xf32, #tpu.memory_space<vmem>>) target_semaphore(%run_scoped3A : memref<!tpu.dma_semaphore, #tpu.memory_space<semaphore_mem>>)
      tpu.wait_dma2 semaphore(%run_scoped3A : memref<!tpu.dma_semaphore, #tpu.memory_space<semaphore_mem>>) src(%arg4 : memref<64xf32, #tpu.memory_space<hbm>>) dst(%arg8 : memref<64xf32, #tpu.memory_space<vmem>>)
      tpu.yield
    }) : () -> ()
    %get3A_208 = arith.constant 0 : index
    %get3A_209 = tpu.vector_load %arg8[%get3A_208] {strides = array<i32>} : memref<64xf32, #tpu.memory_space<vmem>>, vector<16xf32>,
    %get3A_210 = arith.constant 16 : index
    %get3A_211 = tpu.vector_load %arg8[%get3A_210] {strides = array<i32>} : memref<64xf32, #tpu.memory_space<vmem>>, vector<16xf32>,
    %get3A_212 = arith.constant 32 : index
    %get3A_213 = tpu.vector_load %arg8[%get3A_212] {strides = array<i32>} : memref<64xf32, #tpu.memory_space<vmem>>, vector<16xf32>,
    %get3A_214 = arith.constant 48 : index
    %get3A_215 = tpu.vector_load %arg8[%get3A_214] {strides = array<i32>} : memref<64xf32, #tpu.memory_space<vmem>>, vector<16xf32>,
    %iota3A = tpu.iota {dimensions = array<i32: 0>} : vector<16xi32>
    %dma_wait3A = arith.constant 0 : i32
    %dma_wait3A_216 = arith.constant 0 : i32
    %dma_wait3A_217 = arith.constant 0 : i32
    %dma_wait3A_218 = tpu.memref_slice %arg7[%dma_wait3A, %dma_wait3A_216, %dma_wait3A_217] : memref<8x64x128xf32, #tpu.memory_space<vmem>> -> memref<1x64x128xf32, #tpu.memory_space<vmem>>
    %dma_wait3A_219 = tpu.memref_squeeze %dma_wait3A_218 : memref<1x64x128xf32, #tpu.memory_space<vmem>> -> memref<64x128xf32, #tpu.memory_space<vmem>>
    %dma_wait3A_220 = arith.constant 0 : i32
    %dma_wait3A_221 = tpu.memref_slice %arg3[%dma_wait3A_220, %multiple_of3A] : memref<64x100000xf32, #tpu.memory_space<hbm>> -> memref<64x128xf32, #tpu.memory_space<hbm>>
    %dma_wait3A_222 = arith.constant 0 : i32
    %dma_wait3A_223 = arith.constant 0 : i32
    %dma_wait3A_224 = tpu.memref_slice %arg7[%dma_wait3A, %dma_wait3A_222, %dma_wait3A_223] : memref<8x64x128xf32, #tpu.memory_space<vmem>> -> memref<1x64x128xf32, #tpu.memory_space<vmem>>
    %dma_wait3A_225 = tpu.memref_squeeze %dma_wait3A_224 : memref<1x64x128xf32, #tpu.memory_space<vmem>> -> memref<64x128xf32, #tpu.memory_space<vmem>>
    %dma_wait3A_226 = arith.constant 0 : i32
    %dma_wait3A_227 = tpu.memref_slice %arg3[%dma_wait3A_226, %multiple_of3A] : memref<64x100000xf32, #tpu.memory_space<hbm>> -> memref<64x128xf32, #tpu.memory_space<hbm>>
    tpu.wait_dma2 semaphore(%arg10 : memref<!tpu.dma_semaphore, #tpu.memory_space<semaphore_mem>>) src(%dma_wait3A_227 : memref<64x128xf32, #tpu.memory_space<hbm>>) dst(%dma_wait3A_225 : memref<64x128xf32, #tpu.memory_space<vmem>>)
    %and3A = arith.constant 127 : i32
    %and3A_228 = arith.andi %squeeze3A, %and3A : i32
    %broadcast_in_dim3A = vector.broadcast %and3A_228 : i32 to vector<16xi32>
    %broadcast_in_dim3A_229 = arith.constant 0 : i32
    %broadcast_in_dim3A_230 = vector.broadcast %broadcast_in_dim3A_229 : i32 to vector<16xi32>
    %add3A_231 = arith.constant 0 : i32
    %add3A_232 = vector.broadcast %add3A_231 : i32 to vector<16xi32>
    %add3A_233 = arith.addi %add3A_232, %iota3A : vector<16xi32>
    %gather3A = tpu.vector_load_idx %arg7[%broadcast_in_dim3A_230, %add3A_233, %broadcast_in_dim3A] : memref<8x64x128xf32, #tpu.memory_space<vmem>>[vector<16xi32>, vector<16xi32>, vector<16xi32>], vector<16xf32>,
    %add3A_234 = arith.addf %gather3A, %get3A_209 : vector<16xf32>
    %add3A_235 = arith.constant 16 : i32
    %add3A_236 = vector.broadcast %add3A_235 : i32 to vector<16xi32>
    %add3A_237 = arith.addi %add3A_236, %iota3A : vector<16xi32>
    %gather3A_238 = tpu.vector_load_idx %arg7[%broadcast_in_dim3A_230, %add3A_237, %broadcast_in_dim3A] : memref<8x64x128xf32, #tpu.memory_space<vmem>>[vector<16xi32>, vector<16xi32>, vector<16xi32>], vector<16xf32>,
    %add3A_239 = arith.addf %gather3A_238, %get3A_211 : vector<16xf32>
    %add3A_240 = arith.constant 32 : i32
    %add3A_241 = vector.broadcast %add3A_240 : i32 to vector<16xi32>
    %add3A_242 = arith.addi %add3A_241, %iota3A : vector<16xi32>
    %gather3A_243 = tpu.vector_load_idx %arg7[%broadcast_in_dim3A_230, %add3A_242, %broadcast_in_dim3A] : memref<8x64x128xf32, #tpu.memory_space<vmem>>[vector<16xi32>, vector<16xi32>, vector<16xi32>], vector<16xf32>,
    %add3A_244 = arith.addf %gather3A_243, %get3A_213 : vector<16xf32>
    %add3A_245 = arith.constant 48 : i32
    %add3A_246 = vector.broadcast %add3A_245 : i32 to vector<16xi32>
    %add3A_247 = arith.addi %add3A_246, %iota3A : vector<16xi32>
    %gather3A_248 = tpu.vector_load_idx %arg7[%broadcast_in_dim3A_230, %add3A_247, %broadcast_in_dim3A] : memref<8x64x128xf32, #tpu.memory_space<vmem>>[vector<16xi32>, vector<16xi32>, vector<16xi32>], vector<16xf32>,
    %add3A_249 = arith.addf %gather3A_248, %get3A_215 : vector<16xf32>
    %shift_right_arithmetic3A_250 = arith.constant 7 : i32
    %shift_right_arithmetic3A_251 = arith.shrsi %squeeze3A_21, %shift_right_arithmetic3A_250 : i32
    %shift_left3A_252 = arith.constant 7 : i32
    %shift_left3A_253 = arith.shli %shift_right_arithmetic3A_251, %shift_left3A_252 : i32
    %multiple_of3A_254 = tpu.assume_multiple %shift_left3A_253, 128 : i32
    %dma_start3A_255 = arith.constant 0 : i32
    %dma_start3A_256 = arith.constant 0 : i32
    %dma_start3A_257 = arith.constant 0 : i32
    %dma_start3A_258 = tpu.memref_slice %arg7[%dma_start3A_255, %dma_start3A_256, %dma_start3A_257] : memref<8x64x128xf32, #tpu.memory_space<vmem>> -> memref<1x64x128xf32, #tpu.memory_space<vmem>>
    %dma_start3A_259 = tpu.memref_squeeze %dma_start3A_258 : memref<1x64x128xf32, #tpu.memory_space<vmem>> -> memref<64x128xf32, #tpu.memory_space<vmem>>
    %dma_start3A_260 = arith.constant 0 : i32
    %dma_start3A_261 = tpu.memref_slice %arg3[%dma_start3A_260, %multiple_of3A_254] : memref<64x100000xf32, #tpu.memory_space<hbm>> -> memref<64x128xf32, #tpu.memory_space<hbm>>
    %dma_start3A_262 = arith.constant 0 : i32
    %dma_start3A_263 = arith.constant 0 : i32
    %dma_start3A_264 = tpu.memref_slice %arg7[%dma_start3A_255, %dma_start3A_262, %dma_start3A_263] : memref<8x64x128xf32, #tpu.memory_space<vmem>> -> memref<1x64x128xf32, #tpu.memory_space<vmem>>
    %dma_start3A_265 = tpu.memref_squeeze %dma_start3A_264 : memref<1x64x128xf32, #tpu.memory_space<vmem>> -> memref<64x128xf32, #tpu.memory_space<vmem>>
    %dma_start3A_266 = arith.constant 0 : i32
    %dma_start3A_267 = tpu.memref_slice %arg3[%dma_start3A_266, %multiple_of3A_254] : memref<64x100000xf32, #tpu.memory_space<hbm>> -> memref<64x128xf32, #tpu.memory_space<hbm>>
    tpu.enqueue_dma source(%dma_start3A_267 : memref<64x128xf32, #tpu.memory_space<hbm>>) target(%dma_start3A_265 : memref<64x128xf32, #tpu.memory_space<vmem>>) target_semaphore(%arg10 : memref<!tpu.dma_semaphore, #tpu.memory_space<semaphore_mem>>)
    %mul3A_268 = arith.mulf %add3A_234, %add3A_234 : vector<16xf32>
    %mul3A_269 = arith.mulf %add3A_239, %add3A_239 : vector<16xf32>
    %add3A_270 = arith.addf %mul3A_268, %mul3A_269 : vector<16xf32>
    %mul3A_271 = arith.mulf %add3A_244, %add3A_244 : vector<16xf32>
    %mul3A_272 = arith.mulf %add3A_249, %add3A_249 : vector<16xf32>
    %add3A_273 = arith.addf %mul3A_271, %mul3A_272 : vector<16xf32>
    %add3A_274 = arith.addf %add3A_270, %add3A_273 : vector<16xf32>
    %reduce_sum3A = arith.constant true
    %reduce_sum3A_275 = vector.broadcast %reduce_sum3A : i1 to vector<16xi1>
    %reduce_sum3A_276 = tpu.scan <sum>, %add3A_274 masked %reduce_sum3A_275 : vector<16xf32>, vector<16xi1> -> vector<16xf32>
    %reduce_sum3A_277 = vector.extract %reduce_sum3A_276[15] : f32 from vector<16xf32>
    %max3A = arith.constant 1.000000e-24 : f32
    %max3A_278 = arith.maximumf %reduce_sum3A_277, %max3A : f32
    %bitcast_convert_type3A = arith.bitcast %max3A_278 : f32 to i32
    %shift_right_arithmetic3A_279 = arith.constant 1 : i32
    %shift_right_arithmetic3A_280 = arith.shrsi %bitcast_convert_type3A, %shift_right_arithmetic3A_279 : i32
    %sub3A = arith.constant 1597463007 : i32
    %sub3A_281 = arith.subi %sub3A, %shift_right_arithmetic3A_280 : i32
    %bitcast_convert_type3A_282 = arith.bitcast %sub3A_281 : i32 to f32
    %mul3A_283 = arith.constant 5.000000e-01 : f32
    %mul3A_284 = arith.mulf %mul3A_283, %max3A_278 : f32
    %mul3A_285 = arith.mulf %mul3A_284, %bitcast_convert_type3A_282 : f32
    %mul3A_286 = arith.mulf %mul3A_285, %bitcast_convert_type3A_282 : f32
    %sub3A_287 = arith.constant 1.500000e+00 : f32
    %sub3A_288 = arith.subf %sub3A_287, %mul3A_286 : f32
    %mul3A_289 = arith.mulf %bitcast_convert_type3A_282, %sub3A_288 : f32
    %mul3A_290 = arith.constant 5.000000e-01 : f32
    %mul3A_291 = arith.mulf %mul3A_290, %max3A_278 : f32
    %mul3A_292 = arith.mulf %mul3A_291, %mul3A_289 : f32
    %mul3A_293 = arith.mulf %mul3A_292, %mul3A_289 : f32
    %sub3A_294 = arith.constant 1.500000e+00 : f32
    %sub3A_295 = arith.subf %sub3A_294, %mul3A_293 : f32
    %mul3A_296 = arith.mulf %mul3A_289, %sub3A_295 : f32
    %mul3A_297 = arith.constant 5.000000e-01 : f32
    %mul3A_298 = arith.mulf %mul3A_297, %max3A_278 : f32
    %mul3A_299 = arith.mulf %mul3A_298, %mul3A_296 : f32
    %mul3A_300 = arith.mulf %mul3A_299, %mul3A_296 : f32
    %sub3A_301 = arith.constant 1.500000e+00 : f32
    %sub3A_302 = arith.subf %sub3A_301, %mul3A_300 : f32
    %mul3A_303 = arith.mulf %mul3A_296, %sub3A_302 : f32
    %broadcast_in_dim3A_304 = arith.constant 0 : i32
    %broadcast_in_dim3A_305 = vector.broadcast %broadcast_in_dim3A_304 : i32 to vector<16xi32>
    %add3A_306 = arith.constant 0 : i32
    %add3A_307 = vector.broadcast %add3A_306 : i32 to vector<16xi32>
    %add3A_308 = arith.addi %add3A_307, %iota3A : vector<16xi32>
    %mul3A_309 = vector.broadcast %mul3A_303 : f32 to vector<16xf32>
    %mul3A_310 = arith.mulf %add3A_234, %mul3A_309 : vector<16xf32>
    tpu.vector_store_idx %arg9[%broadcast_in_dim3A_305, %add3A_308], %mul3A_310 : memref<32x64xf32, #tpu.memory_space<vmem>>[vector<16xi32>, vector<16xi32>], vector<16xf32>,
    %add3A_311 = arith.constant 16 : i32
    %add3A_312 = vector.broadcast %add3A_311 : i32 to vector<16xi32>
    %add3A_313 = arith.addi %add3A_312, %iota3A : vector<16xi32>
    %mul3A_314 = vector.broadcast %mul3A_303 : f32 to vector<16xf32>
    %mul3A_315 = arith.mulf %add3A_239, %mul3A_314 : vector<16xf32>
    tpu.vector_store_idx %arg9[%broadcast_in_dim3A_305, %add3A_313], %mul3A_315 : memref<32x64xf32, #tpu.memory_space<vmem>>[vector<16xi32>, vector<16xi32>], vector<16xf32>,
    %add3A_316 = arith.constant 32 : i32
    %add3A_317 = vector.broadcast %add3A_316 : i32 to vector<16xi32>
    %add3A_318 = arith.addi %add3A_317, %iota3A : vector<16xi32>
    %mul3A_319 = vector.broadcast %mul3A_303 : f32 to vector<16xf32>
    %mul3A_320 = arith.mulf %add3A_244, %mul3A_319 : vector<16xf32>
    tpu.vector_store_idx %arg9[%broadcast_in_dim3A_305, %add3A_318], %mul3A_320 : memref<32x64xf32, #tpu.memory_space<vmem>>[vector<16xi32>, vector<16xi32>], vector<16xf32>,
    %add3A_321 = arith.constant 48 : i32
    %add3A_322 = vector.broadcast %add3A_321 : i32 to vector<16xi32>
    %add3A_323 = arith.addi %add3A_322, %iota3A : vector<16xi32>
    %mul3A_324 = vector.broadcast %mul3A_303 : f32 to vector<16xf32>
    %mul3A_325 = arith.mulf %add3A_249, %mul3A_324 : vector<16xf32>
    tpu.vector_store_idx %arg9[%broadcast_in_dim3A_305, %add3A_323], %mul3A_325 : memref<32x64xf32, #tpu.memory_space<vmem>>[vector<16xi32>, vector<16xi32>], vector<16xf32>,
    %dma_wait3A_326 = arith.constant 1 : i32
    %dma_wait3A_327 = arith.constant 0 : i32
    %dma_wait3A_328 = arith.constant 0 : i32
    %dma_wait3A_329 = tpu.memref_slice %arg7[%dma_wait3A_326, %dma_wait3A_327, %dma_wait3A_328] : memref<8x64x128xf32, #tpu.memory_space<vmem>> -> memref<1x64x128xf32, #tpu.memory_space<vmem>>
    %dma_wait3A_330 = tpu.memref_squeeze %dma_wait3A_329 : memref<1x64x128xf32, #tpu.memory_space<vmem>> -> memref<64x128xf32, #tpu.memory_space<vmem>>
    %dma_wait3A_331 = arith.constant 0 : i32
    %dma_wait3A_332 = tpu.memref_slice %arg3[%dma_wait3A_331, %multiple_of3A_86] : memref<64x100000xf32, #tpu.memory_space<hbm>> -> memref<64x128xf32, #tpu.memory_space<hbm>>
    %dma_wait3A_333 = arith.constant 0 : i32
    %dma_wait3A_334 = arith.constant 0 : i32
    %dma_wait3A_335 = tpu.memref_slice %arg7[%dma_wait3A_326, %dma_wait3A_333, %dma_wait3A_334] : memref<8x64x128xf32, #tpu.memory_space<vmem>> -> memref<1x64x128xf32, #tpu.memory_space<vmem>>
    %dma_wait3A_336 = tpu.memref_squeeze %dma_wait3A_335 : memref<1x64x128xf32, #tpu.memory_space<vmem>> -> memref<64x128xf32, #tpu.memory_space<vmem>>
    %dma_wait3A_337 = arith.constant 0 : i32
    %dma_wait3A_338 = tpu.memref_slice %arg3[%dma_wait3A_337, %multiple_of3A_86] : memref<64x100000xf32, #tpu.memory_space<hbm>> -> memref<64x128xf32, #tpu.memory_space<hbm>>
    tpu.wait_dma2 semaphore(%arg11 : memref<!tpu.dma_semaphore, #tpu.memory_space<semaphore_mem>>) src(%dma_wait3A_338 : memref<64x128xf32, #tpu.memory_space<hbm>>) dst(%dma_wait3A_336 : memref<64x128xf32, #tpu.memory_space<vmem>>)
    %and3A_339 = arith.constant 127 : i32
    %and3A_340 = arith.andi %squeeze3A_7, %and3A_339 : i32
    %broadcast_in_dim3A_341 = vector.broadcast %and3A_340 : i32 to vector<16xi32>
    %broadcast_in_dim3A_342 = arith.constant 1 : i32
    %broadcast_in_dim3A_343 = vector.broadcast %broadcast_in_dim3A_342 : i32 to vector<16xi32>
    %add3A_344 = arith.constant 0 : i32
    %add3A_345 = vector.broadcast %add3A_344 : i32 to vector<16xi32>
    %add3A_346 = arith.addi %add3A_345, %iota3A : vector<16xi32>
    %gather3A_347 = tpu.vector_load_idx %arg7[%broadcast_in_dim3A_343, %add3A_346, %broadcast_in_dim3A_341] : memref<8x64x128xf32, #tpu.memory_space<vmem>>[vector<16xi32>, vector<16xi32>, vector<16xi32>], vector<16xf32>,
    %add3A_348 = arith.addf %gather3A_347, %get3A_209 : vector<16xf32>
    %add3A_349 = arith.constant 16 : i32
    %add3A_350 = vector.broadcast %add3A_349 : i32 to vector<16xi32>
    %add3A_351 = arith.addi %add3A_350, %iota3A : vector<16xi32>
    %gather3A_352 = tpu.vector_load_idx %arg7[%broadcast_in_dim3A_343, %add3A_351, %broadcast_in_dim3A_341] : memref<8x64x128xf32, #tpu.memory_space<vmem>>[vector<16xi32>, vector<16xi32>, vector<16xi32>], vector<16xf32>,
    %add3A_353 = arith.addf %gather3A_352, %get3A_211 : vector<16xf32>
    %add3A_354 = arith.constant 32 : i32
    %add3A_355 = vector.broadcast %add3A_354 : i32 to vector<16xi32>
    %add3A_356 = arith.addi %add3A_355, %iota3A : vector<16xi32>
    %gather3A_357 = tpu.vector_load_idx %arg7[%broadcast_in_dim3A_343, %add3A_356, %broadcast_in_dim3A_341] : memref<8x64x128xf32, #tpu.memory_space<vmem>>[vector<16xi32>, vector<16xi32>, vector<16xi32>], vector<16xf32>,
    %add3A_358 = arith.addf %gather3A_357, %get3A_213 : vector<16xf32>
    %add3A_359 = arith.constant 48 : i32
    %add3A_360 = vector.broadcast %add3A_359 : i32 to vector<16xi32>
    %add3A_361 = arith.addi %add3A_360, %iota3A : vector<16xi32>
    %gather3A_362 = tpu.vector_load_idx %arg7[%broadcast_in_dim3A_343, %add3A_361, %broadcast_in_dim3A_341] : memref<8x64x128xf32, #tpu.memory_space<vmem>>[vector<16xi32>, vector<16xi32>, vector<16xi32>], vector<16xf32>,
    %add3A_363 = arith.addf %gather3A_362, %get3A_215 : vector<16xf32>
    %shift_right_arithmetic3A_364 = arith.constant 7 : i32
    %shift_right_arithmetic3A_365 = arith.shrsi %squeeze3A_23, %shift_right_arithmetic3A_364 : i32
    %shift_left3A_366 = arith.constant 7 : i32
    %shift_left3A_367 = arith.shli %shift_right_arithmetic3A_365, %shift_left3A_366 : i32
    %multiple_of3A_368 = tpu.assume_multiple %shift_left3A_367, 128 : i32
    %dma_start3A_369 = arith.constant 1 : i32
    %dma_start3A_370 = arith.constant 0 : i32
    %dma_start3A_371 = arith.constant 0 : i32
    %dma_start3A_372 = tpu.memref_slice %arg7[%dma_start3A_369, %dma_start3A_370, %dma_start3A_371] : memref<8x64x128xf32, #tpu.memory_space<vmem>> -> memref<1x64x128xf32, #tpu.memory_space<vmem>>
    %dma_start3A_373 = tpu.memref_squeeze %dma_start3A_372 : memref<1x64x128xf32, #tpu.memory_space<vmem>> -> memref<64x128xf32, #tpu.memory_space<vmem>>
    %dma_start3A_374 = arith.constant 0 : i32
    %dma_start3A_375 = tpu.memref_slice %arg3[%dma_start3A_374, %multiple_of3A_368] : memref<64x100000xf32, #tpu.memory_space<hbm>> -> memref<64x128xf32, #tpu.memory_space<hbm>>
    %dma_start3A_376 = arith.constant 0 : i32
    %dma_start3A_377 = arith.constant 0 : i32
    %dma_start3A_378 = tpu.memref_slice %arg7[%dma_start3A_369, %dma_start3A_376, %dma_start3A_377] : memref<8x64x128xf32, #tpu.memory_space<vmem>> -> memref<1x64x128xf32, #tpu.memory_space<vmem>>
    %dma_start3A_379 = tpu.memref_squeeze %dma_start3A_378 : memref<1x64x128xf32, #tpu.memory_space<vmem>> -> memref<64x128xf32, #tpu.memory_space<vmem>>
    %dma_start3A_380 = arith.constant 0 : i32
    %dma_start3A_381 = tpu.memref_slice %arg3[%dma_start3A_380, %multiple_of3A_368] : memref<64x100000xf32, #tpu.memory_space<hbm>> -> memref<64x128xf32, #tpu.memory_space<hbm>>
    tpu.enqueue_dma source(%dma_start3A_381 : memref<64x128xf32, #tpu.memory_space<hbm>>) target(%dma_start3A_379 : memref<64x128xf32, #tpu.memory_space<vmem>>) target_semaphore(%arg11 : memref<!tpu.dma_semaphore, #tpu.memory_space<semaphore_mem>>)
    %mul3A_382 = arith.mulf %add3A_348, %add3A_348 : vector<16xf32>
    %mul3A_383 = arith.mulf %add3A_353, %add3A_353 : vector<16xf32>
    %add3A_384 = arith.addf %mul3A_382, %mul3A_383 : vector<16xf32>
    %mul3A_385 = arith.mulf %add3A_358, %add3A_358 : vector<16xf32>
    %mul3A_386 = arith.mulf %add3A_363, %add3A_363 : vector<16xf32>
    %add3A_387 = arith.addf %mul3A_385, %mul3A_386 : vector<16xf32>
    %add3A_388 = arith.addf %add3A_384, %add3A_387 : vector<16xf32>
    %reduce_sum3A_389 = arith.constant true
    %reduce_sum3A_390 = vector.broadcast %reduce_sum3A_389 : i1 to vector<16xi1>
    %reduce_sum3A_391 = tpu.scan <sum>, %add3A_388 masked %reduce_sum3A_390 : vector<16xf32>, vector<16xi1> -> vector<16xf32>
    %reduce_sum3A_392 = vector.extract %reduce_sum3A_391[15] : f32 from vector<16xf32>
    %max3A_393 = arith.constant 1.000000e-24 : f32
    %max3A_394 = arith.maximumf %reduce_sum3A_392, %max3A_393 : f32
    %bitcast_convert_type3A_395 = arith.bitcast %max3A_394 : f32 to i32
    %shift_right_arithmetic3A_396 = arith.constant 1 : i32
    %shift_right_arithmetic3A_397 = arith.shrsi %bitcast_convert_type3A_395, %shift_right_arithmetic3A_396 : i32
    %sub3A_398 = arith.constant 1597463007 : i32
    %sub3A_399 = arith.subi %sub3A_398, %shift_right_arithmetic3A_397 : i32
    %bitcast_convert_type3A_400 = arith.bitcast %sub3A_399 : i32 to f32
    %mul3A_401 = arith.constant 5.000000e-01 : f32
    %mul3A_402 = arith.mulf %mul3A_401, %max3A_394 : f32
    %mul3A_403 = arith.mulf %mul3A_402, %bitcast_convert_type3A_400 : f32
    %mul3A_404 = arith.mulf %mul3A_403, %bitcast_convert_type3A_400 : f32
    %sub3A_405 = arith.constant 1.500000e+00 : f32
    %sub3A_406 = arith.subf %sub3A_405, %mul3A_404 : f32
    %mul3A_407 = arith.mulf %bitcast_convert_type3A_400, %sub3A_406 : f32
    %mul3A_408 = arith.constant 5.000000e-01 : f32
    %mul3A_409 = arith.mulf %mul3A_408, %max3A_394 : f32
    %mul3A_410 = arith.mulf %mul3A_409, %mul3A_407 : f32
    %mul3A_411 = arith.mulf %mul3A_410, %mul3A_407 : f32
    %sub3A_412 = arith.constant 1.500000e+00 : f32
    %sub3A_413 = arith.subf %sub3A_412, %mul3A_411 : f32
    %mul3A_414 = arith.mulf %mul3A_407, %sub3A_413 : f32
    %mul3A_415 = arith.constant 5.000000e-01 : f32
    %mul3A_416 = arith.mulf %mul3A_415, %max3A_394 : f32
    %mul3A_417 = arith.mulf %mul3A_416, %mul3A_414 : f32
    %mul3A_418 = arith.mulf %mul3A_417, %mul3A_414 : f32
    %sub3A_419 = arith.constant 1.500000e+00 : f32
    %sub3A_420 = arith.subf %sub3A_419, %mul3A_418 : f32
    %mul3A_421 = arith.mulf %mul3A_414, %sub3A_420 : f32
    %broadcast_in_dim3A_422 = arith.constant 1 : i32
    %broadcast_in_dim3A_423 = vector.broadcast %broadcast_in_dim3A_422 : i32 to vector<16xi32>
    %add3A_424 = arith.constant 0 : i32
    %add3A_425 = vector.broadcast %add3A_424 : i32 to vector<16xi32>
    %add3A_426 = arith.addi %add3A_425, %iota3A : vector<16xi32>
    %mul3A_427 = vector.broadcast %mul3A_421 : f32 to vector<16xf32>
    %mul3A_428 = arith.mulf %add3A_348, %mul3A_427 : vector<16xf32>
    tpu.vector_store_idx %arg9[%broadcast_in_dim3A_423, %add3A_426], %mul3A_428 : memref<32x64xf32, #tpu.memory_space<vmem>>[vector<16xi32>, vector<16xi32>], vector<16xf32>,
    %add3A_429 = arith.constant 16 : i32
    %add3A_430 = vector.broadcast %add3A_429 : i32 to vector<16xi32>
    %add3A_431 = arith.addi %add3A_430, %iota3A : vector<16xi32>
    %mul3A_432 = vector.broadcast %mul3A_421 : f32 to vector<16xf32>
    %mul3A_433 = arith.mulf %add3A_353, %mul3A_432 : vector<16xf32>
    tpu.vector_store_idx %arg9[%broadcast_in_dim3A_423, %add3A_431], %mul3A_433 : memref<32x64xf32, #tpu.memory_space<vmem>>[vector<16xi32>, vector<16xi32>], vector<16xf32>,
    %add3A_434 = arith.constant 32 : i32
    %add3A_435 = vector.broadcast %add3A_434 : i32 to vector<16xi32>
    %add3A_436 = arith.addi %add3A_435, %iota3A : vector<16xi32>
    %mul3A_437 = vector.broadcast %mul3A_421 : f32 to vector<16xf32>
    %mul3A_438 = arith.mulf %add3A_358, %mul3A_437 : vector<16xf32>
    tpu.vector_store_idx %arg9[%broadcast_in_dim3A_423, %add3A_436], %mul3A_438 : memref<32x64xf32, #tpu.memory_space<vmem>>[vector<16xi32>, vector<16xi32>], vector<16xf32>,
    %add3A_439 = arith.constant 48 : i32
    %add3A_440 = vector.broadcast %add3A_439 : i32 to vector<16xi32>
    %add3A_441 = arith.addi %add3A_440, %iota3A : vector<16xi32>
    %mul3A_442 = vector.broadcast %mul3A_421 : f32 to vector<16xf32>
    %mul3A_443 = arith.mulf %add3A_363, %mul3A_442 : vector<16xf32>
    tpu.vector_store_idx %arg9[%broadcast_in_dim3A_423, %add3A_441], %mul3A_443 : memref<32x64xf32, #tpu.memory_space<vmem>>[vector<16xi32>, vector<16xi32>], vector<16xf32>,
    %dma_wait3A_444 = arith.constant 2 : i32
    %dma_wait3A_445 = arith.constant 0 : i32
    %dma_wait3A_446 = arith.constant 0 : i32
    %dma_wait3A_447 = tpu.memref_slice %arg7[%dma_wait3A_444, %dma_wait3A_445, %dma_wait3A_446] : memref<8x64x128xf32, #tpu.memory_space<vmem>> -> memref<1x64x128xf32, #tpu.memory_space<vmem>>
    %dma_wait3A_448 = tpu.memref_squeeze %dma_wait3A_447 : memref<1x64x128xf32, #tpu.memory_space<vmem>> -> memref<64x128xf32, #tpu.memory_space<vmem>>
    %dma_wait3A_449 = arith.constant 0 : i32
    %dma_wait3A_450 = tpu.memref_slice %arg3[%dma_wait3A_449, %multiple_of3A_104] : memref<64x100000xf32, #tpu.memory_space<hbm>> -> memref<64x128xf32, #tpu.memory_space<hbm>>
    %dma_wait3A_451 = arith.constant 0 : i32
    %dma_wait3A_452 = arith.constant 0 : i32
    %dma_wait3A_453 = tpu.memref_slice %arg7[%dma_wait3A_444, %dma_wait3A_451, %dma_wait3A_452] : memref<8x64x128xf32, #tpu.memory_space<vmem>> -> memref<1x64x128xf32, #tpu.memory_space<vmem>>
    %dma_wait3A_454 = tpu.memref_squeeze %dma_wait3A_453 : memref<1x64x128xf32, #tpu.memory_space<vmem>> -> memref<64x128xf32, #tpu.memory_space<vmem>>
    %dma_wait3A_455 = arith.constant 0 : i32
    %dma_wait3A_456 = tpu.memref_slice %arg3[%dma_wait3A_455, %multiple_of3A_104] : memref<64x100000xf32, #tpu.memory_space<hbm>> -> memref<64x128xf32, #tpu.memory_space<hbm>>
    tpu.wait_dma2 semaphore(%arg12 : memref<!tpu.dma_semaphore, #tpu.memory_space<semaphore_mem>>) src(%dma_wait3A_456 : memref<64x128xf32, #tpu.memory_space<hbm>>) dst(%dma_wait3A_454 : memref<64x128xf32, #tpu.memory_space<vmem>>)
    %and3A_457 = arith.constant 127 : i32
    %and3A_458 = arith.andi %squeeze3A_9, %and3A_457 : i32
    %broadcast_in_dim3A_459 = vector.broadcast %and3A_458 : i32 to vector<16xi32>
    %broadcast_in_dim3A_460 = arith.constant 2 : i32
    %broadcast_in_dim3A_461 = vector.broadcast %broadcast_in_dim3A_460 : i32 to vector<16xi32>
    %add3A_462 = arith.constant 0 : i32
    %add3A_463 = vector.broadcast %add3A_462 : i32 to vector<16xi32>
    %add3A_464 = arith.addi %add3A_463, %iota3A : vector<16xi32>
    %gather3A_465 = tpu.vector_load_idx %arg7[%broadcast_in_dim3A_461, %add3A_464, %broadcast_in_dim3A_459] : memref<8x64x128xf32, #tpu.memory_space<vmem>>[vector<16xi32>, vector<16xi32>, vector<16xi32>], vector<16xf32>,
    %add3A_466 = arith.addf %gather3A_465, %get3A_209 : vector<16xf32>
    %add3A_467 = arith.constant 16 : i32
    %add3A_468 = vector.broadcast %add3A_467 : i32 to vector<16xi32>
    %add3A_469 = arith.addi %add3A_468, %iota3A : vector<16xi32>
    %gather3A_470 = tpu.vector_load_idx %arg7[%broadcast_in_dim3A_461, %add3A_469, %broadcast_in_dim3A_459] : memref<8x64x128xf32, #tpu.memory_space<vmem>>[vector<16xi32>, vector<16xi32>, vector<16xi32>], vector<16xf32>,
    %add3A_471 = arith.addf %gather3A_470, %get3A_211 : vector<16xf32>
    %add3A_472 = arith.constant 32 : i32
    %add3A_473 = vector.broadcast %add3A_472 : i32 to vector<16xi32>
    %add3A_474 = arith.addi %add3A_473, %iota3A : vector<16xi32>
    %gather3A_475 = tpu.vector_load_idx %arg7[%broadcast_in_dim3A_461, %add3A_474, %broadcast_in_dim3A_459] : memref<8x64x128xf32, #tpu.memory_space<vmem>>[vector<16xi32>, vector<16xi32>, vector<16xi32>], vector<16xf32>,
    %add3A_476 = arith.addf %gather3A_475, %get3A_213 : vector<16xf32>
    %add3A_477 = arith.constant 48 : i32
    %add3A_478 = vector.broadcast %add3A_477 : i32 to vector<16xi32>
    %add3A_479 = arith.addi %add3A_478, %iota3A : vector<16xi32>
    %gather3A_480 = tpu.vector_load_idx %arg7[%broadcast_in_dim3A_461, %add3A_479, %broadcast_in_dim3A_459] : memref<8x64x128xf32, #tpu.memory_space<vmem>>[vector<16xi32>, vector<16xi32>, vector<16xi32>], vector<16xf32>,
    %add3A_481 = arith.addf %gather3A_480, %get3A_215 : vector<16xf32>
    %shift_right_arithmetic3A_482 = arith.constant 7 : i32
    %shift_right_arithmetic3A_483 = arith.shrsi %squeeze3A_25, %shift_right_arithmetic3A_482 : i32
    %shift_left3A_484 = arith.constant 7 : i32
    %shift_left3A_485 = arith.shli %shift_right_arithmetic3A_483, %shift_left3A_484 : i32
    %multiple_of3A_486 = tpu.assume_multiple %shift_left3A_485, 128 : i32
    %dma_start3A_487 = arith.constant 2 : i32
    %dma_start3A_488 = arith.constant 0 : i32
    %dma_start3A_489 = arith.constant 0 : i32
    %dma_start3A_490 = tpu.memref_slice %arg7[%dma_start3A_487, %dma_start3A_488, %dma_start3A_489] : memref<8x64x128xf32, #tpu.memory_space<vmem>> -> memref<1x64x128xf32, #tpu.memory_space<vmem>>
    %dma_start3A_491 = tpu.memref_squeeze %dma_start3A_490 : memref<1x64x128xf32, #tpu.memory_space<vmem>> -> memref<64x128xf32, #tpu.memory_space<vmem>>
    %dma_start3A_492 = arith.constant 0 : i32
    %dma_start3A_493 = tpu.memref_slice %arg3[%dma_start3A_492, %multiple_of3A_486] : memref<64x100000xf32, #tpu.memory_space<hbm>> -> memref<64x128xf32, #tpu.memory_space<hbm>>
    %dma_start3A_494 = arith.constant 0 : i32
    %dma_start3A_495 = arith.constant 0 : i32
    %dma_start3A_496 = tpu.memref_slice %arg7[%dma_start3A_487, %dma_start3A_494, %dma_start3A_495] : memref<8x64x128xf32, #tpu.memory_space<vmem>> -> memref<1x64x128xf32, #tpu.memory_space<vmem>>
    %dma_start3A_497 = tpu.memref_squeeze %dma_start3A_496 : memref<1x64x128xf32, #tpu.memory_space<vmem>> -> memref<64x128xf32, #tpu.memory_space<vmem>>
    %dma_start3A_498 = arith.constant 0 : i32
    %dma_start3A_499 = tpu.memref_slice %arg3[%dma_start3A_498, %multiple_of3A_486] : memref<64x100000xf32, #tpu.memory_space<hbm>> -> memref<64x128xf32, #tpu.memory_space<hbm>>
    tpu.enqueue_dma source(%dma_start3A_499 : memref<64x128xf32, #tpu.memory_space<hbm>>) target(%dma_start3A_497 : memref<64x128xf32, #tpu.memory_space<vmem>>) target_semaphore(%arg12 : memref<!tpu.dma_semaphore, #tpu.memory_space<semaphore_mem>>)
    %mul3A_500 = arith.mulf %add3A_466, %add3A_466 : vector<16xf32>
    %mul3A_501 = arith.mulf %add3A_471, %add3A_471 : vector<16xf32>
    %add3A_502 = arith.addf %mul3A_500, %mul3A_501 : vector<16xf32>
    %mul3A_503 = arith.mulf %add3A_476, %add3A_476 : vector<16xf32>
    %mul3A_504 = arith.mulf %add3A_481, %add3A_481 : vector<16xf32>
    %add3A_505 = arith.addf %mul3A_503, %mul3A_504 : vector<16xf32>
    %add3A_506 = arith.addf %add3A_502, %add3A_505 : vector<16xf32>
    %reduce_sum3A_507 = arith.constant true
    %reduce_sum3A_508 = vector.broadcast %reduce_sum3A_507 : i1 to vector<16xi1>
    %reduce_sum3A_509 = tpu.scan <sum>, %add3A_506 masked %reduce_sum3A_508 : vector<16xf32>, vector<16xi1> -> vector<16xf32>
    %reduce_sum3A_510 = vector.extract %reduce_sum3A_509[15] : f32 from vector<16xf32>
    %max3A_511 = arith.constant 1.000000e-24 : f32
    %max3A_512 = arith.maximumf %reduce_sum3A_510, %max3A_511 : f32
    %bitcast_convert_type3A_513 = arith.bitcast %max3A_512 : f32 to i32
    %shift_right_arithmetic3A_514 = arith.constant 1 : i32
    %shift_right_arithmetic3A_515 = arith.shrsi %bitcast_convert_type3A_513, %shift_right_arithmetic3A_514 : i32
    %sub3A_516 = arith.constant 1597463007 : i32
    %sub3A_517 = arith.subi %sub3A_516, %shift_right_arithmetic3A_515 : i32
    %bitcast_convert_type3A_518 = arith.bitcast %sub3A_517 : i32 to f32
    %mul3A_519 = arith.constant 5.000000e-01 : f32
    %mul3A_520 = arith.mulf %mul3A_519, %max3A_512 : f32
    %mul3A_521 = arith.mulf %mul3A_520, %bitcast_convert_type3A_518 : f32
    %mul3A_522 = arith.mulf %mul3A_521, %bitcast_convert_type3A_518 : f32
    %sub3A_523 = arith.constant 1.500000e+00 : f32
    %sub3A_524 = arith.subf %sub3A_523, %mul3A_522 : f32
    %mul3A_525 = arith.mulf %bitcast_convert_type3A_518, %sub3A_524 : f32
    %mul3A_526 = arith.constant 5.000000e-01 : f32
    %mul3A_527 = arith.mulf %mul3A_526, %max3A_512 : f32
    %mul3A_528 = arith.mulf %mul3A_527, %mul3A_525 : f32
    %mul3A_529 = arith.mulf %mul3A_528, %mul3A_525 : f32
    %sub3A_530 = arith.constant 1.500000e+00 : f32
    %sub3A_531 = arith.subf %sub3A_530, %mul3A_529 : f32
    %mul3A_532 = arith.mulf %mul3A_525, %sub3A_531 : f32
    %mul3A_533 = arith.constant 5.000000e-01 : f32
    %mul3A_534 = arith.mulf %mul3A_533, %max3A_512 : f32
    %mul3A_535 = arith.mulf %mul3A_534, %mul3A_532 : f32
    %mul3A_536 = arith.mulf %mul3A_535, %mul3A_532 : f32
    %sub3A_537 = arith.constant 1.500000e+00 : f32
    %sub3A_538 = arith.subf %sub3A_537, %mul3A_536 : f32
    %mul3A_539 = arith.mulf %mul3A_532, %sub3A_538 : f32
    %broadcast_in_dim3A_540 = arith.constant 2 : i32
    %broadcast_in_dim3A_541 = vector.broadcast %broadcast_in_dim3A_540 : i32 to vector<16xi32>
    %add3A_542 = arith.constant 0 : i32
    %add3A_543 = vector.broadcast %add3A_542 : i32 to vector<16xi32>
    %add3A_544 = arith.addi %add3A_543, %iota3A : vector<16xi32>
    %mul3A_545 = vector.broadcast %mul3A_539 : f32 to vector<16xf32>
    %mul3A_546 = arith.mulf %add3A_466, %mul3A_545 : vector<16xf32>
    tpu.vector_store_idx %arg9[%broadcast_in_dim3A_541, %add3A_544], %mul3A_546 : memref<32x64xf32, #tpu.memory_space<vmem>>[vector<16xi32>, vector<16xi32>], vector<16xf32>,
    %add3A_547 = arith.constant 16 : i32
    %add3A_548 = vector.broadcast %add3A_547 : i32 to vector<16xi32>
    %add3A_549 = arith.addi %add3A_548, %iota3A : vector<16xi32>
    %mul3A_550 = vector.broadcast %mul3A_539 : f32 to vector<16xf32>
    %mul3A_551 = arith.mulf %add3A_471, %mul3A_550 : vector<16xf32>
    tpu.vector_store_idx %arg9[%broadcast_in_dim3A_541, %add3A_549], %mul3A_551 : memref<32x64xf32, #tpu.memory_space<vmem>>[vector<16xi32>, vector<16xi32>], vector<16xf32>,
    %add3A_552 = arith.constant 32 : i32
    %add3A_553 = vector.broadcast %add3A_552 : i32 to vector<16xi32>
    %add3A_554 = arith.addi %add3A_553, %iota3A : vector<16xi32>
    %mul3A_555 = vector.broadcast %mul3A_539 : f32 to vector<16xf32>
    %mul3A_556 = arith.mulf %add3A_476, %mul3A_555 : vector<16xf32>
    tpu.vector_store_idx %arg9[%broadcast_in_dim3A_541, %add3A_554], %mul3A_556 : memref<32x64xf32, #tpu.memory_space<vmem>>[vector<16xi32>, vector<16xi32>], vector<16xf32>,
    %add3A_557 = arith.constant 48 : i32
    %add3A_558 = vector.broadcast %add3A_557 : i32 to vector<16xi32>
    %add3A_559 = arith.addi %add3A_558, %iota3A : vector<16xi32>
    %mul3A_560 = vector.broadcast %mul3A_539 : f32 to vector<16xf32>
    %mul3A_561 = arith.mulf %add3A_481, %mul3A_560 : vector<16xf32>
    tpu.vector_store_idx %arg9[%broadcast_in_dim3A_541, %add3A_559], %mul3A_561 : memref<32x64xf32, #tpu.memory_space<vmem>>[vector<16xi32>, vector<16xi32>], vector<16xf32>,
    %dma_wait3A_562 = arith.constant 3 : i32
    %dma_wait3A_563 = arith.constant 0 : i32
    %dma_wait3A_564 = arith.constant 0 : i32
    %dma_wait3A_565 = tpu.memref_slice %arg7[%dma_wait3A_562, %dma_wait3A_563, %dma_wait3A_564] : memref<8x64x128xf32, #tpu.memory_space<vmem>> -> memref<1x64x128xf32, #tpu.memory_space<vmem>>
    %dma_wait3A_566 = tpu.memref_squeeze %dma_wait3A_565 : memref<1x64x128xf32, #tpu.memory_space<vmem>> -> memref<64x128xf32, #tpu.memory_space<vmem>>
    %dma_wait3A_567 = arith.constant 0 : i32
    %dma_wait3A_568 = tpu.memref_slice %arg3[%dma_wait3A_567, %multiple_of3A_122] : memref<64x100000xf32, #tpu.memory_space<hbm>> -> memref<64x128xf32, #tpu.memory_space<hbm>>
    %dma_wait3A_569 = arith.constant 0 : i32
    %dma_wait3A_570 = arith.constant 0 : i32
    %dma_wait3A_571 = tpu.memref_slice %arg7[%dma_wait3A_562, %dma_wait3A_569, %dma_wait3A_570] : memref<8x64x128xf32, #tpu.memory_space<vmem>> -> memref<1x64x128xf32, #tpu.memory_space<vmem>>
    %dma_wait3A_572 = tpu.memref_squeeze %dma_wait3A_571 : memref<1x64x128xf32, #tpu.memory_space<vmem>> -> memref<64x128xf32, #tpu.memory_space<vmem>>
    %dma_wait3A_573 = arith.constant 0 : i32
    %dma_wait3A_574 = tpu.memref_slice %arg3[%dma_wait3A_573, %multiple_of3A_122] : memref<64x100000xf32, #tpu.memory_space<hbm>> -> memref<64x128xf32, #tpu.memory_space<hbm>>
    tpu.wait_dma2 semaphore(%arg13 : memref<!tpu.dma_semaphore, #tpu.memory_space<semaphore_mem>>) src(%dma_wait3A_574 : memref<64x128xf32, #tpu.memory_space<hbm>>) dst(%dma_wait3A_572 : memref<64x128xf32, #tpu.memory_space<vmem>>)
    %and3A_575 = arith.constant 127 : i32
    %and3A_576 = arith.andi %squeeze3A_11, %and3A_575 : i32
    %broadcast_in_dim3A_577 = vector.broadcast %and3A_576 : i32 to vector<16xi32>
    %broadcast_in_dim3A_578 = arith.constant 3 : i32
    %broadcast_in_dim3A_579 = vector.broadcast %broadcast_in_dim3A_578 : i32 to vector<16xi32>
    %add3A_580 = arith.constant 0 : i32
    %add3A_581 = vector.broadcast %add3A_580 : i32 to vector<16xi32>
    %add3A_582 = arith.addi %add3A_581, %iota3A : vector<16xi32>
    %gather3A_583 = tpu.vector_load_idx %arg7[%broadcast_in_dim3A_579, %add3A_582, %broadcast_in_dim3A_577] : memref<8x64x128xf32, #tpu.memory_space<vmem>>[vector<16xi32>, vector<16xi32>, vector<16xi32>], vector<16xf32>,
    %add3A_584 = arith.addf %gather3A_583, %get3A_209 : vector<16xf32>
    %add3A_585 = arith.constant 16 : i32
    %add3A_586 = vector.broadcast %add3A_585 : i32 to vector<16xi32>
    %add3A_587 = arith.addi %add3A_586, %iota3A : vector<16xi32>
    %gather3A_588 = tpu.vector_load_idx %arg7[%broadcast_in_dim3A_579, %add3A_587, %broadcast_in_dim3A_577] : memref<8x64x128xf32, #tpu.memory_space<vmem>>[vector<16xi32>, vector<16xi32>, vector<16xi32>], vector<16xf32>,
    %add3A_589 = arith.addf %gather3A_588, %get3A_211 : vector<16xf32>
    %add3A_590 = arith.constant 32 : i32
    %add3A_591 = vector.broadcast %add3A_590 : i32 to vector<16xi32>
    %add3A_592 = arith.addi %add3A_591, %iota3A : vector<16xi32>
    %gather3A_593 = tpu.vector_load_idx %arg7[%broadcast_in_dim3A_579, %add3A_592, %broadcast_in_dim3A_577] : memref<8x64x128xf32, #tpu.memory_space<vmem>>[vector<16xi32>, vector<16xi32>, vector<16xi32>], vector<16xf32>,
    %add3A_594 = arith.addf %gather3A_593, %get3A_213 : vector<16xf32>
    %add3A_595 = arith.constant 48 : i32
    %add3A_596 = vector.broadcast %add3A_595 : i32 to vector<16xi32>
    %add3A_597 = arith.addi %add3A_596, %iota3A : vector<16xi32>
    %gather3A_598 = tpu.vector_load_idx %arg7[%broadcast_in_dim3A_579, %add3A_597, %broadcast_in_dim3A_577] : memref<8x64x128xf32, #tpu.memory_space<vmem>>[vector<16xi32>, vector<16xi32>, vector<16xi32>], vector<16xf32>,
    %add3A_599 = arith.addf %gather3A_598, %get3A_215 : vector<16xf32>
    %shift_right_arithmetic3A_600 = arith.constant 7 : i32
    %shift_right_arithmetic3A_601 = arith.shrsi %squeeze3A_27, %shift_right_arithmetic3A_600 : i32
    %shift_left3A_602 = arith.constant 7 : i32
    %shift_left3A_603 = arith.shli %shift_right_arithmetic3A_601, %shift_left3A_602 : i32
    %multiple_of3A_604 = tpu.assume_multiple %shift_left3A_603, 128 : i32
    %dma_start3A_605 = arith.constant 3 : i32
    %dma_start3A_606 = arith.constant 0 : i32
    %dma_start3A_607 = arith.constant 0 : i32
    %dma_start3A_608 = tpu.memref_slice %arg7[%dma_start3A_605, %dma_start3A_606, %dma_start3A_607] : memref<8x64x128xf32, #tpu.memory_space<vmem>> -> memref<1x64x128xf32, #tpu.memory_space<vmem>>
    %dma_start3A_609 = tpu.memref_squeeze %dma_start3A_608 : memref<1x64x128xf32, #tpu.memory_space<vmem>> -> memref<64x128xf32, #tpu.memory_space<vmem>>
    %dma_start3A_610 = arith.constant 0 : i32
    %dma_start3A_611 = tpu.memref_slice %arg3[%dma_start3A_610, %multiple_of3A_604] : memref<64x100000xf32, #tpu.memory_space<hbm>> -> memref<64x128xf32, #tpu.memory_space<hbm>>
    %dma_start3A_612 = arith.constant 0 : i32
    %dma_start3A_613 = arith.constant 0 : i32
    %dma_start3A_614 = tpu.memref_slice %arg7[%dma_start3A_605, %dma_start3A_612, %dma_start3A_613] : memref<8x64x128xf32, #tpu.memory_space<vmem>> -> memref<1x64x128xf32, #tpu.memory_space<vmem>>
    %dma_start3A_615 = tpu.memref_squeeze %dma_start3A_614 : memref<1x64x128xf32, #tpu.memory_space<vmem>> -> memref<64x128xf32, #tpu.memory_space<vmem>>
    %dma_start3A_616 = arith.constant 0 : i32
    %dma_start3A_617 = tpu.memref_slice %arg3[%dma_start3A_616, %multiple_of3A_604] : memref<64x100000xf32, #tpu.memory_space<hbm>> -> memref<64x128xf32, #tpu.memory_space<hbm>>
    tpu.enqueue_dma source(%dma_start3A_617 : memref<64x128xf32, #tpu.memory_space<hbm>>) target(%dma_start3A_615 : memref<64x128xf32, #tpu.memory_space<vmem>>) target_semaphore(%arg13 : memref<!tpu.dma_semaphore, #tpu.memory_space<semaphore_mem>>)
    %mul3A_618 = arith.mulf %add3A_584, %add3A_584 : vector<16xf32>
    %mul3A_619 = arith.mulf %add3A_589, %add3A_589 : vector<16xf32>
    %add3A_620 = arith.addf %mul3A_618, %mul3A_619 : vector<16xf32>
    %mul3A_621 = arith.mulf %add3A_594, %add3A_594 : vector<16xf32>
    %mul3A_622 = arith.mulf %add3A_599, %add3A_599 : vector<16xf32>
    %add3A_623 = arith.addf %mul3A_621, %mul3A_622 : vector<16xf32>
    %add3A_624 = arith.addf %add3A_620, %add3A_623 : vector<16xf32>
    %reduce_sum3A_625 = arith.constant true
    %reduce_sum3A_626 = vector.broadcast %reduce_sum3A_625 : i1 to vector<16xi1>
    %reduce_sum3A_627 = tpu.scan <sum>, %add3A_624 masked %reduce_sum3A_626 : vector<16xf32>, vector<16xi1> -> vector<16xf32>
    %reduce_sum3A_628 = vector.extract %reduce_sum3A_627[15] : f32 from vector<16xf32>
    %max3A_629 = arith.constant 1.000000e-24 : f32
    %max3A_630 = arith.maximumf %reduce_sum3A_628, %max3A_629 : f32
    %bitcast_convert_type3A_631 = arith.bitcast %max3A_630 : f32 to i32
    %shift_right_arithmetic3A_632 = arith.constant 1 : i32
    %shift_right_arithmetic3A_633 = arith.shrsi %bitcast_convert_type3A_631, %shift_right_arithmetic3A_632 : i32
    %sub3A_634 = arith.constant 1597463007 : i32
    %sub3A_635 = arith.subi %sub3A_634, %shift_right_arithmetic3A_633 : i32
    %bitcast_convert_type3A_636 = arith.bitcast %sub3A_635 : i32 to f32
    %mul3A_637 = arith.constant 5.000000e-01 : f32
    %mul3A_638 = arith.mulf %mul3A_637, %max3A_630 : f32
    %mul3A_639 = arith.mulf %mul3A_638, %bitcast_convert_type3A_636 : f32
    %mul3A_640 = arith.mulf %mul3A_639, %bitcast_convert_type3A_636 : f32
    %sub3A_641 = arith.constant 1.500000e+00 : f32
    %sub3A_642 = arith.subf %sub3A_641, %mul3A_640 : f32
    %mul3A_643 = arith.mulf %bitcast_convert_type3A_636, %sub3A_642 : f32
    %mul3A_644 = arith.constant 5.000000e-01 : f32
    %mul3A_645 = arith.mulf %mul3A_644, %max3A_630 : f32
    %mul3A_646 = arith.mulf %mul3A_645, %mul3A_643 : f32
    %mul3A_647 = arith.mulf %mul3A_646, %mul3A_643 : f32
    %sub3A_648 = arith.constant 1.500000e+00 : f32
    %sub3A_649 = arith.subf %sub3A_648, %mul3A_647 : f32
    %mul3A_650 = arith.mulf %mul3A_643, %sub3A_649 : f32
    %mul3A_651 = arith.constant 5.000000e-01 : f32
    %mul3A_652 = arith.mulf %mul3A_651, %max3A_630 : f32
    %mul3A_653 = arith.mulf %mul3A_652, %mul3A_650 : f32
    %mul3A_654 = arith.mulf %mul3A_653, %mul3A_650 : f32
    %sub3A_655 = arith.constant 1.500000e+00 : f32
    %sub3A_656 = arith.subf %sub3A_655, %mul3A_654 : f32
    %mul3A_657 = arith.mulf %mul3A_650, %sub3A_656 : f32
    %broadcast_in_dim3A_658 = arith.constant 3 : i32
    %broadcast_in_dim3A_659 = vector.broadcast %broadcast_in_dim3A_658 : i32 to vector<16xi32>
    %add3A_660 = arith.constant 0 : i32
    %add3A_661 = vector.broadcast %add3A_660 : i32 to vector<16xi32>
    %add3A_662 = arith.addi %add3A_661, %iota3A : vector<16xi32>
    %mul3A_663 = vector.broadcast %mul3A_657 : f32 to vector<16xf32>
    %mul3A_664 = arith.mulf %add3A_584, %mul3A_663 : vector<16xf32>
    tpu.vector_store_idx %arg9[%broadcast_in_dim3A_659, %add3A_662], %mul3A_664 : memref<32x64xf32, #tpu.memory_space<vmem>>[vector<16xi32>, vector<16xi32>], vector<16xf32>,
    %add3A_665 = arith.constant 16 : i32
    %add3A_666 = vector.broadcast %add3A_665 : i32 to vector<16xi32>
    %add3A_667 = arith.addi %add3A_666, %iota3A : vector<16xi32>
    %mul3A_668 = vector.broadcast %mul3A_657 : f32 to vector<16xf32>
    %mul3A_669 = arith.mulf %add3A_589, %mul3A_668 : vector<16xf32>
    tpu.vector_store_idx %arg9[%broadcast_in_dim3A_659, %add3A_667], %mul3A_669 : memref<32x64xf32, #tpu.memory_space<vmem>>[vector<16xi32>, vector<16xi32>], vector<16xf32>,
    %add3A_670 = arith.constant 32 : i32
    %add3A_671 = vector.broadcast %add3A_670 : i32 to vector<16xi32>
    %add3A_672 = arith.addi %add3A_671, %iota3A : vector<16xi32>
    %mul3A_673 = vector.broadcast %mul3A_657 : f32 to vector<16xf32>
    %mul3A_674 = arith.mulf %add3A_594, %mul3A_673 : vector<16xf32>
    tpu.vector_store_idx %arg9[%broadcast_in_dim3A_659, %add3A_672], %mul3A_674 : memref<32x64xf32, #tpu.memory_space<vmem>>[vector<16xi32>, vector<16xi32>], vector<16xf32>,
    %add3A_675 = arith.constant 48 : i32
    %add3A_676 = vector.broadcast %add3A_675 : i32 to vector<16xi32>
    %add3A_677 = arith.addi %add3A_676, %iota3A : vector<16xi32>
    %mul3A_678 = vector.broadcast %mul3A_657 : f32 to vector<16xf32>
    %mul3A_679 = arith.mulf %add3A_599, %mul3A_678 : vector<16xf32>
    tpu.vector_store_idx %arg9[%broadcast_in_dim3A_659, %add3A_677], %mul3A_679 : memref<32x64xf32, #tpu.memory_space<vmem>>[vector<16xi32>, vector<16xi32>], vector<16xf32>,
    %dma_wait3A_680 = arith.constant 4 : i32
    %dma_wait3A_681 = arith.constant 0 : i32
    %dma_wait3A_682 = arith.constant 0 : i32
    %dma_wait3A_683 = tpu.memref_slice %arg7[%dma_wait3A_680, %dma_wait3A_681, %dma_wait3A_682] : memref<8x64x128xf32, #tpu.memory_space<vmem>> -> memref<1x64x128xf32, #tpu.memory_space<vmem>>
    %dma_wait3A_684 = tpu.memref_squeeze %dma_wait3A_683 : memref<1x64x128xf32, #tpu.memory_space<vmem>> -> memref<64x128xf32, #tpu.memory_space<vmem>>
    %dma_wait3A_685 = arith.constant 0 : i32
    %dma_wait3A_686 = tpu.memref_slice %arg3[%dma_wait3A_685, %multiple_of3A_140] : memref<64x100000xf32, #tpu.memory_space<hbm>> -> memref<64x128xf32, #tpu.memory_space<hbm>>
    %dma_wait3A_687 = arith.constant 0 : i32
    %dma_wait3A_688 = arith.constant 0 : i32
    %dma_wait3A_689 = tpu.memref_slice %arg7[%dma_wait3A_680, %dma_wait3A_687, %dma_wait3A_688] : memref<8x64x128xf32, #tpu.memory_space<vmem>> -> memref<1x64x128xf32, #tpu.memory_space<vmem>>
    %dma_wait3A_690 = tpu.memref_squeeze %dma_wait3A_689 : memref<1x64x128xf32, #tpu.memory_space<vmem>> -> memref<64x128xf32, #tpu.memory_space<vmem>>
    %dma_wait3A_691 = arith.constant 0 : i32
    %dma_wait3A_692 = tpu.memref_slice %arg3[%dma_wait3A_691, %multiple_of3A_140] : memref<64x100000xf32, #tpu.memory_space<hbm>> -> memref<64x128xf32, #tpu.memory_space<hbm>>
    tpu.wait_dma2 semaphore(%arg14 : memref<!tpu.dma_semaphore, #tpu.memory_space<semaphore_mem>>) src(%dma_wait3A_692 : memref<64x128xf32, #tpu.memory_space<hbm>>) dst(%dma_wait3A_690 : memref<64x128xf32, #tpu.memory_space<vmem>>)
    %and3A_693 = arith.constant 127 : i32
    %and3A_694 = arith.andi %squeeze3A_13, %and3A_693 : i32
    %broadcast_in_dim3A_695 = vector.broadcast %and3A_694 : i32 to vector<16xi32>
    %broadcast_in_dim3A_696 = arith.constant 4 : i32
    %broadcast_in_dim3A_697 = vector.broadcast %broadcast_in_dim3A_696 : i32 to vector<16xi32>
    %add3A_698 = arith.constant 0 : i32
    %add3A_699 = vector.broadcast %add3A_698 : i32 to vector<16xi32>
    %add3A_700 = arith.addi %add3A_699, %iota3A : vector<16xi32>
    %gather3A_701 = tpu.vector_load_idx %arg7[%broadcast_in_dim3A_697, %add3A_700, %broadcast_in_dim3A_695] : memref<8x64x128xf32, #tpu.memory_space<vmem>>[vector<16xi32>, vector<16xi32>, vector<16xi32>], vector<16xf32>,
    %add3A_702 = arith.addf %gather3A_701, %get3A_209 : vector<16xf32>
    %add3A_703 = arith.constant 16 : i32
    %add3A_704 = vector.broadcast %add3A_703 : i32 to vector<16xi32>
    %add3A_705 = arith.addi %add3A_704, %iota3A : vector<16xi32>
    %gather3A_706 = tpu.vector_load_idx %arg7[%broadcast_in_dim3A_697, %add3A_705, %broadcast_in_dim3A_695] : memref<8x64x128xf32, #tpu.memory_space<vmem>>[vector<16xi32>, vector<16xi32>, vector<16xi32>], vector<16xf32>,
    %add3A_707 = arith.addf %gather3A_706, %get3A_211 : vector<16xf32>
    %add3A_708 = arith.constant 32 : i32
    %add3A_709 = vector.broadcast %add3A_708 : i32 to vector<16xi32>
    %add3A_710 = arith.addi %add3A_709, %iota3A : vector<16xi32>
    %gather3A_711 = tpu.vector_load_idx %arg7[%broadcast_in_dim3A_697, %add3A_710, %broadcast_in_dim3A_695] : memref<8x64x128xf32, #tpu.memory_space<vmem>>[vector<16xi32>, vector<16xi32>, vector<16xi32>], vector<16xf32>,
    %add3A_712 = arith.addf %gather3A_711, %get3A_213 : vector<16xf32>
    %add3A_713 = arith.constant 48 : i32
    %add3A_714 = vector.broadcast %add3A_713 : i32 to vector<16xi32>
    %add3A_715 = arith.addi %add3A_714, %iota3A : vector<16xi32>
    %gather3A_716 = tpu.vector_load_idx %arg7[%broadcast_in_dim3A_697, %add3A_715, %broadcast_in_dim3A_695] : memref<8x64x128xf32, #tpu.memory_space<vmem>>[vector<16xi32>, vector<16xi32>, vector<16xi32>], vector<16xf32>,
    %add3A_717 = arith.addf %gather3A_716, %get3A_215 : vector<16xf32>
    %shift_right_arithmetic3A_718 = arith.constant 7 : i32
    %shift_right_arithmetic3A_719 = arith.shrsi %squeeze3A_29, %shift_right_arithmetic3A_718 : i32
    %shift_left3A_720 = arith.constant 7 : i32
    %shift_left3A_721 = arith.shli %shift_right_arithmetic3A_719, %shift_left3A_720 : i32
    %multiple_of3A_722 = tpu.assume_multiple %shift_left3A_721, 128 : i32
    %dma_start3A_723 = arith.constant 4 : i32
    %dma_start3A_724 = arith.constant 0 : i32
    %dma_start3A_725 = arith.constant 0 : i32
    %dma_start3A_726 = tpu.memref_slice %arg7[%dma_start3A_723, %dma_start3A_724, %dma_start3A_725] : memref<8x64x128xf32, #tpu.memory_space<vmem>> -> memref<1x64x128xf32, #tpu.memory_space<vmem>>
    %dma_start3A_727 = tpu.memref_squeeze %dma_start3A_726 : memref<1x64x128xf32, #tpu.memory_space<vmem>> -> memref<64x128xf32, #tpu.memory_space<vmem>>
    %dma_start3A_728 = arith.constant 0 : i32
    %dma_start3A_729 = tpu.memref_slice %arg3[%dma_start3A_728, %multiple_of3A_722] : memref<64x100000xf32, #tpu.memory_space<hbm>> -> memref<64x128xf32, #tpu.memory_space<hbm>>
    %dma_start3A_730 = arith.constant 0 : i32
    %dma_start3A_731 = arith.constant 0 : i32
    %dma_start3A_732 = tpu.memref_slice %arg7[%dma_start3A_723, %dma_start3A_730, %dma_start3A_731] : memref<8x64x128xf32, #tpu.memory_space<vmem>> -> memref<1x64x128xf32, #tpu.memory_space<vmem>>
    %dma_start3A_733 = tpu.memref_squeeze %dma_start3A_732 : memref<1x64x128xf32, #tpu.memory_space<vmem>> -> memref<64x128xf32, #tpu.memory_space<vmem>>
    %dma_start3A_734 = arith.constant 0 : i32
    %dma_start3A_735 = tpu.memref_slice %arg3[%dma_start3A_734, %multiple_of3A_722] : memref<64x100000xf32, #tpu.memory_space<hbm>> -> memref<64x128xf32, #tpu.memory_space<hbm>>
    tpu.enqueue_dma source(%dma_start3A_735 : memref<64x128xf32, #tpu.memory_space<hbm>>) target(%dma_start3A_733 : memref<64x128xf32, #tpu.memory_space<vmem>>) target_semaphore(%arg14 : memref<!tpu.dma_semaphore, #tpu.memory_space<semaphore_mem>>)
    %mul3A_736 = arith.mulf %add3A_702, %add3A_702 : vector<16xf32>
    %mul3A_737 = arith.mulf %add3A_707, %add3A_707 : vector<16xf32>
    %add3A_738 = arith.addf %mul3A_736, %mul3A_737 : vector<16xf32>
    %mul3A_739 = arith.mulf %add3A_712, %add3A_712 : vector<16xf32>
    %mul3A_740 = arith.mulf %add3A_717, %add3A_717 : vector<16xf32>
    %add3A_741 = arith.addf %mul3A_739, %mul3A_740 : vector<16xf32>
    %add3A_742 = arith.addf %add3A_738, %add3A_741 : vector<16xf32>
    %reduce_sum3A_743 = arith.constant true
    %reduce_sum3A_744 = vector.broadcast %reduce_sum3A_743 : i1 to vector<16xi1>
    %reduce_sum3A_745 = tpu.scan <sum>, %add3A_742 masked %reduce_sum3A_744 : vector<16xf32>, vector<16xi1> -> vector<16xf32>
    %reduce_sum3A_746 = vector.extract %reduce_sum3A_745[15] : f32 from vector<16xf32>
    %max3A_747 = arith.constant 1.000000e-24 : f32
    %max3A_748 = arith.maximumf %reduce_sum3A_746, %max3A_747 : f32
    %bitcast_convert_type3A_749 = arith.bitcast %max3A_748 : f32 to i32
    %shift_right_arithmetic3A_750 = arith.constant 1 : i32
    %shift_right_arithmetic3A_751 = arith.shrsi %bitcast_convert_type3A_749, %shift_right_arithmetic3A_750 : i32
    %sub3A_752 = arith.constant 1597463007 : i32
    %sub3A_753 = arith.subi %sub3A_752, %shift_right_arithmetic3A_751 : i32
    %bitcast_convert_type3A_754 = arith.bitcast %sub3A_753 : i32 to f32
    %mul3A_755 = arith.constant 5.000000e-01 : f32
    %mul3A_756 = arith.mulf %mul3A_755, %max3A_748 : f32
    %mul3A_757 = arith.mulf %mul3A_756, %bitcast_convert_type3A_754 : f32
    %mul3A_758 = arith.mulf %mul3A_757, %bitcast_convert_type3A_754 : f32
    %sub3A_759 = arith.constant 1.500000e+00 : f32
    %sub3A_760 = arith.subf %sub3A_759, %mul3A_758 : f32
    %mul3A_761 = arith.mulf %bitcast_convert_type3A_754, %sub3A_760 : f32
    %mul3A_762 = arith.constant 5.000000e-01 : f32
    %mul3A_763 = arith.mulf %mul3A_762, %max3A_748 : f32
    %mul3A_764 = arith.mulf %mul3A_763, %mul3A_761 : f32
    %mul3A_765 = arith.mulf %mul3A_764, %mul3A_761 : f32
    %sub3A_766 = arith.constant 1.500000e+00 : f32
    %sub3A_767 = arith.subf %sub3A_766, %mul3A_765 : f32
    %mul3A_768 = arith.mulf %mul3A_761, %sub3A_767 : f32
    %mul3A_769 = arith.constant 5.000000e-01 : f32
    %mul3A_770 = arith.mulf %mul3A_769, %max3A_748 : f32
    %mul3A_771 = arith.mulf %mul3A_770, %mul3A_768 : f32
    %mul3A_772 = arith.mulf %mul3A_771, %mul3A_768 : f32
    %sub3A_773 = arith.constant 1.500000e+00 : f32
    %sub3A_774 = arith.subf %sub3A_773, %mul3A_772 : f32
    %mul3A_775 = arith.mulf %mul3A_768, %sub3A_774 : f32
    %broadcast_in_dim3A_776 = arith.constant 4 : i32
    %broadcast_in_dim3A_777 = vector.broadcast %broadcast_in_dim3A_776 : i32 to vector<16xi32>
    %add3A_778 = arith.constant 0 : i32
    %add3A_779 = vector.broadcast %add3A_778 : i32 to vector<16xi32>
    %add3A_780 = arith.addi %add3A_779, %iota3A : vector<16xi32>
    %mul3A_781 = vector.broadcast %mul3A_775 : f32 to vector<16xf32>
    %mul3A_782 = arith.mulf %add3A_702, %mul3A_781 : vector<16xf32>
    tpu.vector_store_idx %arg9[%broadcast_in_dim3A_777, %add3A_780], %mul3A_782 : memref<32x64xf32, #tpu.memory_space<vmem>>[vector<16xi32>, vector<16xi32>], vector<16xf32>,
    %add3A_783 = arith.constant 16 : i32
    %add3A_784 = vector.broadcast %add3A_783 : i32 to vector<16xi32>
    %add3A_785 = arith.addi %add3A_784, %iota3A : vector<16xi32>
    %mul3A_786 = vector.broadcast %mul3A_775 : f32 to vector<16xf32>
    %mul3A_787 = arith.mulf %add3A_707, %mul3A_786 : vector<16xf32>
    tpu.vector_store_idx %arg9[%broadcast_in_dim3A_777, %add3A_785], %mul3A_787 : memref<32x64xf32, #tpu.memory_space<vmem>>[vector<16xi32>, vector<16xi32>], vector<16xf32>,
    %add3A_788 = arith.constant 32 : i32
    %add3A_789 = vector.broadcast %add3A_788 : i32 to vector<16xi32>
    %add3A_790 = arith.addi %add3A_789, %iota3A : vector<16xi32>
    %mul3A_791 = vector.broadcast %mul3A_775 : f32 to vector<16xf32>
    %mul3A_792 = arith.mulf %add3A_712, %mul3A_791 : vector<16xf32>
    tpu.vector_store_idx %arg9[%broadcast_in_dim3A_777, %add3A_790], %mul3A_792 : memref<32x64xf32, #tpu.memory_space<vmem>>[vector<16xi32>, vector<16xi32>], vector<16xf32>,
    %add3A_793 = arith.constant 48 : i32
    %add3A_794 = vector.broadcast %add3A_793 : i32 to vector<16xi32>
    %add3A_795 = arith.addi %add3A_794, %iota3A : vector<16xi32>
    %mul3A_796 = vector.broadcast %mul3A_775 : f32 to vector<16xf32>
    %mul3A_797 = arith.mulf %add3A_717, %mul3A_796 : vector<16xf32>
    tpu.vector_store_idx %arg9[%broadcast_in_dim3A_777, %add3A_795], %mul3A_797 : memref<32x64xf32, #tpu.memory_space<vmem>>[vector<16xi32>, vector<16xi32>], vector<16xf32>,
    %dma_wait3A_798 = arith.constant 5 : i32
    %dma_wait3A_799 = arith.constant 0 : i32
    %dma_wait3A_800 = arith.constant 0 : i32
    %dma_wait3A_801 = tpu.memref_slice %arg7[%dma_wait3A_798, %dma_wait3A_799, %dma_wait3A_800] : memref<8x64x128xf32, #tpu.memory_space<vmem>> -> memref<1x64x128xf32, #tpu.memory_space<vmem>>
    %dma_wait3A_802 = tpu.memref_squeeze %dma_wait3A_801 : memref<1x64x128xf32, #tpu.memory_space<vmem>> -> memref<64x128xf32, #tpu.memory_space<vmem>>
    %dma_wait3A_803 = arith.constant 0 : i32
    %dma_wait3A_804 = tpu.memref_slice %arg3[%dma_wait3A_803, %multiple_of3A_158] : memref<64x100000xf32, #tpu.memory_space<hbm>> -> memref<64x128xf32, #tpu.memory_space<hbm>>
    %dma_wait3A_805 = arith.constant 0 : i32
    %dma_wait3A_806 = arith.constant 0 : i32
    %dma_wait3A_807 = tpu.memref_slice %arg7[%dma_wait3A_798, %dma_wait3A_805, %dma_wait3A_806] : memref<8x64x128xf32, #tpu.memory_space<vmem>> -> memref<1x64x128xf32, #tpu.memory_space<vmem>>
    %dma_wait3A_808 = tpu.memref_squeeze %dma_wait3A_807 : memref<1x64x128xf32, #tpu.memory_space<vmem>> -> memref<64x128xf32, #tpu.memory_space<vmem>>
    %dma_wait3A_809 = arith.constant 0 : i32
    %dma_wait3A_810 = tpu.memref_slice %arg3[%dma_wait3A_809, %multiple_of3A_158] : memref<64x100000xf32, #tpu.memory_space<hbm>> -> memref<64x128xf32, #tpu.memory_space<hbm>>
    tpu.wait_dma2 semaphore(%arg15 : memref<!tpu.dma_semaphore, #tpu.memory_space<semaphore_mem>>) src(%dma_wait3A_810 : memref<64x128xf32, #tpu.memory_space<hbm>>) dst(%dma_wait3A_808 : memref<64x128xf32, #tpu.memory_space<vmem>>)
    %and3A_811 = arith.constant 127 : i32
    %and3A_812 = arith.andi %squeeze3A_15, %and3A_811 : i32
    %broadcast_in_dim3A_813 = vector.broadcast %and3A_812 : i32 to vector<16xi32>
    %broadcast_in_dim3A_814 = arith.constant 5 : i32
    %broadcast_in_dim3A_815 = vector.broadcast %broadcast_in_dim3A_814 : i32 to vector<16xi32>
    %add3A_816 = arith.constant 0 : i32
    %add3A_817 = vector.broadcast %add3A_816 : i32 to vector<16xi32>
    %add3A_818 = arith.addi %add3A_817, %iota3A : vector<16xi32>
    %gather3A_819 = tpu.vector_load_idx %arg7[%broadcast_in_dim3A_815, %add3A_818, %broadcast_in_dim3A_813] : memref<8x64x128xf32, #tpu.memory_space<vmem>>[vector<16xi32>, vector<16xi32>, vector<16xi32>], vector<16xf32>,
    %add3A_820 = arith.addf %gather3A_819, %get3A_209 : vector<16xf32>
    %add3A_821 = arith.constant 16 : i32
    %add3A_822 = vector.broadcast %add3A_821 : i32 to vector<16xi32>
    %add3A_823 = arith.addi %add3A_822, %iota3A : vector<16xi32>
    %gather3A_824 = tpu.vector_load_idx %arg7[%broadcast_in_dim3A_815, %add3A_823, %broadcast_in_dim3A_813] : memref<8x64x128xf32, #tpu.memory_space<vmem>>[vector<16xi32>, vector<16xi32>, vector<16xi32>], vector<16xf32>,
    %add3A_825 = arith.addf %gather3A_824, %get3A_211 : vector<16xf32>
    %add3A_826 = arith.constant 32 : i32
    %add3A_827 = vector.broadcast %add3A_826 : i32 to vector<16xi32>
    %add3A_828 = arith.addi %add3A_827, %iota3A : vector<16xi32>
    %gather3A_829 = tpu.vector_load_idx %arg7[%broadcast_in_dim3A_815, %add3A_828, %broadcast_in_dim3A_813] : memref<8x64x128xf32, #tpu.memory_space<vmem>>[vector<16xi32>, vector<16xi32>, vector<16xi32>], vector<16xf32>,
    %add3A_830 = arith.addf %gather3A_829, %get3A_213 : vector<16xf32>
    %add3A_831 = arith.constant 48 : i32
    %add3A_832 = vector.broadcast %add3A_831 : i32 to vector<16xi32>
    %add3A_833 = arith.addi %add3A_832, %iota3A : vector<16xi32>
    %gather3A_834 = tpu.vector_load_idx %arg7[%broadcast_in_dim3A_815, %add3A_833, %broadcast_in_dim3A_813] : memref<8x64x128xf32, #tpu.memory_space<vmem>>[vector<16xi32>, vector<16xi32>, vector<16xi32>], vector<16xf32>,
    %add3A_835 = arith.addf %gather3A_834, %get3A_215 : vector<16xf32>
    %shift_right_arithmetic3A_836 = arith.constant 7 : i32
    %shift_right_arithmetic3A_837 = arith.shrsi %squeeze3A_31, %shift_right_arithmetic3A_836 : i32
    %shift_left3A_838 = arith.constant 7 : i32
    %shift_left3A_839 = arith.shli %shift_right_arithmetic3A_837, %shift_left3A_838 : i32
    %multiple_of3A_840 = tpu.assume_multiple %shift_left3A_839, 128 : i32
    %dma_start3A_841 = arith.constant 5 : i32
    %dma_start3A_842 = arith.constant 0 : i32
    %dma_start3A_843 = arith.constant 0 : i32
    %dma_start3A_844 = tpu.memref_slice %arg7[%dma_start3A_841, %dma_start3A_842, %dma_start3A_843] : memref<8x64x128xf32, #tpu.memory_space<vmem>> -> memref<1x64x128xf32, #tpu.memory_space<vmem>>
    %dma_start3A_845 = tpu.memref_squeeze %dma_start3A_844 : memref<1x64x128xf32, #tpu.memory_space<vmem>> -> memref<64x128xf32, #tpu.memory_space<vmem>>
    %dma_start3A_846 = arith.constant 0 : i32
    %dma_start3A_847 = tpu.memref_slice %arg3[%dma_start3A_846, %multiple_of3A_840] : memref<64x100000xf32, #tpu.memory_space<hbm>> -> memref<64x128xf32, #tpu.memory_space<hbm>>
    %dma_start3A_848 = arith.constant 0 : i32
    %dma_start3A_849 = arith.constant 0 : i32
    %dma_start3A_850 = tpu.memref_slice %arg7[%dma_start3A_841, %dma_start3A_848, %dma_start3A_849] : memref<8x64x128xf32, #tpu.memory_space<vmem>> -> memref<1x64x128xf32, #tpu.memory_space<vmem>>
    %dma_start3A_851 = tpu.memref_squeeze %dma_start3A_850 : memref<1x64x128xf32, #tpu.memory_space<vmem>> -> memref<64x128xf32, #tpu.memory_space<vmem>>
    %dma_start3A_852 = arith.constant 0 : i32
    %dma_start3A_853 = tpu.memref_slice %arg3[%dma_start3A_852, %multiple_of3A_840] : memref<64x100000xf32, #tpu.memory_space<hbm>> -> memref<64x128xf32, #tpu.memory_space<hbm>>
    tpu.enqueue_dma source(%dma_start3A_853 : memref<64x128xf32, #tpu.memory_space<hbm>>) target(%dma_start3A_851 : memref<64x128xf32, #tpu.memory_space<vmem>>) target_semaphore(%arg15 : memref<!tpu.dma_semaphore, #tpu.memory_space<semaphore_mem>>)
    %mul3A_854 = arith.mulf %add3A_820, %add3A_820 : vector<16xf32>
    %mul3A_855 = arith.mulf %add3A_825, %add3A_825 : vector<16xf32>
    %add3A_856 = arith.addf %mul3A_854, %mul3A_855 : vector<16xf32>
    %mul3A_857 = arith.mulf %add3A_830, %add3A_830 : vector<16xf32>
    %mul3A_858 = arith.mulf %add3A_835, %add3A_835 : vector<16xf32>
    %add3A_859 = arith.addf %mul3A_857, %mul3A_858 : vector<16xf32>
    %add3A_860 = arith.addf %add3A_856, %add3A_859 : vector<16xf32>
    %reduce_sum3A_861 = arith.constant true
    %reduce_sum3A_862 = vector.broadcast %reduce_sum3A_861 : i1 to vector<16xi1>
    %reduce_sum3A_863 = tpu.scan <sum>, %add3A_860 masked %reduce_sum3A_862 : vector<16xf32>, vector<16xi1> -> vector<16xf32>
    %reduce_sum3A_864 = vector.extract %reduce_sum3A_863[15] : f32 from vector<16xf32>
    %max3A_865 = arith.constant 1.000000e-24 : f32
    %max3A_866 = arith.maximumf %reduce_sum3A_864, %max3A_865 : f32
    %bitcast_convert_type3A_867 = arith.bitcast %max3A_866 : f32 to i32
    %shift_right_arithmetic3A_868 = arith.constant 1 : i32
    %shift_right_arithmetic3A_869 = arith.shrsi %bitcast_convert_type3A_867, %shift_right_arithmetic3A_868 : i32
    %sub3A_870 = arith.constant 1597463007 : i32
    %sub3A_871 = arith.subi %sub3A_870, %shift_right_arithmetic3A_869 : i32
    %bitcast_convert_type3A_872 = arith.bitcast %sub3A_871 : i32 to f32
    %mul3A_873 = arith.constant 5.000000e-01 : f32
    %mul3A_874 = arith.mulf %mul3A_873, %max3A_866 : f32
    %mul3A_875 = arith.mulf %mul3A_874, %bitcast_convert_type3A_872 : f32
    %mul3A_876 = arith.mulf %mul3A_875, %bitcast_convert_type3A_872 : f32
    %sub3A_877 = arith.constant 1.500000e+00 : f32
    %sub3A_878 = arith.subf %sub3A_877, %mul3A_876 : f32
    %mul3A_879 = arith.mulf %bitcast_convert_type3A_872, %sub3A_878 : f32
    %mul3A_880 = arith.constant 5.000000e-01 : f32
    %mul3A_881 = arith.mulf %mul3A_880, %max3A_866 : f32
    %mul3A_882 = arith.mulf %mul3A_881, %mul3A_879 : f32
    %mul3A_883 = arith.mulf %mul3A_882, %mul3A_879 : f32
    %sub3A_884 = arith.constant 1.500000e+00 : f32
    %sub3A_885 = arith.subf %sub3A_884, %mul3A_883 : f32
    %mul3A_886 = arith.mulf %mul3A_879, %sub3A_885 : f32
    %mul3A_887 = arith.constant 5.000000e-01 : f32
    %mul3A_888 = arith.mulf %mul3A_887, %max3A_866 : f32
    %mul3A_889 = arith.mulf %mul3A_888, %mul3A_886 : f32
    %mul3A_890 = arith.mulf %mul3A_889, %mul3A_886 : f32
    %sub3A_891 = arith.constant 1.500000e+00 : f32
    %sub3A_892 = arith.subf %sub3A_891, %mul3A_890 : f32
    %mul3A_893 = arith.mulf %mul3A_886, %sub3A_892 : f32
    %broadcast_in_dim3A_894 = arith.constant 5 : i32
    %broadcast_in_dim3A_895 = vector.broadcast %broadcast_in_dim3A_894 : i32 to vector<16xi32>
    %add3A_896 = arith.constant 0 : i32
    %add3A_897 = vector.broadcast %add3A_896 : i32 to vector<16xi32>
    %add3A_898 = arith.addi %add3A_897, %iota3A : vector<16xi32>
    %mul3A_899 = vector.broadcast %mul3A_893 : f32 to vector<16xf32>
    %mul3A_900 = arith.mulf %add3A_820, %mul3A_899 : vector<16xf32>
    tpu.vector_store_idx %arg9[%broadcast_in_dim3A_895, %add3A_898], %mul3A_900 : memref<32x64xf32, #tpu.memory_space<vmem>>[vector<16xi32>, vector<16xi32>], vector<16xf32>,
    %add3A_901 = arith.constant 16 : i32
    %add3A_902 = vector.broadcast %add3A_901 : i32 to vector<16xi32>
    %add3A_903 = arith.addi %add3A_902, %iota3A : vector<16xi32>
    %mul3A_904 = vector.broadcast %mul3A_893 : f32 to vector<16xf32>
    %mul3A_905 = arith.mulf %add3A_825, %mul3A_904 : vector<16xf32>
    tpu.vector_store_idx %arg9[%broadcast_in_dim3A_895, %add3A_903], %mul3A_905 : memref<32x64xf32, #tpu.memory_space<vmem>>[vector<16xi32>, vector<16xi32>], vector<16xf32>,
    %add3A_906 = arith.constant 32 : i32
    %add3A_907 = vector.broadcast %add3A_906 : i32 to vector<16xi32>
    %add3A_908 = arith.addi %add3A_907, %iota3A : vector<16xi32>
    %mul3A_909 = vector.broadcast %mul3A_893 : f32 to vector<16xf32>
    %mul3A_910 = arith.mulf %add3A_830, %mul3A_909 : vector<16xf32>
    tpu.vector_store_idx %arg9[%broadcast_in_dim3A_895, %add3A_908], %mul3A_910 : memref<32x64xf32, #tpu.memory_space<vmem>>[vector<16xi32>, vector<16xi32>], vector<16xf32>,
    %add3A_911 = arith.constant 48 : i32
    %add3A_912 = vector.broadcast %add3A_911 : i32 to vector<16xi32>
    %add3A_913 = arith.addi %add3A_912, %iota3A : vector<16xi32>
    %mul3A_914 = vector.broadcast %mul3A_893 : f32 to vector<16xf32>
    %mul3A_915 = arith.mulf %add3A_835, %mul3A_914 : vector<16xf32>
    tpu.vector_store_idx %arg9[%broadcast_in_dim3A_895, %add3A_913], %mul3A_915 : memref<32x64xf32, #tpu.memory_space<vmem>>[vector<16xi32>, vector<16xi32>], vector<16xf32>,
    %dma_wait3A_916 = arith.constant 6 : i32
    %dma_wait3A_917 = arith.constant 0 : i32
    %dma_wait3A_918 = arith.constant 0 : i32
    %dma_wait3A_919 = tpu.memref_slice %arg7[%dma_wait3A_916, %dma_wait3A_917, %dma_wait3A_918] : memref<8x64x128xf32, #tpu.memory_space<vmem>> -> memref<1x64x128xf32, #tpu.memory_space<vmem>>
    %dma_wait3A_920 = tpu.memref_squeeze %dma_wait3A_919 : memref<1x64x128xf32, #tpu.memory_space<vmem>> -> memref<64x128xf32, #tpu.memory_space<vmem>>
    %dma_wait3A_921 = arith.constant 0 : i32
    %dma_wait3A_922 = tpu.memref_slice %arg3[%dma_wait3A_921, %multiple_of3A_176] : memref<64x100000xf32, #tpu.memory_space<hbm>> -> memref<64x128xf32, #tpu.memory_space<hbm>>
    %dma_wait3A_923 = arith.constant 0 : i32
    %dma_wait3A_924 = arith.constant 0 : i32
    %dma_wait3A_925 = tpu.memref_slice %arg7[%dma_wait3A_916, %dma_wait3A_923, %dma_wait3A_924] : memref<8x64x128xf32, #tpu.memory_space<vmem>> -> memref<1x64x128xf32, #tpu.memory_space<vmem>>
    %dma_wait3A_926 = tpu.memref_squeeze %dma_wait3A_925 : memref<1x64x128xf32, #tpu.memory_space<vmem>> -> memref<64x128xf32, #tpu.memory_space<vmem>>
    %dma_wait3A_927 = arith.constant 0 : i32
    %dma_wait3A_928 = tpu.memref_slice %arg3[%dma_wait3A_927, %multiple_of3A_176] : memref<64x100000xf32, #tpu.memory_space<hbm>> -> memref<64x128xf32, #tpu.memory_space<hbm>>
    tpu.wait_dma2 semaphore(%arg16 : memref<!tpu.dma_semaphore, #tpu.memory_space<semaphore_mem>>) src(%dma_wait3A_928 : memref<64x128xf32, #tpu.memory_space<hbm>>) dst(%dma_wait3A_926 : memref<64x128xf32, #tpu.memory_space<vmem>>)
    %and3A_929 = arith.constant 127 : i32
    %and3A_930 = arith.andi %squeeze3A_17, %and3A_929 : i32
    %broadcast_in_dim3A_931 = vector.broadcast %and3A_930 : i32 to vector<16xi32>
    %broadcast_in_dim3A_932 = arith.constant 6 : i32
    %broadcast_in_dim3A_933 = vector.broadcast %broadcast_in_dim3A_932 : i32 to vector<16xi32>
    %add3A_934 = arith.constant 0 : i32
    %add3A_935 = vector.broadcast %add3A_934 : i32 to vector<16xi32>
    %add3A_936 = arith.addi %add3A_935, %iota3A : vector<16xi32>
    %gather3A_937 = tpu.vector_load_idx %arg7[%broadcast_in_dim3A_933, %add3A_936, %broadcast_in_dim3A_931] : memref<8x64x128xf32, #tpu.memory_space<vmem>>[vector<16xi32>, vector<16xi32>, vector<16xi32>], vector<16xf32>,
    %add3A_938 = arith.addf %gather3A_937, %get3A_209 : vector<16xf32>
    %add3A_939 = arith.constant 16 : i32
    %add3A_940 = vector.broadcast %add3A_939 : i32 to vector<16xi32>
    %add3A_941 = arith.addi %add3A_940, %iota3A : vector<16xi32>
    %gather3A_942 = tpu.vector_load_idx %arg7[%broadcast_in_dim3A_933, %add3A_941, %broadcast_in_dim3A_931] : memref<8x64x128xf32, #tpu.memory_space<vmem>>[vector<16xi32>, vector<16xi32>, vector<16xi32>], vector<16xf32>,
    %add3A_943 = arith.addf %gather3A_942, %get3A_211 : vector<16xf32>
    %add3A_944 = arith.constant 32 : i32
    %add3A_945 = vector.broadcast %add3A_944 : i32 to vector<16xi32>
    %add3A_946 = arith.addi %add3A_945, %iota3A : vector<16xi32>
    %gather3A_947 = tpu.vector_load_idx %arg7[%broadcast_in_dim3A_933, %add3A_946, %broadcast_in_dim3A_931] : memref<8x64x128xf32, #tpu.memory_space<vmem>>[vector<16xi32>, vector<16xi32>, vector<16xi32>], vector<16xf32>,
    %add3A_948 = arith.addf %gather3A_947, %get3A_213 : vector<16xf32>
    %add3A_949 = arith.constant 48 : i32
    %add3A_950 = vector.broadcast %add3A_949 : i32 to vector<16xi32>
    %add3A_951 = arith.addi %add3A_950, %iota3A : vector<16xi32>
    %gather3A_952 = tpu.vector_load_idx %arg7[%broadcast_in_dim3A_933, %add3A_951, %broadcast_in_dim3A_931] : memref<8x64x128xf32, #tpu.memory_space<vmem>>[vector<16xi32>, vector<16xi32>, vector<16xi32>], vector<16xf32>,
    %add3A_953 = arith.addf %gather3A_952, %get3A_215 : vector<16xf32>
    %shift_right_arithmetic3A_954 = arith.constant 7 : i32
    %shift_right_arithmetic3A_955 = arith.shrsi %squeeze3A_33, %shift_right_arithmetic3A_954 : i32
    %shift_left3A_956 = arith.constant 7 : i32
    %shift_left3A_957 = arith.shli %shift_right_arithmetic3A_955, %shift_left3A_956 : i32
    %multiple_of3A_958 = tpu.assume_multiple %shift_left3A_957, 128 : i32
    %dma_start3A_959 = arith.constant 6 : i32
    %dma_start3A_960 = arith.constant 0 : i32
    %dma_start3A_961 = arith.constant 0 : i32
    %dma_start3A_962 = tpu.memref_slice %arg7[%dma_start3A_959, %dma_start3A_960, %dma_start3A_961] : memref<8x64x128xf32, #tpu.memory_space<vmem>> -> memref<1x64x128xf32, #tpu.memory_space<vmem>>
    %dma_start3A_963 = tpu.memref_squeeze %dma_start3A_962 : memref<1x64x128xf32, #tpu.memory_space<vmem>> -> memref<64x128xf32, #tpu.memory_space<vmem>>
    %dma_start3A_964 = arith.constant 0 : i32
    %dma_start3A_965 = tpu.memref_slice %arg3[%dma_start3A_964, %multiple_of3A_958] : memref<64x100000xf32, #tpu.memory_space<hbm>> -> memref<64x128xf32, #tpu.memory_space<hbm>>
    %dma_start3A_966 = arith.constant 0 : i32
    %dma_start3A_967 = arith.constant 0 : i32
    %dma_start3A_968 = tpu.memref_slice %arg7[%dma_start3A_959, %dma_start3A_966, %dma_start3A_967] : memref<8x64x128xf32, #tpu.memory_space<vmem>> -> memref<1x64x128xf32, #tpu.memory_space<vmem>>
    %dma_start3A_969 = tpu.memref_squeeze %dma_start3A_968 : memref<1x64x128xf32, #tpu.memory_space<vmem>> -> memref<64x128xf32, #tpu.memory_space<vmem>>
    %dma_start3A_970 = arith.constant 0 : i32
    %dma_start3A_971 = tpu.memref_slice %arg3[%dma_start3A_970, %multiple_of3A_958] : memref<64x100000xf32, #tpu.memory_space<hbm>> -> memref<64x128xf32, #tpu.memory_space<hbm>>
    tpu.enqueue_dma source(%dma_start3A_971 : memref<64x128xf32, #tpu.memory_space<hbm>>) target(%dma_start3A_969 : memref<64x128xf32, #tpu.memory_space<vmem>>) target_semaphore(%arg16 : memref<!tpu.dma_semaphore, #tpu.memory_space<semaphore_mem>>)
    %mul3A_972 = arith.mulf %add3A_938, %add3A_938 : vector<16xf32>
    %mul3A_973 = arith.mulf %add3A_943, %add3A_943 : vector<16xf32>
    %add3A_974 = arith.addf %mul3A_972, %mul3A_973 : vector<16xf32>
    %mul3A_975 = arith.mulf %add3A_948, %add3A_948 : vector<16xf32>
    %mul3A_976 = arith.mulf %add3A_953, %add3A_953 : vector<16xf32>
    %add3A_977 = arith.addf %mul3A_975, %mul3A_976 : vector<16xf32>
    %add3A_978 = arith.addf %add3A_974, %add3A_977 : vector<16xf32>
    %reduce_sum3A_979 = arith.constant true
    %reduce_sum3A_980 = vector.broadcast %reduce_sum3A_979 : i1 to vector<16xi1>
    %reduce_sum3A_981 = tpu.scan <sum>, %add3A_978 masked %reduce_sum3A_980 : vector<16xf32>, vector<16xi1> -> vector<16xf32>
    %reduce_sum3A_982 = vector.extract %reduce_sum3A_981[15] : f32 from vector<16xf32>
    %max3A_983 = arith.constant 1.000000e-24 : f32
    %max3A_984 = arith.maximumf %reduce_sum3A_982, %max3A_983 : f32
    %bitcast_convert_type3A_985 = arith.bitcast %max3A_984 : f32 to i32
    %shift_right_arithmetic3A_986 = arith.constant 1 : i32
    %shift_right_arithmetic3A_987 = arith.shrsi %bitcast_convert_type3A_985, %shift_right_arithmetic3A_986 : i32
    %sub3A_988 = arith.constant 1597463007 : i32
    %sub3A_989 = arith.subi %sub3A_988, %shift_right_arithmetic3A_987 : i32
    %bitcast_convert_type3A_990 = arith.bitcast %sub3A_989 : i32 to f32
    %mul3A_991 = arith.constant 5.000000e-01 : f32
    %mul3A_992 = arith.mulf %mul3A_991, %max3A_984 : f32
    %mul3A_993 = arith.mulf %mul3A_992, %bitcast_convert_type3A_990 : f32
    %mul3A_994 = arith.mulf %mul3A_993, %bitcast_convert_type3A_990 : f32
    %sub3A_995 = arith.constant 1.500000e+00 : f32
    %sub3A_996 = arith.subf %sub3A_995, %mul3A_994 : f32
    %mul3A_997 = arith.mulf %bitcast_convert_type3A_990, %sub3A_996 : f32
    %mul3A_998 = arith.constant 5.000000e-01 : f32
    %mul3A_999 = arith.mulf %mul3A_998, %max3A_984 : f32
    %mul3A_1000 = arith.mulf %mul3A_999, %mul3A_997 : f32
    %mul3A_1001 = arith.mulf %mul3A_1000, %mul3A_997 : f32
    %sub3A_1002 = arith.constant 1.500000e+00 : f32
    %sub3A_1003 = arith.subf %sub3A_1002, %mul3A_1001 : f32
    %mul3A_1004 = arith.mulf %mul3A_997, %sub3A_1003 : f32
    %mul3A_1005 = arith.constant 5.000000e-01 : f32
    %mul3A_1006 = arith.mulf %mul3A_1005, %max3A_984 : f32
    %mul3A_1007 = arith.mulf %mul3A_1006, %mul3A_1004 : f32
    %mul3A_1008 = arith.mulf %mul3A_1007, %mul3A_1004 : f32
    %sub3A_1009 = arith.constant 1.500000e+00 : f32
    %sub3A_1010 = arith.subf %sub3A_1009, %mul3A_1008 : f32
    %mul3A_1011 = arith.mulf %mul3A_1004, %sub3A_1010 : f32
    %broadcast_in_dim3A_1012 = arith.constant 6 : i32
    %broadcast_in_dim3A_1013 = vector.broadcast %broadcast_in_dim3A_1012 : i32 to vector<16xi32>
    %add3A_1014 = arith.constant 0 : i32
    %add3A_1015 = vector.broadcast %add3A_1014 : i32 to vector<16xi32>
    %add3A_1016 = arith.addi %add3A_1015, %iota3A : vector<16xi32>
    %mul3A_1017 = vector.broadcast %mul3A_1011 : f32 to vector<16xf32>
    %mul3A_1018 = arith.mulf %add3A_938, %mul3A_1017 : vector<16xf32>
    tpu.vector_store_idx %arg9[%broadcast_in_dim3A_1013, %add3A_1016], %mul3A_1018 : memref<32x64xf32, #tpu.memory_space<vmem>>[vector<16xi32>, vector<16xi32>], vector<16xf32>,
    %add3A_1019 = arith.constant 16 : i32
    %add3A_1020 = vector.broadcast %add3A_1019 : i32 to vector<16xi32>
    %add3A_1021 = arith.addi %add3A_1020, %iota3A : vector<16xi32>
    %mul3A_1022 = vector.broadcast %mul3A_1011 : f32 to vector<16xf32>
    %mul3A_1023 = arith.mulf %add3A_943, %mul3A_1022 : vector<16xf32>
    tpu.vector_store_idx %arg9[%broadcast_in_dim3A_1013, %add3A_1021], %mul3A_1023 : memref<32x64xf32, #tpu.memory_space<vmem>>[vector<16xi32>, vector<16xi32>], vector<16xf32>,
    %add3A_1024 = arith.constant 32 : i32
    %add3A_1025 = vector.broadcast %add3A_1024 : i32 to vector<16xi32>
    %add3A_1026 = arith.addi %add3A_1025, %iota3A : vector<16xi32>
    %mul3A_1027 = vector.broadcast %mul3A_1011 : f32 to vector<16xf32>
    %mul3A_1028 = arith.mulf %add3A_948, %mul3A_1027 : vector<16xf32>
    tpu.vector_store_idx %arg9[%broadcast_in_dim3A_1013, %add3A_1026], %mul3A_1028 : memref<32x64xf32, #tpu.memory_space<vmem>>[vector<16xi32>, vector<16xi32>], vector<16xf32>,
    %add3A_1029 = arith.constant 48 : i32
    %add3A_1030 = vector.broadcast %add3A_1029 : i32 to vector<16xi32>
    %add3A_1031 = arith.addi %add3A_1030, %iota3A : vector<16xi32>
    %mul3A_1032 = vector.broadcast %mul3A_1011 : f32 to vector<16xf32>
    %mul3A_1033 = arith.mulf %add3A_953, %mul3A_1032 : vector<16xf32>
    tpu.vector_store_idx %arg9[%broadcast_in_dim3A_1013, %add3A_1031], %mul3A_1033 : memref<32x64xf32, #tpu.memory_space<vmem>>[vector<16xi32>, vector<16xi32>], vector<16xf32>,
    %dma_wait3A_1034 = arith.constant 7 : i32
    %dma_wait3A_1035 = arith.constant 0 : i32
    %dma_wait3A_1036 = arith.constant 0 : i32
    %dma_wait3A_1037 = tpu.memref_slice %arg7[%dma_wait3A_1034, %dma_wait3A_1035, %dma_wait3A_1036] : memref<8x64x128xf32, #tpu.memory_space<vmem>> -> memref<1x64x128xf32, #tpu.memory_space<vmem>>
    %dma_wait3A_1038 = tpu.memref_squeeze %dma_wait3A_1037 : memref<1x64x128xf32, #tpu.memory_space<vmem>> -> memref<64x128xf32, #tpu.memory_space<vmem>>
    %dma_wait3A_1039 = arith.constant 0 : i32
    %dma_wait3A_1040 = tpu.memref_slice %arg3[%dma_wait3A_1039, %multiple_of3A_194] : memref<64x100000xf32, #tpu.memory_space<hbm>> -> memref<64x128xf32, #tpu.memory_space<hbm>>
    %dma_wait3A_1041 = arith.constant 0 : i32
    %dma_wait3A_1042 = arith.constant 0 : i32
    %dma_wait3A_1043 = tpu.memref_slice %arg7[%dma_wait3A_1034, %dma_wait3A_1041, %dma_wait3A_1042] : memref<8x64x128xf32, #tpu.memory_space<vmem>> -> memref<1x64x128xf32, #tpu.memory_space<vmem>>
    %dma_wait3A_1044 = tpu.memref_squeeze %dma_wait3A_1043 : memref<1x64x128xf32, #tpu.memory_space<vmem>> -> memref<64x128xf32, #tpu.memory_space<vmem>>
    %dma_wait3A_1045 = arith.constant 0 : i32
    %dma_wait3A_1046 = tpu.memref_slice %arg3[%dma_wait3A_1045, %multiple_of3A_194] : memref<64x100000xf32, #tpu.memory_space<hbm>> -> memref<64x128xf32, #tpu.memory_space<hbm>>
    tpu.wait_dma2 semaphore(%arg17 : memref<!tpu.dma_semaphore, #tpu.memory_space<semaphore_mem>>) src(%dma_wait3A_1046 : memref<64x128xf32, #tpu.memory_space<hbm>>) dst(%dma_wait3A_1044 : memref<64x128xf32, #tpu.memory_space<vmem>>)
    %and3A_1047 = arith.constant 127 : i32
    %and3A_1048 = arith.andi %squeeze3A_19, %and3A_1047 : i32
    %broadcast_in_dim3A_1049 = vector.broadcast %and3A_1048 : i32 to vector<16xi32>
    %broadcast_in_dim3A_1050 = arith.constant 7 : i32
    %broadcast_in_dim3A_1051 = vector.broadcast %broadcast_in_dim3A_1050 : i32 to vector<16xi32>
    %add3A_1052 = arith.constant 0 : i32
    %add3A_1053 = vector.broadcast %add3A_1052 : i32 to vector<16xi32>
    %add3A_1054 = arith.addi %add3A_1053, %iota3A : vector<16xi32>
    %gather3A_1055 = tpu.vector_load_idx %arg7[%broadcast_in_dim3A_1051, %add3A_1054, %broadcast_in_dim3A_1049] : memref<8x64x128xf32, #tpu.memory_space<vmem>>[vector<16xi32>, vector<16xi32>, vector<16xi32>], vector<16xf32>,
    %add3A_1056 = arith.addf %gather3A_1055, %get3A_209 : vector<16xf32>
    %add3A_1057 = arith.constant 16 : i32
    %add3A_1058 = vector.broadcast %add3A_1057 : i32 to vector<16xi32>
    %add3A_1059 = arith.addi %add3A_1058, %iota3A : vector<16xi32>
    %gather3A_1060 = tpu.vector_load_idx %arg7[%broadcast_in_dim3A_1051, %add3A_1059, %broadcast_in_dim3A_1049] : memref<8x64x128xf32, #tpu.memory_space<vmem>>[vector<16xi32>, vector<16xi32>, vector<16xi32>], vector<16xf32>,
    %add3A_1061 = arith.addf %gather3A_1060, %get3A_211 : vector<16xf32>
    %add3A_1062 = arith.constant 32 : i32
    %add3A_1063 = vector.broadcast %add3A_1062 : i32 to vector<16xi32>
    %add3A_1064 = arith.addi %add3A_1063, %iota3A : vector<16xi32>
    %gather3A_1065 = tpu.vector_load_idx %arg7[%broadcast_in_dim3A_1051, %add3A_1064, %broadcast_in_dim3A_1049] : memref<8x64x128xf32, #tpu.memory_space<vmem>>[vector<16xi32>, vector<16xi32>, vector<16xi32>], vector<16xf32>,
    %add3A_1066 = arith.addf %gather3A_1065, %get3A_213 : vector<16xf32>
    %add3A_1067 = arith.constant 48 : i32
    %add3A_1068 = vector.broadcast %add3A_1067 : i32 to vector<16xi32>
    %add3A_1069 = arith.addi %add3A_1068, %iota3A : vector<16xi32>
    %gather3A_1070 = tpu.vector_load_idx %arg7[%broadcast_in_dim3A_1051, %add3A_1069, %broadcast_in_dim3A_1049] : memref<8x64x128xf32, #tpu.memory_space<vmem>>[vector<16xi32>, vector<16xi32>, vector<16xi32>], vector<16xf32>,
    %add3A_1071 = arith.addf %gather3A_1070, %get3A_215 : vector<16xf32>
    %shift_right_arithmetic3A_1072 = arith.constant 7 : i32
    %shift_right_arithmetic3A_1073 = arith.shrsi %squeeze3A_35, %shift_right_arithmetic3A_1072 : i32
    %shift_left3A_1074 = arith.constant 7 : i32
    %shift_left3A_1075 = arith.shli %shift_right_arithmetic3A_1073, %shift_left3A_1074 : i32
    %multiple_of3A_1076 = tpu.assume_multiple %shift_left3A_1075, 128 : i32
    %dma_start3A_1077 = arith.constant 7 : i32
    %dma_start3A_1078 = arith.constant 0 : i32
    %dma_start3A_1079 = arith.constant 0 : i32
    %dma_start3A_1080 = tpu.memref_slice %arg7[%dma_start3A_1077, %dma_start3A_1078, %dma_start3A_1079] : memref<8x64x128xf32, #tpu.memory_space<vmem>> -> memref<1x64x128xf32, #tpu.memory_space<vmem>>
    %dma_start3A_1081 = tpu.memref_squeeze %dma_start3A_1080 : memref<1x64x128xf32, #tpu.memory_space<vmem>> -> memref<64x128xf32, #tpu.memory_space<vmem>>
    %dma_start3A_1082 = arith.constant 0 : i32
    %dma_start3A_1083 = tpu.memref_slice %arg3[%dma_start3A_1082, %multiple_of3A_1076] : memref<64x100000xf32, #tpu.memory_space<hbm>> -> memref<64x128xf32, #tpu.memory_space<hbm>>
    %dma_start3A_1084 = arith.constant 0 : i32
    %dma_start3A_1085 = arith.constant 0 : i32
    %dma_start3A_1086 = tpu.memref_slice %arg7[%dma_start3A_1077, %dma_start3A_1084, %dma_start3A_1085] : memref<8x64x128xf32, #tpu.memory_space<vmem>> -> memref<1x64x128xf32, #tpu.memory_space<vmem>>
    %dma_start3A_1087 = tpu.memref_squeeze %dma_start3A_1086 : memref<1x64x128xf32, #tpu.memory_space<vmem>> -> memref<64x128xf32, #tpu.memory_space<vmem>>
    %dma_start3A_1088 = arith.constant 0 : i32
    %dma_start3A_1089 = tpu.memref_slice %arg3[%dma_start3A_1088, %multiple_of3A_1076] : memref<64x100000xf32, #tpu.memory_space<hbm>> -> memref<64x128xf32, #tpu.memory_space<hbm>>
    tpu.enqueue_dma source(%dma_start3A_1089 : memref<64x128xf32, #tpu.memory_space<hbm>>) target(%dma_start3A_1087 : memref<64x128xf32, #tpu.memory_space<vmem>>) target_semaphore(%arg17 : memref<!tpu.dma_semaphore, #tpu.memory_space<semaphore_mem>>)
    %mul3A_1090 = arith.mulf %add3A_1056, %add3A_1056 : vector<16xf32>
    %mul3A_1091 = arith.mulf %add3A_1061, %add3A_1061 : vector<16xf32>
    %add3A_1092 = arith.addf %mul3A_1090, %mul3A_1091 : vector<16xf32>
    %mul3A_1093 = arith.mulf %add3A_1066, %add3A_1066 : vector<16xf32>
    %mul3A_1094 = arith.mulf %add3A_1071, %add3A_1071 : vector<16xf32>
    %add3A_1095 = arith.addf %mul3A_1093, %mul3A_1094 : vector<16xf32>
    %add3A_1096 = arith.addf %add3A_1092, %add3A_1095 : vector<16xf32>
    %reduce_sum3A_1097 = arith.constant true
    %reduce_sum3A_1098 = vector.broadcast %reduce_sum3A_1097 : i1 to vector<16xi1>
    %reduce_sum3A_1099 = tpu.scan <sum>, %add3A_1096 masked %reduce_sum3A_1098 : vector<16xf32>, vector<16xi1> -> vector<16xf32>
    %reduce_sum3A_1100 = vector.extract %reduce_sum3A_1099[15] : f32 from vector<16xf32>
    %max3A_1101 = arith.constant 1.000000e-24 : f32
    %max3A_1102 = arith.maximumf %reduce_sum3A_1100, %max3A_1101 : f32
    %bitcast_convert_type3A_1103 = arith.bitcast %max3A_1102 : f32 to i32
    %shift_right_arithmetic3A_1104 = arith.constant 1 : i32
    %shift_right_arithmetic3A_1105 = arith.shrsi %bitcast_convert_type3A_1103, %shift_right_arithmetic3A_1104 : i32
    %sub3A_1106 = arith.constant 1597463007 : i32
    %sub3A_1107 = arith.subi %sub3A_1106, %shift_right_arithmetic3A_1105 : i32
    %bitcast_convert_type3A_1108 = arith.bitcast %sub3A_1107 : i32 to f32
    %mul3A_1109 = arith.constant 5.000000e-01 : f32
    %mul3A_1110 = arith.mulf %mul3A_1109, %max3A_1102 : f32
    %mul3A_1111 = arith.mulf %mul3A_1110, %bitcast_convert_type3A_1108 : f32
    %mul3A_1112 = arith.mulf %mul3A_1111, %bitcast_convert_type3A_1108 : f32
    %sub3A_1113 = arith.constant 1.500000e+00 : f32
    %sub3A_1114 = arith.subf %sub3A_1113, %mul3A_1112 : f32
    %mul3A_1115 = arith.mulf %bitcast_convert_type3A_1108, %sub3A_1114 : f32
    %mul3A_1116 = arith.constant 5.000000e-01 : f32
    %mul3A_1117 = arith.mulf %mul3A_1116, %max3A_1102 : f32
    %mul3A_1118 = arith.mulf %mul3A_1117, %mul3A_1115 : f32
    %mul3A_1119 = arith.mulf %mul3A_1118, %mul3A_1115 : f32
    %sub3A_1120 = arith.constant 1.500000e+00 : f32
    %sub3A_1121 = arith.subf %sub3A_1120, %mul3A_1119 : f32
    %mul3A_1122 = arith.mulf %mul3A_1115, %sub3A_1121 : f32
    %mul3A_1123 = arith.constant 5.000000e-01 : f32
    %mul3A_1124 = arith.mulf %mul3A_1123, %max3A_1102 : f32
    %mul3A_1125 = arith.mulf %mul3A_1124, %mul3A_1122 : f32
    %mul3A_1126 = arith.mulf %mul3A_1125, %mul3A_1122 : f32
    %sub3A_1127 = arith.constant 1.500000e+00 : f32
    %sub3A_1128 = arith.subf %sub3A_1127, %mul3A_1126 : f32
    %mul3A_1129 = arith.mulf %mul3A_1122, %sub3A_1128 : f32
    %broadcast_in_dim3A_1130 = arith.constant 7 : i32
    %broadcast_in_dim3A_1131 = vector.broadcast %broadcast_in_dim3A_1130 : i32 to vector<16xi32>
    %add3A_1132 = arith.constant 0 : i32
    %add3A_1133 = vector.broadcast %add3A_1132 : i32 to vector<16xi32>
    %add3A_1134 = arith.addi %add3A_1133, %iota3A : vector<16xi32>
    %mul3A_1135 = vector.broadcast %mul3A_1129 : f32 to vector<16xf32>
    %mul3A_1136 = arith.mulf %add3A_1056, %mul3A_1135 : vector<16xf32>
    tpu.vector_store_idx %arg9[%broadcast_in_dim3A_1131, %add3A_1134], %mul3A_1136 : memref<32x64xf32, #tpu.memory_space<vmem>>[vector<16xi32>, vector<16xi32>], vector<16xf32>,
    %add3A_1137 = arith.constant 16 : i32
    %add3A_1138 = vector.broadcast %add3A_1137 : i32 to vector<16xi32>
    %add3A_1139 = arith.addi %add3A_1138, %iota3A : vector<16xi32>
    %mul3A_1140 = vector.broadcast %mul3A_1129 : f32 to vector<16xf32>
    %mul3A_1141 = arith.mulf %add3A_1061, %mul3A_1140 : vector<16xf32>
    tpu.vector_store_idx %arg9[%broadcast_in_dim3A_1131, %add3A_1139], %mul3A_1141 : memref<32x64xf32, #tpu.memory_space<vmem>>[vector<16xi32>, vector<16xi32>], vector<16xf32>,
    %add3A_1142 = arith.constant 32 : i32
    %add3A_1143 = vector.broadcast %add3A_1142 : i32 to vector<16xi32>
    %add3A_1144 = arith.addi %add3A_1143, %iota3A : vector<16xi32>
    %mul3A_1145 = vector.broadcast %mul3A_1129 : f32 to vector<16xf32>
    %mul3A_1146 = arith.mulf %add3A_1066, %mul3A_1145 : vector<16xf32>
    tpu.vector_store_idx %arg9[%broadcast_in_dim3A_1131, %add3A_1144], %mul3A_1146 : memref<32x64xf32, #tpu.memory_space<vmem>>[vector<16xi32>, vector<16xi32>], vector<16xf32>,
    %add3A_1147 = arith.constant 48 : i32
    %add3A_1148 = vector.broadcast %add3A_1147 : i32 to vector<16xi32>
    %add3A_1149 = arith.addi %add3A_1148, %iota3A : vector<16xi32>
    %mul3A_1150 = vector.broadcast %mul3A_1129 : f32 to vector<16xf32>
    %mul3A_1151 = arith.mulf %add3A_1071, %mul3A_1150 : vector<16xf32>
    tpu.vector_store_idx %arg9[%broadcast_in_dim3A_1131, %add3A_1149], %mul3A_1151 : memref<32x64xf32, #tpu.memory_space<vmem>>[vector<16xi32>, vector<16xi32>], vector<16xf32>,
    %dma_wait3A_1152 = arith.constant 0 : i32
    %dma_wait3A_1153 = arith.constant 0 : i32
    %dma_wait3A_1154 = arith.constant 0 : i32
    %dma_wait3A_1155 = tpu.memref_slice %arg7[%dma_wait3A_1152, %dma_wait3A_1153, %dma_wait3A_1154] : memref<8x64x128xf32, #tpu.memory_space<vmem>> -> memref<1x64x128xf32, #tpu.memory_space<vmem>>
    %dma_wait3A_1156 = tpu.memref_squeeze %dma_wait3A_1155 : memref<1x64x128xf32, #tpu.memory_space<vmem>> -> memref<64x128xf32, #tpu.memory_space<vmem>>
    %dma_wait3A_1157 = arith.constant 0 : i32
    %dma_wait3A_1158 = tpu.memref_slice %arg3[%dma_wait3A_1157, %multiple_of3A_254] : memref<64x100000xf32, #tpu.memory_space<hbm>> -> memref<64x128xf32, #tpu.memory_space<hbm>>
    %dma_wait3A_1159 = arith.constant 0 : i32
    %dma_wait3A_1160 = arith.constant 0 : i32
    %dma_wait3A_1161 = tpu.memref_slice %arg7[%dma_wait3A_1152, %dma_wait3A_1159, %dma_wait3A_1160] : memref<8x64x128xf32, #tpu.memory_space<vmem>> -> memref<1x64x128xf32, #tpu.memory_space<vmem>>
    %dma_wait3A_1162 = tpu.memref_squeeze %dma_wait3A_1161 : memref<1x64x128xf32, #tpu.memory_space<vmem>> -> memref<64x128xf32, #tpu.memory_space<vmem>>
    %dma_wait3A_1163 = arith.constant 0 : i32
    %dma_wait3A_1164 = tpu.memref_slice %arg3[%dma_wait3A_1163, %multiple_of3A_254] : memref<64x100000xf32, #tpu.memory_space<hbm>> -> memref<64x128xf32, #tpu.memory_space<hbm>>
    tpu.wait_dma2 semaphore(%arg10 : memref<!tpu.dma_semaphore, #tpu.memory_space<semaphore_mem>>) src(%dma_wait3A_1164 : memref<64x128xf32, #tpu.memory_space<hbm>>) dst(%dma_wait3A_1162 : memref<64x128xf32, #tpu.memory_space<vmem>>)
    %and3A_1165 = arith.constant 127 : i32
    %and3A_1166 = arith.andi %squeeze3A_21, %and3A_1165 : i32
    %broadcast_in_dim3A_1167 = vector.broadcast %and3A_1166 : i32 to vector<16xi32>
    %broadcast_in_dim3A_1168 = arith.constant 0 : i32
    %broadcast_in_dim3A_1169 = vector.broadcast %broadcast_in_dim3A_1168 : i32 to vector<16xi32>
    %add3A_1170 = arith.constant 0 : i32
    %add3A_1171 = vector.broadcast %add3A_1170 : i32 to vector<16xi32>
    %add3A_1172 = arith.addi %add3A_1171, %iota3A : vector<16xi32>
    %gather3A_1173 = tpu.vector_load_idx %arg7[%broadcast_in_dim3A_1169, %add3A_1172, %broadcast_in_dim3A_1167] : memref<8x64x128xf32, #tpu.memory_space<vmem>>[vector<16xi32>, vector<16xi32>, vector<16xi32>], vector<16xf32>,
    %add3A_1174 = arith.addf %gather3A_1173, %get3A_209 : vector<16xf32>
    %add3A_1175 = arith.constant 16 : i32
    %add3A_1176 = vector.broadcast %add3A_1175 : i32 to vector<16xi32>
    %add3A_1177 = arith.addi %add3A_1176, %iota3A : vector<16xi32>
    %gather3A_1178 = tpu.vector_load_idx %arg7[%broadcast_in_dim3A_1169, %add3A_1177, %broadcast_in_dim3A_1167] : memref<8x64x128xf32, #tpu.memory_space<vmem>>[vector<16xi32>, vector<16xi32>, vector<16xi32>], vector<16xf32>,
    %add3A_1179 = arith.addf %gather3A_1178, %get3A_211 : vector<16xf32>
    %add3A_1180 = arith.constant 32 : i32
    %add3A_1181 = vector.broadcast %add3A_1180 : i32 to vector<16xi32>
    %add3A_1182 = arith.addi %add3A_1181, %iota3A : vector<16xi32>
    %gather3A_1183 = tpu.vector_load_idx %arg7[%broadcast_in_dim3A_1169, %add3A_1182, %broadcast_in_dim3A_1167] : memref<8x64x128xf32, #tpu.memory_space<vmem>>[vector<16xi32>, vector<16xi32>, vector<16xi32>], vector<16xf32>,
    %add3A_1184 = arith.addf %gather3A_1183, %get3A_213 : vector<16xf32>
    %add3A_1185 = arith.constant 48 : i32
    %add3A_1186 = vector.broadcast %add3A_1185 : i32 to vector<16xi32>
    %add3A_1187 = arith.addi %add3A_1186, %iota3A : vector<16xi32>
    %gather3A_1188 = tpu.vector_load_idx %arg7[%broadcast_in_dim3A_1169, %add3A_1187, %broadcast_in_dim3A_1167] : memref<8x64x128xf32, #tpu.memory_space<vmem>>[vector<16xi32>, vector<16xi32>, vector<16xi32>], vector<16xf32>,
    %add3A_1189 = arith.addf %gather3A_1188, %get3A_215 : vector<16xf32>
    %shift_right_arithmetic3A_1190 = arith.constant 7 : i32
    %shift_right_arithmetic3A_1191 = arith.shrsi %squeeze3A_37, %shift_right_arithmetic3A_1190 : i32
    %shift_left3A_1192 = arith.constant 7 : i32
    %shift_left3A_1193 = arith.shli %shift_right_arithmetic3A_1191, %shift_left3A_1192 : i32
    %multiple_of3A_1194 = tpu.assume_multiple %shift_left3A_1193, 128 : i32
    %dma_start3A_1195 = arith.constant 0 : i32
    %dma_start3A_1196 = arith.constant 0 : i32
    %dma_start3A_1197 = arith.constant 0 : i32
    %dma_start3A_1198 = tpu.memref_slice %arg7[%dma_start3A_1195, %dma_start3A_1196, %dma_start3A_1197] : memref<8x64x128xf32, #tpu.memory_space<vmem>> -> memref<1x64x128xf32, #tpu.memory_space<vmem>>
    %dma_start3A_1199 = tpu.memref_squeeze %dma_start3A_1198 : memref<1x64x128xf32, #tpu.memory_space<vmem>> -> memref<64x128xf32, #tpu.memory_space<vmem>>
    %dma_start3A_1200 = arith.constant 0 : i32
    %dma_start3A_1201 = tpu.memref_slice %arg3[%dma_start3A_1200, %multiple_of3A_1194] : memref<64x100000xf32, #tpu.memory_space<hbm>> -> memref<64x128xf32, #tpu.memory_space<hbm>>
    %dma_start3A_1202 = arith.constant 0 : i32
    %dma_start3A_1203 = arith.constant 0 : i32
    %dma_start3A_1204 = tpu.memref_slice %arg7[%dma_start3A_1195, %dma_start3A_1202, %dma_start3A_1203] : memref<8x64x128xf32, #tpu.memory_space<vmem>> -> memref<1x64x128xf32, #tpu.memory_space<vmem>>
    %dma_start3A_1205 = tpu.memref_squeeze %dma_start3A_1204 : memref<1x64x128xf32, #tpu.memory_space<vmem>> -> memref<64x128xf32, #tpu.memory_space<vmem>>
    %dma_start3A_1206 = arith.constant 0 : i32
    %dma_start3A_1207 = tpu.memref_slice %arg3[%dma_start3A_1206, %multiple_of3A_1194] : memref<64x100000xf32, #tpu.memory_space<hbm>> -> memref<64x128xf32, #tpu.memory_space<hbm>>
    tpu.enqueue_dma source(%dma_start3A_1207 : memref<64x128xf32, #tpu.memory_space<hbm>>) target(%dma_start3A_1205 : memref<64x128xf32, #tpu.memory_space<vmem>>) target_semaphore(%arg10 : memref<!tpu.dma_semaphore, #tpu.memory_space<semaphore_mem>>)
    %mul3A_1208 = arith.mulf %add3A_1174, %add3A_1174 : vector<16xf32>
    %mul3A_1209 = arith.mulf %add3A_1179, %add3A_1179 : vector<16xf32>
    %add3A_1210 = arith.addf %mul3A_1208, %mul3A_1209 : vector<16xf32>
    %mul3A_1211 = arith.mulf %add3A_1184, %add3A_1184 : vector<16xf32>
    %mul3A_1212 = arith.mulf %add3A_1189, %add3A_1189 : vector<16xf32>
    %add3A_1213 = arith.addf %mul3A_1211, %mul3A_1212 : vector<16xf32>
    %add3A_1214 = arith.addf %add3A_1210, %add3A_1213 : vector<16xf32>
    %reduce_sum3A_1215 = arith.constant true
    %reduce_sum3A_1216 = vector.broadcast %reduce_sum3A_1215 : i1 to vector<16xi1>
    %reduce_sum3A_1217 = tpu.scan <sum>, %add3A_1214 masked %reduce_sum3A_1216 : vector<16xf32>, vector<16xi1> -> vector<16xf32>
    %reduce_sum3A_1218 = vector.extract %reduce_sum3A_1217[15] : f32 from vector<16xf32>
    %max3A_1219 = arith.constant 1.000000e-24 : f32
    %max3A_1220 = arith.maximumf %reduce_sum3A_1218, %max3A_1219 : f32
    %bitcast_convert_type3A_1221 = arith.bitcast %max3A_1220 : f32 to i32
    %shift_right_arithmetic3A_1222 = arith.constant 1 : i32
    %shift_right_arithmetic3A_1223 = arith.shrsi %bitcast_convert_type3A_1221, %shift_right_arithmetic3A_1222 : i32
    %sub3A_1224 = arith.constant 1597463007 : i32
    %sub3A_1225 = arith.subi %sub3A_1224, %shift_right_arithmetic3A_1223 : i32
    %bitcast_convert_type3A_1226 = arith.bitcast %sub3A_1225 : i32 to f32
    %mul3A_1227 = arith.constant 5.000000e-01 : f32
    %mul3A_1228 = arith.mulf %mul3A_1227, %max3A_1220 : f32
    %mul3A_1229 = arith.mulf %mul3A_1228, %bitcast_convert_type3A_1226 : f32
    %mul3A_1230 = arith.mulf %mul3A_1229, %bitcast_convert_type3A_1226 : f32
    %sub3A_1231 = arith.constant 1.500000e+00 : f32
    %sub3A_1232 = arith.subf %sub3A_1231, %mul3A_1230 : f32
    %mul3A_1233 = arith.mulf %bitcast_convert_type3A_1226, %sub3A_1232 : f32
    %mul3A_1234 = arith.constant 5.000000e-01 : f32
    %mul3A_1235 = arith.mulf %mul3A_1234, %max3A_1220 : f32
    %mul3A_1236 = arith.mulf %mul3A_1235, %mul3A_1233 : f32
    %mul3A_1237 = arith.mulf %mul3A_1236, %mul3A_1233 : f32
    %sub3A_1238 = arith.constant 1.500000e+00 : f32
    %sub3A_1239 = arith.subf %sub3A_1238, %mul3A_1237 : f32
    %mul3A_1240 = arith.mulf %mul3A_1233, %sub3A_1239 : f32
    %mul3A_1241 = arith.constant 5.000000e-01 : f32
    %mul3A_1242 = arith.mulf %mul3A_1241, %max3A_1220 : f32
    %mul3A_1243 = arith.mulf %mul3A_1242, %mul3A_1240 : f32
    %mul3A_1244 = arith.mulf %mul3A_1243, %mul3A_1240 : f32
    %sub3A_1245 = arith.constant 1.500000e+00 : f32
    %sub3A_1246 = arith.subf %sub3A_1245, %mul3A_1244 : f32
    %mul3A_1247 = arith.mulf %mul3A_1240, %sub3A_1246 : f32
    %broadcast_in_dim3A_1248 = arith.constant 8 : i32
    %broadcast_in_dim3A_1249 = vector.broadcast %broadcast_in_dim3A_1248 : i32 to vector<16xi32>
    %add3A_1250 = arith.constant 0 : i32
    %add3A_1251 = vector.broadcast %add3A_1250 : i32 to vector<16xi32>
    %add3A_1252 = arith.addi %add3A_1251, %iota3A : vector<16xi32>
    %mul3A_1253 = vector.broadcast %mul3A_1247 : f32 to vector<16xf32>
    %mul3A_1254 = arith.mulf %add3A_1174, %mul3A_1253 : vector<16xf32>
    tpu.vector_store_idx %arg9[%broadcast_in_dim3A_1249, %add3A_1252], %mul3A_1254 : memref<32x64xf32, #tpu.memory_space<vmem>>[vector<16xi32>, vector<16xi32>], vector<16xf32>,
    %add3A_1255 = arith.constant 16 : i32
    %add3A_1256 = vector.broadcast %add3A_1255 : i32 to vector<16xi32>
    %add3A_1257 = arith.addi %add3A_1256, %iota3A : vector<16xi32>
    %mul3A_1258 = vector.broadcast %mul3A_1247 : f32 to vector<16xf32>
    %mul3A_1259 = arith.mulf %add3A_1179, %mul3A_1258 : vector<16xf32>
    tpu.vector_store_idx %arg9[%broadcast_in_dim3A_1249, %add3A_1257], %mul3A_1259 : memref<32x64xf32, #tpu.memory_space<vmem>>[vector<16xi32>, vector<16xi32>], vector<16xf32>,
    %add3A_1260 = arith.constant 32 : i32
    %add3A_1261 = vector.broadcast %add3A_1260 : i32 to vector<16xi32>
    %add3A_1262 = arith.addi %add3A_1261, %iota3A : vector<16xi32>
    %mul3A_1263 = vector.broadcast %mul3A_1247 : f32 to vector<16xf32>
    %mul3A_1264 = arith.mulf %add3A_1184, %mul3A_1263 : vector<16xf32>
    tpu.vector_store_idx %arg9[%broadcast_in_dim3A_1249, %add3A_1262], %mul3A_1264 : memref<32x64xf32, #tpu.memory_space<vmem>>[vector<16xi32>, vector<16xi32>], vector<16xf32>,
    %add3A_1265 = arith.constant 48 : i32
    %add3A_1266 = vector.broadcast %add3A_1265 : i32 to vector<16xi32>
    %add3A_1267 = arith.addi %add3A_1266, %iota3A : vector<16xi32>
    %mul3A_1268 = vector.broadcast %mul3A_1247 : f32 to vector<16xf32>
    %mul3A_1269 = arith.mulf %add3A_1189, %mul3A_1268 : vector<16xf32>
    tpu.vector_store_idx %arg9[%broadcast_in_dim3A_1249, %add3A_1267], %mul3A_1269 : memref<32x64xf32, #tpu.memory_space<vmem>>[vector<16xi32>, vector<16xi32>], vector<16xf32>,
    %dma_wait3A_1270 = arith.constant 1 : i32
    %dma_wait3A_1271 = arith.constant 0 : i32
    %dma_wait3A_1272 = arith.constant 0 : i32
    %dma_wait3A_1273 = tpu.memref_slice %arg7[%dma_wait3A_1270, %dma_wait3A_1271, %dma_wait3A_1272] : memref<8x64x128xf32, #tpu.memory_space<vmem>> -> memref<1x64x128xf32, #tpu.memory_space<vmem>>
    %dma_wait3A_1274 = tpu.memref_squeeze %dma_wait3A_1273 : memref<1x64x128xf32, #tpu.memory_space<vmem>> -> memref<64x128xf32, #tpu.memory_space<vmem>>
    %dma_wait3A_1275 = arith.constant 0 : i32
    %dma_wait3A_1276 = tpu.memref_slice %arg3[%dma_wait3A_1275, %multiple_of3A_368] : memref<64x100000xf32, #tpu.memory_space<hbm>> -> memref<64x128xf32, #tpu.memory_space<hbm>>
    %dma_wait3A_1277 = arith.constant 0 : i32
    %dma_wait3A_1278 = arith.constant 0 : i32
    %dma_wait3A_1279 = tpu.memref_slice %arg7[%dma_wait3A_1270, %dma_wait3A_1277, %dma_wait3A_1278] : memref<8x64x128xf32, #tpu.memory_space<vmem>> -> memref<1x64x128xf32, #tpu.memory_space<vmem>>
    %dma_wait3A_1280 = tpu.memref_squeeze %dma_wait3A_1279 : memref<1x64x128xf32, #tpu.memory_space<vmem>> -> memref<64x128xf32, #tpu.memory_space<vmem>>
    %dma_wait3A_1281 = arith.constant 0 : i32
    %dma_wait3A_1282 = tpu.memref_slice %arg3[%dma_wait3A_1281, %multiple_of3A_368] : memref<64x100000xf32, #tpu.memory_space<hbm>> -> memref<64x128xf32, #tpu.memory_space<hbm>>
    tpu.wait_dma2 semaphore(%arg11 : memref<!tpu.dma_semaphore, #tpu.memory_space<semaphore_mem>>) src(%dma_wait3A_1282 : memref<64x128xf32, #tpu.memory_space<hbm>>) dst(%dma_wait3A_1280 : memref<64x128xf32, #tpu.memory_space<vmem>>)
    %and3A_1283 = arith.constant 127 : i32
    %and3A_1284 = arith.andi %squeeze3A_23, %and3A_1283 : i32
    %broadcast_in_dim3A_1285 = vector.broadcast %and3A_1284 : i32 to vector<16xi32>
    %broadcast_in_dim3A_1286 = arith.constant 1 : i32
    %broadcast_in_dim3A_1287 = vector.broadcast %broadcast_in_dim3A_1286 : i32 to vector<16xi32>
    %add3A_1288 = arith.constant 0 : i32
    %add3A_1289 = vector.broadcast %add3A_1288 : i32 to vector<16xi32>
    %add3A_1290 = arith.addi %add3A_1289, %iota3A : vector<16xi32>
    %gather3A_1291 = tpu.vector_load_idx %arg7[%broadcast_in_dim3A_1287, %add3A_1290, %broadcast_in_dim3A_1285] : memref<8x64x128xf32, #tpu.memory_space<vmem>>[vector<16xi32>, vector<16xi32>, vector<16xi32>], vector<16xf32>,
    %add3A_1292 = arith.addf %gather3A_1291, %get3A_209 : vector<16xf32>
    %add3A_1293 = arith.constant 16 : i32
    %add3A_1294 = vector.broadcast %add3A_1293 : i32 to vector<16xi32>
    %add3A_1295 = arith.addi %add3A_1294, %iota3A : vector<16xi32>
    %gather3A_1296 = tpu.vector_load_idx %arg7[%broadcast_in_dim3A_1287, %add3A_1295, %broadcast_in_dim3A_1285] : memref<8x64x128xf32, #tpu.memory_space<vmem>>[vector<16xi32>, vector<16xi32>, vector<16xi32>], vector<16xf32>,
    %add3A_1297 = arith.addf %gather3A_1296, %get3A_211 : vector<16xf32>
    %add3A_1298 = arith.constant 32 : i32
    %add3A_1299 = vector.broadcast %add3A_1298 : i32 to vector<16xi32>
    %add3A_1300 = arith.addi %add3A_1299, %iota3A : vector<16xi32>
    %gather3A_1301 = tpu.vector_load_idx %arg7[%broadcast_in_dim3A_1287, %add3A_1300, %broadcast_in_dim3A_1285] : memref<8x64x128xf32, #tpu.memory_space<vmem>>[vector<16xi32>, vector<16xi32>, vector<16xi32>], vector<16xf32>,
    %add3A_1302 = arith.addf %gather3A_1301, %get3A_213 : vector<16xf32>
    %add3A_1303 = arith.constant 48 : i32
    %add3A_1304 = vector.broadcast %add3A_1303 : i32 to vector<16xi32>
    %add3A_1305 = arith.addi %add3A_1304, %iota3A : vector<16xi32>
    %gather3A_1306 = tpu.vector_load_idx %arg7[%broadcast_in_dim3A_1287, %add3A_1305, %broadcast_in_dim3A_1285] : memref<8x64x128xf32, #tpu.memory_space<vmem>>[vector<16xi32>, vector<16xi32>, vector<16xi32>], vector<16xf32>,
    %add3A_1307 = arith.addf %gather3A_1306, %get3A_215 : vector<16xf32>
    %shift_right_arithmetic3A_1308 = arith.constant 7 : i32
    %shift_right_arithmetic3A_1309 = arith.shrsi %squeeze3A_39, %shift_right_arithmetic3A_1308 : i32
    %shift_left3A_1310 = arith.constant 7 : i32
    %shift_left3A_1311 = arith.shli %shift_right_arithmetic3A_1309, %shift_left3A_1310 : i32
    %multiple_of3A_1312 = tpu.assume_multiple %shift_left3A_1311, 128 : i32
    %dma_start3A_1313 = arith.constant 1 : i32
    %dma_start3A_1314 = arith.constant 0 : i32
    %dma_start3A_1315 = arith.constant 0 : i32
    %dma_start3A_1316 = tpu.memref_slice %arg7[%dma_start3A_1313, %dma_start3A_1314, %dma_start3A_1315] : memref<8x64x128xf32, #tpu.memory_space<vmem>> -> memref<1x64x128xf32, #tpu.memory_space<vmem>>
    %dma_start3A_1317 = tpu.memref_squeeze %dma_start3A_1316 : memref<1x64x128xf32, #tpu.memory_space<vmem>> -> memref<64x128xf32, #tpu.memory_space<vmem>>
    %dma_start3A_1318 = arith.constant 0 : i32
    %dma_start3A_1319 = tpu.memref_slice %arg3[%dma_start3A_1318, %multiple_of3A_1312] : memref<64x100000xf32, #tpu.memory_space<hbm>> -> memref<64x128xf32, #tpu.memory_space<hbm>>
    %dma_start3A_1320 = arith.constant 0 : i32
    %dma_start3A_1321 = arith.constant 0 : i32
    %dma_start3A_1322 = tpu.memref_slice %arg7[%dma_start3A_1313, %dma_start3A_1320, %dma_start3A_1321] : memref<8x64x128xf32, #tpu.memory_space<vmem>> -> memref<1x64x128xf32, #tpu.memory_space<vmem>>
    %dma_start3A_1323 = tpu.memref_squeeze %dma_start3A_1322 : memref<1x64x128xf32, #tpu.memory_space<vmem>> -> memref<64x128xf32, #tpu.memory_space<vmem>>
    %dma_start3A_1324 = arith.constant 0 : i32
    %dma_start3A_1325 = tpu.memref_slice %arg3[%dma_start3A_1324, %multiple_of3A_1312] : memref<64x100000xf32, #tpu.memory_space<hbm>> -> memref<64x128xf32, #tpu.memory_space<hbm>>
    tpu.enqueue_dma source(%dma_start3A_1325 : memref<64x128xf32, #tpu.memory_space<hbm>>) target(%dma_start3A_1323 : memref<64x128xf32, #tpu.memory_space<vmem>>) target_semaphore(%arg11 : memref<!tpu.dma_semaphore, #tpu.memory_space<semaphore_mem>>)
    %mul3A_1326 = arith.mulf %add3A_1292, %add3A_1292 : vector<16xf32>
    %mul3A_1327 = arith.mulf %add3A_1297, %add3A_1297 : vector<16xf32>
    %add3A_1328 = arith.addf %mul3A_1326, %mul3A_1327 : vector<16xf32>
    %mul3A_1329 = arith.mulf %add3A_1302, %add3A_1302 : vector<16xf32>
    %mul3A_1330 = arith.mulf %add3A_1307, %add3A_1307 : vector<16xf32>
    %add3A_1331 = arith.addf %mul3A_1329, %mul3A_1330 : vector<16xf32>
    %add3A_1332 = arith.addf %add3A_1328, %add3A_1331 : vector<16xf32>
    %reduce_sum3A_1333 = arith.constant true
    %reduce_sum3A_1334 = vector.broadcast %reduce_sum3A_1333 : i1 to vector<16xi1>
    %reduce_sum3A_1335 = tpu.scan <sum>, %add3A_1332 masked %reduce_sum3A_1334 : vector<16xf32>, vector<16xi1> -> vector<16xf32>
    %reduce_sum3A_1336 = vector.extract %reduce_sum3A_1335[15] : f32 from vector<16xf32>
    %max3A_1337 = arith.constant 1.000000e-24 : f32
    %max3A_1338 = arith.maximumf %reduce_sum3A_1336, %max3A_1337 : f32
    %bitcast_convert_type3A_1339 = arith.bitcast %max3A_1338 : f32 to i32
    %shift_right_arithmetic3A_1340 = arith.constant 1 : i32
    %shift_right_arithmetic3A_1341 = arith.shrsi %bitcast_convert_type3A_1339, %shift_right_arithmetic3A_1340 : i32
    %sub3A_1342 = arith.constant 1597463007 : i32
    %sub3A_1343 = arith.subi %sub3A_1342, %shift_right_arithmetic3A_1341 : i32
    %bitcast_convert_type3A_1344 = arith.bitcast %sub3A_1343 : i32 to f32
    %mul3A_1345 = arith.constant 5.000000e-01 : f32
    %mul3A_1346 = arith.mulf %mul3A_1345, %max3A_1338 : f32
    %mul3A_1347 = arith.mulf %mul3A_1346, %bitcast_convert_type3A_1344 : f32
    %mul3A_1348 = arith.mulf %mul3A_1347, %bitcast_convert_type3A_1344 : f32
    %sub3A_1349 = arith.constant 1.500000e+00 : f32
    %sub3A_1350 = arith.subf %sub3A_1349, %mul3A_1348 : f32
    %mul3A_1351 = arith.mulf %bitcast_convert_type3A_1344, %sub3A_1350 : f32
    %mul3A_1352 = arith.constant 5.000000e-01 : f32
    %mul3A_1353 = arith.mulf %mul3A_1352, %max3A_1338 : f32
    %mul3A_1354 = arith.mulf %mul3A_1353, %mul3A_1351 : f32
    %mul3A_1355 = arith.mulf %mul3A_1354, %mul3A_1351 : f32
    %sub3A_1356 = arith.constant 1.500000e+00 : f32
    %sub3A_1357 = arith.subf %sub3A_1356, %mul3A_1355 : f32
    %mul3A_1358 = arith.mulf %mul3A_1351, %sub3A_1357 : f32
    %mul3A_1359 = arith.constant 5.000000e-01 : f32
    %mul3A_1360 = arith.mulf %mul3A_1359, %max3A_1338 : f32
    %mul3A_1361 = arith.mulf %mul3A_1360, %mul3A_1358 : f32
    %mul3A_1362 = arith.mulf %mul3A_1361, %mul3A_1358 : f32
    %sub3A_1363 = arith.constant 1.500000e+00 : f32
    %sub3A_1364 = arith.subf %sub3A_1363, %mul3A_1362 : f32
    %mul3A_1365 = arith.mulf %mul3A_1358, %sub3A_1364 : f32
    %broadcast_in_dim3A_1366 = arith.constant 9 : i32
    %broadcast_in_dim3A_1367 = vector.broadcast %broadcast_in_dim3A_1366 : i32 to vector<16xi32>
    %add3A_1368 = arith.constant 0 : i32
    %add3A_1369 = vector.broadcast %add3A_1368 : i32 to vector<16xi32>
    %add3A_1370 = arith.addi %add3A_1369, %iota3A : vector<16xi32>
    %mul3A_1371 = vector.broadcast %mul3A_1365 : f32 to vector<16xf32>
    %mul3A_1372 = arith.mulf %add3A_1292, %mul3A_1371 : vector<16xf32>
    tpu.vector_store_idx %arg9[%broadcast_in_dim3A_1367, %add3A_1370], %mul3A_1372 : memref<32x64xf32, #tpu.memory_space<vmem>>[vector<16xi32>, vector<16xi32>], vector<16xf32>,
    %add3A_1373 = arith.constant 16 : i32
    %add3A_1374 = vector.broadcast %add3A_1373 : i32 to vector<16xi32>
    %add3A_1375 = arith.addi %add3A_1374, %iota3A : vector<16xi32>
    %mul3A_1376 = vector.broadcast %mul3A_1365 : f32 to vector<16xf32>
    %mul3A_1377 = arith.mulf %add3A_1297, %mul3A_1376 : vector<16xf32>
    tpu.vector_store_idx %arg9[%broadcast_in_dim3A_1367, %add3A_1375], %mul3A_1377 : memref<32x64xf32, #tpu.memory_space<vmem>>[vector<16xi32>, vector<16xi32>], vector<16xf32>,
    %add3A_1378 = arith.constant 32 : i32
    %add3A_1379 = vector.broadcast %add3A_1378 : i32 to vector<16xi32>
    %add3A_1380 = arith.addi %add3A_1379, %iota3A : vector<16xi32>
    %mul3A_1381 = vector.broadcast %mul3A_1365 : f32 to vector<16xf32>
    %mul3A_1382 = arith.mulf %add3A_1302, %mul3A_1381 : vector<16xf32>
    tpu.vector_store_idx %arg9[%broadcast_in_dim3A_1367, %add3A_1380], %mul3A_1382 : memref<32x64xf32, #tpu.memory_space<vmem>>[vector<16xi32>, vector<16xi32>], vector<16xf32>,
    %add3A_1383 = arith.constant 48 : i32
    %add3A_1384 = vector.broadcast %add3A_1383 : i32 to vector<16xi32>
    %add3A_1385 = arith.addi %add3A_1384, %iota3A : vector<16xi32>
    %mul3A_1386 = vector.broadcast %mul3A_1365 : f32 to vector<16xf32>
    %mul3A_1387 = arith.mulf %add3A_1307, %mul3A_1386 : vector<16xf32>
    tpu.vector_store_idx %arg9[%broadcast_in_dim3A_1367, %add3A_1385], %mul3A_1387 : memref<32x64xf32, #tpu.memory_space<vmem>>[vector<16xi32>, vector<16xi32>], vector<16xf32>,
    %dma_wait3A_1388 = arith.constant 2 : i32
    %dma_wait3A_1389 = arith.constant 0 : i32
    %dma_wait3A_1390 = arith.constant 0 : i32
    %dma_wait3A_1391 = tpu.memref_slice %arg7[%dma_wait3A_1388, %dma_wait3A_1389, %dma_wait3A_1390] : memref<8x64x128xf32, #tpu.memory_space<vmem>> -> memref<1x64x128xf32, #tpu.memory_space<vmem>>
    %dma_wait3A_1392 = tpu.memref_squeeze %dma_wait3A_1391 : memref<1x64x128xf32, #tpu.memory_space<vmem>> -> memref<64x128xf32, #tpu.memory_space<vmem>>
    %dma_wait3A_1393 = arith.constant 0 : i32
    %dma_wait3A_1394 = tpu.memref_slice %arg3[%dma_wait3A_1393, %multiple_of3A_486] : memref<64x100000xf32, #tpu.memory_space<hbm>> -> memref<64x128xf32, #tpu.memory_space<hbm>>
    %dma_wait3A_1395 = arith.constant 0 : i32
    %dma_wait3A_1396 = arith.constant 0 : i32
    %dma_wait3A_1397 = tpu.memref_slice %arg7[%dma_wait3A_1388, %dma_wait3A_1395, %dma_wait3A_1396] : memref<8x64x128xf32, #tpu.memory_space<vmem>> -> memref<1x64x128xf32, #tpu.memory_space<vmem>>
    %dma_wait3A_1398 = tpu.memref_squeeze %dma_wait3A_1397 : memref<1x64x128xf32, #tpu.memory_space<vmem>> -> memref<64x128xf32, #tpu.memory_space<vmem>>
    %dma_wait3A_1399 = arith.constant 0 : i32
    %dma_wait3A_1400 = tpu.memref_slice %arg3[%dma_wait3A_1399, %multiple_of3A_486] : memref<64x100000xf32, #tpu.memory_space<hbm>> -> memref<64x128xf32, #tpu.memory_space<hbm>>
    tpu.wait_dma2 semaphore(%arg12 : memref<!tpu.dma_semaphore, #tpu.memory_space<semaphore_mem>>) src(%dma_wait3A_1400 : memref<64x128xf32, #tpu.memory_space<hbm>>) dst(%dma_wait3A_1398 : memref<64x128xf32, #tpu.memory_space<vmem>>)
    %and3A_1401 = arith.constant 127 : i32
    %and3A_1402 = arith.andi %squeeze3A_25, %and3A_1401 : i32
    %broadcast_in_dim3A_1403 = vector.broadcast %and3A_1402 : i32 to vector<16xi32>
    %broadcast_in_dim3A_1404 = arith.constant 2 : i32
    %broadcast_in_dim3A_1405 = vector.broadcast %broadcast_in_dim3A_1404 : i32 to vector<16xi32>
    %add3A_1406 = arith.constant 0 : i32
    %add3A_1407 = vector.broadcast %add3A_1406 : i32 to vector<16xi32>
    %add3A_1408 = arith.addi %add3A_1407, %iota3A : vector<16xi32>
    %gather3A_1409 = tpu.vector_load_idx %arg7[%broadcast_in_dim3A_1405, %add3A_1408, %broadcast_in_dim3A_1403] : memref<8x64x128xf32, #tpu.memory_space<vmem>>[vector<16xi32>, vector<16xi32>, vector<16xi32>], vector<16xf32>,
    %add3A_1410 = arith.addf %gather3A_1409, %get3A_209 : vector<16xf32>
    %add3A_1411 = arith.constant 16 : i32
    %add3A_1412 = vector.broadcast %add3A_1411 : i32 to vector<16xi32>
    %add3A_1413 = arith.addi %add3A_1412, %iota3A : vector<16xi32>
    %gather3A_1414 = tpu.vector_load_idx %arg7[%broadcast_in_dim3A_1405, %add3A_1413, %broadcast_in_dim3A_1403] : memref<8x64x128xf32, #tpu.memory_space<vmem>>[vector<16xi32>, vector<16xi32>, vector<16xi32>], vector<16xf32>,
    %add3A_1415 = arith.addf %gather3A_1414, %get3A_211 : vector<16xf32>
    %add3A_1416 = arith.constant 32 : i32
    %add3A_1417 = vector.broadcast %add3A_1416 : i32 to vector<16xi32>
    %add3A_1418 = arith.addi %add3A_1417, %iota3A : vector<16xi32>
    %gather3A_1419 = tpu.vector_load_idx %arg7[%broadcast_in_dim3A_1405, %add3A_1418, %broadcast_in_dim3A_1403] : memref<8x64x128xf32, #tpu.memory_space<vmem>>[vector<16xi32>, vector<16xi32>, vector<16xi32>], vector<16xf32>,
    %add3A_1420 = arith.addf %gather3A_1419, %get3A_213 : vector<16xf32>
    %add3A_1421 = arith.constant 48 : i32
    %add3A_1422 = vector.broadcast %add3A_1421 : i32 to vector<16xi32>
    %add3A_1423 = arith.addi %add3A_1422, %iota3A : vector<16xi32>
    %gather3A_1424 = tpu.vector_load_idx %arg7[%broadcast_in_dim3A_1405, %add3A_1423, %broadcast_in_dim3A_1403] : memref<8x64x128xf32, #tpu.memory_space<vmem>>[vector<16xi32>, vector<16xi32>, vector<16xi32>], vector<16xf32>,
    %add3A_1425 = arith.addf %gather3A_1424, %get3A_215 : vector<16xf32>
    %shift_right_arithmetic3A_1426 = arith.constant 7 : i32
    %shift_right_arithmetic3A_1427 = arith.shrsi %squeeze3A_41, %shift_right_arithmetic3A_1426 : i32
    %shift_left3A_1428 = arith.constant 7 : i32
    %shift_left3A_1429 = arith.shli %shift_right_arithmetic3A_1427, %shift_left3A_1428 : i32
    %multiple_of3A_1430 = tpu.assume_multiple %shift_left3A_1429, 128 : i32
    %dma_start3A_1431 = arith.constant 2 : i32
    %dma_start3A_1432 = arith.constant 0 : i32
    %dma_start3A_1433 = arith.constant 0 : i32
    %dma_start3A_1434 = tpu.memref_slice %arg7[%dma_start3A_1431, %dma_start3A_1432, %dma_start3A_1433] : memref<8x64x128xf32, #tpu.memory_space<vmem>> -> memref<1x64x128xf32, #tpu.memory_space<vmem>>
    %dma_start3A_1435 = tpu.memref_squeeze %dma_start3A_1434 : memref<1x64x128xf32, #tpu.memory_space<vmem>> -> memref<64x128xf32, #tpu.memory_space<vmem>>
    %dma_start3A_1436 = arith.constant 0 : i32
    %dma_start3A_1437 = tpu.memref_slice %arg3[%dma_start3A_1436, %multiple_of3A_1430] : memref<64x100000xf32, #tpu.memory_space<hbm>> -> memref<64x128xf32, #tpu.memory_space<hbm>>
    %dma_start3A_1438 = arith.constant 0 : i32
    %dma_start3A_1439 = arith.constant 0 : i32
    %dma_start3A_1440 = tpu.memref_slice %arg7[%dma_start3A_1431, %dma_start3A_1438, %dma_start3A_1439] : memref<8x64x128xf32, #tpu.memory_space<vmem>> -> memref<1x64x128xf32, #tpu.memory_space<vmem>>
    %dma_start3A_1441 = tpu.memref_squeeze %dma_start3A_1440 : memref<1x64x128xf32, #tpu.memory_space<vmem>> -> memref<64x128xf32, #tpu.memory_space<vmem>>
    %dma_start3A_1442 = arith.constant 0 : i32
    %dma_start3A_1443 = tpu.memref_slice %arg3[%dma_start3A_1442, %multiple_of3A_1430] : memref<64x100000xf32, #tpu.memory_space<hbm>> -> memref<64x128xf32, #tpu.memory_space<hbm>>
    tpu.enqueue_dma source(%dma_start3A_1443 : memref<64x128xf32, #tpu.memory_space<hbm>>) target(%dma_start3A_1441 : memref<64x128xf32, #tpu.memory_space<vmem>>) target_semaphore(%arg12 : memref<!tpu.dma_semaphore, #tpu.memory_space<semaphore_mem>>)
    %mul3A_1444 = arith.mulf %add3A_1410, %add3A_1410 : vector<16xf32>
    %mul3A_1445 = arith.mulf %add3A_1415, %add3A_1415 : vector<16xf32>
    %add3A_1446 = arith.addf %mul3A_1444, %mul3A_1445 : vector<16xf32>
    %mul3A_1447 = arith.mulf %add3A_1420, %add3A_1420 : vector<16xf32>
    %mul3A_1448 = arith.mulf %add3A_1425, %add3A_1425 : vector<16xf32>
    %add3A_1449 = arith.addf %mul3A_1447, %mul3A_1448 : vector<16xf32>
    %add3A_1450 = arith.addf %add3A_1446, %add3A_1449 : vector<16xf32>
    %reduce_sum3A_1451 = arith.constant true
    %reduce_sum3A_1452 = vector.broadcast %reduce_sum3A_1451 : i1 to vector<16xi1>
    %reduce_sum3A_1453 = tpu.scan <sum>, %add3A_1450 masked %reduce_sum3A_1452 : vector<16xf32>, vector<16xi1> -> vector<16xf32>
    %reduce_sum3A_1454 = vector.extract %reduce_sum3A_1453[15] : f32 from vector<16xf32>
    %max3A_1455 = arith.constant 1.000000e-24 : f32
    %max3A_1456 = arith.maximumf %reduce_sum3A_1454, %max3A_1455 : f32
    %bitcast_convert_type3A_1457 = arith.bitcast %max3A_1456 : f32 to i32
    %shift_right_arithmetic3A_1458 = arith.constant 1 : i32
    %shift_right_arithmetic3A_1459 = arith.shrsi %bitcast_convert_type3A_1457, %shift_right_arithmetic3A_1458 : i32
    %sub3A_1460 = arith.constant 1597463007 : i32
    %sub3A_1461 = arith.subi %sub3A_1460, %shift_right_arithmetic3A_1459 : i32
    %bitcast_convert_type3A_1462 = arith.bitcast %sub3A_1461 : i32 to f32
    %mul3A_1463 = arith.constant 5.000000e-01 : f32
    %mul3A_1464 = arith.mulf %mul3A_1463, %max3A_1456 : f32
    %mul3A_1465 = arith.mulf %mul3A_1464, %bitcast_convert_type3A_1462 : f32
    %mul3A_1466 = arith.mulf %mul3A_1465, %bitcast_convert_type3A_1462 : f32
    %sub3A_1467 = arith.constant 1.500000e+00 : f32
    %sub3A_1468 = arith.subf %sub3A_1467, %mul3A_1466 : f32
    %mul3A_1469 = arith.mulf %bitcast_convert_type3A_1462, %sub3A_1468 : f32
    %mul3A_1470 = arith.constant 5.000000e-01 : f32
    %mul3A_1471 = arith.mulf %mul3A_1470, %max3A_1456 : f32
    %mul3A_1472 = arith.mulf %mul3A_1471, %mul3A_1469 : f32
    %mul3A_1473 = arith.mulf %mul3A_1472, %mul3A_1469 : f32
    %sub3A_1474 = arith.constant 1.500000e+00 : f32
    %sub3A_1475 = arith.subf %sub3A_1474, %mul3A_1473 : f32
    %mul3A_1476 = arith.mulf %mul3A_1469, %sub3A_1475 : f32
    %mul3A_1477 = arith.constant 5.000000e-01 : f32
    %mul3A_1478 = arith.mulf %mul3A_1477, %max3A_1456 : f32
    %mul3A_1479 = arith.mulf %mul3A_1478, %mul3A_1476 : f32
    %mul3A_1480 = arith.mulf %mul3A_1479, %mul3A_1476 : f32
    %sub3A_1481 = arith.constant 1.500000e+00 : f32
    %sub3A_1482 = arith.subf %sub3A_1481, %mul3A_1480 : f32
    %mul3A_1483 = arith.mulf %mul3A_1476, %sub3A_1482 : f32
    %broadcast_in_dim3A_1484 = arith.constant 10 : i32
    %broadcast_in_dim3A_1485 = vector.broadcast %broadcast_in_dim3A_1484 : i32 to vector<16xi32>
    %add3A_1486 = arith.constant 0 : i32
    %add3A_1487 = vector.broadcast %add3A_1486 : i32 to vector<16xi32>
    %add3A_1488 = arith.addi %add3A_1487, %iota3A : vector<16xi32>
    %mul3A_1489 = vector.broadcast %mul3A_1483 : f32 to vector<16xf32>
    %mul3A_1490 = arith.mulf %add3A_1410, %mul3A_1489 : vector<16xf32>
    tpu.vector_store_idx %arg9[%broadcast_in_dim3A_1485, %add3A_1488], %mul3A_1490 : memref<32x64xf32, #tpu.memory_space<vmem>>[vector<16xi32>, vector<16xi32>], vector<16xf32>,
    %add3A_1491 = arith.constant 16 : i32
    %add3A_1492 = vector.broadcast %add3A_1491 : i32 to vector<16xi32>
    %add3A_1493 = arith.addi %add3A_1492, %iota3A : vector<16xi32>
    %mul3A_1494 = vector.broadcast %mul3A_1483 : f32 to vector<16xf32>
    %mul3A_1495 = arith.mulf %add3A_1415, %mul3A_1494 : vector<16xf32>
    tpu.vector_store_idx %arg9[%broadcast_in_dim3A_1485, %add3A_1493], %mul3A_1495 : memref<32x64xf32, #tpu.memory_space<vmem>>[vector<16xi32>, vector<16xi32>], vector<16xf32>,
    %add3A_1496 = arith.constant 32 : i32
    %add3A_1497 = vector.broadcast %add3A_1496 : i32 to vector<16xi32>
    %add3A_1498 = arith.addi %add3A_1497, %iota3A : vector<16xi32>
    %mul3A_1499 = vector.broadcast %mul3A_1483 : f32 to vector<16xf32>
    %mul3A_1500 = arith.mulf %add3A_1420, %mul3A_1499 : vector<16xf32>
    tpu.vector_store_idx %arg9[%broadcast_in_dim3A_1485, %add3A_1498], %mul3A_1500 : memref<32x64xf32, #tpu.memory_space<vmem>>[vector<16xi32>, vector<16xi32>], vector<16xf32>,
    %add3A_1501 = arith.constant 48 : i32
    %add3A_1502 = vector.broadcast %add3A_1501 : i32 to vector<16xi32>
    %add3A_1503 = arith.addi %add3A_1502, %iota3A : vector<16xi32>
    %mul3A_1504 = vector.broadcast %mul3A_1483 : f32 to vector<16xf32>
    %mul3A_1505 = arith.mulf %add3A_1425, %mul3A_1504 : vector<16xf32>
    tpu.vector_store_idx %arg9[%broadcast_in_dim3A_1485, %add3A_1503], %mul3A_1505 : memref<32x64xf32, #tpu.memory_space<vmem>>[vector<16xi32>, vector<16xi32>], vector<16xf32>,
    %dma_wait3A_1506 = arith.constant 3 : i32
    %dma_wait3A_1507 = arith.constant 0 : i32
    %dma_wait3A_1508 = arith.constant 0 : i32
    %dma_wait3A_1509 = tpu.memref_slice %arg7[%dma_wait3A_1506, %dma_wait3A_1507, %dma_wait3A_1508] : memref<8x64x128xf32, #tpu.memory_space<vmem>> -> memref<1x64x128xf32, #tpu.memory_space<vmem>>
    %dma_wait3A_1510 = tpu.memref_squeeze %dma_wait3A_1509 : memref<1x64x128xf32, #tpu.memory_space<vmem>> -> memref<64x128xf32, #tpu.memory_space<vmem>>
    %dma_wait3A_1511 = arith.constant 0 : i32
    %dma_wait3A_1512 = tpu.memref_slice %arg3[%dma_wait3A_1511, %multiple_of3A_604] : memref<64x100000xf32, #tpu.memory_space<hbm>> -> memref<64x128xf32, #tpu.memory_space<hbm>>
    %dma_wait3A_1513 = arith.constant 0 : i32
    %dma_wait3A_1514 = arith.constant 0 : i32
    %dma_wait3A_1515 = tpu.memref_slice %arg7[%dma_wait3A_1506, %dma_wait3A_1513, %dma_wait3A_1514] : memref<8x64x128xf32, #tpu.memory_space<vmem>> -> memref<1x64x128xf32, #tpu.memory_space<vmem>>
    %dma_wait3A_1516 = tpu.memref_squeeze %dma_wait3A_1515 : memref<1x64x128xf32, #tpu.memory_space<vmem>> -> memref<64x128xf32, #tpu.memory_space<vmem>>
    %dma_wait3A_1517 = arith.constant 0 : i32
    %dma_wait3A_1518 = tpu.memref_slice %arg3[%dma_wait3A_1517, %multiple_of3A_604] : memref<64x100000xf32, #tpu.memory_space<hbm>> -> memref<64x128xf32, #tpu.memory_space<hbm>>
    tpu.wait_dma2 semaphore(%arg13 : memref<!tpu.dma_semaphore, #tpu.memory_space<semaphore_mem>>) src(%dma_wait3A_1518 : memref<64x128xf32, #tpu.memory_space<hbm>>) dst(%dma_wait3A_1516 : memref<64x128xf32, #tpu.memory_space<vmem>>)
    %and3A_1519 = arith.constant 127 : i32
    %and3A_1520 = arith.andi %squeeze3A_27, %and3A_1519 : i32
    %broadcast_in_dim3A_1521 = vector.broadcast %and3A_1520 : i32 to vector<16xi32>
    %broadcast_in_dim3A_1522 = arith.constant 3 : i32
    %broadcast_in_dim3A_1523 = vector.broadcast %broadcast_in_dim3A_1522 : i32 to vector<16xi32>
    %add3A_1524 = arith.constant 0 : i32
    %add3A_1525 = vector.broadcast %add3A_1524 : i32 to vector<16xi32>
    %add3A_1526 = arith.addi %add3A_1525, %iota3A : vector<16xi32>
    %gather3A_1527 = tpu.vector_load_idx %arg7[%broadcast_in_dim3A_1523, %add3A_1526, %broadcast_in_dim3A_1521] : memref<8x64x128xf32, #tpu.memory_space<vmem>>[vector<16xi32>, vector<16xi32>, vector<16xi32>], vector<16xf32>,
    %add3A_1528 = arith.addf %gather3A_1527, %get3A_209 : vector<16xf32>
    %add3A_1529 = arith.constant 16 : i32
    %add3A_1530 = vector.broadcast %add3A_1529 : i32 to vector<16xi32>
    %add3A_1531 = arith.addi %add3A_1530, %iota3A : vector<16xi32>
    %gather3A_1532 = tpu.vector_load_idx %arg7[%broadcast_in_dim3A_1523, %add3A_1531, %broadcast_in_dim3A_1521] : memref<8x64x128xf32, #tpu.memory_space<vmem>>[vector<16xi32>, vector<16xi32>, vector<16xi32>], vector<16xf32>,
    %add3A_1533 = arith.addf %gather3A_1532, %get3A_211 : vector<16xf32>
    %add3A_1534 = arith.constant 32 : i32
    %add3A_1535 = vector.broadcast %add3A_1534 : i32 to vector<16xi32>
    %add3A_1536 = arith.addi %add3A_1535, %iota3A : vector<16xi32>
    %gather3A_1537 = tpu.vector_load_idx %arg7[%broadcast_in_dim3A_1523, %add3A_1536, %broadcast_in_dim3A_1521] : memref<8x64x128xf32, #tpu.memory_space<vmem>>[vector<16xi32>, vector<16xi32>, vector<16xi32>], vector<16xf32>,
    %add3A_1538 = arith.addf %gather3A_1537, %get3A_213 : vector<16xf32>
    %add3A_1539 = arith.constant 48 : i32
    %add3A_1540 = vector.broadcast %add3A_1539 : i32 to vector<16xi32>
    %add3A_1541 = arith.addi %add3A_1540, %iota3A : vector<16xi32>
    %gather3A_1542 = tpu.vector_load_idx %arg7[%broadcast_in_dim3A_1523, %add3A_1541, %broadcast_in_dim3A_1521] : memref<8x64x128xf32, #tpu.memory_space<vmem>>[vector<16xi32>, vector<16xi32>, vector<16xi32>], vector<16xf32>,
    %add3A_1543 = arith.addf %gather3A_1542, %get3A_215 : vector<16xf32>
    %shift_right_arithmetic3A_1544 = arith.constant 7 : i32
    %shift_right_arithmetic3A_1545 = arith.shrsi %squeeze3A_43, %shift_right_arithmetic3A_1544 : i32
    %shift_left3A_1546 = arith.constant 7 : i32
    %shift_left3A_1547 = arith.shli %shift_right_arithmetic3A_1545, %shift_left3A_1546 : i32
    %multiple_of3A_1548 = tpu.assume_multiple %shift_left3A_1547, 128 : i32
    %dma_start3A_1549 = arith.constant 3 : i32
    %dma_start3A_1550 = arith.constant 0 : i32
    %dma_start3A_1551 = arith.constant 0 : i32
    %dma_start3A_1552 = tpu.memref_slice %arg7[%dma_start3A_1549, %dma_start3A_1550, %dma_start3A_1551] : memref<8x64x128xf32, #tpu.memory_space<vmem>> -> memref<1x64x128xf32, #tpu.memory_space<vmem>>
    %dma_start3A_1553 = tpu.memref_squeeze %dma_start3A_1552 : memref<1x64x128xf32, #tpu.memory_space<vmem>> -> memref<64x128xf32, #tpu.memory_space<vmem>>
    %dma_start3A_1554 = arith.constant 0 : i32
    %dma_start3A_1555 = tpu.memref_slice %arg3[%dma_start3A_1554, %multiple_of3A_1548] : memref<64x100000xf32, #tpu.memory_space<hbm>> -> memref<64x128xf32, #tpu.memory_space<hbm>>
    %dma_start3A_1556 = arith.constant 0 : i32
    %dma_start3A_1557 = arith.constant 0 : i32
    %dma_start3A_1558 = tpu.memref_slice %arg7[%dma_start3A_1549, %dma_start3A_1556, %dma_start3A_1557] : memref<8x64x128xf32, #tpu.memory_space<vmem>> -> memref<1x64x128xf32, #tpu.memory_space<vmem>>
    %dma_start3A_1559 = tpu.memref_squeeze %dma_start3A_1558 : memref<1x64x128xf32, #tpu.memory_space<vmem>> -> memref<64x128xf32, #tpu.memory_space<vmem>>
    %dma_start3A_1560 = arith.constant 0 : i32
    %dma_start3A_1561 = tpu.memref_slice %arg3[%dma_start3A_1560, %multiple_of3A_1548] : memref<64x100000xf32, #tpu.memory_space<hbm>> -> memref<64x128xf32, #tpu.memory_space<hbm>>
    tpu.enqueue_dma source(%dma_start3A_1561 : memref<64x128xf32, #tpu.memory_space<hbm>>) target(%dma_start3A_1559 : memref<64x128xf32, #tpu.memory_space<vmem>>) target_semaphore(%arg13 : memref<!tpu.dma_semaphore, #tpu.memory_space<semaphore_mem>>)
    %mul3A_1562 = arith.mulf %add3A_1528, %add3A_1528 : vector<16xf32>
    %mul3A_1563 = arith.mulf %add3A_1533, %add3A_1533 : vector<16xf32>
    %add3A_1564 = arith.addf %mul3A_1562, %mul3A_1563 : vector<16xf32>
    %mul3A_1565 = arith.mulf %add3A_1538, %add3A_1538 : vector<16xf32>
    %mul3A_1566 = arith.mulf %add3A_1543, %add3A_1543 : vector<16xf32>
    %add3A_1567 = arith.addf %mul3A_1565, %mul3A_1566 : vector<16xf32>
    %add3A_1568 = arith.addf %add3A_1564, %add3A_1567 : vector<16xf32>
    %reduce_sum3A_1569 = arith.constant true
    %reduce_sum3A_1570 = vector.broadcast %reduce_sum3A_1569 : i1 to vector<16xi1>
    %reduce_sum3A_1571 = tpu.scan <sum>, %add3A_1568 masked %reduce_sum3A_1570 : vector<16xf32>, vector<16xi1> -> vector<16xf32>
    %reduce_sum3A_1572 = vector.extract %reduce_sum3A_1571[15] : f32 from vector<16xf32>
    %max3A_1573 = arith.constant 1.000000e-24 : f32
    %max3A_1574 = arith.maximumf %reduce_sum3A_1572, %max3A_1573 : f32
    %bitcast_convert_type3A_1575 = arith.bitcast %max3A_1574 : f32 to i32
    %shift_right_arithmetic3A_1576 = arith.constant 1 : i32
    %shift_right_arithmetic3A_1577 = arith.shrsi %bitcast_convert_type3A_1575, %shift_right_arithmetic3A_1576 : i32
    %sub3A_1578 = arith.constant 1597463007 : i32
    %sub3A_1579 = arith.subi %sub3A_1578, %shift_right_arithmetic3A_1577 : i32
    %bitcast_convert_type3A_1580 = arith.bitcast %sub3A_1579 : i32 to f32
    %mul3A_1581 = arith.constant 5.000000e-01 : f32
    %mul3A_1582 = arith.mulf %mul3A_1581, %max3A_1574 : f32
    %mul3A_1583 = arith.mulf %mul3A_1582, %bitcast_convert_type3A_1580 : f32
    %mul3A_1584 = arith.mulf %mul3A_1583, %bitcast_convert_type3A_1580 : f32
    %sub3A_1585 = arith.constant 1.500000e+00 : f32
    %sub3A_1586 = arith.subf %sub3A_1585, %mul3A_1584 : f32
    %mul3A_1587 = arith.mulf %bitcast_convert_type3A_1580, %sub3A_1586 : f32
    %mul3A_1588 = arith.constant 5.000000e-01 : f32
    %mul3A_1589 = arith.mulf %mul3A_1588, %max3A_1574 : f32
    %mul3A_1590 = arith.mulf %mul3A_1589, %mul3A_1587 : f32
    %mul3A_1591 = arith.mulf %mul3A_1590, %mul3A_1587 : f32
    %sub3A_1592 = arith.constant 1.500000e+00 : f32
    %sub3A_1593 = arith.subf %sub3A_1592, %mul3A_1591 : f32
    %mul3A_1594 = arith.mulf %mul3A_1587, %sub3A_1593 : f32
    %mul3A_1595 = arith.constant 5.000000e-01 : f32
    %mul3A_1596 = arith.mulf %mul3A_1595, %max3A_1574 : f32
    %mul3A_1597 = arith.mulf %mul3A_1596, %mul3A_1594 : f32
    %mul3A_1598 = arith.mulf %mul3A_1597, %mul3A_1594 : f32
    %sub3A_1599 = arith.constant 1.500000e+00 : f32
    %sub3A_1600 = arith.subf %sub3A_1599, %mul3A_1598 : f32
    %mul3A_1601 = arith.mulf %mul3A_1594, %sub3A_1600 : f32
    %broadcast_in_dim3A_1602 = arith.constant 11 : i32
    %broadcast_in_dim3A_1603 = vector.broadcast %broadcast_in_dim3A_1602 : i32 to vector<16xi32>
    %add3A_1604 = arith.constant 0 : i32
    %add3A_1605 = vector.broadcast %add3A_1604 : i32 to vector<16xi32>
    %add3A_1606 = arith.addi %add3A_1605, %iota3A : vector<16xi32>
    %mul3A_1607 = vector.broadcast %mul3A_1601 : f32 to vector<16xf32>
    %mul3A_1608 = arith.mulf %add3A_1528, %mul3A_1607 : vector<16xf32>
    tpu.vector_store_idx %arg9[%broadcast_in_dim3A_1603, %add3A_1606], %mul3A_1608 : memref<32x64xf32, #tpu.memory_space<vmem>>[vector<16xi32>, vector<16xi32>], vector<16xf32>,
    %add3A_1609 = arith.constant 16 : i32
    %add3A_1610 = vector.broadcast %add3A_1609 : i32 to vector<16xi32>
    %add3A_1611 = arith.addi %add3A_1610, %iota3A : vector<16xi32>
    %mul3A_1612 = vector.broadcast %mul3A_1601 : f32 to vector<16xf32>
    %mul3A_1613 = arith.mulf %add3A_1533, %mul3A_1612 : vector<16xf32>
    tpu.vector_store_idx %arg9[%broadcast_in_dim3A_1603, %add3A_1611], %mul3A_1613 : memref<32x64xf32, #tpu.memory_space<vmem>>[vector<16xi32>, vector<16xi32>], vector<16xf32>,
    %add3A_1614 = arith.constant 32 : i32
    %add3A_1615 = vector.broadcast %add3A_1614 : i32 to vector<16xi32>
    %add3A_1616 = arith.addi %add3A_1615, %iota3A : vector<16xi32>
    %mul3A_1617 = vector.broadcast %mul3A_1601 : f32 to vector<16xf32>
    %mul3A_1618 = arith.mulf %add3A_1538, %mul3A_1617 : vector<16xf32>
    tpu.vector_store_idx %arg9[%broadcast_in_dim3A_1603, %add3A_1616], %mul3A_1618 : memref<32x64xf32, #tpu.memory_space<vmem>>[vector<16xi32>, vector<16xi32>], vector<16xf32>,
    %add3A_1619 = arith.constant 48 : i32
    %add3A_1620 = vector.broadcast %add3A_1619 : i32 to vector<16xi32>
    %add3A_1621 = arith.addi %add3A_1620, %iota3A : vector<16xi32>
    %mul3A_1622 = vector.broadcast %mul3A_1601 : f32 to vector<16xf32>
    %mul3A_1623 = arith.mulf %add3A_1543, %mul3A_1622 : vector<16xf32>
    tpu.vector_store_idx %arg9[%broadcast_in_dim3A_1603, %add3A_1621], %mul3A_1623 : memref<32x64xf32, #tpu.memory_space<vmem>>[vector<16xi32>, vector<16xi32>], vector<16xf32>,
    %dma_wait3A_1624 = arith.constant 4 : i32
    %dma_wait3A_1625 = arith.constant 0 : i32
    %dma_wait3A_1626 = arith.constant 0 : i32
    %dma_wait3A_1627 = tpu.memref_slice %arg7[%dma_wait3A_1624, %dma_wait3A_1625, %dma_wait3A_1626] : memref<8x64x128xf32, #tpu.memory_space<vmem>> -> memref<1x64x128xf32, #tpu.memory_space<vmem>>
    %dma_wait3A_1628 = tpu.memref_squeeze %dma_wait3A_1627 : memref<1x64x128xf32, #tpu.memory_space<vmem>> -> memref<64x128xf32, #tpu.memory_space<vmem>>
    %dma_wait3A_1629 = arith.constant 0 : i32
    %dma_wait3A_1630 = tpu.memref_slice %arg3[%dma_wait3A_1629, %multiple_of3A_722] : memref<64x100000xf32, #tpu.memory_space<hbm>> -> memref<64x128xf32, #tpu.memory_space<hbm>>
    %dma_wait3A_1631 = arith.constant 0 : i32
    %dma_wait3A_1632 = arith.constant 0 : i32
    %dma_wait3A_1633 = tpu.memref_slice %arg7[%dma_wait3A_1624, %dma_wait3A_1631, %dma_wait3A_1632] : memref<8x64x128xf32, #tpu.memory_space<vmem>> -> memref<1x64x128xf32, #tpu.memory_space<vmem>>
    %dma_wait3A_1634 = tpu.memref_squeeze %dma_wait3A_1633 : memref<1x64x128xf32, #tpu.memory_space<vmem>> -> memref<64x128xf32, #tpu.memory_space<vmem>>
    %dma_wait3A_1635 = arith.constant 0 : i32
    %dma_wait3A_1636 = tpu.memref_slice %arg3[%dma_wait3A_1635, %multiple_of3A_722] : memref<64x100000xf32, #tpu.memory_space<hbm>> -> memref<64x128xf32, #tpu.memory_space<hbm>>
    tpu.wait_dma2 semaphore(%arg14 : memref<!tpu.dma_semaphore, #tpu.memory_space<semaphore_mem>>) src(%dma_wait3A_1636 : memref<64x128xf32, #tpu.memory_space<hbm>>) dst(%dma_wait3A_1634 : memref<64x128xf32, #tpu.memory_space<vmem>>)
    %and3A_1637 = arith.constant 127 : i32
    %and3A_1638 = arith.andi %squeeze3A_29, %and3A_1637 : i32
    %broadcast_in_dim3A_1639 = vector.broadcast %and3A_1638 : i32 to vector<16xi32>
    %broadcast_in_dim3A_1640 = arith.constant 4 : i32
    %broadcast_in_dim3A_1641 = vector.broadcast %broadcast_in_dim3A_1640 : i32 to vector<16xi32>
    %add3A_1642 = arith.constant 0 : i32
    %add3A_1643 = vector.broadcast %add3A_1642 : i32 to vector<16xi32>
    %add3A_1644 = arith.addi %add3A_1643, %iota3A : vector<16xi32>
    %gather3A_1645 = tpu.vector_load_idx %arg7[%broadcast_in_dim3A_1641, %add3A_1644, %broadcast_in_dim3A_1639] : memref<8x64x128xf32, #tpu.memory_space<vmem>>[vector<16xi32>, vector<16xi32>, vector<16xi32>], vector<16xf32>,
    %add3A_1646 = arith.addf %gather3A_1645, %get3A_209 : vector<16xf32>
    %add3A_1647 = arith.constant 16 : i32
    %add3A_1648 = vector.broadcast %add3A_1647 : i32 to vector<16xi32>
    %add3A_1649 = arith.addi %add3A_1648, %iota3A : vector<16xi32>
    %gather3A_1650 = tpu.vector_load_idx %arg7[%broadcast_in_dim3A_1641, %add3A_1649, %broadcast_in_dim3A_1639] : memref<8x64x128xf32, #tpu.memory_space<vmem>>[vector<16xi32>, vector<16xi32>, vector<16xi32>], vector<16xf32>,
    %add3A_1651 = arith.addf %gather3A_1650, %get3A_211 : vector<16xf32>
    %add3A_1652 = arith.constant 32 : i32
    %add3A_1653 = vector.broadcast %add3A_1652 : i32 to vector<16xi32>
    %add3A_1654 = arith.addi %add3A_1653, %iota3A : vector<16xi32>
    %gather3A_1655 = tpu.vector_load_idx %arg7[%broadcast_in_dim3A_1641, %add3A_1654, %broadcast_in_dim3A_1639] : memref<8x64x128xf32, #tpu.memory_space<vmem>>[vector<16xi32>, vector<16xi32>, vector<16xi32>], vector<16xf32>,
    %add3A_1656 = arith.addf %gather3A_1655, %get3A_213 : vector<16xf32>
    %add3A_1657 = arith.constant 48 : i32
    %add3A_1658 = vector.broadcast %add3A_1657 : i32 to vector<16xi32>
    %add3A_1659 = arith.addi %add3A_1658, %iota3A : vector<16xi32>
    %gather3A_1660 = tpu.vector_load_idx %arg7[%broadcast_in_dim3A_1641, %add3A_1659, %broadcast_in_dim3A_1639] : memref<8x64x128xf32, #tpu.memory_space<vmem>>[vector<16xi32>, vector<16xi32>, vector<16xi32>], vector<16xf32>,
    %add3A_1661 = arith.addf %gather3A_1660, %get3A_215 : vector<16xf32>
    %shift_right_arithmetic3A_1662 = arith.constant 7 : i32
    %shift_right_arithmetic3A_1663 = arith.shrsi %squeeze3A_45, %shift_right_arithmetic3A_1662 : i32
    %shift_left3A_1664 = arith.constant 7 : i32
    %shift_left3A_1665 = arith.shli %shift_right_arithmetic3A_1663, %shift_left3A_1664 : i32
    %multiple_of3A_1666 = tpu.assume_multiple %shift_left3A_1665, 128 : i32
    %dma_start3A_1667 = arith.constant 4 : i32
    %dma_start3A_1668 = arith.constant 0 : i32
    %dma_start3A_1669 = arith.constant 0 : i32
    %dma_start3A_1670 = tpu.memref_slice %arg7[%dma_start3A_1667, %dma_start3A_1668, %dma_start3A_1669] : memref<8x64x128xf32, #tpu.memory_space<vmem>> -> memref<1x64x128xf32, #tpu.memory_space<vmem>>
    %dma_start3A_1671 = tpu.memref_squeeze %dma_start3A_1670 : memref<1x64x128xf32, #tpu.memory_space<vmem>> -> memref<64x128xf32, #tpu.memory_space<vmem>>
    %dma_start3A_1672 = arith.constant 0 : i32
    %dma_start3A_1673 = tpu.memref_slice %arg3[%dma_start3A_1672, %multiple_of3A_1666] : memref<64x100000xf32, #tpu.memory_space<hbm>> -> memref<64x128xf32, #tpu.memory_space<hbm>>
    %dma_start3A_1674 = arith.constant 0 : i32
    %dma_start3A_1675 = arith.constant 0 : i32
    %dma_start3A_1676 = tpu.memref_slice %arg7[%dma_start3A_1667, %dma_start3A_1674, %dma_start3A_1675] : memref<8x64x128xf32, #tpu.memory_space<vmem>> -> memref<1x64x128xf32, #tpu.memory_space<vmem>>
    %dma_start3A_1677 = tpu.memref_squeeze %dma_start3A_1676 : memref<1x64x128xf32, #tpu.memory_space<vmem>> -> memref<64x128xf32, #tpu.memory_space<vmem>>
    %dma_start3A_1678 = arith.constant 0 : i32
    %dma_start3A_1679 = tpu.memref_slice %arg3[%dma_start3A_1678, %multiple_of3A_1666] : memref<64x100000xf32, #tpu.memory_space<hbm>> -> memref<64x128xf32, #tpu.memory_space<hbm>>
    tpu.enqueue_dma source(%dma_start3A_1679 : memref<64x128xf32, #tpu.memory_space<hbm>>) target(%dma_start3A_1677 : memref<64x128xf32, #tpu.memory_space<vmem>>) target_semaphore(%arg14 : memref<!tpu.dma_semaphore, #tpu.memory_space<semaphore_mem>>)
    %mul3A_1680 = arith.mulf %add3A_1646, %add3A_1646 : vector<16xf32>
    %mul3A_1681 = arith.mulf %add3A_1651, %add3A_1651 : vector<16xf32>
    %add3A_1682 = arith.addf %mul3A_1680, %mul3A_1681 : vector<16xf32>
    %mul3A_1683 = arith.mulf %add3A_1656, %add3A_1656 : vector<16xf32>
    %mul3A_1684 = arith.mulf %add3A_1661, %add3A_1661 : vector<16xf32>
    %add3A_1685 = arith.addf %mul3A_1683, %mul3A_1684 : vector<16xf32>
    %add3A_1686 = arith.addf %add3A_1682, %add3A_1685 : vector<16xf32>
    %reduce_sum3A_1687 = arith.constant true
    %reduce_sum3A_1688 = vector.broadcast %reduce_sum3A_1687 : i1 to vector<16xi1>
    %reduce_sum3A_1689 = tpu.scan <sum>, %add3A_1686 masked %reduce_sum3A_1688 : vector<16xf32>, vector<16xi1> -> vector<16xf32>
    %reduce_sum3A_1690 = vector.extract %reduce_sum3A_1689[15] : f32 from vector<16xf32>
    %max3A_1691 = arith.constant 1.000000e-24 : f32
    %max3A_1692 = arith.maximumf %reduce_sum3A_1690, %max3A_1691 : f32
    %bitcast_convert_type3A_1693 = arith.bitcast %max3A_1692 : f32 to i32
    %shift_right_arithmetic3A_1694 = arith.constant 1 : i32
    %shift_right_arithmetic3A_1695 = arith.shrsi %bitcast_convert_type3A_1693, %shift_right_arithmetic3A_1694 : i32
    %sub3A_1696 = arith.constant 1597463007 : i32
    %sub3A_1697 = arith.subi %sub3A_1696, %shift_right_arithmetic3A_1695 : i32
    %bitcast_convert_type3A_1698 = arith.bitcast %sub3A_1697 : i32 to f32
    %mul3A_1699 = arith.constant 5.000000e-01 : f32
    %mul3A_1700 = arith.mulf %mul3A_1699, %max3A_1692 : f32
    %mul3A_1701 = arith.mulf %mul3A_1700, %bitcast_convert_type3A_1698 : f32
    %mul3A_1702 = arith.mulf %mul3A_1701, %bitcast_convert_type3A_1698 : f32
    %sub3A_1703 = arith.constant 1.500000e+00 : f32
    %sub3A_1704 = arith.subf %sub3A_1703, %mul3A_1702 : f32
    %mul3A_1705 = arith.mulf %bitcast_convert_type3A_1698, %sub3A_1704 : f32
    %mul3A_1706 = arith.constant 5.000000e-01 : f32
    %mul3A_1707 = arith.mulf %mul3A_1706, %max3A_1692 : f32
    %mul3A_1708 = arith.mulf %mul3A_1707, %mul3A_1705 : f32
    %mul3A_1709 = arith.mulf %mul3A_1708, %mul3A_1705 : f32
    %sub3A_1710 = arith.constant 1.500000e+00 : f32
    %sub3A_1711 = arith.subf %sub3A_1710, %mul3A_1709 : f32
    %mul3A_1712 = arith.mulf %mul3A_1705, %sub3A_1711 : f32
    %mul3A_1713 = arith.constant 5.000000e-01 : f32
    %mul3A_1714 = arith.mulf %mul3A_1713, %max3A_1692 : f32
    %mul3A_1715 = arith.mulf %mul3A_1714, %mul3A_1712 : f32
    %mul3A_1716 = arith.mulf %mul3A_1715, %mul3A_1712 : f32
    %sub3A_1717 = arith.constant 1.500000e+00 : f32
    %sub3A_1718 = arith.subf %sub3A_1717, %mul3A_1716 : f32
    %mul3A_1719 = arith.mulf %mul3A_1712, %sub3A_1718 : f32
    %broadcast_in_dim3A_1720 = arith.constant 12 : i32
    %broadcast_in_dim3A_1721 = vector.broadcast %broadcast_in_dim3A_1720 : i32 to vector<16xi32>
    %add3A_1722 = arith.constant 0 : i32
    %add3A_1723 = vector.broadcast %add3A_1722 : i32 to vector<16xi32>
    %add3A_1724 = arith.addi %add3A_1723, %iota3A : vector<16xi32>
    %mul3A_1725 = vector.broadcast %mul3A_1719 : f32 to vector<16xf32>
    %mul3A_1726 = arith.mulf %add3A_1646, %mul3A_1725 : vector<16xf32>
    tpu.vector_store_idx %arg9[%broadcast_in_dim3A_1721, %add3A_1724], %mul3A_1726 : memref<32x64xf32, #tpu.memory_space<vmem>>[vector<16xi32>, vector<16xi32>], vector<16xf32>,
    %add3A_1727 = arith.constant 16 : i32
    %add3A_1728 = vector.broadcast %add3A_1727 : i32 to vector<16xi32>
    %add3A_1729 = arith.addi %add3A_1728, %iota3A : vector<16xi32>
    %mul3A_1730 = vector.broadcast %mul3A_1719 : f32 to vector<16xf32>
    %mul3A_1731 = arith.mulf %add3A_1651, %mul3A_1730 : vector<16xf32>
    tpu.vector_store_idx %arg9[%broadcast_in_dim3A_1721, %add3A_1729], %mul3A_1731 : memref<32x64xf32, #tpu.memory_space<vmem>>[vector<16xi32>, vector<16xi32>], vector<16xf32>,
    %add3A_1732 = arith.constant 32 : i32
    %add3A_1733 = vector.broadcast %add3A_1732 : i32 to vector<16xi32>
    %add3A_1734 = arith.addi %add3A_1733, %iota3A : vector<16xi32>
    %mul3A_1735 = vector.broadcast %mul3A_1719 : f32 to vector<16xf32>
    %mul3A_1736 = arith.mulf %add3A_1656, %mul3A_1735 : vector<16xf32>
    tpu.vector_store_idx %arg9[%broadcast_in_dim3A_1721, %add3A_1734], %mul3A_1736 : memref<32x64xf32, #tpu.memory_space<vmem>>[vector<16xi32>, vector<16xi32>], vector<16xf32>,
    %add3A_1737 = arith.constant 48 : i32
    %add3A_1738 = vector.broadcast %add3A_1737 : i32 to vector<16xi32>
    %add3A_1739 = arith.addi %add3A_1738, %iota3A : vector<16xi32>
    %mul3A_1740 = vector.broadcast %mul3A_1719 : f32 to vector<16xf32>
    %mul3A_1741 = arith.mulf %add3A_1661, %mul3A_1740 : vector<16xf32>
    tpu.vector_store_idx %arg9[%broadcast_in_dim3A_1721, %add3A_1739], %mul3A_1741 : memref<32x64xf32, #tpu.memory_space<vmem>>[vector<16xi32>, vector<16xi32>], vector<16xf32>,
    %dma_wait3A_1742 = arith.constant 5 : i32
    %dma_wait3A_1743 = arith.constant 0 : i32
    %dma_wait3A_1744 = arith.constant 0 : i32
    %dma_wait3A_1745 = tpu.memref_slice %arg7[%dma_wait3A_1742, %dma_wait3A_1743, %dma_wait3A_1744] : memref<8x64x128xf32, #tpu.memory_space<vmem>> -> memref<1x64x128xf32, #tpu.memory_space<vmem>>
    %dma_wait3A_1746 = tpu.memref_squeeze %dma_wait3A_1745 : memref<1x64x128xf32, #tpu.memory_space<vmem>> -> memref<64x128xf32, #tpu.memory_space<vmem>>
    %dma_wait3A_1747 = arith.constant 0 : i32
    %dma_wait3A_1748 = tpu.memref_slice %arg3[%dma_wait3A_1747, %multiple_of3A_840] : memref<64x100000xf32, #tpu.memory_space<hbm>> -> memref<64x128xf32, #tpu.memory_space<hbm>>
    %dma_wait3A_1749 = arith.constant 0 : i32
    %dma_wait3A_1750 = arith.constant 0 : i32
    %dma_wait3A_1751 = tpu.memref_slice %arg7[%dma_wait3A_1742, %dma_wait3A_1749, %dma_wait3A_1750] : memref<8x64x128xf32, #tpu.memory_space<vmem>> -> memref<1x64x128xf32, #tpu.memory_space<vmem>>
    %dma_wait3A_1752 = tpu.memref_squeeze %dma_wait3A_1751 : memref<1x64x128xf32, #tpu.memory_space<vmem>> -> memref<64x128xf32, #tpu.memory_space<vmem>>
    %dma_wait3A_1753 = arith.constant 0 : i32
    %dma_wait3A_1754 = tpu.memref_slice %arg3[%dma_wait3A_1753, %multiple_of3A_840] : memref<64x100000xf32, #tpu.memory_space<hbm>> -> memref<64x128xf32, #tpu.memory_space<hbm>>
    tpu.wait_dma2 semaphore(%arg15 : memref<!tpu.dma_semaphore, #tpu.memory_space<semaphore_mem>>) src(%dma_wait3A_1754 : memref<64x128xf32, #tpu.memory_space<hbm>>) dst(%dma_wait3A_1752 : memref<64x128xf32, #tpu.memory_space<vmem>>)
    %and3A_1755 = arith.constant 127 : i32
    %and3A_1756 = arith.andi %squeeze3A_31, %and3A_1755 : i32
    %broadcast_in_dim3A_1757 = vector.broadcast %and3A_1756 : i32 to vector<16xi32>
    %broadcast_in_dim3A_1758 = arith.constant 5 : i32
    %broadcast_in_dim3A_1759 = vector.broadcast %broadcast_in_dim3A_1758 : i32 to vector<16xi32>
    %add3A_1760 = arith.constant 0 : i32
    %add3A_1761 = vector.broadcast %add3A_1760 : i32 to vector<16xi32>
    %add3A_1762 = arith.addi %add3A_1761, %iota3A : vector<16xi32>
    %gather3A_1763 = tpu.vector_load_idx %arg7[%broadcast_in_dim3A_1759, %add3A_1762, %broadcast_in_dim3A_1757] : memref<8x64x128xf32, #tpu.memory_space<vmem>>[vector<16xi32>, vector<16xi32>, vector<16xi32>], vector<16xf32>,
    %add3A_1764 = arith.addf %gather3A_1763, %get3A_209 : vector<16xf32>
    %add3A_1765 = arith.constant 16 : i32
    %add3A_1766 = vector.broadcast %add3A_1765 : i32 to vector<16xi32>
    %add3A_1767 = arith.addi %add3A_1766, %iota3A : vector<16xi32>
    %gather3A_1768 = tpu.vector_load_idx %arg7[%broadcast_in_dim3A_1759, %add3A_1767, %broadcast_in_dim3A_1757] : memref<8x64x128xf32, #tpu.memory_space<vmem>>[vector<16xi32>, vector<16xi32>, vector<16xi32>], vector<16xf32>,
    %add3A_1769 = arith.addf %gather3A_1768, %get3A_211 : vector<16xf32>
    %add3A_1770 = arith.constant 32 : i32
    %add3A_1771 = vector.broadcast %add3A_1770 : i32 to vector<16xi32>
    %add3A_1772 = arith.addi %add3A_1771, %iota3A : vector<16xi32>
    %gather3A_1773 = tpu.vector_load_idx %arg7[%broadcast_in_dim3A_1759, %add3A_1772, %broadcast_in_dim3A_1757] : memref<8x64x128xf32, #tpu.memory_space<vmem>>[vector<16xi32>, vector<16xi32>, vector<16xi32>], vector<16xf32>,
    %add3A_1774 = arith.addf %gather3A_1773, %get3A_213 : vector<16xf32>
    %add3A_1775 = arith.constant 48 : i32
    %add3A_1776 = vector.broadcast %add3A_1775 : i32 to vector<16xi32>
    %add3A_1777 = arith.addi %add3A_1776, %iota3A : vector<16xi32>
    %gather3A_1778 = tpu.vector_load_idx %arg7[%broadcast_in_dim3A_1759, %add3A_1777, %broadcast_in_dim3A_1757] : memref<8x64x128xf32, #tpu.memory_space<vmem>>[vector<16xi32>, vector<16xi32>, vector<16xi32>], vector<16xf32>,
    %add3A_1779 = arith.addf %gather3A_1778, %get3A_215 : vector<16xf32>
    %shift_right_arithmetic3A_1780 = arith.constant 7 : i32
    %shift_right_arithmetic3A_1781 = arith.shrsi %squeeze3A_47, %shift_right_arithmetic3A_1780 : i32
    %shift_left3A_1782 = arith.constant 7 : i32
    %shift_left3A_1783 = arith.shli %shift_right_arithmetic3A_1781, %shift_left3A_1782 : i32
    %multiple_of3A_1784 = tpu.assume_multiple %shift_left3A_1783, 128 : i32
    %dma_start3A_1785 = arith.constant 5 : i32
    %dma_start3A_1786 = arith.constant 0 : i32
    %dma_start3A_1787 = arith.constant 0 : i32
    %dma_start3A_1788 = tpu.memref_slice %arg7[%dma_start3A_1785, %dma_start3A_1786, %dma_start3A_1787] : memref<8x64x128xf32, #tpu.memory_space<vmem>> -> memref<1x64x128xf32, #tpu.memory_space<vmem>>
    %dma_start3A_1789 = tpu.memref_squeeze %dma_start3A_1788 : memref<1x64x128xf32, #tpu.memory_space<vmem>> -> memref<64x128xf32, #tpu.memory_space<vmem>>
    %dma_start3A_1790 = arith.constant 0 : i32
    %dma_start3A_1791 = tpu.memref_slice %arg3[%dma_start3A_1790, %multiple_of3A_1784] : memref<64x100000xf32, #tpu.memory_space<hbm>> -> memref<64x128xf32, #tpu.memory_space<hbm>>
    %dma_start3A_1792 = arith.constant 0 : i32
    %dma_start3A_1793 = arith.constant 0 : i32
    %dma_start3A_1794 = tpu.memref_slice %arg7[%dma_start3A_1785, %dma_start3A_1792, %dma_start3A_1793] : memref<8x64x128xf32, #tpu.memory_space<vmem>> -> memref<1x64x128xf32, #tpu.memory_space<vmem>>
    %dma_start3A_1795 = tpu.memref_squeeze %dma_start3A_1794 : memref<1x64x128xf32, #tpu.memory_space<vmem>> -> memref<64x128xf32, #tpu.memory_space<vmem>>
    %dma_start3A_1796 = arith.constant 0 : i32
    %dma_start3A_1797 = tpu.memref_slice %arg3[%dma_start3A_1796, %multiple_of3A_1784] : memref<64x100000xf32, #tpu.memory_space<hbm>> -> memref<64x128xf32, #tpu.memory_space<hbm>>
    tpu.enqueue_dma source(%dma_start3A_1797 : memref<64x128xf32, #tpu.memory_space<hbm>>) target(%dma_start3A_1795 : memref<64x128xf32, #tpu.memory_space<vmem>>) target_semaphore(%arg15 : memref<!tpu.dma_semaphore, #tpu.memory_space<semaphore_mem>>)
    %mul3A_1798 = arith.mulf %add3A_1764, %add3A_1764 : vector<16xf32>
    %mul3A_1799 = arith.mulf %add3A_1769, %add3A_1769 : vector<16xf32>
    %add3A_1800 = arith.addf %mul3A_1798, %mul3A_1799 : vector<16xf32>
    %mul3A_1801 = arith.mulf %add3A_1774, %add3A_1774 : vector<16xf32>
    %mul3A_1802 = arith.mulf %add3A_1779, %add3A_1779 : vector<16xf32>
    %add3A_1803 = arith.addf %mul3A_1801, %mul3A_1802 : vector<16xf32>
    %add3A_1804 = arith.addf %add3A_1800, %add3A_1803 : vector<16xf32>
    %reduce_sum3A_1805 = arith.constant true
    %reduce_sum3A_1806 = vector.broadcast %reduce_sum3A_1805 : i1 to vector<16xi1>
    %reduce_sum3A_1807 = tpu.scan <sum>, %add3A_1804 masked %reduce_sum3A_1806 : vector<16xf32>, vector<16xi1> -> vector<16xf32>
    %reduce_sum3A_1808 = vector.extract %reduce_sum3A_1807[15] : f32 from vector<16xf32>
    %max3A_1809 = arith.constant 1.000000e-24 : f32
    %max3A_1810 = arith.maximumf %reduce_sum3A_1808, %max3A_1809 : f32
    %bitcast_convert_type3A_1811 = arith.bitcast %max3A_1810 : f32 to i32
    %shift_right_arithmetic3A_1812 = arith.constant 1 : i32
    %shift_right_arithmetic3A_1813 = arith.shrsi %bitcast_convert_type3A_1811, %shift_right_arithmetic3A_1812 : i32
    %sub3A_1814 = arith.constant 1597463007 : i32
    %sub3A_1815 = arith.subi %sub3A_1814, %shift_right_arithmetic3A_1813 : i32
    %bitcast_convert_type3A_1816 = arith.bitcast %sub3A_1815 : i32 to f32
    %mul3A_1817 = arith.constant 5.000000e-01 : f32
    %mul3A_1818 = arith.mulf %mul3A_1817, %max3A_1810 : f32
    %mul3A_1819 = arith.mulf %mul3A_1818, %bitcast_convert_type3A_1816 : f32
    %mul3A_1820 = arith.mulf %mul3A_1819, %bitcast_convert_type3A_1816 : f32
    %sub3A_1821 = arith.constant 1.500000e+00 : f32
    %sub3A_1822 = arith.subf %sub3A_1821, %mul3A_1820 : f32
    %mul3A_1823 = arith.mulf %bitcast_convert_type3A_1816, %sub3A_1822 : f32
    %mul3A_1824 = arith.constant 5.000000e-01 : f32
    %mul3A_1825 = arith.mulf %mul3A_1824, %max3A_1810 : f32
    %mul3A_1826 = arith.mulf %mul3A_1825, %mul3A_1823 : f32
    %mul3A_1827 = arith.mulf %mul3A_1826, %mul3A_1823 : f32
    %sub3A_1828 = arith.constant 1.500000e+00 : f32
    %sub3A_1829 = arith.subf %sub3A_1828, %mul3A_1827 : f32
    %mul3A_1830 = arith.mulf %mul3A_1823, %sub3A_1829 : f32
    %mul3A_1831 = arith.constant 5.000000e-01 : f32
    %mul3A_1832 = arith.mulf %mul3A_1831, %max3A_1810 : f32
    %mul3A_1833 = arith.mulf %mul3A_1832, %mul3A_1830 : f32
    %mul3A_1834 = arith.mulf %mul3A_1833, %mul3A_1830 : f32
    %sub3A_1835 = arith.constant 1.500000e+00 : f32
    %sub3A_1836 = arith.subf %sub3A_1835, %mul3A_1834 : f32
    %mul3A_1837 = arith.mulf %mul3A_1830, %sub3A_1836 : f32
    %broadcast_in_dim3A_1838 = arith.constant 13 : i32
    %broadcast_in_dim3A_1839 = vector.broadcast %broadcast_in_dim3A_1838 : i32 to vector<16xi32>
    %add3A_1840 = arith.constant 0 : i32
    %add3A_1841 = vector.broadcast %add3A_1840 : i32 to vector<16xi32>
    %add3A_1842 = arith.addi %add3A_1841, %iota3A : vector<16xi32>
    %mul3A_1843 = vector.broadcast %mul3A_1837 : f32 to vector<16xf32>
    %mul3A_1844 = arith.mulf %add3A_1764, %mul3A_1843 : vector<16xf32>
    tpu.vector_store_idx %arg9[%broadcast_in_dim3A_1839, %add3A_1842], %mul3A_1844 : memref<32x64xf32, #tpu.memory_space<vmem>>[vector<16xi32>, vector<16xi32>], vector<16xf32>,
    %add3A_1845 = arith.constant 16 : i32
    %add3A_1846 = vector.broadcast %add3A_1845 : i32 to vector<16xi32>
    %add3A_1847 = arith.addi %add3A_1846, %iota3A : vector<16xi32>
    %mul3A_1848 = vector.broadcast %mul3A_1837 : f32 to vector<16xf32>
    %mul3A_1849 = arith.mulf %add3A_1769, %mul3A_1848 : vector<16xf32>
    tpu.vector_store_idx %arg9[%broadcast_in_dim3A_1839, %add3A_1847], %mul3A_1849 : memref<32x64xf32, #tpu.memory_space<vmem>>[vector<16xi32>, vector<16xi32>], vector<16xf32>,
    %add3A_1850 = arith.constant 32 : i32
    %add3A_1851 = vector.broadcast %add3A_1850 : i32 to vector<16xi32>
    %add3A_1852 = arith.addi %add3A_1851, %iota3A : vector<16xi32>
    %mul3A_1853 = vector.broadcast %mul3A_1837 : f32 to vector<16xf32>
    %mul3A_1854 = arith.mulf %add3A_1774, %mul3A_1853 : vector<16xf32>
    tpu.vector_store_idx %arg9[%broadcast_in_dim3A_1839, %add3A_1852], %mul3A_1854 : memref<32x64xf32, #tpu.memory_space<vmem>>[vector<16xi32>, vector<16xi32>], vector<16xf32>,
    %add3A_1855 = arith.constant 48 : i32
    %add3A_1856 = vector.broadcast %add3A_1855 : i32 to vector<16xi32>
    %add3A_1857 = arith.addi %add3A_1856, %iota3A : vector<16xi32>
    %mul3A_1858 = vector.broadcast %mul3A_1837 : f32 to vector<16xf32>
    %mul3A_1859 = arith.mulf %add3A_1779, %mul3A_1858 : vector<16xf32>
    tpu.vector_store_idx %arg9[%broadcast_in_dim3A_1839, %add3A_1857], %mul3A_1859 : memref<32x64xf32, #tpu.memory_space<vmem>>[vector<16xi32>, vector<16xi32>], vector<16xf32>,
    %dma_wait3A_1860 = arith.constant 6 : i32
    %dma_wait3A_1861 = arith.constant 0 : i32
    %dma_wait3A_1862 = arith.constant 0 : i32
    %dma_wait3A_1863 = tpu.memref_slice %arg7[%dma_wait3A_1860, %dma_wait3A_1861, %dma_wait3A_1862] : memref<8x64x128xf32, #tpu.memory_space<vmem>> -> memref<1x64x128xf32, #tpu.memory_space<vmem>>
    %dma_wait3A_1864 = tpu.memref_squeeze %dma_wait3A_1863 : memref<1x64x128xf32, #tpu.memory_space<vmem>> -> memref<64x128xf32, #tpu.memory_space<vmem>>
    %dma_wait3A_1865 = arith.constant 0 : i32
    %dma_wait3A_1866 = tpu.memref_slice %arg3[%dma_wait3A_1865, %multiple_of3A_958] : memref<64x100000xf32, #tpu.memory_space<hbm>> -> memref<64x128xf32, #tpu.memory_space<hbm>>
    %dma_wait3A_1867 = arith.constant 0 : i32
    %dma_wait3A_1868 = arith.constant 0 : i32
    %dma_wait3A_1869 = tpu.memref_slice %arg7[%dma_wait3A_1860, %dma_wait3A_1867, %dma_wait3A_1868] : memref<8x64x128xf32, #tpu.memory_space<vmem>> -> memref<1x64x128xf32, #tpu.memory_space<vmem>>
    %dma_wait3A_1870 = tpu.memref_squeeze %dma_wait3A_1869 : memref<1x64x128xf32, #tpu.memory_space<vmem>> -> memref<64x128xf32, #tpu.memory_space<vmem>>
    %dma_wait3A_1871 = arith.constant 0 : i32
    %dma_wait3A_1872 = tpu.memref_slice %arg3[%dma_wait3A_1871, %multiple_of3A_958] : memref<64x100000xf32, #tpu.memory_space<hbm>> -> memref<64x128xf32, #tpu.memory_space<hbm>>
    tpu.wait_dma2 semaphore(%arg16 : memref<!tpu.dma_semaphore, #tpu.memory_space<semaphore_mem>>) src(%dma_wait3A_1872 : memref<64x128xf32, #tpu.memory_space<hbm>>) dst(%dma_wait3A_1870 : memref<64x128xf32, #tpu.memory_space<vmem>>)
    %and3A_1873 = arith.constant 127 : i32
    %and3A_1874 = arith.andi %squeeze3A_33, %and3A_1873 : i32
    %broadcast_in_dim3A_1875 = vector.broadcast %and3A_1874 : i32 to vector<16xi32>
    %broadcast_in_dim3A_1876 = arith.constant 6 : i32
    %broadcast_in_dim3A_1877 = vector.broadcast %broadcast_in_dim3A_1876 : i32 to vector<16xi32>
    %add3A_1878 = arith.constant 0 : i32
    %add3A_1879 = vector.broadcast %add3A_1878 : i32 to vector<16xi32>
    %add3A_1880 = arith.addi %add3A_1879, %iota3A : vector<16xi32>
    %gather3A_1881 = tpu.vector_load_idx %arg7[%broadcast_in_dim3A_1877, %add3A_1880, %broadcast_in_dim3A_1875] : memref<8x64x128xf32, #tpu.memory_space<vmem>>[vector<16xi32>, vector<16xi32>, vector<16xi32>], vector<16xf32>,
    %add3A_1882 = arith.addf %gather3A_1881, %get3A_209 : vector<16xf32>
    %add3A_1883 = arith.constant 16 : i32
    %add3A_1884 = vector.broadcast %add3A_1883 : i32 to vector<16xi32>
    %add3A_1885 = arith.addi %add3A_1884, %iota3A : vector<16xi32>
    %gather3A_1886 = tpu.vector_load_idx %arg7[%broadcast_in_dim3A_1877, %add3A_1885, %broadcast_in_dim3A_1875] : memref<8x64x128xf32, #tpu.memory_space<vmem>>[vector<16xi32>, vector<16xi32>, vector<16xi32>], vector<16xf32>,
    %add3A_1887 = arith.addf %gather3A_1886, %get3A_211 : vector<16xf32>
    %add3A_1888 = arith.constant 32 : i32
    %add3A_1889 = vector.broadcast %add3A_1888 : i32 to vector<16xi32>
    %add3A_1890 = arith.addi %add3A_1889, %iota3A : vector<16xi32>
    %gather3A_1891 = tpu.vector_load_idx %arg7[%broadcast_in_dim3A_1877, %add3A_1890, %broadcast_in_dim3A_1875] : memref<8x64x128xf32, #tpu.memory_space<vmem>>[vector<16xi32>, vector<16xi32>, vector<16xi32>], vector<16xf32>,
    %add3A_1892 = arith.addf %gather3A_1891, %get3A_213 : vector<16xf32>
    %add3A_1893 = arith.constant 48 : i32
    %add3A_1894 = vector.broadcast %add3A_1893 : i32 to vector<16xi32>
    %add3A_1895 = arith.addi %add3A_1894, %iota3A : vector<16xi32>
    %gather3A_1896 = tpu.vector_load_idx %arg7[%broadcast_in_dim3A_1877, %add3A_1895, %broadcast_in_dim3A_1875] : memref<8x64x128xf32, #tpu.memory_space<vmem>>[vector<16xi32>, vector<16xi32>, vector<16xi32>], vector<16xf32>,
    %add3A_1897 = arith.addf %gather3A_1896, %get3A_215 : vector<16xf32>
    %shift_right_arithmetic3A_1898 = arith.constant 7 : i32
    %shift_right_arithmetic3A_1899 = arith.shrsi %squeeze3A_49, %shift_right_arithmetic3A_1898 : i32
    %shift_left3A_1900 = arith.constant 7 : i32
    %shift_left3A_1901 = arith.shli %shift_right_arithmetic3A_1899, %shift_left3A_1900 : i32
    %multiple_of3A_1902 = tpu.assume_multiple %shift_left3A_1901, 128 : i32
    %dma_start3A_1903 = arith.constant 6 : i32
    %dma_start3A_1904 = arith.constant 0 : i32
    %dma_start3A_1905 = arith.constant 0 : i32
    %dma_start3A_1906 = tpu.memref_slice %arg7[%dma_start3A_1903, %dma_start3A_1904, %dma_start3A_1905] : memref<8x64x128xf32, #tpu.memory_space<vmem>> -> memref<1x64x128xf32, #tpu.memory_space<vmem>>
    %dma_start3A_1907 = tpu.memref_squeeze %dma_start3A_1906 : memref<1x64x128xf32, #tpu.memory_space<vmem>> -> memref<64x128xf32, #tpu.memory_space<vmem>>
    %dma_start3A_1908 = arith.constant 0 : i32
    %dma_start3A_1909 = tpu.memref_slice %arg3[%dma_start3A_1908, %multiple_of3A_1902] : memref<64x100000xf32, #tpu.memory_space<hbm>> -> memref<64x128xf32, #tpu.memory_space<hbm>>
    %dma_start3A_1910 = arith.constant 0 : i32
    %dma_start3A_1911 = arith.constant 0 : i32
    %dma_start3A_1912 = tpu.memref_slice %arg7[%dma_start3A_1903, %dma_start3A_1910, %dma_start3A_1911] : memref<8x64x128xf32, #tpu.memory_space<vmem>> -> memref<1x64x128xf32, #tpu.memory_space<vmem>>
    %dma_start3A_1913 = tpu.memref_squeeze %dma_start3A_1912 : memref<1x64x128xf32, #tpu.memory_space<vmem>> -> memref<64x128xf32, #tpu.memory_space<vmem>>
    %dma_start3A_1914 = arith.constant 0 : i32
    %dma_start3A_1915 = tpu.memref_slice %arg3[%dma_start3A_1914, %multiple_of3A_1902] : memref<64x100000xf32, #tpu.memory_space<hbm>> -> memref<64x128xf32, #tpu.memory_space<hbm>>
    tpu.enqueue_dma source(%dma_start3A_1915 : memref<64x128xf32, #tpu.memory_space<hbm>>) target(%dma_start3A_1913 : memref<64x128xf32, #tpu.memory_space<vmem>>) target_semaphore(%arg16 : memref<!tpu.dma_semaphore, #tpu.memory_space<semaphore_mem>>)
    %mul3A_1916 = arith.mulf %add3A_1882, %add3A_1882 : vector<16xf32>
    %mul3A_1917 = arith.mulf %add3A_1887, %add3A_1887 : vector<16xf32>
    %add3A_1918 = arith.addf %mul3A_1916, %mul3A_1917 : vector<16xf32>
    %mul3A_1919 = arith.mulf %add3A_1892, %add3A_1892 : vector<16xf32>
    %mul3A_1920 = arith.mulf %add3A_1897, %add3A_1897 : vector<16xf32>
    %add3A_1921 = arith.addf %mul3A_1919, %mul3A_1920 : vector<16xf32>
    %add3A_1922 = arith.addf %add3A_1918, %add3A_1921 : vector<16xf32>
    %reduce_sum3A_1923 = arith.constant true
    %reduce_sum3A_1924 = vector.broadcast %reduce_sum3A_1923 : i1 to vector<16xi1>
    %reduce_sum3A_1925 = tpu.scan <sum>, %add3A_1922 masked %reduce_sum3A_1924 : vector<16xf32>, vector<16xi1> -> vector<16xf32>
    %reduce_sum3A_1926 = vector.extract %reduce_sum3A_1925[15] : f32 from vector<16xf32>
    %max3A_1927 = arith.constant 1.000000e-24 : f32
    %max3A_1928 = arith.maximumf %reduce_sum3A_1926, %max3A_1927 : f32
    %bitcast_convert_type3A_1929 = arith.bitcast %max3A_1928 : f32 to i32
    %shift_right_arithmetic3A_1930 = arith.constant 1 : i32
    %shift_right_arithmetic3A_1931 = arith.shrsi %bitcast_convert_type3A_1929, %shift_right_arithmetic3A_1930 : i32
    %sub3A_1932 = arith.constant 1597463007 : i32
    %sub3A_1933 = arith.subi %sub3A_1932, %shift_right_arithmetic3A_1931 : i32
    %bitcast_convert_type3A_1934 = arith.bitcast %sub3A_1933 : i32 to f32
    %mul3A_1935 = arith.constant 5.000000e-01 : f32
    %mul3A_1936 = arith.mulf %mul3A_1935, %max3A_1928 : f32
    %mul3A_1937 = arith.mulf %mul3A_1936, %bitcast_convert_type3A_1934 : f32
    %mul3A_1938 = arith.mulf %mul3A_1937, %bitcast_convert_type3A_1934 : f32
    %sub3A_1939 = arith.constant 1.500000e+00 : f32
    %sub3A_1940 = arith.subf %sub3A_1939, %mul3A_1938 : f32
    %mul3A_1941 = arith.mulf %bitcast_convert_type3A_1934, %sub3A_1940 : f32
    %mul3A_1942 = arith.constant 5.000000e-01 : f32
    %mul3A_1943 = arith.mulf %mul3A_1942, %max3A_1928 : f32
    %mul3A_1944 = arith.mulf %mul3A_1943, %mul3A_1941 : f32
    %mul3A_1945 = arith.mulf %mul3A_1944, %mul3A_1941 : f32
    %sub3A_1946 = arith.constant 1.500000e+00 : f32
    %sub3A_1947 = arith.subf %sub3A_1946, %mul3A_1945 : f32
    %mul3A_1948 = arith.mulf %mul3A_1941, %sub3A_1947 : f32
    %mul3A_1949 = arith.constant 5.000000e-01 : f32
    %mul3A_1950 = arith.mulf %mul3A_1949, %max3A_1928 : f32
    %mul3A_1951 = arith.mulf %mul3A_1950, %mul3A_1948 : f32
    %mul3A_1952 = arith.mulf %mul3A_1951, %mul3A_1948 : f32
    %sub3A_1953 = arith.constant 1.500000e+00 : f32
    %sub3A_1954 = arith.subf %sub3A_1953, %mul3A_1952 : f32
    %mul3A_1955 = arith.mulf %mul3A_1948, %sub3A_1954 : f32
    %broadcast_in_dim3A_1956 = arith.constant 14 : i32
    %broadcast_in_dim3A_1957 = vector.broadcast %broadcast_in_dim3A_1956 : i32 to vector<16xi32>
    %add3A_1958 = arith.constant 0 : i32
    %add3A_1959 = vector.broadcast %add3A_1958 : i32 to vector<16xi32>
    %add3A_1960 = arith.addi %add3A_1959, %iota3A : vector<16xi32>
    %mul3A_1961 = vector.broadcast %mul3A_1955 : f32 to vector<16xf32>
    %mul3A_1962 = arith.mulf %add3A_1882, %mul3A_1961 : vector<16xf32>
    tpu.vector_store_idx %arg9[%broadcast_in_dim3A_1957, %add3A_1960], %mul3A_1962 : memref<32x64xf32, #tpu.memory_space<vmem>>[vector<16xi32>, vector<16xi32>], vector<16xf32>,
    %add3A_1963 = arith.constant 16 : i32
    %add3A_1964 = vector.broadcast %add3A_1963 : i32 to vector<16xi32>
    %add3A_1965 = arith.addi %add3A_1964, %iota3A : vector<16xi32>
    %mul3A_1966 = vector.broadcast %mul3A_1955 : f32 to vector<16xf32>
    %mul3A_1967 = arith.mulf %add3A_1887, %mul3A_1966 : vector<16xf32>
    tpu.vector_store_idx %arg9[%broadcast_in_dim3A_1957, %add3A_1965], %mul3A_1967 : memref<32x64xf32, #tpu.memory_space<vmem>>[vector<16xi32>, vector<16xi32>], vector<16xf32>,
    %add3A_1968 = arith.constant 32 : i32
    %add3A_1969 = vector.broadcast %add3A_1968 : i32 to vector<16xi32>
    %add3A_1970 = arith.addi %add3A_1969, %iota3A : vector<16xi32>
    %mul3A_1971 = vector.broadcast %mul3A_1955 : f32 to vector<16xf32>
    %mul3A_1972 = arith.mulf %add3A_1892, %mul3A_1971 : vector<16xf32>
    tpu.vector_store_idx %arg9[%broadcast_in_dim3A_1957, %add3A_1970], %mul3A_1972 : memref<32x64xf32, #tpu.memory_space<vmem>>[vector<16xi32>, vector<16xi32>], vector<16xf32>,
    %add3A_1973 = arith.constant 48 : i32
    %add3A_1974 = vector.broadcast %add3A_1973 : i32 to vector<16xi32>
    %add3A_1975 = arith.addi %add3A_1974, %iota3A : vector<16xi32>
    %mul3A_1976 = vector.broadcast %mul3A_1955 : f32 to vector<16xf32>
    %mul3A_1977 = arith.mulf %add3A_1897, %mul3A_1976 : vector<16xf32>
    tpu.vector_store_idx %arg9[%broadcast_in_dim3A_1957, %add3A_1975], %mul3A_1977 : memref<32x64xf32, #tpu.memory_space<vmem>>[vector<16xi32>, vector<16xi32>], vector<16xf32>,
    %dma_wait3A_1978 = arith.constant 7 : i32
    %dma_wait3A_1979 = arith.constant 0 : i32
    %dma_wait3A_1980 = arith.constant 0 : i32
    %dma_wait3A_1981 = tpu.memref_slice %arg7[%dma_wait3A_1978, %dma_wait3A_1979, %dma_wait3A_1980] : memref<8x64x128xf32, #tpu.memory_space<vmem>> -> memref<1x64x128xf32, #tpu.memory_space<vmem>>
    %dma_wait3A_1982 = tpu.memref_squeeze %dma_wait3A_1981 : memref<1x64x128xf32, #tpu.memory_space<vmem>> -> memref<64x128xf32, #tpu.memory_space<vmem>>
    %dma_wait3A_1983 = arith.constant 0 : i32
    %dma_wait3A_1984 = tpu.memref_slice %arg3[%dma_wait3A_1983, %multiple_of3A_1076] : memref<64x100000xf32, #tpu.memory_space<hbm>> -> memref<64x128xf32, #tpu.memory_space<hbm>>
    %dma_wait3A_1985 = arith.constant 0 : i32
    %dma_wait3A_1986 = arith.constant 0 : i32
    %dma_wait3A_1987 = tpu.memref_slice %arg7[%dma_wait3A_1978, %dma_wait3A_1985, %dma_wait3A_1986] : memref<8x64x128xf32, #tpu.memory_space<vmem>> -> memref<1x64x128xf32, #tpu.memory_space<vmem>>
    %dma_wait3A_1988 = tpu.memref_squeeze %dma_wait3A_1987 : memref<1x64x128xf32, #tpu.memory_space<vmem>> -> memref<64x128xf32, #tpu.memory_space<vmem>>
    %dma_wait3A_1989 = arith.constant 0 : i32
    %dma_wait3A_1990 = tpu.memref_slice %arg3[%dma_wait3A_1989, %multiple_of3A_1076] : memref<64x100000xf32, #tpu.memory_space<hbm>> -> memref<64x128xf32, #tpu.memory_space<hbm>>
    tpu.wait_dma2 semaphore(%arg17 : memref<!tpu.dma_semaphore, #tpu.memory_space<semaphore_mem>>) src(%dma_wait3A_1990 : memref<64x128xf32, #tpu.memory_space<hbm>>) dst(%dma_wait3A_1988 : memref<64x128xf32, #tpu.memory_space<vmem>>)
    %and3A_1991 = arith.constant 127 : i32
    %and3A_1992 = arith.andi %squeeze3A_35, %and3A_1991 : i32
    %broadcast_in_dim3A_1993 = vector.broadcast %and3A_1992 : i32 to vector<16xi32>
    %broadcast_in_dim3A_1994 = arith.constant 7 : i32
    %broadcast_in_dim3A_1995 = vector.broadcast %broadcast_in_dim3A_1994 : i32 to vector<16xi32>
    %add3A_1996 = arith.constant 0 : i32
    %add3A_1997 = vector.broadcast %add3A_1996 : i32 to vector<16xi32>
    %add3A_1998 = arith.addi %add3A_1997, %iota3A : vector<16xi32>
    %gather3A_1999 = tpu.vector_load_idx %arg7[%broadcast_in_dim3A_1995, %add3A_1998, %broadcast_in_dim3A_1993] : memref<8x64x128xf32, #tpu.memory_space<vmem>>[vector<16xi32>, vector<16xi32>, vector<16xi32>], vector<16xf32>,
    %add3A_2000 = arith.addf %gather3A_1999, %get3A_209 : vector<16xf32>
    %add3A_2001 = arith.constant 16 : i32
    %add3A_2002 = vector.broadcast %add3A_2001 : i32 to vector<16xi32>
    %add3A_2003 = arith.addi %add3A_2002, %iota3A : vector<16xi32>
    %gather3A_2004 = tpu.vector_load_idx %arg7[%broadcast_in_dim3A_1995, %add3A_2003, %broadcast_in_dim3A_1993] : memref<8x64x128xf32, #tpu.memory_space<vmem>>[vector<16xi32>, vector<16xi32>, vector<16xi32>], vector<16xf32>,
    %add3A_2005 = arith.addf %gather3A_2004, %get3A_211 : vector<16xf32>
    %add3A_2006 = arith.constant 32 : i32
    %add3A_2007 = vector.broadcast %add3A_2006 : i32 to vector<16xi32>
    %add3A_2008 = arith.addi %add3A_2007, %iota3A : vector<16xi32>
    %gather3A_2009 = tpu.vector_load_idx %arg7[%broadcast_in_dim3A_1995, %add3A_2008, %broadcast_in_dim3A_1993] : memref<8x64x128xf32, #tpu.memory_space<vmem>>[vector<16xi32>, vector<16xi32>, vector<16xi32>], vector<16xf32>,
    %add3A_2010 = arith.addf %gather3A_2009, %get3A_213 : vector<16xf32>
    %add3A_2011 = arith.constant 48 : i32
    %add3A_2012 = vector.broadcast %add3A_2011 : i32 to vector<16xi32>
    %add3A_2013 = arith.addi %add3A_2012, %iota3A : vector<16xi32>
    %gather3A_2014 = tpu.vector_load_idx %arg7[%broadcast_in_dim3A_1995, %add3A_2013, %broadcast_in_dim3A_1993] : memref<8x64x128xf32, #tpu.memory_space<vmem>>[vector<16xi32>, vector<16xi32>, vector<16xi32>], vector<16xf32>,
    %add3A_2015 = arith.addf %gather3A_2014, %get3A_215 : vector<16xf32>
    %shift_right_arithmetic3A_2016 = arith.constant 7 : i32
    %shift_right_arithmetic3A_2017 = arith.shrsi %squeeze3A_51, %shift_right_arithmetic3A_2016 : i32
    %shift_left3A_2018 = arith.constant 7 : i32
    %shift_left3A_2019 = arith.shli %shift_right_arithmetic3A_2017, %shift_left3A_2018 : i32
    %multiple_of3A_2020 = tpu.assume_multiple %shift_left3A_2019, 128 : i32
    %dma_start3A_2021 = arith.constant 7 : i32
    %dma_start3A_2022 = arith.constant 0 : i32
    %dma_start3A_2023 = arith.constant 0 : i32
    %dma_start3A_2024 = tpu.memref_slice %arg7[%dma_start3A_2021, %dma_start3A_2022, %dma_start3A_2023] : memref<8x64x128xf32, #tpu.memory_space<vmem>> -> memref<1x64x128xf32, #tpu.memory_space<vmem>>
    %dma_start3A_2025 = tpu.memref_squeeze %dma_start3A_2024 : memref<1x64x128xf32, #tpu.memory_space<vmem>> -> memref<64x128xf32, #tpu.memory_space<vmem>>
    %dma_start3A_2026 = arith.constant 0 : i32
    %dma_start3A_2027 = tpu.memref_slice %arg3[%dma_start3A_2026, %multiple_of3A_2020] : memref<64x100000xf32, #tpu.memory_space<hbm>> -> memref<64x128xf32, #tpu.memory_space<hbm>>
    %dma_start3A_2028 = arith.constant 0 : i32
    %dma_start3A_2029 = arith.constant 0 : i32
    %dma_start3A_2030 = tpu.memref_slice %arg7[%dma_start3A_2021, %dma_start3A_2028, %dma_start3A_2029] : memref<8x64x128xf32, #tpu.memory_space<vmem>> -> memref<1x64x128xf32, #tpu.memory_space<vmem>>
    %dma_start3A_2031 = tpu.memref_squeeze %dma_start3A_2030 : memref<1x64x128xf32, #tpu.memory_space<vmem>> -> memref<64x128xf32, #tpu.memory_space<vmem>>
    %dma_start3A_2032 = arith.constant 0 : i32
    %dma_start3A_2033 = tpu.memref_slice %arg3[%dma_start3A_2032, %multiple_of3A_2020] : memref<64x100000xf32, #tpu.memory_space<hbm>> -> memref<64x128xf32, #tpu.memory_space<hbm>>
    tpu.enqueue_dma source(%dma_start3A_2033 : memref<64x128xf32, #tpu.memory_space<hbm>>) target(%dma_start3A_2031 : memref<64x128xf32, #tpu.memory_space<vmem>>) target_semaphore(%arg17 : memref<!tpu.dma_semaphore, #tpu.memory_space<semaphore_mem>>)
    %mul3A_2034 = arith.mulf %add3A_2000, %add3A_2000 : vector<16xf32>
    %mul3A_2035 = arith.mulf %add3A_2005, %add3A_2005 : vector<16xf32>
    %add3A_2036 = arith.addf %mul3A_2034, %mul3A_2035 : vector<16xf32>
    %mul3A_2037 = arith.mulf %add3A_2010, %add3A_2010 : vector<16xf32>
    %mul3A_2038 = arith.mulf %add3A_2015, %add3A_2015 : vector<16xf32>
    %add3A_2039 = arith.addf %mul3A_2037, %mul3A_2038 : vector<16xf32>
    %add3A_2040 = arith.addf %add3A_2036, %add3A_2039 : vector<16xf32>
    %reduce_sum3A_2041 = arith.constant true
    %reduce_sum3A_2042 = vector.broadcast %reduce_sum3A_2041 : i1 to vector<16xi1>
    %reduce_sum3A_2043 = tpu.scan <sum>, %add3A_2040 masked %reduce_sum3A_2042 : vector<16xf32>, vector<16xi1> -> vector<16xf32>
    %reduce_sum3A_2044 = vector.extract %reduce_sum3A_2043[15] : f32 from vector<16xf32>
    %max3A_2045 = arith.constant 1.000000e-24 : f32
    %max3A_2046 = arith.maximumf %reduce_sum3A_2044, %max3A_2045 : f32
    %bitcast_convert_type3A_2047 = arith.bitcast %max3A_2046 : f32 to i32
    %shift_right_arithmetic3A_2048 = arith.constant 1 : i32
    %shift_right_arithmetic3A_2049 = arith.shrsi %bitcast_convert_type3A_2047, %shift_right_arithmetic3A_2048 : i32
    %sub3A_2050 = arith.constant 1597463007 : i32
    %sub3A_2051 = arith.subi %sub3A_2050, %shift_right_arithmetic3A_2049 : i32
    %bitcast_convert_type3A_2052 = arith.bitcast %sub3A_2051 : i32 to f32
    %mul3A_2053 = arith.constant 5.000000e-01 : f32
    %mul3A_2054 = arith.mulf %mul3A_2053, %max3A_2046 : f32
    %mul3A_2055 = arith.mulf %mul3A_2054, %bitcast_convert_type3A_2052 : f32
    %mul3A_2056 = arith.mulf %mul3A_2055, %bitcast_convert_type3A_2052 : f32
    %sub3A_2057 = arith.constant 1.500000e+00 : f32
    %sub3A_2058 = arith.subf %sub3A_2057, %mul3A_2056 : f32
    %mul3A_2059 = arith.mulf %bitcast_convert_type3A_2052, %sub3A_2058 : f32
    %mul3A_2060 = arith.constant 5.000000e-01 : f32
    %mul3A_2061 = arith.mulf %mul3A_2060, %max3A_2046 : f32
    %mul3A_2062 = arith.mulf %mul3A_2061, %mul3A_2059 : f32
    %mul3A_2063 = arith.mulf %mul3A_2062, %mul3A_2059 : f32
    %sub3A_2064 = arith.constant 1.500000e+00 : f32
    %sub3A_2065 = arith.subf %sub3A_2064, %mul3A_2063 : f32
    %mul3A_2066 = arith.mulf %mul3A_2059, %sub3A_2065 : f32
    %mul3A_2067 = arith.constant 5.000000e-01 : f32
    %mul3A_2068 = arith.mulf %mul3A_2067, %max3A_2046 : f32
    %mul3A_2069 = arith.mulf %mul3A_2068, %mul3A_2066 : f32
    %mul3A_2070 = arith.mulf %mul3A_2069, %mul3A_2066 : f32
    %sub3A_2071 = arith.constant 1.500000e+00 : f32
    %sub3A_2072 = arith.subf %sub3A_2071, %mul3A_2070 : f32
    %mul3A_2073 = arith.mulf %mul3A_2066, %sub3A_2072 : f32
    %broadcast_in_dim3A_2074 = arith.constant 15 : i32
    %broadcast_in_dim3A_2075 = vector.broadcast %broadcast_in_dim3A_2074 : i32 to vector<16xi32>
    %add3A_2076 = arith.constant 0 : i32
    %add3A_2077 = vector.broadcast %add3A_2076 : i32 to vector<16xi32>
    %add3A_2078 = arith.addi %add3A_2077, %iota3A : vector<16xi32>
    %mul3A_2079 = vector.broadcast %mul3A_2073 : f32 to vector<16xf32>
    %mul3A_2080 = arith.mulf %add3A_2000, %mul3A_2079 : vector<16xf32>
    tpu.vector_store_idx %arg9[%broadcast_in_dim3A_2075, %add3A_2078], %mul3A_2080 : memref<32x64xf32, #tpu.memory_space<vmem>>[vector<16xi32>, vector<16xi32>], vector<16xf32>,
    %add3A_2081 = arith.constant 16 : i32
    %add3A_2082 = vector.broadcast %add3A_2081 : i32 to vector<16xi32>
    %add3A_2083 = arith.addi %add3A_2082, %iota3A : vector<16xi32>
    %mul3A_2084 = vector.broadcast %mul3A_2073 : f32 to vector<16xf32>
    %mul3A_2085 = arith.mulf %add3A_2005, %mul3A_2084 : vector<16xf32>
    tpu.vector_store_idx %arg9[%broadcast_in_dim3A_2075, %add3A_2083], %mul3A_2085 : memref<32x64xf32, #tpu.memory_space<vmem>>[vector<16xi32>, vector<16xi32>], vector<16xf32>,
    %add3A_2086 = arith.constant 32 : i32
    %add3A_2087 = vector.broadcast %add3A_2086 : i32 to vector<16xi32>
    %add3A_2088 = arith.addi %add3A_2087, %iota3A : vector<16xi32>
    %mul3A_2089 = vector.broadcast %mul3A_2073 : f32 to vector<16xf32>
    %mul3A_2090 = arith.mulf %add3A_2010, %mul3A_2089 : vector<16xf32>
    tpu.vector_store_idx %arg9[%broadcast_in_dim3A_2075, %add3A_2088], %mul3A_2090 : memref<32x64xf32, #tpu.memory_space<vmem>>[vector<16xi32>, vector<16xi32>], vector<16xf32>,
    %add3A_2091 = arith.constant 48 : i32
    %add3A_2092 = vector.broadcast %add3A_2091 : i32 to vector<16xi32>
    %add3A_2093 = arith.addi %add3A_2092, %iota3A : vector<16xi32>
    %mul3A_2094 = vector.broadcast %mul3A_2073 : f32 to vector<16xf32>
    %mul3A_2095 = arith.mulf %add3A_2015, %mul3A_2094 : vector<16xf32>
    tpu.vector_store_idx %arg9[%broadcast_in_dim3A_2075, %add3A_2093], %mul3A_2095 : memref<32x64xf32, #tpu.memory_space<vmem>>[vector<16xi32>, vector<16xi32>], vector<16xf32>,
    %dma_wait3A_2096 = arith.constant 0 : i32
    %dma_wait3A_2097 = arith.constant 0 : i32
    %dma_wait3A_2098 = arith.constant 0 : i32
    %dma_wait3A_2099 = tpu.memref_slice %arg7[%dma_wait3A_2096, %dma_wait3A_2097, %dma_wait3A_2098] : memref<8x64x128xf32, #tpu.memory_space<vmem>> -> memref<1x64x128xf32, #tpu.memory_space<vmem>>
    %dma_wait3A_2100 = tpu.memref_squeeze %dma_wait3A_2099 : memref<1x64x128xf32, #tpu.memory_space<vmem>> -> memref<64x128xf32, #tpu.memory_space<vmem>>
    %dma_wait3A_2101 = arith.constant 0 : i32
    %dma_wait3A_2102 = tpu.memref_slice %arg3[%dma_wait3A_2101, %multiple_of3A_1194] : memref<64x100000xf32, #tpu.memory_space<hbm>> -> memref<64x128xf32, #tpu.memory_space<hbm>>
    %dma_wait3A_2103 = arith.constant 0 : i32
    %dma_wait3A_2104 = arith.constant 0 : i32
    %dma_wait3A_2105 = tpu.memref_slice %arg7[%dma_wait3A_2096, %dma_wait3A_2103, %dma_wait3A_2104] : memref<8x64x128xf32, #tpu.memory_space<vmem>> -> memref<1x64x128xf32, #tpu.memory_space<vmem>>
    %dma_wait3A_2106 = tpu.memref_squeeze %dma_wait3A_2105 : memref<1x64x128xf32, #tpu.memory_space<vmem>> -> memref<64x128xf32, #tpu.memory_space<vmem>>
    %dma_wait3A_2107 = arith.constant 0 : i32
    %dma_wait3A_2108 = tpu.memref_slice %arg3[%dma_wait3A_2107, %multiple_of3A_1194] : memref<64x100000xf32, #tpu.memory_space<hbm>> -> memref<64x128xf32, #tpu.memory_space<hbm>>
    tpu.wait_dma2 semaphore(%arg10 : memref<!tpu.dma_semaphore, #tpu.memory_space<semaphore_mem>>) src(%dma_wait3A_2108 : memref<64x128xf32, #tpu.memory_space<hbm>>) dst(%dma_wait3A_2106 : memref<64x128xf32, #tpu.memory_space<vmem>>)
    %and3A_2109 = arith.constant 127 : i32
    %and3A_2110 = arith.andi %squeeze3A_37, %and3A_2109 : i32
    %broadcast_in_dim3A_2111 = vector.broadcast %and3A_2110 : i32 to vector<16xi32>
    %broadcast_in_dim3A_2112 = arith.constant 0 : i32
    %broadcast_in_dim3A_2113 = vector.broadcast %broadcast_in_dim3A_2112 : i32 to vector<16xi32>
    %add3A_2114 = arith.constant 0 : i32
    %add3A_2115 = vector.broadcast %add3A_2114 : i32 to vector<16xi32>
    %add3A_2116 = arith.addi %add3A_2115, %iota3A : vector<16xi32>
    %gather3A_2117 = tpu.vector_load_idx %arg7[%broadcast_in_dim3A_2113, %add3A_2116, %broadcast_in_dim3A_2111] : memref<8x64x128xf32, #tpu.memory_space<vmem>>[vector<16xi32>, vector<16xi32>, vector<16xi32>], vector<16xf32>,
    %add3A_2118 = arith.addf %gather3A_2117, %get3A_209 : vector<16xf32>
    %add3A_2119 = arith.constant 16 : i32
    %add3A_2120 = vector.broadcast %add3A_2119 : i32 to vector<16xi32>
    %add3A_2121 = arith.addi %add3A_2120, %iota3A : vector<16xi32>
    %gather3A_2122 = tpu.vector_load_idx %arg7[%broadcast_in_dim3A_2113, %add3A_2121, %broadcast_in_dim3A_2111] : memref<8x64x128xf32, #tpu.memory_space<vmem>>[vector<16xi32>, vector<16xi32>, vector<16xi32>], vector<16xf32>,
    %add3A_2123 = arith.addf %gather3A_2122, %get3A_211 : vector<16xf32>
    %add3A_2124 = arith.constant 32 : i32
    %add3A_2125 = vector.broadcast %add3A_2124 : i32 to vector<16xi32>
    %add3A_2126 = arith.addi %add3A_2125, %iota3A : vector<16xi32>
    %gather3A_2127 = tpu.vector_load_idx %arg7[%broadcast_in_dim3A_2113, %add3A_2126, %broadcast_in_dim3A_2111] : memref<8x64x128xf32, #tpu.memory_space<vmem>>[vector<16xi32>, vector<16xi32>, vector<16xi32>], vector<16xf32>,
    %add3A_2128 = arith.addf %gather3A_2127, %get3A_213 : vector<16xf32>
    %add3A_2129 = arith.constant 48 : i32
    %add3A_2130 = vector.broadcast %add3A_2129 : i32 to vector<16xi32>
    %add3A_2131 = arith.addi %add3A_2130, %iota3A : vector<16xi32>
    %gather3A_2132 = tpu.vector_load_idx %arg7[%broadcast_in_dim3A_2113, %add3A_2131, %broadcast_in_dim3A_2111] : memref<8x64x128xf32, #tpu.memory_space<vmem>>[vector<16xi32>, vector<16xi32>, vector<16xi32>], vector<16xf32>,
    %add3A_2133 = arith.addf %gather3A_2132, %get3A_215 : vector<16xf32>
    %shift_right_arithmetic3A_2134 = arith.constant 7 : i32
    %shift_right_arithmetic3A_2135 = arith.shrsi %squeeze3A_53, %shift_right_arithmetic3A_2134 : i32
    %shift_left3A_2136 = arith.constant 7 : i32
    %shift_left3A_2137 = arith.shli %shift_right_arithmetic3A_2135, %shift_left3A_2136 : i32
    %multiple_of3A_2138 = tpu.assume_multiple %shift_left3A_2137, 128 : i32
    %dma_start3A_2139 = arith.constant 0 : i32
    %dma_start3A_2140 = arith.constant 0 : i32
    %dma_start3A_2141 = arith.constant 0 : i32
    %dma_start3A_2142 = tpu.memref_slice %arg7[%dma_start3A_2139, %dma_start3A_2140, %dma_start3A_2141] : memref<8x64x128xf32, #tpu.memory_space<vmem>> -> memref<1x64x128xf32, #tpu.memory_space<vmem>>
    %dma_start3A_2143 = tpu.memref_squeeze %dma_start3A_2142 : memref<1x64x128xf32, #tpu.memory_space<vmem>> -> memref<64x128xf32, #tpu.memory_space<vmem>>
    %dma_start3A_2144 = arith.constant 0 : i32
    %dma_start3A_2145 = tpu.memref_slice %arg3[%dma_start3A_2144, %multiple_of3A_2138] : memref<64x100000xf32, #tpu.memory_space<hbm>> -> memref<64x128xf32, #tpu.memory_space<hbm>>
    %dma_start3A_2146 = arith.constant 0 : i32
    %dma_start3A_2147 = arith.constant 0 : i32
    %dma_start3A_2148 = tpu.memref_slice %arg7[%dma_start3A_2139, %dma_start3A_2146, %dma_start3A_2147] : memref<8x64x128xf32, #tpu.memory_space<vmem>> -> memref<1x64x128xf32, #tpu.memory_space<vmem>>
    %dma_start3A_2149 = tpu.memref_squeeze %dma_start3A_2148 : memref<1x64x128xf32, #tpu.memory_space<vmem>> -> memref<64x128xf32, #tpu.memory_space<vmem>>
    %dma_start3A_2150 = arith.constant 0 : i32
    %dma_start3A_2151 = tpu.memref_slice %arg3[%dma_start3A_2150, %multiple_of3A_2138] : memref<64x100000xf32, #tpu.memory_space<hbm>> -> memref<64x128xf32, #tpu.memory_space<hbm>>
    tpu.enqueue_dma source(%dma_start3A_2151 : memref<64x128xf32, #tpu.memory_space<hbm>>) target(%dma_start3A_2149 : memref<64x128xf32, #tpu.memory_space<vmem>>) target_semaphore(%arg10 : memref<!tpu.dma_semaphore, #tpu.memory_space<semaphore_mem>>)
    %mul3A_2152 = arith.mulf %add3A_2118, %add3A_2118 : vector<16xf32>
    %mul3A_2153 = arith.mulf %add3A_2123, %add3A_2123 : vector<16xf32>
    %add3A_2154 = arith.addf %mul3A_2152, %mul3A_2153 : vector<16xf32>
    %mul3A_2155 = arith.mulf %add3A_2128, %add3A_2128 : vector<16xf32>
    %mul3A_2156 = arith.mulf %add3A_2133, %add3A_2133 : vector<16xf32>
    %add3A_2157 = arith.addf %mul3A_2155, %mul3A_2156 : vector<16xf32>
    %add3A_2158 = arith.addf %add3A_2154, %add3A_2157 : vector<16xf32>
    %reduce_sum3A_2159 = arith.constant true
    %reduce_sum3A_2160 = vector.broadcast %reduce_sum3A_2159 : i1 to vector<16xi1>
    %reduce_sum3A_2161 = tpu.scan <sum>, %add3A_2158 masked %reduce_sum3A_2160 : vector<16xf32>, vector<16xi1> -> vector<16xf32>
    %reduce_sum3A_2162 = vector.extract %reduce_sum3A_2161[15] : f32 from vector<16xf32>
    %max3A_2163 = arith.constant 1.000000e-24 : f32
    %max3A_2164 = arith.maximumf %reduce_sum3A_2162, %max3A_2163 : f32
    %bitcast_convert_type3A_2165 = arith.bitcast %max3A_2164 : f32 to i32
    %shift_right_arithmetic3A_2166 = arith.constant 1 : i32
    %shift_right_arithmetic3A_2167 = arith.shrsi %bitcast_convert_type3A_2165, %shift_right_arithmetic3A_2166 : i32
    %sub3A_2168 = arith.constant 1597463007 : i32
    %sub3A_2169 = arith.subi %sub3A_2168, %shift_right_arithmetic3A_2167 : i32
    %bitcast_convert_type3A_2170 = arith.bitcast %sub3A_2169 : i32 to f32
    %mul3A_2171 = arith.constant 5.000000e-01 : f32
    %mul3A_2172 = arith.mulf %mul3A_2171, %max3A_2164 : f32
    %mul3A_2173 = arith.mulf %mul3A_2172, %bitcast_convert_type3A_2170 : f32
    %mul3A_2174 = arith.mulf %mul3A_2173, %bitcast_convert_type3A_2170 : f32
    %sub3A_2175 = arith.constant 1.500000e+00 : f32
    %sub3A_2176 = arith.subf %sub3A_2175, %mul3A_2174 : f32
    %mul3A_2177 = arith.mulf %bitcast_convert_type3A_2170, %sub3A_2176 : f32
    %mul3A_2178 = arith.constant 5.000000e-01 : f32
    %mul3A_2179 = arith.mulf %mul3A_2178, %max3A_2164 : f32
    %mul3A_2180 = arith.mulf %mul3A_2179, %mul3A_2177 : f32
    %mul3A_2181 = arith.mulf %mul3A_2180, %mul3A_2177 : f32
    %sub3A_2182 = arith.constant 1.500000e+00 : f32
    %sub3A_2183 = arith.subf %sub3A_2182, %mul3A_2181 : f32
    %mul3A_2184 = arith.mulf %mul3A_2177, %sub3A_2183 : f32
    %mul3A_2185 = arith.constant 5.000000e-01 : f32
    %mul3A_2186 = arith.mulf %mul3A_2185, %max3A_2164 : f32
    %mul3A_2187 = arith.mulf %mul3A_2186, %mul3A_2184 : f32
    %mul3A_2188 = arith.mulf %mul3A_2187, %mul3A_2184 : f32
    %sub3A_2189 = arith.constant 1.500000e+00 : f32
    %sub3A_2190 = arith.subf %sub3A_2189, %mul3A_2188 : f32
    %mul3A_2191 = arith.mulf %mul3A_2184, %sub3A_2190 : f32
    %broadcast_in_dim3A_2192 = arith.constant 16 : i32
    %broadcast_in_dim3A_2193 = vector.broadcast %broadcast_in_dim3A_2192 : i32 to vector<16xi32>
    %add3A_2194 = arith.constant 0 : i32
    %add3A_2195 = vector.broadcast %add3A_2194 : i32 to vector<16xi32>
    %add3A_2196 = arith.addi %add3A_2195, %iota3A : vector<16xi32>
    %mul3A_2197 = vector.broadcast %mul3A_2191 : f32 to vector<16xf32>
    %mul3A_2198 = arith.mulf %add3A_2118, %mul3A_2197 : vector<16xf32>
    tpu.vector_store_idx %arg9[%broadcast_in_dim3A_2193, %add3A_2196], %mul3A_2198 : memref<32x64xf32, #tpu.memory_space<vmem>>[vector<16xi32>, vector<16xi32>], vector<16xf32>,
    %add3A_2199 = arith.constant 16 : i32
    %add3A_2200 = vector.broadcast %add3A_2199 : i32 to vector<16xi32>
    %add3A_2201 = arith.addi %add3A_2200, %iota3A : vector<16xi32>
    %mul3A_2202 = vector.broadcast %mul3A_2191 : f32 to vector<16xf32>
    %mul3A_2203 = arith.mulf %add3A_2123, %mul3A_2202 : vector<16xf32>
    tpu.vector_store_idx %arg9[%broadcast_in_dim3A_2193, %add3A_2201], %mul3A_2203 : memref<32x64xf32, #tpu.memory_space<vmem>>[vector<16xi32>, vector<16xi32>], vector<16xf32>,
    %add3A_2204 = arith.constant 32 : i32
    %add3A_2205 = vector.broadcast %add3A_2204 : i32 to vector<16xi32>
    %add3A_2206 = arith.addi %add3A_2205, %iota3A : vector<16xi32>
    %mul3A_2207 = vector.broadcast %mul3A_2191 : f32 to vector<16xf32>
    %mul3A_2208 = arith.mulf %add3A_2128, %mul3A_2207 : vector<16xf32>
    tpu.vector_store_idx %arg9[%broadcast_in_dim3A_2193, %add3A_2206], %mul3A_2208 : memref<32x64xf32, #tpu.memory_space<vmem>>[vector<16xi32>, vector<16xi32>], vector<16xf32>,
    %add3A_2209 = arith.constant 48 : i32
    %add3A_2210 = vector.broadcast %add3A_2209 : i32 to vector<16xi32>
    %add3A_2211 = arith.addi %add3A_2210, %iota3A : vector<16xi32>
    %mul3A_2212 = vector.broadcast %mul3A_2191 : f32 to vector<16xf32>
    %mul3A_2213 = arith.mulf %add3A_2133, %mul3A_2212 : vector<16xf32>
    tpu.vector_store_idx %arg9[%broadcast_in_dim3A_2193, %add3A_2211], %mul3A_2213 : memref<32x64xf32, #tpu.memory_space<vmem>>[vector<16xi32>, vector<16xi32>], vector<16xf32>,
    %dma_wait3A_2214 = arith.constant 1 : i32
    %dma_wait3A_2215 = arith.constant 0 : i32
    %dma_wait3A_2216 = arith.constant 0 : i32
    %dma_wait3A_2217 = tpu.memref_slice %arg7[%dma_wait3A_2214, %dma_wait3A_2215, %dma_wait3A_2216] : memref<8x64x128xf32, #tpu.memory_space<vmem>> -> memref<1x64x128xf32, #tpu.memory_space<vmem>>
    %dma_wait3A_2218 = tpu.memref_squeeze %dma_wait3A_2217 : memref<1x64x128xf32, #tpu.memory_space<vmem>> -> memref<64x128xf32, #tpu.memory_space<vmem>>
    %dma_wait3A_2219 = arith.constant 0 : i32
    %dma_wait3A_2220 = tpu.memref_slice %arg3[%dma_wait3A_2219, %multiple_of3A_1312] : memref<64x100000xf32, #tpu.memory_space<hbm>> -> memref<64x128xf32, #tpu.memory_space<hbm>>
    %dma_wait3A_2221 = arith.constant 0 : i32
    %dma_wait3A_2222 = arith.constant 0 : i32
    %dma_wait3A_2223 = tpu.memref_slice %arg7[%dma_wait3A_2214, %dma_wait3A_2221, %dma_wait3A_2222] : memref<8x64x128xf32, #tpu.memory_space<vmem>> -> memref<1x64x128xf32, #tpu.memory_space<vmem>>
    %dma_wait3A_2224 = tpu.memref_squeeze %dma_wait3A_2223 : memref<1x64x128xf32, #tpu.memory_space<vmem>> -> memref<64x128xf32, #tpu.memory_space<vmem>>
    %dma_wait3A_2225 = arith.constant 0 : i32
    %dma_wait3A_2226 = tpu.memref_slice %arg3[%dma_wait3A_2225, %multiple_of3A_1312] : memref<64x100000xf32, #tpu.memory_space<hbm>> -> memref<64x128xf32, #tpu.memory_space<hbm>>
    tpu.wait_dma2 semaphore(%arg11 : memref<!tpu.dma_semaphore, #tpu.memory_space<semaphore_mem>>) src(%dma_wait3A_2226 : memref<64x128xf32, #tpu.memory_space<hbm>>) dst(%dma_wait3A_2224 : memref<64x128xf32, #tpu.memory_space<vmem>>)
    %and3A_2227 = arith.constant 127 : i32
    %and3A_2228 = arith.andi %squeeze3A_39, %and3A_2227 : i32
    %broadcast_in_dim3A_2229 = vector.broadcast %and3A_2228 : i32 to vector<16xi32>
    %broadcast_in_dim3A_2230 = arith.constant 1 : i32
    %broadcast_in_dim3A_2231 = vector.broadcast %broadcast_in_dim3A_2230 : i32 to vector<16xi32>
    %add3A_2232 = arith.constant 0 : i32
    %add3A_2233 = vector.broadcast %add3A_2232 : i32 to vector<16xi32>
    %add3A_2234 = arith.addi %add3A_2233, %iota3A : vector<16xi32>
    %gather3A_2235 = tpu.vector_load_idx %arg7[%broadcast_in_dim3A_2231, %add3A_2234, %broadcast_in_dim3A_2229] : memref<8x64x128xf32, #tpu.memory_space<vmem>>[vector<16xi32>, vector<16xi32>, vector<16xi32>], vector<16xf32>,
    %add3A_2236 = arith.addf %gather3A_2235, %get3A_209 : vector<16xf32>
    %add3A_2237 = arith.constant 16 : i32
    %add3A_2238 = vector.broadcast %add3A_2237 : i32 to vector<16xi32>
    %add3A_2239 = arith.addi %add3A_2238, %iota3A : vector<16xi32>
    %gather3A_2240 = tpu.vector_load_idx %arg7[%broadcast_in_dim3A_2231, %add3A_2239, %broadcast_in_dim3A_2229] : memref<8x64x128xf32, #tpu.memory_space<vmem>>[vector<16xi32>, vector<16xi32>, vector<16xi32>], vector<16xf32>,
    %add3A_2241 = arith.addf %gather3A_2240, %get3A_211 : vector<16xf32>
    %add3A_2242 = arith.constant 32 : i32
    %add3A_2243 = vector.broadcast %add3A_2242 : i32 to vector<16xi32>
    %add3A_2244 = arith.addi %add3A_2243, %iota3A : vector<16xi32>
    %gather3A_2245 = tpu.vector_load_idx %arg7[%broadcast_in_dim3A_2231, %add3A_2244, %broadcast_in_dim3A_2229] : memref<8x64x128xf32, #tpu.memory_space<vmem>>[vector<16xi32>, vector<16xi32>, vector<16xi32>], vector<16xf32>,
    %add3A_2246 = arith.addf %gather3A_2245, %get3A_213 : vector<16xf32>
    %add3A_2247 = arith.constant 48 : i32
    %add3A_2248 = vector.broadcast %add3A_2247 : i32 to vector<16xi32>
    %add3A_2249 = arith.addi %add3A_2248, %iota3A : vector<16xi32>
    %gather3A_2250 = tpu.vector_load_idx %arg7[%broadcast_in_dim3A_2231, %add3A_2249, %broadcast_in_dim3A_2229] : memref<8x64x128xf32, #tpu.memory_space<vmem>>[vector<16xi32>, vector<16xi32>, vector<16xi32>], vector<16xf32>,
    %add3A_2251 = arith.addf %gather3A_2250, %get3A_215 : vector<16xf32>
    %shift_right_arithmetic3A_2252 = arith.constant 7 : i32
    %shift_right_arithmetic3A_2253 = arith.shrsi %squeeze3A_55, %shift_right_arithmetic3A_2252 : i32
    %shift_left3A_2254 = arith.constant 7 : i32
    %shift_left3A_2255 = arith.shli %shift_right_arithmetic3A_2253, %shift_left3A_2254 : i32
    %multiple_of3A_2256 = tpu.assume_multiple %shift_left3A_2255, 128 : i32
    %dma_start3A_2257 = arith.constant 1 : i32
    %dma_start3A_2258 = arith.constant 0 : i32
    %dma_start3A_2259 = arith.constant 0 : i32
    %dma_start3A_2260 = tpu.memref_slice %arg7[%dma_start3A_2257, %dma_start3A_2258, %dma_start3A_2259] : memref<8x64x128xf32, #tpu.memory_space<vmem>> -> memref<1x64x128xf32, #tpu.memory_space<vmem>>
    %dma_start3A_2261 = tpu.memref_squeeze %dma_start3A_2260 : memref<1x64x128xf32, #tpu.memory_space<vmem>> -> memref<64x128xf32, #tpu.memory_space<vmem>>
    %dma_start3A_2262 = arith.constant 0 : i32
    %dma_start3A_2263 = tpu.memref_slice %arg3[%dma_start3A_2262, %multiple_of3A_2256] : memref<64x100000xf32, #tpu.memory_space<hbm>> -> memref<64x128xf32, #tpu.memory_space<hbm>>
    %dma_start3A_2264 = arith.constant 0 : i32
    %dma_start3A_2265 = arith.constant 0 : i32
    %dma_start3A_2266 = tpu.memref_slice %arg7[%dma_start3A_2257, %dma_start3A_2264, %dma_start3A_2265] : memref<8x64x128xf32, #tpu.memory_space<vmem>> -> memref<1x64x128xf32, #tpu.memory_space<vmem>>
    %dma_start3A_2267 = tpu.memref_squeeze %dma_start3A_2266 : memref<1x64x128xf32, #tpu.memory_space<vmem>> -> memref<64x128xf32, #tpu.memory_space<vmem>>
    %dma_start3A_2268 = arith.constant 0 : i32
    %dma_start3A_2269 = tpu.memref_slice %arg3[%dma_start3A_2268, %multiple_of3A_2256] : memref<64x100000xf32, #tpu.memory_space<hbm>> -> memref<64x128xf32, #tpu.memory_space<hbm>>
    tpu.enqueue_dma source(%dma_start3A_2269 : memref<64x128xf32, #tpu.memory_space<hbm>>) target(%dma_start3A_2267 : memref<64x128xf32, #tpu.memory_space<vmem>>) target_semaphore(%arg11 : memref<!tpu.dma_semaphore, #tpu.memory_space<semaphore_mem>>)
    %mul3A_2270 = arith.mulf %add3A_2236, %add3A_2236 : vector<16xf32>
    %mul3A_2271 = arith.mulf %add3A_2241, %add3A_2241 : vector<16xf32>
    %add3A_2272 = arith.addf %mul3A_2270, %mul3A_2271 : vector<16xf32>
    %mul3A_2273 = arith.mulf %add3A_2246, %add3A_2246 : vector<16xf32>
    %mul3A_2274 = arith.mulf %add3A_2251, %add3A_2251 : vector<16xf32>
    %add3A_2275 = arith.addf %mul3A_2273, %mul3A_2274 : vector<16xf32>
    %add3A_2276 = arith.addf %add3A_2272, %add3A_2275 : vector<16xf32>
    %reduce_sum3A_2277 = arith.constant true
    %reduce_sum3A_2278 = vector.broadcast %reduce_sum3A_2277 : i1 to vector<16xi1>
    %reduce_sum3A_2279 = tpu.scan <sum>, %add3A_2276 masked %reduce_sum3A_2278 : vector<16xf32>, vector<16xi1> -> vector<16xf32>
    %reduce_sum3A_2280 = vector.extract %reduce_sum3A_2279[15] : f32 from vector<16xf32>
    %max3A_2281 = arith.constant 1.000000e-24 : f32
    %max3A_2282 = arith.maximumf %reduce_sum3A_2280, %max3A_2281 : f32
    %bitcast_convert_type3A_2283 = arith.bitcast %max3A_2282 : f32 to i32
    %shift_right_arithmetic3A_2284 = arith.constant 1 : i32
    %shift_right_arithmetic3A_2285 = arith.shrsi %bitcast_convert_type3A_2283, %shift_right_arithmetic3A_2284 : i32
    %sub3A_2286 = arith.constant 1597463007 : i32
    %sub3A_2287 = arith.subi %sub3A_2286, %shift_right_arithmetic3A_2285 : i32
    %bitcast_convert_type3A_2288 = arith.bitcast %sub3A_2287 : i32 to f32
    %mul3A_2289 = arith.constant 5.000000e-01 : f32
    %mul3A_2290 = arith.mulf %mul3A_2289, %max3A_2282 : f32
    %mul3A_2291 = arith.mulf %mul3A_2290, %bitcast_convert_type3A_2288 : f32
    %mul3A_2292 = arith.mulf %mul3A_2291, %bitcast_convert_type3A_2288 : f32
    %sub3A_2293 = arith.constant 1.500000e+00 : f32
    %sub3A_2294 = arith.subf %sub3A_2293, %mul3A_2292 : f32
    %mul3A_2295 = arith.mulf %bitcast_convert_type3A_2288, %sub3A_2294 : f32
    %mul3A_2296 = arith.constant 5.000000e-01 : f32
    %mul3A_2297 = arith.mulf %mul3A_2296, %max3A_2282 : f32
    %mul3A_2298 = arith.mulf %mul3A_2297, %mul3A_2295 : f32
    %mul3A_2299 = arith.mulf %mul3A_2298, %mul3A_2295 : f32
    %sub3A_2300 = arith.constant 1.500000e+00 : f32
    %sub3A_2301 = arith.subf %sub3A_2300, %mul3A_2299 : f32
    %mul3A_2302 = arith.mulf %mul3A_2295, %sub3A_2301 : f32
    %mul3A_2303 = arith.constant 5.000000e-01 : f32
    %mul3A_2304 = arith.mulf %mul3A_2303, %max3A_2282 : f32
    %mul3A_2305 = arith.mulf %mul3A_2304, %mul3A_2302 : f32
    %mul3A_2306 = arith.mulf %mul3A_2305, %mul3A_2302 : f32
    %sub3A_2307 = arith.constant 1.500000e+00 : f32
    %sub3A_2308 = arith.subf %sub3A_2307, %mul3A_2306 : f32
    %mul3A_2309 = arith.mulf %mul3A_2302, %sub3A_2308 : f32
    %broadcast_in_dim3A_2310 = arith.constant 17 : i32
    %broadcast_in_dim3A_2311 = vector.broadcast %broadcast_in_dim3A_2310 : i32 to vector<16xi32>
    %add3A_2312 = arith.constant 0 : i32
    %add3A_2313 = vector.broadcast %add3A_2312 : i32 to vector<16xi32>
    %add3A_2314 = arith.addi %add3A_2313, %iota3A : vector<16xi32>
    %mul3A_2315 = vector.broadcast %mul3A_2309 : f32 to vector<16xf32>
    %mul3A_2316 = arith.mulf %add3A_2236, %mul3A_2315 : vector<16xf32>
    tpu.vector_store_idx %arg9[%broadcast_in_dim3A_2311, %add3A_2314], %mul3A_2316 : memref<32x64xf32, #tpu.memory_space<vmem>>[vector<16xi32>, vector<16xi32>], vector<16xf32>,
    %add3A_2317 = arith.constant 16 : i32
    %add3A_2318 = vector.broadcast %add3A_2317 : i32 to vector<16xi32>
    %add3A_2319 = arith.addi %add3A_2318, %iota3A : vector<16xi32>
    %mul3A_2320 = vector.broadcast %mul3A_2309 : f32 to vector<16xf32>
    %mul3A_2321 = arith.mulf %add3A_2241, %mul3A_2320 : vector<16xf32>
    tpu.vector_store_idx %arg9[%broadcast_in_dim3A_2311, %add3A_2319], %mul3A_2321 : memref<32x64xf32, #tpu.memory_space<vmem>>[vector<16xi32>, vector<16xi32>], vector<16xf32>,
    %add3A_2322 = arith.constant 32 : i32
    %add3A_2323 = vector.broadcast %add3A_2322 : i32 to vector<16xi32>
    %add3A_2324 = arith.addi %add3A_2323, %iota3A : vector<16xi32>
    %mul3A_2325 = vector.broadcast %mul3A_2309 : f32 to vector<16xf32>
    %mul3A_2326 = arith.mulf %add3A_2246, %mul3A_2325 : vector<16xf32>
    tpu.vector_store_idx %arg9[%broadcast_in_dim3A_2311, %add3A_2324], %mul3A_2326 : memref<32x64xf32, #tpu.memory_space<vmem>>[vector<16xi32>, vector<16xi32>], vector<16xf32>,
    %add3A_2327 = arith.constant 48 : i32
    %add3A_2328 = vector.broadcast %add3A_2327 : i32 to vector<16xi32>
    %add3A_2329 = arith.addi %add3A_2328, %iota3A : vector<16xi32>
    %mul3A_2330 = vector.broadcast %mul3A_2309 : f32 to vector<16xf32>
    %mul3A_2331 = arith.mulf %add3A_2251, %mul3A_2330 : vector<16xf32>
    tpu.vector_store_idx %arg9[%broadcast_in_dim3A_2311, %add3A_2329], %mul3A_2331 : memref<32x64xf32, #tpu.memory_space<vmem>>[vector<16xi32>, vector<16xi32>], vector<16xf32>,
    %dma_wait3A_2332 = arith.constant 2 : i32
    %dma_wait3A_2333 = arith.constant 0 : i32
    %dma_wait3A_2334 = arith.constant 0 : i32
    %dma_wait3A_2335 = tpu.memref_slice %arg7[%dma_wait3A_2332, %dma_wait3A_2333, %dma_wait3A_2334] : memref<8x64x128xf32, #tpu.memory_space<vmem>> -> memref<1x64x128xf32, #tpu.memory_space<vmem>>
    %dma_wait3A_2336 = tpu.memref_squeeze %dma_wait3A_2335 : memref<1x64x128xf32, #tpu.memory_space<vmem>> -> memref<64x128xf32, #tpu.memory_space<vmem>>
    %dma_wait3A_2337 = arith.constant 0 : i32
    %dma_wait3A_2338 = tpu.memref_slice %arg3[%dma_wait3A_2337, %multiple_of3A_1430] : memref<64x100000xf32, #tpu.memory_space<hbm>> -> memref<64x128xf32, #tpu.memory_space<hbm>>
    %dma_wait3A_2339 = arith.constant 0 : i32
    %dma_wait3A_2340 = arith.constant 0 : i32
    %dma_wait3A_2341 = tpu.memref_slice %arg7[%dma_wait3A_2332, %dma_wait3A_2339, %dma_wait3A_2340] : memref<8x64x128xf32, #tpu.memory_space<vmem>> -> memref<1x64x128xf32, #tpu.memory_space<vmem>>
    %dma_wait3A_2342 = tpu.memref_squeeze %dma_wait3A_2341 : memref<1x64x128xf32, #tpu.memory_space<vmem>> -> memref<64x128xf32, #tpu.memory_space<vmem>>
    %dma_wait3A_2343 = arith.constant 0 : i32
    %dma_wait3A_2344 = tpu.memref_slice %arg3[%dma_wait3A_2343, %multiple_of3A_1430] : memref<64x100000xf32, #tpu.memory_space<hbm>> -> memref<64x128xf32, #tpu.memory_space<hbm>>
    tpu.wait_dma2 semaphore(%arg12 : memref<!tpu.dma_semaphore, #tpu.memory_space<semaphore_mem>>) src(%dma_wait3A_2344 : memref<64x128xf32, #tpu.memory_space<hbm>>) dst(%dma_wait3A_2342 : memref<64x128xf32, #tpu.memory_space<vmem>>)
    %and3A_2345 = arith.constant 127 : i32
    %and3A_2346 = arith.andi %squeeze3A_41, %and3A_2345 : i32
    %broadcast_in_dim3A_2347 = vector.broadcast %and3A_2346 : i32 to vector<16xi32>
    %broadcast_in_dim3A_2348 = arith.constant 2 : i32
    %broadcast_in_dim3A_2349 = vector.broadcast %broadcast_in_dim3A_2348 : i32 to vector<16xi32>
    %add3A_2350 = arith.constant 0 : i32
    %add3A_2351 = vector.broadcast %add3A_2350 : i32 to vector<16xi32>
    %add3A_2352 = arith.addi %add3A_2351, %iota3A : vector<16xi32>
    %gather3A_2353 = tpu.vector_load_idx %arg7[%broadcast_in_dim3A_2349, %add3A_2352, %broadcast_in_dim3A_2347] : memref<8x64x128xf32, #tpu.memory_space<vmem>>[vector<16xi32>, vector<16xi32>, vector<16xi32>], vector<16xf32>,
    %add3A_2354 = arith.addf %gather3A_2353, %get3A_209 : vector<16xf32>
    %add3A_2355 = arith.constant 16 : i32
    %add3A_2356 = vector.broadcast %add3A_2355 : i32 to vector<16xi32>
    %add3A_2357 = arith.addi %add3A_2356, %iota3A : vector<16xi32>
    %gather3A_2358 = tpu.vector_load_idx %arg7[%broadcast_in_dim3A_2349, %add3A_2357, %broadcast_in_dim3A_2347] : memref<8x64x128xf32, #tpu.memory_space<vmem>>[vector<16xi32>, vector<16xi32>, vector<16xi32>], vector<16xf32>,
    %add3A_2359 = arith.addf %gather3A_2358, %get3A_211 : vector<16xf32>
    %add3A_2360 = arith.constant 32 : i32
    %add3A_2361 = vector.broadcast %add3A_2360 : i32 to vector<16xi32>
    %add3A_2362 = arith.addi %add3A_2361, %iota3A : vector<16xi32>
    %gather3A_2363 = tpu.vector_load_idx %arg7[%broadcast_in_dim3A_2349, %add3A_2362, %broadcast_in_dim3A_2347] : memref<8x64x128xf32, #tpu.memory_space<vmem>>[vector<16xi32>, vector<16xi32>, vector<16xi32>], vector<16xf32>,
    %add3A_2364 = arith.addf %gather3A_2363, %get3A_213 : vector<16xf32>
    %add3A_2365 = arith.constant 48 : i32
    %add3A_2366 = vector.broadcast %add3A_2365 : i32 to vector<16xi32>
    %add3A_2367 = arith.addi %add3A_2366, %iota3A : vector<16xi32>
    %gather3A_2368 = tpu.vector_load_idx %arg7[%broadcast_in_dim3A_2349, %add3A_2367, %broadcast_in_dim3A_2347] : memref<8x64x128xf32, #tpu.memory_space<vmem>>[vector<16xi32>, vector<16xi32>, vector<16xi32>], vector<16xf32>,
    %add3A_2369 = arith.addf %gather3A_2368, %get3A_215 : vector<16xf32>
    %shift_right_arithmetic3A_2370 = arith.constant 7 : i32
    %shift_right_arithmetic3A_2371 = arith.shrsi %squeeze3A_57, %shift_right_arithmetic3A_2370 : i32
    %shift_left3A_2372 = arith.constant 7 : i32
    %shift_left3A_2373 = arith.shli %shift_right_arithmetic3A_2371, %shift_left3A_2372 : i32
    %multiple_of3A_2374 = tpu.assume_multiple %shift_left3A_2373, 128 : i32
    %dma_start3A_2375 = arith.constant 2 : i32
    %dma_start3A_2376 = arith.constant 0 : i32
    %dma_start3A_2377 = arith.constant 0 : i32
    %dma_start3A_2378 = tpu.memref_slice %arg7[%dma_start3A_2375, %dma_start3A_2376, %dma_start3A_2377] : memref<8x64x128xf32, #tpu.memory_space<vmem>> -> memref<1x64x128xf32, #tpu.memory_space<vmem>>
    %dma_start3A_2379 = tpu.memref_squeeze %dma_start3A_2378 : memref<1x64x128xf32, #tpu.memory_space<vmem>> -> memref<64x128xf32, #tpu.memory_space<vmem>>
    %dma_start3A_2380 = arith.constant 0 : i32
    %dma_start3A_2381 = tpu.memref_slice %arg3[%dma_start3A_2380, %multiple_of3A_2374] : memref<64x100000xf32, #tpu.memory_space<hbm>> -> memref<64x128xf32, #tpu.memory_space<hbm>>
    %dma_start3A_2382 = arith.constant 0 : i32
    %dma_start3A_2383 = arith.constant 0 : i32
    %dma_start3A_2384 = tpu.memref_slice %arg7[%dma_start3A_2375, %dma_start3A_2382, %dma_start3A_2383] : memref<8x64x128xf32, #tpu.memory_space<vmem>> -> memref<1x64x128xf32, #tpu.memory_space<vmem>>
    %dma_start3A_2385 = tpu.memref_squeeze %dma_start3A_2384 : memref<1x64x128xf32, #tpu.memory_space<vmem>> -> memref<64x128xf32, #tpu.memory_space<vmem>>
    %dma_start3A_2386 = arith.constant 0 : i32
    %dma_start3A_2387 = tpu.memref_slice %arg3[%dma_start3A_2386, %multiple_of3A_2374] : memref<64x100000xf32, #tpu.memory_space<hbm>> -> memref<64x128xf32, #tpu.memory_space<hbm>>
    tpu.enqueue_dma source(%dma_start3A_2387 : memref<64x128xf32, #tpu.memory_space<hbm>>) target(%dma_start3A_2385 : memref<64x128xf32, #tpu.memory_space<vmem>>) target_semaphore(%arg12 : memref<!tpu.dma_semaphore, #tpu.memory_space<semaphore_mem>>)
    %mul3A_2388 = arith.mulf %add3A_2354, %add3A_2354 : vector<16xf32>
    %mul3A_2389 = arith.mulf %add3A_2359, %add3A_2359 : vector<16xf32>
    %add3A_2390 = arith.addf %mul3A_2388, %mul3A_2389 : vector<16xf32>
    %mul3A_2391 = arith.mulf %add3A_2364, %add3A_2364 : vector<16xf32>
    %mul3A_2392 = arith.mulf %add3A_2369, %add3A_2369 : vector<16xf32>
    %add3A_2393 = arith.addf %mul3A_2391, %mul3A_2392 : vector<16xf32>
    %add3A_2394 = arith.addf %add3A_2390, %add3A_2393 : vector<16xf32>
    %reduce_sum3A_2395 = arith.constant true
    %reduce_sum3A_2396 = vector.broadcast %reduce_sum3A_2395 : i1 to vector<16xi1>
    %reduce_sum3A_2397 = tpu.scan <sum>, %add3A_2394 masked %reduce_sum3A_2396 : vector<16xf32>, vector<16xi1> -> vector<16xf32>
    %reduce_sum3A_2398 = vector.extract %reduce_sum3A_2397[15] : f32 from vector<16xf32>
    %max3A_2399 = arith.constant 1.000000e-24 : f32
    %max3A_2400 = arith.maximumf %reduce_sum3A_2398, %max3A_2399 : f32
    %bitcast_convert_type3A_2401 = arith.bitcast %max3A_2400 : f32 to i32
    %shift_right_arithmetic3A_2402 = arith.constant 1 : i32
    %shift_right_arithmetic3A_2403 = arith.shrsi %bitcast_convert_type3A_2401, %shift_right_arithmetic3A_2402 : i32
    %sub3A_2404 = arith.constant 1597463007 : i32
    %sub3A_2405 = arith.subi %sub3A_2404, %shift_right_arithmetic3A_2403 : i32
    %bitcast_convert_type3A_2406 = arith.bitcast %sub3A_2405 : i32 to f32
    %mul3A_2407 = arith.constant 5.000000e-01 : f32
    %mul3A_2408 = arith.mulf %mul3A_2407, %max3A_2400 : f32
    %mul3A_2409 = arith.mulf %mul3A_2408, %bitcast_convert_type3A_2406 : f32
    %mul3A_2410 = arith.mulf %mul3A_2409, %bitcast_convert_type3A_2406 : f32
    %sub3A_2411 = arith.constant 1.500000e+00 : f32
    %sub3A_2412 = arith.subf %sub3A_2411, %mul3A_2410 : f32
    %mul3A_2413 = arith.mulf %bitcast_convert_type3A_2406, %sub3A_2412 : f32
    %mul3A_2414 = arith.constant 5.000000e-01 : f32
    %mul3A_2415 = arith.mulf %mul3A_2414, %max3A_2400 : f32
    %mul3A_2416 = arith.mulf %mul3A_2415, %mul3A_2413 : f32
    %mul3A_2417 = arith.mulf %mul3A_2416, %mul3A_2413 : f32
    %sub3A_2418 = arith.constant 1.500000e+00 : f32
    %sub3A_2419 = arith.subf %sub3A_2418, %mul3A_2417 : f32
    %mul3A_2420 = arith.mulf %mul3A_2413, %sub3A_2419 : f32
    %mul3A_2421 = arith.constant 5.000000e-01 : f32
    %mul3A_2422 = arith.mulf %mul3A_2421, %max3A_2400 : f32
    %mul3A_2423 = arith.mulf %mul3A_2422, %mul3A_2420 : f32
    %mul3A_2424 = arith.mulf %mul3A_2423, %mul3A_2420 : f32
    %sub3A_2425 = arith.constant 1.500000e+00 : f32
    %sub3A_2426 = arith.subf %sub3A_2425, %mul3A_2424 : f32
    %mul3A_2427 = arith.mulf %mul3A_2420, %sub3A_2426 : f32
    %broadcast_in_dim3A_2428 = arith.constant 18 : i32
    %broadcast_in_dim3A_2429 = vector.broadcast %broadcast_in_dim3A_2428 : i32 to vector<16xi32>
    %add3A_2430 = arith.constant 0 : i32
    %add3A_2431 = vector.broadcast %add3A_2430 : i32 to vector<16xi32>
    %add3A_2432 = arith.addi %add3A_2431, %iota3A : vector<16xi32>
    %mul3A_2433 = vector.broadcast %mul3A_2427 : f32 to vector<16xf32>
    %mul3A_2434 = arith.mulf %add3A_2354, %mul3A_2433 : vector<16xf32>
    tpu.vector_store_idx %arg9[%broadcast_in_dim3A_2429, %add3A_2432], %mul3A_2434 : memref<32x64xf32, #tpu.memory_space<vmem>>[vector<16xi32>, vector<16xi32>], vector<16xf32>,
    %add3A_2435 = arith.constant 16 : i32
    %add3A_2436 = vector.broadcast %add3A_2435 : i32 to vector<16xi32>
    %add3A_2437 = arith.addi %add3A_2436, %iota3A : vector<16xi32>
    %mul3A_2438 = vector.broadcast %mul3A_2427 : f32 to vector<16xf32>
    %mul3A_2439 = arith.mulf %add3A_2359, %mul3A_2438 : vector<16xf32>
    tpu.vector_store_idx %arg9[%broadcast_in_dim3A_2429, %add3A_2437], %mul3A_2439 : memref<32x64xf32, #tpu.memory_space<vmem>>[vector<16xi32>, vector<16xi32>], vector<16xf32>,
    %add3A_2440 = arith.constant 32 : i32
    %add3A_2441 = vector.broadcast %add3A_2440 : i32 to vector<16xi32>
    %add3A_2442 = arith.addi %add3A_2441, %iota3A : vector<16xi32>
    %mul3A_2443 = vector.broadcast %mul3A_2427 : f32 to vector<16xf32>
    %mul3A_2444 = arith.mulf %add3A_2364, %mul3A_2443 : vector<16xf32>
    tpu.vector_store_idx %arg9[%broadcast_in_dim3A_2429, %add3A_2442], %mul3A_2444 : memref<32x64xf32, #tpu.memory_space<vmem>>[vector<16xi32>, vector<16xi32>], vector<16xf32>,
    %add3A_2445 = arith.constant 48 : i32
    %add3A_2446 = vector.broadcast %add3A_2445 : i32 to vector<16xi32>
    %add3A_2447 = arith.addi %add3A_2446, %iota3A : vector<16xi32>
    %mul3A_2448 = vector.broadcast %mul3A_2427 : f32 to vector<16xf32>
    %mul3A_2449 = arith.mulf %add3A_2369, %mul3A_2448 : vector<16xf32>
    tpu.vector_store_idx %arg9[%broadcast_in_dim3A_2429, %add3A_2447], %mul3A_2449 : memref<32x64xf32, #tpu.memory_space<vmem>>[vector<16xi32>, vector<16xi32>], vector<16xf32>,
    %dma_wait3A_2450 = arith.constant 3 : i32
    %dma_wait3A_2451 = arith.constant 0 : i32
    %dma_wait3A_2452 = arith.constant 0 : i32
    %dma_wait3A_2453 = tpu.memref_slice %arg7[%dma_wait3A_2450, %dma_wait3A_2451, %dma_wait3A_2452] : memref<8x64x128xf32, #tpu.memory_space<vmem>> -> memref<1x64x128xf32, #tpu.memory_space<vmem>>
    %dma_wait3A_2454 = tpu.memref_squeeze %dma_wait3A_2453 : memref<1x64x128xf32, #tpu.memory_space<vmem>> -> memref<64x128xf32, #tpu.memory_space<vmem>>
    %dma_wait3A_2455 = arith.constant 0 : i32
    %dma_wait3A_2456 = tpu.memref_slice %arg3[%dma_wait3A_2455, %multiple_of3A_1548] : memref<64x100000xf32, #tpu.memory_space<hbm>> -> memref<64x128xf32, #tpu.memory_space<hbm>>
    %dma_wait3A_2457 = arith.constant 0 : i32
    %dma_wait3A_2458 = arith.constant 0 : i32
    %dma_wait3A_2459 = tpu.memref_slice %arg7[%dma_wait3A_2450, %dma_wait3A_2457, %dma_wait3A_2458] : memref<8x64x128xf32, #tpu.memory_space<vmem>> -> memref<1x64x128xf32, #tpu.memory_space<vmem>>
    %dma_wait3A_2460 = tpu.memref_squeeze %dma_wait3A_2459 : memref<1x64x128xf32, #tpu.memory_space<vmem>> -> memref<64x128xf32, #tpu.memory_space<vmem>>
    %dma_wait3A_2461 = arith.constant 0 : i32
    %dma_wait3A_2462 = tpu.memref_slice %arg3[%dma_wait3A_2461, %multiple_of3A_1548] : memref<64x100000xf32, #tpu.memory_space<hbm>> -> memref<64x128xf32, #tpu.memory_space<hbm>>
    tpu.wait_dma2 semaphore(%arg13 : memref<!tpu.dma_semaphore, #tpu.memory_space<semaphore_mem>>) src(%dma_wait3A_2462 : memref<64x128xf32, #tpu.memory_space<hbm>>) dst(%dma_wait3A_2460 : memref<64x128xf32, #tpu.memory_space<vmem>>)
    %and3A_2463 = arith.constant 127 : i32
    %and3A_2464 = arith.andi %squeeze3A_43, %and3A_2463 : i32
    %broadcast_in_dim3A_2465 = vector.broadcast %and3A_2464 : i32 to vector<16xi32>
    %broadcast_in_dim3A_2466 = arith.constant 3 : i32
    %broadcast_in_dim3A_2467 = vector.broadcast %broadcast_in_dim3A_2466 : i32 to vector<16xi32>
    %add3A_2468 = arith.constant 0 : i32
    %add3A_2469 = vector.broadcast %add3A_2468 : i32 to vector<16xi32>
    %add3A_2470 = arith.addi %add3A_2469, %iota3A : vector<16xi32>
    %gather3A_2471 = tpu.vector_load_idx %arg7[%broadcast_in_dim3A_2467, %add3A_2470, %broadcast_in_dim3A_2465] : memref<8x64x128xf32, #tpu.memory_space<vmem>>[vector<16xi32>, vector<16xi32>, vector<16xi32>], vector<16xf32>,
    %add3A_2472 = arith.addf %gather3A_2471, %get3A_209 : vector<16xf32>
    %add3A_2473 = arith.constant 16 : i32
    %add3A_2474 = vector.broadcast %add3A_2473 : i32 to vector<16xi32>
    %add3A_2475 = arith.addi %add3A_2474, %iota3A : vector<16xi32>
    %gather3A_2476 = tpu.vector_load_idx %arg7[%broadcast_in_dim3A_2467, %add3A_2475, %broadcast_in_dim3A_2465] : memref<8x64x128xf32, #tpu.memory_space<vmem>>[vector<16xi32>, vector<16xi32>, vector<16xi32>], vector<16xf32>,
    %add3A_2477 = arith.addf %gather3A_2476, %get3A_211 : vector<16xf32>
    %add3A_2478 = arith.constant 32 : i32
    %add3A_2479 = vector.broadcast %add3A_2478 : i32 to vector<16xi32>
    %add3A_2480 = arith.addi %add3A_2479, %iota3A : vector<16xi32>
    %gather3A_2481 = tpu.vector_load_idx %arg7[%broadcast_in_dim3A_2467, %add3A_2480, %broadcast_in_dim3A_2465] : memref<8x64x128xf32, #tpu.memory_space<vmem>>[vector<16xi32>, vector<16xi32>, vector<16xi32>], vector<16xf32>,
    %add3A_2482 = arith.addf %gather3A_2481, %get3A_213 : vector<16xf32>
    %add3A_2483 = arith.constant 48 : i32
    %add3A_2484 = vector.broadcast %add3A_2483 : i32 to vector<16xi32>
    %add3A_2485 = arith.addi %add3A_2484, %iota3A : vector<16xi32>
    %gather3A_2486 = tpu.vector_load_idx %arg7[%broadcast_in_dim3A_2467, %add3A_2485, %broadcast_in_dim3A_2465] : memref<8x64x128xf32, #tpu.memory_space<vmem>>[vector<16xi32>, vector<16xi32>, vector<16xi32>], vector<16xf32>,
    %add3A_2487 = arith.addf %gather3A_2486, %get3A_215 : vector<16xf32>
    %shift_right_arithmetic3A_2488 = arith.constant 7 : i32
    %shift_right_arithmetic3A_2489 = arith.shrsi %squeeze3A_59, %shift_right_arithmetic3A_2488 : i32
    %shift_left3A_2490 = arith.constant 7 : i32
    %shift_left3A_2491 = arith.shli %shift_right_arithmetic3A_2489, %shift_left3A_2490 : i32
    %multiple_of3A_2492 = tpu.assume_multiple %shift_left3A_2491, 128 : i32
    %dma_start3A_2493 = arith.constant 3 : i32
    %dma_start3A_2494 = arith.constant 0 : i32
    %dma_start3A_2495 = arith.constant 0 : i32
    %dma_start3A_2496 = tpu.memref_slice %arg7[%dma_start3A_2493, %dma_start3A_2494, %dma_start3A_2495] : memref<8x64x128xf32, #tpu.memory_space<vmem>> -> memref<1x64x128xf32, #tpu.memory_space<vmem>>
    %dma_start3A_2497 = tpu.memref_squeeze %dma_start3A_2496 : memref<1x64x128xf32, #tpu.memory_space<vmem>> -> memref<64x128xf32, #tpu.memory_space<vmem>>
    %dma_start3A_2498 = arith.constant 0 : i32
    %dma_start3A_2499 = tpu.memref_slice %arg3[%dma_start3A_2498, %multiple_of3A_2492] : memref<64x100000xf32, #tpu.memory_space<hbm>> -> memref<64x128xf32, #tpu.memory_space<hbm>>
    %dma_start3A_2500 = arith.constant 0 : i32
    %dma_start3A_2501 = arith.constant 0 : i32
    %dma_start3A_2502 = tpu.memref_slice %arg7[%dma_start3A_2493, %dma_start3A_2500, %dma_start3A_2501] : memref<8x64x128xf32, #tpu.memory_space<vmem>> -> memref<1x64x128xf32, #tpu.memory_space<vmem>>
    %dma_start3A_2503 = tpu.memref_squeeze %dma_start3A_2502 : memref<1x64x128xf32, #tpu.memory_space<vmem>> -> memref<64x128xf32, #tpu.memory_space<vmem>>
    %dma_start3A_2504 = arith.constant 0 : i32
    %dma_start3A_2505 = tpu.memref_slice %arg3[%dma_start3A_2504, %multiple_of3A_2492] : memref<64x100000xf32, #tpu.memory_space<hbm>> -> memref<64x128xf32, #tpu.memory_space<hbm>>
    tpu.enqueue_dma source(%dma_start3A_2505 : memref<64x128xf32, #tpu.memory_space<hbm>>) target(%dma_start3A_2503 : memref<64x128xf32, #tpu.memory_space<vmem>>) target_semaphore(%arg13 : memref<!tpu.dma_semaphore, #tpu.memory_space<semaphore_mem>>)
    %mul3A_2506 = arith.mulf %add3A_2472, %add3A_2472 : vector<16xf32>
    %mul3A_2507 = arith.mulf %add3A_2477, %add3A_2477 : vector<16xf32>
    %add3A_2508 = arith.addf %mul3A_2506, %mul3A_2507 : vector<16xf32>
    %mul3A_2509 = arith.mulf %add3A_2482, %add3A_2482 : vector<16xf32>
    %mul3A_2510 = arith.mulf %add3A_2487, %add3A_2487 : vector<16xf32>
    %add3A_2511 = arith.addf %mul3A_2509, %mul3A_2510 : vector<16xf32>
    %add3A_2512 = arith.addf %add3A_2508, %add3A_2511 : vector<16xf32>
    %reduce_sum3A_2513 = arith.constant true
    %reduce_sum3A_2514 = vector.broadcast %reduce_sum3A_2513 : i1 to vector<16xi1>
    %reduce_sum3A_2515 = tpu.scan <sum>, %add3A_2512 masked %reduce_sum3A_2514 : vector<16xf32>, vector<16xi1> -> vector<16xf32>
    %reduce_sum3A_2516 = vector.extract %reduce_sum3A_2515[15] : f32 from vector<16xf32>
    %max3A_2517 = arith.constant 1.000000e-24 : f32
    %max3A_2518 = arith.maximumf %reduce_sum3A_2516, %max3A_2517 : f32
    %bitcast_convert_type3A_2519 = arith.bitcast %max3A_2518 : f32 to i32
    %shift_right_arithmetic3A_2520 = arith.constant 1 : i32
    %shift_right_arithmetic3A_2521 = arith.shrsi %bitcast_convert_type3A_2519, %shift_right_arithmetic3A_2520 : i32
    %sub3A_2522 = arith.constant 1597463007 : i32
    %sub3A_2523 = arith.subi %sub3A_2522, %shift_right_arithmetic3A_2521 : i32
    %bitcast_convert_type3A_2524 = arith.bitcast %sub3A_2523 : i32 to f32
    %mul3A_2525 = arith.constant 5.000000e-01 : f32
    %mul3A_2526 = arith.mulf %mul3A_2525, %max3A_2518 : f32
    %mul3A_2527 = arith.mulf %mul3A_2526, %bitcast_convert_type3A_2524 : f32
    %mul3A_2528 = arith.mulf %mul3A_2527, %bitcast_convert_type3A_2524 : f32
    %sub3A_2529 = arith.constant 1.500000e+00 : f32
    %sub3A_2530 = arith.subf %sub3A_2529, %mul3A_2528 : f32
    %mul3A_2531 = arith.mulf %bitcast_convert_type3A_2524, %sub3A_2530 : f32
    %mul3A_2532 = arith.constant 5.000000e-01 : f32
    %mul3A_2533 = arith.mulf %mul3A_2532, %max3A_2518 : f32
    %mul3A_2534 = arith.mulf %mul3A_2533, %mul3A_2531 : f32
    %mul3A_2535 = arith.mulf %mul3A_2534, %mul3A_2531 : f32
    %sub3A_2536 = arith.constant 1.500000e+00 : f32
    %sub3A_2537 = arith.subf %sub3A_2536, %mul3A_2535 : f32
    %mul3A_2538 = arith.mulf %mul3A_2531, %sub3A_2537 : f32
    %mul3A_2539 = arith.constant 5.000000e-01 : f32
    %mul3A_2540 = arith.mulf %mul3A_2539, %max3A_2518 : f32
    %mul3A_2541 = arith.mulf %mul3A_2540, %mul3A_2538 : f32
    %mul3A_2542 = arith.mulf %mul3A_2541, %mul3A_2538 : f32
    %sub3A_2543 = arith.constant 1.500000e+00 : f32
    %sub3A_2544 = arith.subf %sub3A_2543, %mul3A_2542 : f32
    %mul3A_2545 = arith.mulf %mul3A_2538, %sub3A_2544 : f32
    %broadcast_in_dim3A_2546 = arith.constant 19 : i32
    %broadcast_in_dim3A_2547 = vector.broadcast %broadcast_in_dim3A_2546 : i32 to vector<16xi32>
    %add3A_2548 = arith.constant 0 : i32
    %add3A_2549 = vector.broadcast %add3A_2548 : i32 to vector<16xi32>
    %add3A_2550 = arith.addi %add3A_2549, %iota3A : vector<16xi32>
    %mul3A_2551 = vector.broadcast %mul3A_2545 : f32 to vector<16xf32>
    %mul3A_2552 = arith.mulf %add3A_2472, %mul3A_2551 : vector<16xf32>
    tpu.vector_store_idx %arg9[%broadcast_in_dim3A_2547, %add3A_2550], %mul3A_2552 : memref<32x64xf32, #tpu.memory_space<vmem>>[vector<16xi32>, vector<16xi32>], vector<16xf32>,
    %add3A_2553 = arith.constant 16 : i32
    %add3A_2554 = vector.broadcast %add3A_2553 : i32 to vector<16xi32>
    %add3A_2555 = arith.addi %add3A_2554, %iota3A : vector<16xi32>
    %mul3A_2556 = vector.broadcast %mul3A_2545 : f32 to vector<16xf32>
    %mul3A_2557 = arith.mulf %add3A_2477, %mul3A_2556 : vector<16xf32>
    tpu.vector_store_idx %arg9[%broadcast_in_dim3A_2547, %add3A_2555], %mul3A_2557 : memref<32x64xf32, #tpu.memory_space<vmem>>[vector<16xi32>, vector<16xi32>], vector<16xf32>,
    %add3A_2558 = arith.constant 32 : i32
    %add3A_2559 = vector.broadcast %add3A_2558 : i32 to vector<16xi32>
    %add3A_2560 = arith.addi %add3A_2559, %iota3A : vector<16xi32>
    %mul3A_2561 = vector.broadcast %mul3A_2545 : f32 to vector<16xf32>
    %mul3A_2562 = arith.mulf %add3A_2482, %mul3A_2561 : vector<16xf32>
    tpu.vector_store_idx %arg9[%broadcast_in_dim3A_2547, %add3A_2560], %mul3A_2562 : memref<32x64xf32, #tpu.memory_space<vmem>>[vector<16xi32>, vector<16xi32>], vector<16xf32>,
    %add3A_2563 = arith.constant 48 : i32
    %add3A_2564 = vector.broadcast %add3A_2563 : i32 to vector<16xi32>
    %add3A_2565 = arith.addi %add3A_2564, %iota3A : vector<16xi32>
    %mul3A_2566 = vector.broadcast %mul3A_2545 : f32 to vector<16xf32>
    %mul3A_2567 = arith.mulf %add3A_2487, %mul3A_2566 : vector<16xf32>
    tpu.vector_store_idx %arg9[%broadcast_in_dim3A_2547, %add3A_2565], %mul3A_2567 : memref<32x64xf32, #tpu.memory_space<vmem>>[vector<16xi32>, vector<16xi32>], vector<16xf32>,
    %dma_wait3A_2568 = arith.constant 4 : i32
    %dma_wait3A_2569 = arith.constant 0 : i32
    %dma_wait3A_2570 = arith.constant 0 : i32
    %dma_wait3A_2571 = tpu.memref_slice %arg7[%dma_wait3A_2568, %dma_wait3A_2569, %dma_wait3A_2570] : memref<8x64x128xf32, #tpu.memory_space<vmem>> -> memref<1x64x128xf32, #tpu.memory_space<vmem>>
    %dma_wait3A_2572 = tpu.memref_squeeze %dma_wait3A_2571 : memref<1x64x128xf32, #tpu.memory_space<vmem>> -> memref<64x128xf32, #tpu.memory_space<vmem>>
    %dma_wait3A_2573 = arith.constant 0 : i32
    %dma_wait3A_2574 = tpu.memref_slice %arg3[%dma_wait3A_2573, %multiple_of3A_1666] : memref<64x100000xf32, #tpu.memory_space<hbm>> -> memref<64x128xf32, #tpu.memory_space<hbm>>
    %dma_wait3A_2575 = arith.constant 0 : i32
    %dma_wait3A_2576 = arith.constant 0 : i32
    %dma_wait3A_2577 = tpu.memref_slice %arg7[%dma_wait3A_2568, %dma_wait3A_2575, %dma_wait3A_2576] : memref<8x64x128xf32, #tpu.memory_space<vmem>> -> memref<1x64x128xf32, #tpu.memory_space<vmem>>
    %dma_wait3A_2578 = tpu.memref_squeeze %dma_wait3A_2577 : memref<1x64x128xf32, #tpu.memory_space<vmem>> -> memref<64x128xf32, #tpu.memory_space<vmem>>
    %dma_wait3A_2579 = arith.constant 0 : i32
    %dma_wait3A_2580 = tpu.memref_slice %arg3[%dma_wait3A_2579, %multiple_of3A_1666] : memref<64x100000xf32, #tpu.memory_space<hbm>> -> memref<64x128xf32, #tpu.memory_space<hbm>>
    tpu.wait_dma2 semaphore(%arg14 : memref<!tpu.dma_semaphore, #tpu.memory_space<semaphore_mem>>) src(%dma_wait3A_2580 : memref<64x128xf32, #tpu.memory_space<hbm>>) dst(%dma_wait3A_2578 : memref<64x128xf32, #tpu.memory_space<vmem>>)
    %and3A_2581 = arith.constant 127 : i32
    %and3A_2582 = arith.andi %squeeze3A_45, %and3A_2581 : i32
    %broadcast_in_dim3A_2583 = vector.broadcast %and3A_2582 : i32 to vector<16xi32>
    %broadcast_in_dim3A_2584 = arith.constant 4 : i32
    %broadcast_in_dim3A_2585 = vector.broadcast %broadcast_in_dim3A_2584 : i32 to vector<16xi32>
    %add3A_2586 = arith.constant 0 : i32
    %add3A_2587 = vector.broadcast %add3A_2586 : i32 to vector<16xi32>
    %add3A_2588 = arith.addi %add3A_2587, %iota3A : vector<16xi32>
    %gather3A_2589 = tpu.vector_load_idx %arg7[%broadcast_in_dim3A_2585, %add3A_2588, %broadcast_in_dim3A_2583] : memref<8x64x128xf32, #tpu.memory_space<vmem>>[vector<16xi32>, vector<16xi32>, vector<16xi32>], vector<16xf32>,
    %add3A_2590 = arith.addf %gather3A_2589, %get3A_209 : vector<16xf32>
    %add3A_2591 = arith.constant 16 : i32
    %add3A_2592 = vector.broadcast %add3A_2591 : i32 to vector<16xi32>
    %add3A_2593 = arith.addi %add3A_2592, %iota3A : vector<16xi32>
    %gather3A_2594 = tpu.vector_load_idx %arg7[%broadcast_in_dim3A_2585, %add3A_2593, %broadcast_in_dim3A_2583] : memref<8x64x128xf32, #tpu.memory_space<vmem>>[vector<16xi32>, vector<16xi32>, vector<16xi32>], vector<16xf32>,
    %add3A_2595 = arith.addf %gather3A_2594, %get3A_211 : vector<16xf32>
    %add3A_2596 = arith.constant 32 : i32
    %add3A_2597 = vector.broadcast %add3A_2596 : i32 to vector<16xi32>
    %add3A_2598 = arith.addi %add3A_2597, %iota3A : vector<16xi32>
    %gather3A_2599 = tpu.vector_load_idx %arg7[%broadcast_in_dim3A_2585, %add3A_2598, %broadcast_in_dim3A_2583] : memref<8x64x128xf32, #tpu.memory_space<vmem>>[vector<16xi32>, vector<16xi32>, vector<16xi32>], vector<16xf32>,
    %add3A_2600 = arith.addf %gather3A_2599, %get3A_213 : vector<16xf32>
    %add3A_2601 = arith.constant 48 : i32
    %add3A_2602 = vector.broadcast %add3A_2601 : i32 to vector<16xi32>
    %add3A_2603 = arith.addi %add3A_2602, %iota3A : vector<16xi32>
    %gather3A_2604 = tpu.vector_load_idx %arg7[%broadcast_in_dim3A_2585, %add3A_2603, %broadcast_in_dim3A_2583] : memref<8x64x128xf32, #tpu.memory_space<vmem>>[vector<16xi32>, vector<16xi32>, vector<16xi32>], vector<16xf32>,
    %add3A_2605 = arith.addf %gather3A_2604, %get3A_215 : vector<16xf32>
    %shift_right_arithmetic3A_2606 = arith.constant 7 : i32
    %shift_right_arithmetic3A_2607 = arith.shrsi %squeeze3A_61, %shift_right_arithmetic3A_2606 : i32
    %shift_left3A_2608 = arith.constant 7 : i32
    %shift_left3A_2609 = arith.shli %shift_right_arithmetic3A_2607, %shift_left3A_2608 : i32
    %multiple_of3A_2610 = tpu.assume_multiple %shift_left3A_2609, 128 : i32
    %dma_start3A_2611 = arith.constant 4 : i32
    %dma_start3A_2612 = arith.constant 0 : i32
    %dma_start3A_2613 = arith.constant 0 : i32
    %dma_start3A_2614 = tpu.memref_slice %arg7[%dma_start3A_2611, %dma_start3A_2612, %dma_start3A_2613] : memref<8x64x128xf32, #tpu.memory_space<vmem>> -> memref<1x64x128xf32, #tpu.memory_space<vmem>>
    %dma_start3A_2615 = tpu.memref_squeeze %dma_start3A_2614 : memref<1x64x128xf32, #tpu.memory_space<vmem>> -> memref<64x128xf32, #tpu.memory_space<vmem>>
    %dma_start3A_2616 = arith.constant 0 : i32
    %dma_start3A_2617 = tpu.memref_slice %arg3[%dma_start3A_2616, %multiple_of3A_2610] : memref<64x100000xf32, #tpu.memory_space<hbm>> -> memref<64x128xf32, #tpu.memory_space<hbm>>
    %dma_start3A_2618 = arith.constant 0 : i32
    %dma_start3A_2619 = arith.constant 0 : i32
    %dma_start3A_2620 = tpu.memref_slice %arg7[%dma_start3A_2611, %dma_start3A_2618, %dma_start3A_2619] : memref<8x64x128xf32, #tpu.memory_space<vmem>> -> memref<1x64x128xf32, #tpu.memory_space<vmem>>
    %dma_start3A_2621 = tpu.memref_squeeze %dma_start3A_2620 : memref<1x64x128xf32, #tpu.memory_space<vmem>> -> memref<64x128xf32, #tpu.memory_space<vmem>>
    %dma_start3A_2622 = arith.constant 0 : i32
    %dma_start3A_2623 = tpu.memref_slice %arg3[%dma_start3A_2622, %multiple_of3A_2610] : memref<64x100000xf32, #tpu.memory_space<hbm>> -> memref<64x128xf32, #tpu.memory_space<hbm>>
    tpu.enqueue_dma source(%dma_start3A_2623 : memref<64x128xf32, #tpu.memory_space<hbm>>) target(%dma_start3A_2621 : memref<64x128xf32, #tpu.memory_space<vmem>>) target_semaphore(%arg14 : memref<!tpu.dma_semaphore, #tpu.memory_space<semaphore_mem>>)
    %mul3A_2624 = arith.mulf %add3A_2590, %add3A_2590 : vector<16xf32>
    %mul3A_2625 = arith.mulf %add3A_2595, %add3A_2595 : vector<16xf32>
    %add3A_2626 = arith.addf %mul3A_2624, %mul3A_2625 : vector<16xf32>
    %mul3A_2627 = arith.mulf %add3A_2600, %add3A_2600 : vector<16xf32>
    %mul3A_2628 = arith.mulf %add3A_2605, %add3A_2605 : vector<16xf32>
    %add3A_2629 = arith.addf %mul3A_2627, %mul3A_2628 : vector<16xf32>
    %add3A_2630 = arith.addf %add3A_2626, %add3A_2629 : vector<16xf32>
    %reduce_sum3A_2631 = arith.constant true
    %reduce_sum3A_2632 = vector.broadcast %reduce_sum3A_2631 : i1 to vector<16xi1>
    %reduce_sum3A_2633 = tpu.scan <sum>, %add3A_2630 masked %reduce_sum3A_2632 : vector<16xf32>, vector<16xi1> -> vector<16xf32>
    %reduce_sum3A_2634 = vector.extract %reduce_sum3A_2633[15] : f32 from vector<16xf32>
    %max3A_2635 = arith.constant 1.000000e-24 : f32
    %max3A_2636 = arith.maximumf %reduce_sum3A_2634, %max3A_2635 : f32
    %bitcast_convert_type3A_2637 = arith.bitcast %max3A_2636 : f32 to i32
    %shift_right_arithmetic3A_2638 = arith.constant 1 : i32
    %shift_right_arithmetic3A_2639 = arith.shrsi %bitcast_convert_type3A_2637, %shift_right_arithmetic3A_2638 : i32
    %sub3A_2640 = arith.constant 1597463007 : i32
    %sub3A_2641 = arith.subi %sub3A_2640, %shift_right_arithmetic3A_2639 : i32
    %bitcast_convert_type3A_2642 = arith.bitcast %sub3A_2641 : i32 to f32
    %mul3A_2643 = arith.constant 5.000000e-01 : f32
    %mul3A_2644 = arith.mulf %mul3A_2643, %max3A_2636 : f32
    %mul3A_2645 = arith.mulf %mul3A_2644, %bitcast_convert_type3A_2642 : f32
    %mul3A_2646 = arith.mulf %mul3A_2645, %bitcast_convert_type3A_2642 : f32
    %sub3A_2647 = arith.constant 1.500000e+00 : f32
    %sub3A_2648 = arith.subf %sub3A_2647, %mul3A_2646 : f32
    %mul3A_2649 = arith.mulf %bitcast_convert_type3A_2642, %sub3A_2648 : f32
    %mul3A_2650 = arith.constant 5.000000e-01 : f32
    %mul3A_2651 = arith.mulf %mul3A_2650, %max3A_2636 : f32
    %mul3A_2652 = arith.mulf %mul3A_2651, %mul3A_2649 : f32
    %mul3A_2653 = arith.mulf %mul3A_2652, %mul3A_2649 : f32
    %sub3A_2654 = arith.constant 1.500000e+00 : f32
    %sub3A_2655 = arith.subf %sub3A_2654, %mul3A_2653 : f32
    %mul3A_2656 = arith.mulf %mul3A_2649, %sub3A_2655 : f32
    %mul3A_2657 = arith.constant 5.000000e-01 : f32
    %mul3A_2658 = arith.mulf %mul3A_2657, %max3A_2636 : f32
    %mul3A_2659 = arith.mulf %mul3A_2658, %mul3A_2656 : f32
    %mul3A_2660 = arith.mulf %mul3A_2659, %mul3A_2656 : f32
    %sub3A_2661 = arith.constant 1.500000e+00 : f32
    %sub3A_2662 = arith.subf %sub3A_2661, %mul3A_2660 : f32
    %mul3A_2663 = arith.mulf %mul3A_2656, %sub3A_2662 : f32
    %broadcast_in_dim3A_2664 = arith.constant 20 : i32
    %broadcast_in_dim3A_2665 = vector.broadcast %broadcast_in_dim3A_2664 : i32 to vector<16xi32>
    %add3A_2666 = arith.constant 0 : i32
    %add3A_2667 = vector.broadcast %add3A_2666 : i32 to vector<16xi32>
    %add3A_2668 = arith.addi %add3A_2667, %iota3A : vector<16xi32>
    %mul3A_2669 = vector.broadcast %mul3A_2663 : f32 to vector<16xf32>
    %mul3A_2670 = arith.mulf %add3A_2590, %mul3A_2669 : vector<16xf32>
    tpu.vector_store_idx %arg9[%broadcast_in_dim3A_2665, %add3A_2668], %mul3A_2670 : memref<32x64xf32, #tpu.memory_space<vmem>>[vector<16xi32>, vector<16xi32>], vector<16xf32>,
    %add3A_2671 = arith.constant 16 : i32
    %add3A_2672 = vector.broadcast %add3A_2671 : i32 to vector<16xi32>
    %add3A_2673 = arith.addi %add3A_2672, %iota3A : vector<16xi32>
    %mul3A_2674 = vector.broadcast %mul3A_2663 : f32 to vector<16xf32>
    %mul3A_2675 = arith.mulf %add3A_2595, %mul3A_2674 : vector<16xf32>
    tpu.vector_store_idx %arg9[%broadcast_in_dim3A_2665, %add3A_2673], %mul3A_2675 : memref<32x64xf32, #tpu.memory_space<vmem>>[vector<16xi32>, vector<16xi32>], vector<16xf32>,
    %add3A_2676 = arith.constant 32 : i32
    %add3A_2677 = vector.broadcast %add3A_2676 : i32 to vector<16xi32>
    %add3A_2678 = arith.addi %add3A_2677, %iota3A : vector<16xi32>
    %mul3A_2679 = vector.broadcast %mul3A_2663 : f32 to vector<16xf32>
    %mul3A_2680 = arith.mulf %add3A_2600, %mul3A_2679 : vector<16xf32>
    tpu.vector_store_idx %arg9[%broadcast_in_dim3A_2665, %add3A_2678], %mul3A_2680 : memref<32x64xf32, #tpu.memory_space<vmem>>[vector<16xi32>, vector<16xi32>], vector<16xf32>,
    %add3A_2681 = arith.constant 48 : i32
    %add3A_2682 = vector.broadcast %add3A_2681 : i32 to vector<16xi32>
    %add3A_2683 = arith.addi %add3A_2682, %iota3A : vector<16xi32>
    %mul3A_2684 = vector.broadcast %mul3A_2663 : f32 to vector<16xf32>
    %mul3A_2685 = arith.mulf %add3A_2605, %mul3A_2684 : vector<16xf32>
    tpu.vector_store_idx %arg9[%broadcast_in_dim3A_2665, %add3A_2683], %mul3A_2685 : memref<32x64xf32, #tpu.memory_space<vmem>>[vector<16xi32>, vector<16xi32>], vector<16xf32>,
    %dma_wait3A_2686 = arith.constant 5 : i32
    %dma_wait3A_2687 = arith.constant 0 : i32
    %dma_wait3A_2688 = arith.constant 0 : i32
    %dma_wait3A_2689 = tpu.memref_slice %arg7[%dma_wait3A_2686, %dma_wait3A_2687, %dma_wait3A_2688] : memref<8x64x128xf32, #tpu.memory_space<vmem>> -> memref<1x64x128xf32, #tpu.memory_space<vmem>>
    %dma_wait3A_2690 = tpu.memref_squeeze %dma_wait3A_2689 : memref<1x64x128xf32, #tpu.memory_space<vmem>> -> memref<64x128xf32, #tpu.memory_space<vmem>>
    %dma_wait3A_2691 = arith.constant 0 : i32
    %dma_wait3A_2692 = tpu.memref_slice %arg3[%dma_wait3A_2691, %multiple_of3A_1784] : memref<64x100000xf32, #tpu.memory_space<hbm>> -> memref<64x128xf32, #tpu.memory_space<hbm>>
    %dma_wait3A_2693 = arith.constant 0 : i32
    %dma_wait3A_2694 = arith.constant 0 : i32
    %dma_wait3A_2695 = tpu.memref_slice %arg7[%dma_wait3A_2686, %dma_wait3A_2693, %dma_wait3A_2694] : memref<8x64x128xf32, #tpu.memory_space<vmem>> -> memref<1x64x128xf32, #tpu.memory_space<vmem>>
    %dma_wait3A_2696 = tpu.memref_squeeze %dma_wait3A_2695 : memref<1x64x128xf32, #tpu.memory_space<vmem>> -> memref<64x128xf32, #tpu.memory_space<vmem>>
    %dma_wait3A_2697 = arith.constant 0 : i32
    %dma_wait3A_2698 = tpu.memref_slice %arg3[%dma_wait3A_2697, %multiple_of3A_1784] : memref<64x100000xf32, #tpu.memory_space<hbm>> -> memref<64x128xf32, #tpu.memory_space<hbm>>
    tpu.wait_dma2 semaphore(%arg15 : memref<!tpu.dma_semaphore, #tpu.memory_space<semaphore_mem>>) src(%dma_wait3A_2698 : memref<64x128xf32, #tpu.memory_space<hbm>>) dst(%dma_wait3A_2696 : memref<64x128xf32, #tpu.memory_space<vmem>>)
    %and3A_2699 = arith.constant 127 : i32
    %and3A_2700 = arith.andi %squeeze3A_47, %and3A_2699 : i32
    %broadcast_in_dim3A_2701 = vector.broadcast %and3A_2700 : i32 to vector<16xi32>
    %broadcast_in_dim3A_2702 = arith.constant 5 : i32
    %broadcast_in_dim3A_2703 = vector.broadcast %broadcast_in_dim3A_2702 : i32 to vector<16xi32>
    %add3A_2704 = arith.constant 0 : i32
    %add3A_2705 = vector.broadcast %add3A_2704 : i32 to vector<16xi32>
    %add3A_2706 = arith.addi %add3A_2705, %iota3A : vector<16xi32>
    %gather3A_2707 = tpu.vector_load_idx %arg7[%broadcast_in_dim3A_2703, %add3A_2706, %broadcast_in_dim3A_2701] : memref<8x64x128xf32, #tpu.memory_space<vmem>>[vector<16xi32>, vector<16xi32>, vector<16xi32>], vector<16xf32>,
    %add3A_2708 = arith.addf %gather3A_2707, %get3A_209 : vector<16xf32>
    %add3A_2709 = arith.constant 16 : i32
    %add3A_2710 = vector.broadcast %add3A_2709 : i32 to vector<16xi32>
    %add3A_2711 = arith.addi %add3A_2710, %iota3A : vector<16xi32>
    %gather3A_2712 = tpu.vector_load_idx %arg7[%broadcast_in_dim3A_2703, %add3A_2711, %broadcast_in_dim3A_2701] : memref<8x64x128xf32, #tpu.memory_space<vmem>>[vector<16xi32>, vector<16xi32>, vector<16xi32>], vector<16xf32>,
    %add3A_2713 = arith.addf %gather3A_2712, %get3A_211 : vector<16xf32>
    %add3A_2714 = arith.constant 32 : i32
    %add3A_2715 = vector.broadcast %add3A_2714 : i32 to vector<16xi32>
    %add3A_2716 = arith.addi %add3A_2715, %iota3A : vector<16xi32>
    %gather3A_2717 = tpu.vector_load_idx %arg7[%broadcast_in_dim3A_2703, %add3A_2716, %broadcast_in_dim3A_2701] : memref<8x64x128xf32, #tpu.memory_space<vmem>>[vector<16xi32>, vector<16xi32>, vector<16xi32>], vector<16xf32>,
    %add3A_2718 = arith.addf %gather3A_2717, %get3A_213 : vector<16xf32>
    %add3A_2719 = arith.constant 48 : i32
    %add3A_2720 = vector.broadcast %add3A_2719 : i32 to vector<16xi32>
    %add3A_2721 = arith.addi %add3A_2720, %iota3A : vector<16xi32>
    %gather3A_2722 = tpu.vector_load_idx %arg7[%broadcast_in_dim3A_2703, %add3A_2721, %broadcast_in_dim3A_2701] : memref<8x64x128xf32, #tpu.memory_space<vmem>>[vector<16xi32>, vector<16xi32>, vector<16xi32>], vector<16xf32>,
    %add3A_2723 = arith.addf %gather3A_2722, %get3A_215 : vector<16xf32>
    %shift_right_arithmetic3A_2724 = arith.constant 7 : i32
    %shift_right_arithmetic3A_2725 = arith.shrsi %squeeze3A_63, %shift_right_arithmetic3A_2724 : i32
    %shift_left3A_2726 = arith.constant 7 : i32
    %shift_left3A_2727 = arith.shli %shift_right_arithmetic3A_2725, %shift_left3A_2726 : i32
    %multiple_of3A_2728 = tpu.assume_multiple %shift_left3A_2727, 128 : i32
    %dma_start3A_2729 = arith.constant 5 : i32
    %dma_start3A_2730 = arith.constant 0 : i32
    %dma_start3A_2731 = arith.constant 0 : i32
    %dma_start3A_2732 = tpu.memref_slice %arg7[%dma_start3A_2729, %dma_start3A_2730, %dma_start3A_2731] : memref<8x64x128xf32, #tpu.memory_space<vmem>> -> memref<1x64x128xf32, #tpu.memory_space<vmem>>
    %dma_start3A_2733 = tpu.memref_squeeze %dma_start3A_2732 : memref<1x64x128xf32, #tpu.memory_space<vmem>> -> memref<64x128xf32, #tpu.memory_space<vmem>>
    %dma_start3A_2734 = arith.constant 0 : i32
    %dma_start3A_2735 = tpu.memref_slice %arg3[%dma_start3A_2734, %multiple_of3A_2728] : memref<64x100000xf32, #tpu.memory_space<hbm>> -> memref<64x128xf32, #tpu.memory_space<hbm>>
    %dma_start3A_2736 = arith.constant 0 : i32
    %dma_start3A_2737 = arith.constant 0 : i32
    %dma_start3A_2738 = tpu.memref_slice %arg7[%dma_start3A_2729, %dma_start3A_2736, %dma_start3A_2737] : memref<8x64x128xf32, #tpu.memory_space<vmem>> -> memref<1x64x128xf32, #tpu.memory_space<vmem>>
    %dma_start3A_2739 = tpu.memref_squeeze %dma_start3A_2738 : memref<1x64x128xf32, #tpu.memory_space<vmem>> -> memref<64x128xf32, #tpu.memory_space<vmem>>
    %dma_start3A_2740 = arith.constant 0 : i32
    %dma_start3A_2741 = tpu.memref_slice %arg3[%dma_start3A_2740, %multiple_of3A_2728] : memref<64x100000xf32, #tpu.memory_space<hbm>> -> memref<64x128xf32, #tpu.memory_space<hbm>>
    tpu.enqueue_dma source(%dma_start3A_2741 : memref<64x128xf32, #tpu.memory_space<hbm>>) target(%dma_start3A_2739 : memref<64x128xf32, #tpu.memory_space<vmem>>) target_semaphore(%arg15 : memref<!tpu.dma_semaphore, #tpu.memory_space<semaphore_mem>>)
    %mul3A_2742 = arith.mulf %add3A_2708, %add3A_2708 : vector<16xf32>
    %mul3A_2743 = arith.mulf %add3A_2713, %add3A_2713 : vector<16xf32>
    %add3A_2744 = arith.addf %mul3A_2742, %mul3A_2743 : vector<16xf32>
    %mul3A_2745 = arith.mulf %add3A_2718, %add3A_2718 : vector<16xf32>
    %mul3A_2746 = arith.mulf %add3A_2723, %add3A_2723 : vector<16xf32>
    %add3A_2747 = arith.addf %mul3A_2745, %mul3A_2746 : vector<16xf32>
    %add3A_2748 = arith.addf %add3A_2744, %add3A_2747 : vector<16xf32>
    %reduce_sum3A_2749 = arith.constant true
    %reduce_sum3A_2750 = vector.broadcast %reduce_sum3A_2749 : i1 to vector<16xi1>
    %reduce_sum3A_2751 = tpu.scan <sum>, %add3A_2748 masked %reduce_sum3A_2750 : vector<16xf32>, vector<16xi1> -> vector<16xf32>
    %reduce_sum3A_2752 = vector.extract %reduce_sum3A_2751[15] : f32 from vector<16xf32>
    %max3A_2753 = arith.constant 1.000000e-24 : f32
    %max3A_2754 = arith.maximumf %reduce_sum3A_2752, %max3A_2753 : f32
    %bitcast_convert_type3A_2755 = arith.bitcast %max3A_2754 : f32 to i32
    %shift_right_arithmetic3A_2756 = arith.constant 1 : i32
    %shift_right_arithmetic3A_2757 = arith.shrsi %bitcast_convert_type3A_2755, %shift_right_arithmetic3A_2756 : i32
    %sub3A_2758 = arith.constant 1597463007 : i32
    %sub3A_2759 = arith.subi %sub3A_2758, %shift_right_arithmetic3A_2757 : i32
    %bitcast_convert_type3A_2760 = arith.bitcast %sub3A_2759 : i32 to f32
    %mul3A_2761 = arith.constant 5.000000e-01 : f32
    %mul3A_2762 = arith.mulf %mul3A_2761, %max3A_2754 : f32
    %mul3A_2763 = arith.mulf %mul3A_2762, %bitcast_convert_type3A_2760 : f32
    %mul3A_2764 = arith.mulf %mul3A_2763, %bitcast_convert_type3A_2760 : f32
    %sub3A_2765 = arith.constant 1.500000e+00 : f32
    %sub3A_2766 = arith.subf %sub3A_2765, %mul3A_2764 : f32
    %mul3A_2767 = arith.mulf %bitcast_convert_type3A_2760, %sub3A_2766 : f32
    %mul3A_2768 = arith.constant 5.000000e-01 : f32
    %mul3A_2769 = arith.mulf %mul3A_2768, %max3A_2754 : f32
    %mul3A_2770 = arith.mulf %mul3A_2769, %mul3A_2767 : f32
    %mul3A_2771 = arith.mulf %mul3A_2770, %mul3A_2767 : f32
    %sub3A_2772 = arith.constant 1.500000e+00 : f32
    %sub3A_2773 = arith.subf %sub3A_2772, %mul3A_2771 : f32
    %mul3A_2774 = arith.mulf %mul3A_2767, %sub3A_2773 : f32
    %mul3A_2775 = arith.constant 5.000000e-01 : f32
    %mul3A_2776 = arith.mulf %mul3A_2775, %max3A_2754 : f32
    %mul3A_2777 = arith.mulf %mul3A_2776, %mul3A_2774 : f32
    %mul3A_2778 = arith.mulf %mul3A_2777, %mul3A_2774 : f32
    %sub3A_2779 = arith.constant 1.500000e+00 : f32
    %sub3A_2780 = arith.subf %sub3A_2779, %mul3A_2778 : f32
    %mul3A_2781 = arith.mulf %mul3A_2774, %sub3A_2780 : f32
    %broadcast_in_dim3A_2782 = arith.constant 21 : i32
    %broadcast_in_dim3A_2783 = vector.broadcast %broadcast_in_dim3A_2782 : i32 to vector<16xi32>
    %add3A_2784 = arith.constant 0 : i32
    %add3A_2785 = vector.broadcast %add3A_2784 : i32 to vector<16xi32>
    %add3A_2786 = arith.addi %add3A_2785, %iota3A : vector<16xi32>
    %mul3A_2787 = vector.broadcast %mul3A_2781 : f32 to vector<16xf32>
    %mul3A_2788 = arith.mulf %add3A_2708, %mul3A_2787 : vector<16xf32>
    tpu.vector_store_idx %arg9[%broadcast_in_dim3A_2783, %add3A_2786], %mul3A_2788 : memref<32x64xf32, #tpu.memory_space<vmem>>[vector<16xi32>, vector<16xi32>], vector<16xf32>,
    %add3A_2789 = arith.constant 16 : i32
    %add3A_2790 = vector.broadcast %add3A_2789 : i32 to vector<16xi32>
    %add3A_2791 = arith.addi %add3A_2790, %iota3A : vector<16xi32>
    %mul3A_2792 = vector.broadcast %mul3A_2781 : f32 to vector<16xf32>
    %mul3A_2793 = arith.mulf %add3A_2713, %mul3A_2792 : vector<16xf32>
    tpu.vector_store_idx %arg9[%broadcast_in_dim3A_2783, %add3A_2791], %mul3A_2793 : memref<32x64xf32, #tpu.memory_space<vmem>>[vector<16xi32>, vector<16xi32>], vector<16xf32>,
    %add3A_2794 = arith.constant 32 : i32
    %add3A_2795 = vector.broadcast %add3A_2794 : i32 to vector<16xi32>
    %add3A_2796 = arith.addi %add3A_2795, %iota3A : vector<16xi32>
    %mul3A_2797 = vector.broadcast %mul3A_2781 : f32 to vector<16xf32>
    %mul3A_2798 = arith.mulf %add3A_2718, %mul3A_2797 : vector<16xf32>
    tpu.vector_store_idx %arg9[%broadcast_in_dim3A_2783, %add3A_2796], %mul3A_2798 : memref<32x64xf32, #tpu.memory_space<vmem>>[vector<16xi32>, vector<16xi32>], vector<16xf32>,
    %add3A_2799 = arith.constant 48 : i32
    %add3A_2800 = vector.broadcast %add3A_2799 : i32 to vector<16xi32>
    %add3A_2801 = arith.addi %add3A_2800, %iota3A : vector<16xi32>
    %mul3A_2802 = vector.broadcast %mul3A_2781 : f32 to vector<16xf32>
    %mul3A_2803 = arith.mulf %add3A_2723, %mul3A_2802 : vector<16xf32>
    tpu.vector_store_idx %arg9[%broadcast_in_dim3A_2783, %add3A_2801], %mul3A_2803 : memref<32x64xf32, #tpu.memory_space<vmem>>[vector<16xi32>, vector<16xi32>], vector<16xf32>,
    %dma_wait3A_2804 = arith.constant 6 : i32
    %dma_wait3A_2805 = arith.constant 0 : i32
    %dma_wait3A_2806 = arith.constant 0 : i32
    %dma_wait3A_2807 = tpu.memref_slice %arg7[%dma_wait3A_2804, %dma_wait3A_2805, %dma_wait3A_2806] : memref<8x64x128xf32, #tpu.memory_space<vmem>> -> memref<1x64x128xf32, #tpu.memory_space<vmem>>
    %dma_wait3A_2808 = tpu.memref_squeeze %dma_wait3A_2807 : memref<1x64x128xf32, #tpu.memory_space<vmem>> -> memref<64x128xf32, #tpu.memory_space<vmem>>
    %dma_wait3A_2809 = arith.constant 0 : i32
    %dma_wait3A_2810 = tpu.memref_slice %arg3[%dma_wait3A_2809, %multiple_of3A_1902] : memref<64x100000xf32, #tpu.memory_space<hbm>> -> memref<64x128xf32, #tpu.memory_space<hbm>>
    %dma_wait3A_2811 = arith.constant 0 : i32
    %dma_wait3A_2812 = arith.constant 0 : i32
    %dma_wait3A_2813 = tpu.memref_slice %arg7[%dma_wait3A_2804, %dma_wait3A_2811, %dma_wait3A_2812] : memref<8x64x128xf32, #tpu.memory_space<vmem>> -> memref<1x64x128xf32, #tpu.memory_space<vmem>>
    %dma_wait3A_2814 = tpu.memref_squeeze %dma_wait3A_2813 : memref<1x64x128xf32, #tpu.memory_space<vmem>> -> memref<64x128xf32, #tpu.memory_space<vmem>>
    %dma_wait3A_2815 = arith.constant 0 : i32
    %dma_wait3A_2816 = tpu.memref_slice %arg3[%dma_wait3A_2815, %multiple_of3A_1902] : memref<64x100000xf32, #tpu.memory_space<hbm>> -> memref<64x128xf32, #tpu.memory_space<hbm>>
    tpu.wait_dma2 semaphore(%arg16 : memref<!tpu.dma_semaphore, #tpu.memory_space<semaphore_mem>>) src(%dma_wait3A_2816 : memref<64x128xf32, #tpu.memory_space<hbm>>) dst(%dma_wait3A_2814 : memref<64x128xf32, #tpu.memory_space<vmem>>)
    %and3A_2817 = arith.constant 127 : i32
    %and3A_2818 = arith.andi %squeeze3A_49, %and3A_2817 : i32
    %broadcast_in_dim3A_2819 = vector.broadcast %and3A_2818 : i32 to vector<16xi32>
    %broadcast_in_dim3A_2820 = arith.constant 6 : i32
    %broadcast_in_dim3A_2821 = vector.broadcast %broadcast_in_dim3A_2820 : i32 to vector<16xi32>
    %add3A_2822 = arith.constant 0 : i32
    %add3A_2823 = vector.broadcast %add3A_2822 : i32 to vector<16xi32>
    %add3A_2824 = arith.addi %add3A_2823, %iota3A : vector<16xi32>
    %gather3A_2825 = tpu.vector_load_idx %arg7[%broadcast_in_dim3A_2821, %add3A_2824, %broadcast_in_dim3A_2819] : memref<8x64x128xf32, #tpu.memory_space<vmem>>[vector<16xi32>, vector<16xi32>, vector<16xi32>], vector<16xf32>,
    %add3A_2826 = arith.addf %gather3A_2825, %get3A_209 : vector<16xf32>
    %add3A_2827 = arith.constant 16 : i32
    %add3A_2828 = vector.broadcast %add3A_2827 : i32 to vector<16xi32>
    %add3A_2829 = arith.addi %add3A_2828, %iota3A : vector<16xi32>
    %gather3A_2830 = tpu.vector_load_idx %arg7[%broadcast_in_dim3A_2821, %add3A_2829, %broadcast_in_dim3A_2819] : memref<8x64x128xf32, #tpu.memory_space<vmem>>[vector<16xi32>, vector<16xi32>, vector<16xi32>], vector<16xf32>,
    %add3A_2831 = arith.addf %gather3A_2830, %get3A_211 : vector<16xf32>
    %add3A_2832 = arith.constant 32 : i32
    %add3A_2833 = vector.broadcast %add3A_2832 : i32 to vector<16xi32>
    %add3A_2834 = arith.addi %add3A_2833, %iota3A : vector<16xi32>
    %gather3A_2835 = tpu.vector_load_idx %arg7[%broadcast_in_dim3A_2821, %add3A_2834, %broadcast_in_dim3A_2819] : memref<8x64x128xf32, #tpu.memory_space<vmem>>[vector<16xi32>, vector<16xi32>, vector<16xi32>], vector<16xf32>,
    %add3A_2836 = arith.addf %gather3A_2835, %get3A_213 : vector<16xf32>
    %add3A_2837 = arith.constant 48 : i32
    %add3A_2838 = vector.broadcast %add3A_2837 : i32 to vector<16xi32>
    %add3A_2839 = arith.addi %add3A_2838, %iota3A : vector<16xi32>
    %gather3A_2840 = tpu.vector_load_idx %arg7[%broadcast_in_dim3A_2821, %add3A_2839, %broadcast_in_dim3A_2819] : memref<8x64x128xf32, #tpu.memory_space<vmem>>[vector<16xi32>, vector<16xi32>, vector<16xi32>], vector<16xf32>,
    %add3A_2841 = arith.addf %gather3A_2840, %get3A_215 : vector<16xf32>
    %shift_right_arithmetic3A_2842 = arith.constant 7 : i32
    %shift_right_arithmetic3A_2843 = arith.shrsi %squeeze3A_65, %shift_right_arithmetic3A_2842 : i32
    %shift_left3A_2844 = arith.constant 7 : i32
    %shift_left3A_2845 = arith.shli %shift_right_arithmetic3A_2843, %shift_left3A_2844 : i32
    %multiple_of3A_2846 = tpu.assume_multiple %shift_left3A_2845, 128 : i32
    %dma_start3A_2847 = arith.constant 6 : i32
    %dma_start3A_2848 = arith.constant 0 : i32
    %dma_start3A_2849 = arith.constant 0 : i32
    %dma_start3A_2850 = tpu.memref_slice %arg7[%dma_start3A_2847, %dma_start3A_2848, %dma_start3A_2849] : memref<8x64x128xf32, #tpu.memory_space<vmem>> -> memref<1x64x128xf32, #tpu.memory_space<vmem>>
    %dma_start3A_2851 = tpu.memref_squeeze %dma_start3A_2850 : memref<1x64x128xf32, #tpu.memory_space<vmem>> -> memref<64x128xf32, #tpu.memory_space<vmem>>
    %dma_start3A_2852 = arith.constant 0 : i32
    %dma_start3A_2853 = tpu.memref_slice %arg3[%dma_start3A_2852, %multiple_of3A_2846] : memref<64x100000xf32, #tpu.memory_space<hbm>> -> memref<64x128xf32, #tpu.memory_space<hbm>>
    %dma_start3A_2854 = arith.constant 0 : i32
    %dma_start3A_2855 = arith.constant 0 : i32
    %dma_start3A_2856 = tpu.memref_slice %arg7[%dma_start3A_2847, %dma_start3A_2854, %dma_start3A_2855] : memref<8x64x128xf32, #tpu.memory_space<vmem>> -> memref<1x64x128xf32, #tpu.memory_space<vmem>>
    %dma_start3A_2857 = tpu.memref_squeeze %dma_start3A_2856 : memref<1x64x128xf32, #tpu.memory_space<vmem>> -> memref<64x128xf32, #tpu.memory_space<vmem>>
    %dma_start3A_2858 = arith.constant 0 : i32
    %dma_start3A_2859 = tpu.memref_slice %arg3[%dma_start3A_2858, %multiple_of3A_2846] : memref<64x100000xf32, #tpu.memory_space<hbm>> -> memref<64x128xf32, #tpu.memory_space<hbm>>
    tpu.enqueue_dma source(%dma_start3A_2859 : memref<64x128xf32, #tpu.memory_space<hbm>>) target(%dma_start3A_2857 : memref<64x128xf32, #tpu.memory_space<vmem>>) target_semaphore(%arg16 : memref<!tpu.dma_semaphore, #tpu.memory_space<semaphore_mem>>)
    %mul3A_2860 = arith.mulf %add3A_2826, %add3A_2826 : vector<16xf32>
    %mul3A_2861 = arith.mulf %add3A_2831, %add3A_2831 : vector<16xf32>
    %add3A_2862 = arith.addf %mul3A_2860, %mul3A_2861 : vector<16xf32>
    %mul3A_2863 = arith.mulf %add3A_2836, %add3A_2836 : vector<16xf32>
    %mul3A_2864 = arith.mulf %add3A_2841, %add3A_2841 : vector<16xf32>
    %add3A_2865 = arith.addf %mul3A_2863, %mul3A_2864 : vector<16xf32>
    %add3A_2866 = arith.addf %add3A_2862, %add3A_2865 : vector<16xf32>
    %reduce_sum3A_2867 = arith.constant true
    %reduce_sum3A_2868 = vector.broadcast %reduce_sum3A_2867 : i1 to vector<16xi1>
    %reduce_sum3A_2869 = tpu.scan <sum>, %add3A_2866 masked %reduce_sum3A_2868 : vector<16xf32>, vector<16xi1> -> vector<16xf32>
    %reduce_sum3A_2870 = vector.extract %reduce_sum3A_2869[15] : f32 from vector<16xf32>
    %max3A_2871 = arith.constant 1.000000e-24 : f32
    %max3A_2872 = arith.maximumf %reduce_sum3A_2870, %max3A_2871 : f32
    %bitcast_convert_type3A_2873 = arith.bitcast %max3A_2872 : f32 to i32
    %shift_right_arithmetic3A_2874 = arith.constant 1 : i32
    %shift_right_arithmetic3A_2875 = arith.shrsi %bitcast_convert_type3A_2873, %shift_right_arithmetic3A_2874 : i32
    %sub3A_2876 = arith.constant 1597463007 : i32
    %sub3A_2877 = arith.subi %sub3A_2876, %shift_right_arithmetic3A_2875 : i32
    %bitcast_convert_type3A_2878 = arith.bitcast %sub3A_2877 : i32 to f32
    %mul3A_2879 = arith.constant 5.000000e-01 : f32
    %mul3A_2880 = arith.mulf %mul3A_2879, %max3A_2872 : f32
    %mul3A_2881 = arith.mulf %mul3A_2880, %bitcast_convert_type3A_2878 : f32
    %mul3A_2882 = arith.mulf %mul3A_2881, %bitcast_convert_type3A_2878 : f32
    %sub3A_2883 = arith.constant 1.500000e+00 : f32
    %sub3A_2884 = arith.subf %sub3A_2883, %mul3A_2882 : f32
    %mul3A_2885 = arith.mulf %bitcast_convert_type3A_2878, %sub3A_2884 : f32
    %mul3A_2886 = arith.constant 5.000000e-01 : f32
    %mul3A_2887 = arith.mulf %mul3A_2886, %max3A_2872 : f32
    %mul3A_2888 = arith.mulf %mul3A_2887, %mul3A_2885 : f32
    %mul3A_2889 = arith.mulf %mul3A_2888, %mul3A_2885 : f32
    %sub3A_2890 = arith.constant 1.500000e+00 : f32
    %sub3A_2891 = arith.subf %sub3A_2890, %mul3A_2889 : f32
    %mul3A_2892 = arith.mulf %mul3A_2885, %sub3A_2891 : f32
    %mul3A_2893 = arith.constant 5.000000e-01 : f32
    %mul3A_2894 = arith.mulf %mul3A_2893, %max3A_2872 : f32
    %mul3A_2895 = arith.mulf %mul3A_2894, %mul3A_2892 : f32
    %mul3A_2896 = arith.mulf %mul3A_2895, %mul3A_2892 : f32
    %sub3A_2897 = arith.constant 1.500000e+00 : f32
    %sub3A_2898 = arith.subf %sub3A_2897, %mul3A_2896 : f32
    %mul3A_2899 = arith.mulf %mul3A_2892, %sub3A_2898 : f32
    %broadcast_in_dim3A_2900 = arith.constant 22 : i32
    %broadcast_in_dim3A_2901 = vector.broadcast %broadcast_in_dim3A_2900 : i32 to vector<16xi32>
    %add3A_2902 = arith.constant 0 : i32
    %add3A_2903 = vector.broadcast %add3A_2902 : i32 to vector<16xi32>
    %add3A_2904 = arith.addi %add3A_2903, %iota3A : vector<16xi32>
    %mul3A_2905 = vector.broadcast %mul3A_2899 : f32 to vector<16xf32>
    %mul3A_2906 = arith.mulf %add3A_2826, %mul3A_2905 : vector<16xf32>
    tpu.vector_store_idx %arg9[%broadcast_in_dim3A_2901, %add3A_2904], %mul3A_2906 : memref<32x64xf32, #tpu.memory_space<vmem>>[vector<16xi32>, vector<16xi32>], vector<16xf32>,
    %add3A_2907 = arith.constant 16 : i32
    %add3A_2908 = vector.broadcast %add3A_2907 : i32 to vector<16xi32>
    %add3A_2909 = arith.addi %add3A_2908, %iota3A : vector<16xi32>
    %mul3A_2910 = vector.broadcast %mul3A_2899 : f32 to vector<16xf32>
    %mul3A_2911 = arith.mulf %add3A_2831, %mul3A_2910 : vector<16xf32>
    tpu.vector_store_idx %arg9[%broadcast_in_dim3A_2901, %add3A_2909], %mul3A_2911 : memref<32x64xf32, #tpu.memory_space<vmem>>[vector<16xi32>, vector<16xi32>], vector<16xf32>,
    %add3A_2912 = arith.constant 32 : i32
    %add3A_2913 = vector.broadcast %add3A_2912 : i32 to vector<16xi32>
    %add3A_2914 = arith.addi %add3A_2913, %iota3A : vector<16xi32>
    %mul3A_2915 = vector.broadcast %mul3A_2899 : f32 to vector<16xf32>
    %mul3A_2916 = arith.mulf %add3A_2836, %mul3A_2915 : vector<16xf32>
    tpu.vector_store_idx %arg9[%broadcast_in_dim3A_2901, %add3A_2914], %mul3A_2916 : memref<32x64xf32, #tpu.memory_space<vmem>>[vector<16xi32>, vector<16xi32>], vector<16xf32>,
    %add3A_2917 = arith.constant 48 : i32
    %add3A_2918 = vector.broadcast %add3A_2917 : i32 to vector<16xi32>
    %add3A_2919 = arith.addi %add3A_2918, %iota3A : vector<16xi32>
    %mul3A_2920 = vector.broadcast %mul3A_2899 : f32 to vector<16xf32>
    %mul3A_2921 = arith.mulf %add3A_2841, %mul3A_2920 : vector<16xf32>
    tpu.vector_store_idx %arg9[%broadcast_in_dim3A_2901, %add3A_2919], %mul3A_2921 : memref<32x64xf32, #tpu.memory_space<vmem>>[vector<16xi32>, vector<16xi32>], vector<16xf32>,
    %dma_wait3A_2922 = arith.constant 7 : i32
    %dma_wait3A_2923 = arith.constant 0 : i32
    %dma_wait3A_2924 = arith.constant 0 : i32
    %dma_wait3A_2925 = tpu.memref_slice %arg7[%dma_wait3A_2922, %dma_wait3A_2923, %dma_wait3A_2924] : memref<8x64x128xf32, #tpu.memory_space<vmem>> -> memref<1x64x128xf32, #tpu.memory_space<vmem>>
    %dma_wait3A_2926 = tpu.memref_squeeze %dma_wait3A_2925 : memref<1x64x128xf32, #tpu.memory_space<vmem>> -> memref<64x128xf32, #tpu.memory_space<vmem>>
    %dma_wait3A_2927 = arith.constant 0 : i32
    %dma_wait3A_2928 = tpu.memref_slice %arg3[%dma_wait3A_2927, %multiple_of3A_2020] : memref<64x100000xf32, #tpu.memory_space<hbm>> -> memref<64x128xf32, #tpu.memory_space<hbm>>
    %dma_wait3A_2929 = arith.constant 0 : i32
    %dma_wait3A_2930 = arith.constant 0 : i32
    %dma_wait3A_2931 = tpu.memref_slice %arg7[%dma_wait3A_2922, %dma_wait3A_2929, %dma_wait3A_2930] : memref<8x64x128xf32, #tpu.memory_space<vmem>> -> memref<1x64x128xf32, #tpu.memory_space<vmem>>
    %dma_wait3A_2932 = tpu.memref_squeeze %dma_wait3A_2931 : memref<1x64x128xf32, #tpu.memory_space<vmem>> -> memref<64x128xf32, #tpu.memory_space<vmem>>
    %dma_wait3A_2933 = arith.constant 0 : i32
    %dma_wait3A_2934 = tpu.memref_slice %arg3[%dma_wait3A_2933, %multiple_of3A_2020] : memref<64x100000xf32, #tpu.memory_space<hbm>> -> memref<64x128xf32, #tpu.memory_space<hbm>>
    tpu.wait_dma2 semaphore(%arg17 : memref<!tpu.dma_semaphore, #tpu.memory_space<semaphore_mem>>) src(%dma_wait3A_2934 : memref<64x128xf32, #tpu.memory_space<hbm>>) dst(%dma_wait3A_2932 : memref<64x128xf32, #tpu.memory_space<vmem>>)
    %and3A_2935 = arith.constant 127 : i32
    %and3A_2936 = arith.andi %squeeze3A_51, %and3A_2935 : i32
    %broadcast_in_dim3A_2937 = vector.broadcast %and3A_2936 : i32 to vector<16xi32>
    %broadcast_in_dim3A_2938 = arith.constant 7 : i32
    %broadcast_in_dim3A_2939 = vector.broadcast %broadcast_in_dim3A_2938 : i32 to vector<16xi32>
    %add3A_2940 = arith.constant 0 : i32
    %add3A_2941 = vector.broadcast %add3A_2940 : i32 to vector<16xi32>
    %add3A_2942 = arith.addi %add3A_2941, %iota3A : vector<16xi32>
    %gather3A_2943 = tpu.vector_load_idx %arg7[%broadcast_in_dim3A_2939, %add3A_2942, %broadcast_in_dim3A_2937] : memref<8x64x128xf32, #tpu.memory_space<vmem>>[vector<16xi32>, vector<16xi32>, vector<16xi32>], vector<16xf32>,
    %add3A_2944 = arith.addf %gather3A_2943, %get3A_209 : vector<16xf32>
    %add3A_2945 = arith.constant 16 : i32
    %add3A_2946 = vector.broadcast %add3A_2945 : i32 to vector<16xi32>
    %add3A_2947 = arith.addi %add3A_2946, %iota3A : vector<16xi32>
    %gather3A_2948 = tpu.vector_load_idx %arg7[%broadcast_in_dim3A_2939, %add3A_2947, %broadcast_in_dim3A_2937] : memref<8x64x128xf32, #tpu.memory_space<vmem>>[vector<16xi32>, vector<16xi32>, vector<16xi32>], vector<16xf32>,
    %add3A_2949 = arith.addf %gather3A_2948, %get3A_211 : vector<16xf32>
    %add3A_2950 = arith.constant 32 : i32
    %add3A_2951 = vector.broadcast %add3A_2950 : i32 to vector<16xi32>
    %add3A_2952 = arith.addi %add3A_2951, %iota3A : vector<16xi32>
    %gather3A_2953 = tpu.vector_load_idx %arg7[%broadcast_in_dim3A_2939, %add3A_2952, %broadcast_in_dim3A_2937] : memref<8x64x128xf32, #tpu.memory_space<vmem>>[vector<16xi32>, vector<16xi32>, vector<16xi32>], vector<16xf32>,
    %add3A_2954 = arith.addf %gather3A_2953, %get3A_213 : vector<16xf32>
    %add3A_2955 = arith.constant 48 : i32
    %add3A_2956 = vector.broadcast %add3A_2955 : i32 to vector<16xi32>
    %add3A_2957 = arith.addi %add3A_2956, %iota3A : vector<16xi32>
    %gather3A_2958 = tpu.vector_load_idx %arg7[%broadcast_in_dim3A_2939, %add3A_2957, %broadcast_in_dim3A_2937] : memref<8x64x128xf32, #tpu.memory_space<vmem>>[vector<16xi32>, vector<16xi32>, vector<16xi32>], vector<16xf32>,
    %add3A_2959 = arith.addf %gather3A_2958, %get3A_215 : vector<16xf32>
    %shift_right_arithmetic3A_2960 = arith.constant 7 : i32
    %shift_right_arithmetic3A_2961 = arith.shrsi %squeeze3A_67, %shift_right_arithmetic3A_2960 : i32
    %shift_left3A_2962 = arith.constant 7 : i32
    %shift_left3A_2963 = arith.shli %shift_right_arithmetic3A_2961, %shift_left3A_2962 : i32
    %multiple_of3A_2964 = tpu.assume_multiple %shift_left3A_2963, 128 : i32
    %dma_start3A_2965 = arith.constant 7 : i32
    %dma_start3A_2966 = arith.constant 0 : i32
    %dma_start3A_2967 = arith.constant 0 : i32
    %dma_start3A_2968 = tpu.memref_slice %arg7[%dma_start3A_2965, %dma_start3A_2966, %dma_start3A_2967] : memref<8x64x128xf32, #tpu.memory_space<vmem>> -> memref<1x64x128xf32, #tpu.memory_space<vmem>>
    %dma_start3A_2969 = tpu.memref_squeeze %dma_start3A_2968 : memref<1x64x128xf32, #tpu.memory_space<vmem>> -> memref<64x128xf32, #tpu.memory_space<vmem>>
    %dma_start3A_2970 = arith.constant 0 : i32
    %dma_start3A_2971 = tpu.memref_slice %arg3[%dma_start3A_2970, %multiple_of3A_2964] : memref<64x100000xf32, #tpu.memory_space<hbm>> -> memref<64x128xf32, #tpu.memory_space<hbm>>
    %dma_start3A_2972 = arith.constant 0 : i32
    %dma_start3A_2973 = arith.constant 0 : i32
    %dma_start3A_2974 = tpu.memref_slice %arg7[%dma_start3A_2965, %dma_start3A_2972, %dma_start3A_2973] : memref<8x64x128xf32, #tpu.memory_space<vmem>> -> memref<1x64x128xf32, #tpu.memory_space<vmem>>
    %dma_start3A_2975 = tpu.memref_squeeze %dma_start3A_2974 : memref<1x64x128xf32, #tpu.memory_space<vmem>> -> memref<64x128xf32, #tpu.memory_space<vmem>>
    %dma_start3A_2976 = arith.constant 0 : i32
    %dma_start3A_2977 = tpu.memref_slice %arg3[%dma_start3A_2976, %multiple_of3A_2964] : memref<64x100000xf32, #tpu.memory_space<hbm>> -> memref<64x128xf32, #tpu.memory_space<hbm>>
    tpu.enqueue_dma source(%dma_start3A_2977 : memref<64x128xf32, #tpu.memory_space<hbm>>) target(%dma_start3A_2975 : memref<64x128xf32, #tpu.memory_space<vmem>>) target_semaphore(%arg17 : memref<!tpu.dma_semaphore, #tpu.memory_space<semaphore_mem>>)
    %mul3A_2978 = arith.mulf %add3A_2944, %add3A_2944 : vector<16xf32>
    %mul3A_2979 = arith.mulf %add3A_2949, %add3A_2949 : vector<16xf32>
    %add3A_2980 = arith.addf %mul3A_2978, %mul3A_2979 : vector<16xf32>
    %mul3A_2981 = arith.mulf %add3A_2954, %add3A_2954 : vector<16xf32>
    %mul3A_2982 = arith.mulf %add3A_2959, %add3A_2959 : vector<16xf32>
    %add3A_2983 = arith.addf %mul3A_2981, %mul3A_2982 : vector<16xf32>
    %add3A_2984 = arith.addf %add3A_2980, %add3A_2983 : vector<16xf32>
    %reduce_sum3A_2985 = arith.constant true
    %reduce_sum3A_2986 = vector.broadcast %reduce_sum3A_2985 : i1 to vector<16xi1>
    %reduce_sum3A_2987 = tpu.scan <sum>, %add3A_2984 masked %reduce_sum3A_2986 : vector<16xf32>, vector<16xi1> -> vector<16xf32>
    %reduce_sum3A_2988 = vector.extract %reduce_sum3A_2987[15] : f32 from vector<16xf32>
    %max3A_2989 = arith.constant 1.000000e-24 : f32
    %max3A_2990 = arith.maximumf %reduce_sum3A_2988, %max3A_2989 : f32
    %bitcast_convert_type3A_2991 = arith.bitcast %max3A_2990 : f32 to i32
    %shift_right_arithmetic3A_2992 = arith.constant 1 : i32
    %shift_right_arithmetic3A_2993 = arith.shrsi %bitcast_convert_type3A_2991, %shift_right_arithmetic3A_2992 : i32
    %sub3A_2994 = arith.constant 1597463007 : i32
    %sub3A_2995 = arith.subi %sub3A_2994, %shift_right_arithmetic3A_2993 : i32
    %bitcast_convert_type3A_2996 = arith.bitcast %sub3A_2995 : i32 to f32
    %mul3A_2997 = arith.constant 5.000000e-01 : f32
    %mul3A_2998 = arith.mulf %mul3A_2997, %max3A_2990 : f32
    %mul3A_2999 = arith.mulf %mul3A_2998, %bitcast_convert_type3A_2996 : f32
    %mul3A_3000 = arith.mulf %mul3A_2999, %bitcast_convert_type3A_2996 : f32
    %sub3A_3001 = arith.constant 1.500000e+00 : f32
    %sub3A_3002 = arith.subf %sub3A_3001, %mul3A_3000 : f32
    %mul3A_3003 = arith.mulf %bitcast_convert_type3A_2996, %sub3A_3002 : f32
    %mul3A_3004 = arith.constant 5.000000e-01 : f32
    %mul3A_3005 = arith.mulf %mul3A_3004, %max3A_2990 : f32
    %mul3A_3006 = arith.mulf %mul3A_3005, %mul3A_3003 : f32
    %mul3A_3007 = arith.mulf %mul3A_3006, %mul3A_3003 : f32
    %sub3A_3008 = arith.constant 1.500000e+00 : f32
    %sub3A_3009 = arith.subf %sub3A_3008, %mul3A_3007 : f32
    %mul3A_3010 = arith.mulf %mul3A_3003, %sub3A_3009 : f32
    %mul3A_3011 = arith.constant 5.000000e-01 : f32
    %mul3A_3012 = arith.mulf %mul3A_3011, %max3A_2990 : f32
    %mul3A_3013 = arith.mulf %mul3A_3012, %mul3A_3010 : f32
    %mul3A_3014 = arith.mulf %mul3A_3013, %mul3A_3010 : f32
    %sub3A_3015 = arith.constant 1.500000e+00 : f32
    %sub3A_3016 = arith.subf %sub3A_3015, %mul3A_3014 : f32
    %mul3A_3017 = arith.mulf %mul3A_3010, %sub3A_3016 : f32
    %broadcast_in_dim3A_3018 = arith.constant 23 : i32
    %broadcast_in_dim3A_3019 = vector.broadcast %broadcast_in_dim3A_3018 : i32 to vector<16xi32>
    %add3A_3020 = arith.constant 0 : i32
    %add3A_3021 = vector.broadcast %add3A_3020 : i32 to vector<16xi32>
    %add3A_3022 = arith.addi %add3A_3021, %iota3A : vector<16xi32>
    %mul3A_3023 = vector.broadcast %mul3A_3017 : f32 to vector<16xf32>
    %mul3A_3024 = arith.mulf %add3A_2944, %mul3A_3023 : vector<16xf32>
    tpu.vector_store_idx %arg9[%broadcast_in_dim3A_3019, %add3A_3022], %mul3A_3024 : memref<32x64xf32, #tpu.memory_space<vmem>>[vector<16xi32>, vector<16xi32>], vector<16xf32>,
    %add3A_3025 = arith.constant 16 : i32
    %add3A_3026 = vector.broadcast %add3A_3025 : i32 to vector<16xi32>
    %add3A_3027 = arith.addi %add3A_3026, %iota3A : vector<16xi32>
    %mul3A_3028 = vector.broadcast %mul3A_3017 : f32 to vector<16xf32>
    %mul3A_3029 = arith.mulf %add3A_2949, %mul3A_3028 : vector<16xf32>
    tpu.vector_store_idx %arg9[%broadcast_in_dim3A_3019, %add3A_3027], %mul3A_3029 : memref<32x64xf32, #tpu.memory_space<vmem>>[vector<16xi32>, vector<16xi32>], vector<16xf32>,
    %add3A_3030 = arith.constant 32 : i32
    %add3A_3031 = vector.broadcast %add3A_3030 : i32 to vector<16xi32>
    %add3A_3032 = arith.addi %add3A_3031, %iota3A : vector<16xi32>
    %mul3A_3033 = vector.broadcast %mul3A_3017 : f32 to vector<16xf32>
    %mul3A_3034 = arith.mulf %add3A_2954, %mul3A_3033 : vector<16xf32>
    tpu.vector_store_idx %arg9[%broadcast_in_dim3A_3019, %add3A_3032], %mul3A_3034 : memref<32x64xf32, #tpu.memory_space<vmem>>[vector<16xi32>, vector<16xi32>], vector<16xf32>,
    %add3A_3035 = arith.constant 48 : i32
    %add3A_3036 = vector.broadcast %add3A_3035 : i32 to vector<16xi32>
    %add3A_3037 = arith.addi %add3A_3036, %iota3A : vector<16xi32>
    %mul3A_3038 = vector.broadcast %mul3A_3017 : f32 to vector<16xf32>
    %mul3A_3039 = arith.mulf %add3A_2959, %mul3A_3038 : vector<16xf32>
    tpu.vector_store_idx %arg9[%broadcast_in_dim3A_3019, %add3A_3037], %mul3A_3039 : memref<32x64xf32, #tpu.memory_space<vmem>>[vector<16xi32>, vector<16xi32>], vector<16xf32>,
    %dma_wait3A_3040 = arith.constant 0 : i32
    %dma_wait3A_3041 = arith.constant 0 : i32
    %dma_wait3A_3042 = arith.constant 0 : i32
    %dma_wait3A_3043 = tpu.memref_slice %arg7[%dma_wait3A_3040, %dma_wait3A_3041, %dma_wait3A_3042] : memref<8x64x128xf32, #tpu.memory_space<vmem>> -> memref<1x64x128xf32, #tpu.memory_space<vmem>>
    %dma_wait3A_3044 = tpu.memref_squeeze %dma_wait3A_3043 : memref<1x64x128xf32, #tpu.memory_space<vmem>> -> memref<64x128xf32, #tpu.memory_space<vmem>>
    %dma_wait3A_3045 = arith.constant 0 : i32
    %dma_wait3A_3046 = tpu.memref_slice %arg3[%dma_wait3A_3045, %multiple_of3A_2138] : memref<64x100000xf32, #tpu.memory_space<hbm>> -> memref<64x128xf32, #tpu.memory_space<hbm>>
    %dma_wait3A_3047 = arith.constant 0 : i32
    %dma_wait3A_3048 = arith.constant 0 : i32
    %dma_wait3A_3049 = tpu.memref_slice %arg7[%dma_wait3A_3040, %dma_wait3A_3047, %dma_wait3A_3048] : memref<8x64x128xf32, #tpu.memory_space<vmem>> -> memref<1x64x128xf32, #tpu.memory_space<vmem>>
    %dma_wait3A_3050 = tpu.memref_squeeze %dma_wait3A_3049 : memref<1x64x128xf32, #tpu.memory_space<vmem>> -> memref<64x128xf32, #tpu.memory_space<vmem>>
    %dma_wait3A_3051 = arith.constant 0 : i32
    %dma_wait3A_3052 = tpu.memref_slice %arg3[%dma_wait3A_3051, %multiple_of3A_2138] : memref<64x100000xf32, #tpu.memory_space<hbm>> -> memref<64x128xf32, #tpu.memory_space<hbm>>
    tpu.wait_dma2 semaphore(%arg10 : memref<!tpu.dma_semaphore, #tpu.memory_space<semaphore_mem>>) src(%dma_wait3A_3052 : memref<64x128xf32, #tpu.memory_space<hbm>>) dst(%dma_wait3A_3050 : memref<64x128xf32, #tpu.memory_space<vmem>>)
    %and3A_3053 = arith.constant 127 : i32
    %and3A_3054 = arith.andi %squeeze3A_53, %and3A_3053 : i32
    %broadcast_in_dim3A_3055 = vector.broadcast %and3A_3054 : i32 to vector<16xi32>
    %broadcast_in_dim3A_3056 = arith.constant 0 : i32
    %broadcast_in_dim3A_3057 = vector.broadcast %broadcast_in_dim3A_3056 : i32 to vector<16xi32>
    %add3A_3058 = arith.constant 0 : i32
    %add3A_3059 = vector.broadcast %add3A_3058 : i32 to vector<16xi32>
    %add3A_3060 = arith.addi %add3A_3059, %iota3A : vector<16xi32>
    %gather3A_3061 = tpu.vector_load_idx %arg7[%broadcast_in_dim3A_3057, %add3A_3060, %broadcast_in_dim3A_3055] : memref<8x64x128xf32, #tpu.memory_space<vmem>>[vector<16xi32>, vector<16xi32>, vector<16xi32>], vector<16xf32>,
    %add3A_3062 = arith.addf %gather3A_3061, %get3A_209 : vector<16xf32>
    %add3A_3063 = arith.constant 16 : i32
    %add3A_3064 = vector.broadcast %add3A_3063 : i32 to vector<16xi32>
    %add3A_3065 = arith.addi %add3A_3064, %iota3A : vector<16xi32>
    %gather3A_3066 = tpu.vector_load_idx %arg7[%broadcast_in_dim3A_3057, %add3A_3065, %broadcast_in_dim3A_3055] : memref<8x64x128xf32, #tpu.memory_space<vmem>>[vector<16xi32>, vector<16xi32>, vector<16xi32>], vector<16xf32>,
    %add3A_3067 = arith.addf %gather3A_3066, %get3A_211 : vector<16xf32>
    %add3A_3068 = arith.constant 32 : i32
    %add3A_3069 = vector.broadcast %add3A_3068 : i32 to vector<16xi32>
    %add3A_3070 = arith.addi %add3A_3069, %iota3A : vector<16xi32>
    %gather3A_3071 = tpu.vector_load_idx %arg7[%broadcast_in_dim3A_3057, %add3A_3070, %broadcast_in_dim3A_3055] : memref<8x64x128xf32, #tpu.memory_space<vmem>>[vector<16xi32>, vector<16xi32>, vector<16xi32>], vector<16xf32>,
    %add3A_3072 = arith.addf %gather3A_3071, %get3A_213 : vector<16xf32>
    %add3A_3073 = arith.constant 48 : i32
    %add3A_3074 = vector.broadcast %add3A_3073 : i32 to vector<16xi32>
    %add3A_3075 = arith.addi %add3A_3074, %iota3A : vector<16xi32>
    %gather3A_3076 = tpu.vector_load_idx %arg7[%broadcast_in_dim3A_3057, %add3A_3075, %broadcast_in_dim3A_3055] : memref<8x64x128xf32, #tpu.memory_space<vmem>>[vector<16xi32>, vector<16xi32>, vector<16xi32>], vector<16xf32>,
    %add3A_3077 = arith.addf %gather3A_3076, %get3A_215 : vector<16xf32>
    %mul3A_3078 = arith.mulf %add3A_3062, %add3A_3062 : vector<16xf32>
    %mul3A_3079 = arith.mulf %add3A_3067, %add3A_3067 : vector<16xf32>
    %add3A_3080 = arith.addf %mul3A_3078, %mul3A_3079 : vector<16xf32>
    %mul3A_3081 = arith.mulf %add3A_3072, %add3A_3072 : vector<16xf32>
    %mul3A_3082 = arith.mulf %add3A_3077, %add3A_3077 : vector<16xf32>
    %add3A_3083 = arith.addf %mul3A_3081, %mul3A_3082 : vector<16xf32>
    %add3A_3084 = arith.addf %add3A_3080, %add3A_3083 : vector<16xf32>
    %reduce_sum3A_3085 = arith.constant true
    %reduce_sum3A_3086 = vector.broadcast %reduce_sum3A_3085 : i1 to vector<16xi1>
    %reduce_sum3A_3087 = tpu.scan <sum>, %add3A_3084 masked %reduce_sum3A_3086 : vector<16xf32>, vector<16xi1> -> vector<16xf32>
    %reduce_sum3A_3088 = vector.extract %reduce_sum3A_3087[15] : f32 from vector<16xf32>
    %max3A_3089 = arith.constant 1.000000e-24 : f32
    %max3A_3090 = arith.maximumf %reduce_sum3A_3088, %max3A_3089 : f32
    %bitcast_convert_type3A_3091 = arith.bitcast %max3A_3090 : f32 to i32
    %shift_right_arithmetic3A_3092 = arith.constant 1 : i32
    %shift_right_arithmetic3A_3093 = arith.shrsi %bitcast_convert_type3A_3091, %shift_right_arithmetic3A_3092 : i32
    %sub3A_3094 = arith.constant 1597463007 : i32
    %sub3A_3095 = arith.subi %sub3A_3094, %shift_right_arithmetic3A_3093 : i32
    %bitcast_convert_type3A_3096 = arith.bitcast %sub3A_3095 : i32 to f32
    %mul3A_3097 = arith.constant 5.000000e-01 : f32
    %mul3A_3098 = arith.mulf %mul3A_3097, %max3A_3090 : f32
    %mul3A_3099 = arith.mulf %mul3A_3098, %bitcast_convert_type3A_3096 : f32
    %mul3A_3100 = arith.mulf %mul3A_3099, %bitcast_convert_type3A_3096 : f32
    %sub3A_3101 = arith.constant 1.500000e+00 : f32
    %sub3A_3102 = arith.subf %sub3A_3101, %mul3A_3100 : f32
    %mul3A_3103 = arith.mulf %bitcast_convert_type3A_3096, %sub3A_3102 : f32
    %mul3A_3104 = arith.constant 5.000000e-01 : f32
    %mul3A_3105 = arith.mulf %mul3A_3104, %max3A_3090 : f32
    %mul3A_3106 = arith.mulf %mul3A_3105, %mul3A_3103 : f32
    %mul3A_3107 = arith.mulf %mul3A_3106, %mul3A_3103 : f32
    %sub3A_3108 = arith.constant 1.500000e+00 : f32
    %sub3A_3109 = arith.subf %sub3A_3108, %mul3A_3107 : f32
    %mul3A_3110 = arith.mulf %mul3A_3103, %sub3A_3109 : f32
    %mul3A_3111 = arith.constant 5.000000e-01 : f32
    %mul3A_3112 = arith.mulf %mul3A_3111, %max3A_3090 : f32
    %mul3A_3113 = arith.mulf %mul3A_3112, %mul3A_3110 : f32
    %mul3A_3114 = arith.mulf %mul3A_3113, %mul3A_3110 : f32
    %sub3A_3115 = arith.constant 1.500000e+00 : f32
    %sub3A_3116 = arith.subf %sub3A_3115, %mul3A_3114 : f32
    %mul3A_3117 = arith.mulf %mul3A_3110, %sub3A_3116 : f32
    %broadcast_in_dim3A_3118 = arith.constant 24 : i32
    %broadcast_in_dim3A_3119 = vector.broadcast %broadcast_in_dim3A_3118 : i32 to vector<16xi32>
    %add3A_3120 = arith.constant 0 : i32
    %add3A_3121 = vector.broadcast %add3A_3120 : i32 to vector<16xi32>
    %add3A_3122 = arith.addi %add3A_3121, %iota3A : vector<16xi32>
    %mul3A_3123 = vector.broadcast %mul3A_3117 : f32 to vector<16xf32>
    %mul3A_3124 = arith.mulf %add3A_3062, %mul3A_3123 : vector<16xf32>
    tpu.vector_store_idx %arg9[%broadcast_in_dim3A_3119, %add3A_3122], %mul3A_3124 : memref<32x64xf32, #tpu.memory_space<vmem>>[vector<16xi32>, vector<16xi32>], vector<16xf32>,
    %add3A_3125 = arith.constant 16 : i32
    %add3A_3126 = vector.broadcast %add3A_3125 : i32 to vector<16xi32>
    %add3A_3127 = arith.addi %add3A_3126, %iota3A : vector<16xi32>
    %mul3A_3128 = vector.broadcast %mul3A_3117 : f32 to vector<16xf32>
    %mul3A_3129 = arith.mulf %add3A_3067, %mul3A_3128 : vector<16xf32>
    tpu.vector_store_idx %arg9[%broadcast_in_dim3A_3119, %add3A_3127], %mul3A_3129 : memref<32x64xf32, #tpu.memory_space<vmem>>[vector<16xi32>, vector<16xi32>], vector<16xf32>,
    %add3A_3130 = arith.constant 32 : i32
    %add3A_3131 = vector.broadcast %add3A_3130 : i32 to vector<16xi32>
    %add3A_3132 = arith.addi %add3A_3131, %iota3A : vector<16xi32>
    %mul3A_3133 = vector.broadcast %mul3A_3117 : f32 to vector<16xf32>
    %mul3A_3134 = arith.mulf %add3A_3072, %mul3A_3133 : vector<16xf32>
    tpu.vector_store_idx %arg9[%broadcast_in_dim3A_3119, %add3A_3132], %mul3A_3134 : memref<32x64xf32, #tpu.memory_space<vmem>>[vector<16xi32>, vector<16xi32>], vector<16xf32>,
    %add3A_3135 = arith.constant 48 : i32
    %add3A_3136 = vector.broadcast %add3A_3135 : i32 to vector<16xi32>
    %add3A_3137 = arith.addi %add3A_3136, %iota3A : vector<16xi32>
    %mul3A_3138 = vector.broadcast %mul3A_3117 : f32 to vector<16xf32>
    %mul3A_3139 = arith.mulf %add3A_3077, %mul3A_3138 : vector<16xf32>
    tpu.vector_store_idx %arg9[%broadcast_in_dim3A_3119, %add3A_3137], %mul3A_3139 : memref<32x64xf32, #tpu.memory_space<vmem>>[vector<16xi32>, vector<16xi32>], vector<16xf32>,
    %dma_wait3A_3140 = arith.constant 1 : i32
    %dma_wait3A_3141 = arith.constant 0 : i32
    %dma_wait3A_3142 = arith.constant 0 : i32
    %dma_wait3A_3143 = tpu.memref_slice %arg7[%dma_wait3A_3140, %dma_wait3A_3141, %dma_wait3A_3142] : memref<8x64x128xf32, #tpu.memory_space<vmem>> -> memref<1x64x128xf32, #tpu.memory_space<vmem>>
    %dma_wait3A_3144 = tpu.memref_squeeze %dma_wait3A_3143 : memref<1x64x128xf32, #tpu.memory_space<vmem>> -> memref<64x128xf32, #tpu.memory_space<vmem>>
    %dma_wait3A_3145 = arith.constant 0 : i32
    %dma_wait3A_3146 = tpu.memref_slice %arg3[%dma_wait3A_3145, %multiple_of3A_2256] : memref<64x100000xf32, #tpu.memory_space<hbm>> -> memref<64x128xf32, #tpu.memory_space<hbm>>
    %dma_wait3A_3147 = arith.constant 0 : i32
    %dma_wait3A_3148 = arith.constant 0 : i32
    %dma_wait3A_3149 = tpu.memref_slice %arg7[%dma_wait3A_3140, %dma_wait3A_3147, %dma_wait3A_3148] : memref<8x64x128xf32, #tpu.memory_space<vmem>> -> memref<1x64x128xf32, #tpu.memory_space<vmem>>
    %dma_wait3A_3150 = tpu.memref_squeeze %dma_wait3A_3149 : memref<1x64x128xf32, #tpu.memory_space<vmem>> -> memref<64x128xf32, #tpu.memory_space<vmem>>
    %dma_wait3A_3151 = arith.constant 0 : i32
    %dma_wait3A_3152 = tpu.memref_slice %arg3[%dma_wait3A_3151, %multiple_of3A_2256] : memref<64x100000xf32, #tpu.memory_space<hbm>> -> memref<64x128xf32, #tpu.memory_space<hbm>>
    tpu.wait_dma2 semaphore(%arg11 : memref<!tpu.dma_semaphore, #tpu.memory_space<semaphore_mem>>) src(%dma_wait3A_3152 : memref<64x128xf32, #tpu.memory_space<hbm>>) dst(%dma_wait3A_3150 : memref<64x128xf32, #tpu.memory_space<vmem>>)
    %and3A_3153 = arith.constant 127 : i32
    %and3A_3154 = arith.andi %squeeze3A_55, %and3A_3153 : i32
    %broadcast_in_dim3A_3155 = vector.broadcast %and3A_3154 : i32 to vector<16xi32>
    %broadcast_in_dim3A_3156 = arith.constant 1 : i32
    %broadcast_in_dim3A_3157 = vector.broadcast %broadcast_in_dim3A_3156 : i32 to vector<16xi32>
    %add3A_3158 = arith.constant 0 : i32
    %add3A_3159 = vector.broadcast %add3A_3158 : i32 to vector<16xi32>
    %add3A_3160 = arith.addi %add3A_3159, %iota3A : vector<16xi32>
    %gather3A_3161 = tpu.vector_load_idx %arg7[%broadcast_in_dim3A_3157, %add3A_3160, %broadcast_in_dim3A_3155] : memref<8x64x128xf32, #tpu.memory_space<vmem>>[vector<16xi32>, vector<16xi32>, vector<16xi32>], vector<16xf32>,
    %add3A_3162 = arith.addf %gather3A_3161, %get3A_209 : vector<16xf32>
    %add3A_3163 = arith.constant 16 : i32
    %add3A_3164 = vector.broadcast %add3A_3163 : i32 to vector<16xi32>
    %add3A_3165 = arith.addi %add3A_3164, %iota3A : vector<16xi32>
    %gather3A_3166 = tpu.vector_load_idx %arg7[%broadcast_in_dim3A_3157, %add3A_3165, %broadcast_in_dim3A_3155] : memref<8x64x128xf32, #tpu.memory_space<vmem>>[vector<16xi32>, vector<16xi32>, vector<16xi32>], vector<16xf32>,
    %add3A_3167 = arith.addf %gather3A_3166, %get3A_211 : vector<16xf32>
    %add3A_3168 = arith.constant 32 : i32
    %add3A_3169 = vector.broadcast %add3A_3168 : i32 to vector<16xi32>
    %add3A_3170 = arith.addi %add3A_3169, %iota3A : vector<16xi32>
    %gather3A_3171 = tpu.vector_load_idx %arg7[%broadcast_in_dim3A_3157, %add3A_3170, %broadcast_in_dim3A_3155] : memref<8x64x128xf32, #tpu.memory_space<vmem>>[vector<16xi32>, vector<16xi32>, vector<16xi32>], vector<16xf32>,
    %add3A_3172 = arith.addf %gather3A_3171, %get3A_213 : vector<16xf32>
    %add3A_3173 = arith.constant 48 : i32
    %add3A_3174 = vector.broadcast %add3A_3173 : i32 to vector<16xi32>
    %add3A_3175 = arith.addi %add3A_3174, %iota3A : vector<16xi32>
    %gather3A_3176 = tpu.vector_load_idx %arg7[%broadcast_in_dim3A_3157, %add3A_3175, %broadcast_in_dim3A_3155] : memref<8x64x128xf32, #tpu.memory_space<vmem>>[vector<16xi32>, vector<16xi32>, vector<16xi32>], vector<16xf32>,
    %add3A_3177 = arith.addf %gather3A_3176, %get3A_215 : vector<16xf32>
    %mul3A_3178 = arith.mulf %add3A_3162, %add3A_3162 : vector<16xf32>
    %mul3A_3179 = arith.mulf %add3A_3167, %add3A_3167 : vector<16xf32>
    %add3A_3180 = arith.addf %mul3A_3178, %mul3A_3179 : vector<16xf32>
    %mul3A_3181 = arith.mulf %add3A_3172, %add3A_3172 : vector<16xf32>
    %mul3A_3182 = arith.mulf %add3A_3177, %add3A_3177 : vector<16xf32>
    %add3A_3183 = arith.addf %mul3A_3181, %mul3A_3182 : vector<16xf32>
    %add3A_3184 = arith.addf %add3A_3180, %add3A_3183 : vector<16xf32>
    %reduce_sum3A_3185 = arith.constant true
    %reduce_sum3A_3186 = vector.broadcast %reduce_sum3A_3185 : i1 to vector<16xi1>
    %reduce_sum3A_3187 = tpu.scan <sum>, %add3A_3184 masked %reduce_sum3A_3186 : vector<16xf32>, vector<16xi1> -> vector<16xf32>
    %reduce_sum3A_3188 = vector.extract %reduce_sum3A_3187[15] : f32 from vector<16xf32>
    %max3A_3189 = arith.constant 1.000000e-24 : f32
    %max3A_3190 = arith.maximumf %reduce_sum3A_3188, %max3A_3189 : f32
    %bitcast_convert_type3A_3191 = arith.bitcast %max3A_3190 : f32 to i32
    %shift_right_arithmetic3A_3192 = arith.constant 1 : i32
    %shift_right_arithmetic3A_3193 = arith.shrsi %bitcast_convert_type3A_3191, %shift_right_arithmetic3A_3192 : i32
    %sub3A_3194 = arith.constant 1597463007 : i32
    %sub3A_3195 = arith.subi %sub3A_3194, %shift_right_arithmetic3A_3193 : i32
    %bitcast_convert_type3A_3196 = arith.bitcast %sub3A_3195 : i32 to f32
    %mul3A_3197 = arith.constant 5.000000e-01 : f32
    %mul3A_3198 = arith.mulf %mul3A_3197, %max3A_3190 : f32
    %mul3A_3199 = arith.mulf %mul3A_3198, %bitcast_convert_type3A_3196 : f32
    %mul3A_3200 = arith.mulf %mul3A_3199, %bitcast_convert_type3A_3196 : f32
    %sub3A_3201 = arith.constant 1.500000e+00 : f32
    %sub3A_3202 = arith.subf %sub3A_3201, %mul3A_3200 : f32
    %mul3A_3203 = arith.mulf %bitcast_convert_type3A_3196, %sub3A_3202 : f32
    %mul3A_3204 = arith.constant 5.000000e-01 : f32
    %mul3A_3205 = arith.mulf %mul3A_3204, %max3A_3190 : f32
    %mul3A_3206 = arith.mulf %mul3A_3205, %mul3A_3203 : f32
    %mul3A_3207 = arith.mulf %mul3A_3206, %mul3A_3203 : f32
    %sub3A_3208 = arith.constant 1.500000e+00 : f32
    %sub3A_3209 = arith.subf %sub3A_3208, %mul3A_3207 : f32
    %mul3A_3210 = arith.mulf %mul3A_3203, %sub3A_3209 : f32
    %mul3A_3211 = arith.constant 5.000000e-01 : f32
    %mul3A_3212 = arith.mulf %mul3A_3211, %max3A_3190 : f32
    %mul3A_3213 = arith.mulf %mul3A_3212, %mul3A_3210 : f32
    %mul3A_3214 = arith.mulf %mul3A_3213, %mul3A_3210 : f32
    %sub3A_3215 = arith.constant 1.500000e+00 : f32
    %sub3A_3216 = arith.subf %sub3A_3215, %mul3A_3214 : f32
    %mul3A_3217 = arith.mulf %mul3A_3210, %sub3A_3216 : f32
    %broadcast_in_dim3A_3218 = arith.constant 25 : i32
    %broadcast_in_dim3A_3219 = vector.broadcast %broadcast_in_dim3A_3218 : i32 to vector<16xi32>
    %add3A_3220 = arith.constant 0 : i32
    %add3A_3221 = vector.broadcast %add3A_3220 : i32 to vector<16xi32>
    %add3A_3222 = arith.addi %add3A_3221, %iota3A : vector<16xi32>
    %mul3A_3223 = vector.broadcast %mul3A_3217 : f32 to vector<16xf32>
    %mul3A_3224 = arith.mulf %add3A_3162, %mul3A_3223 : vector<16xf32>
    tpu.vector_store_idx %arg9[%broadcast_in_dim3A_3219, %add3A_3222], %mul3A_3224 : memref<32x64xf32, #tpu.memory_space<vmem>>[vector<16xi32>, vector<16xi32>], vector<16xf32>,
    %add3A_3225 = arith.constant 16 : i32
    %add3A_3226 = vector.broadcast %add3A_3225 : i32 to vector<16xi32>
    %add3A_3227 = arith.addi %add3A_3226, %iota3A : vector<16xi32>
    %mul3A_3228 = vector.broadcast %mul3A_3217 : f32 to vector<16xf32>
    %mul3A_3229 = arith.mulf %add3A_3167, %mul3A_3228 : vector<16xf32>
    tpu.vector_store_idx %arg9[%broadcast_in_dim3A_3219, %add3A_3227], %mul3A_3229 : memref<32x64xf32, #tpu.memory_space<vmem>>[vector<16xi32>, vector<16xi32>], vector<16xf32>,
    %add3A_3230 = arith.constant 32 : i32
    %add3A_3231 = vector.broadcast %add3A_3230 : i32 to vector<16xi32>
    %add3A_3232 = arith.addi %add3A_3231, %iota3A : vector<16xi32>
    %mul3A_3233 = vector.broadcast %mul3A_3217 : f32 to vector<16xf32>
    %mul3A_3234 = arith.mulf %add3A_3172, %mul3A_3233 : vector<16xf32>
    tpu.vector_store_idx %arg9[%broadcast_in_dim3A_3219, %add3A_3232], %mul3A_3234 : memref<32x64xf32, #tpu.memory_space<vmem>>[vector<16xi32>, vector<16xi32>], vector<16xf32>,
    %add3A_3235 = arith.constant 48 : i32
    %add3A_3236 = vector.broadcast %add3A_3235 : i32 to vector<16xi32>
    %add3A_3237 = arith.addi %add3A_3236, %iota3A : vector<16xi32>
    %mul3A_3238 = vector.broadcast %mul3A_3217 : f32 to vector<16xf32>
    %mul3A_3239 = arith.mulf %add3A_3177, %mul3A_3238 : vector<16xf32>
    tpu.vector_store_idx %arg9[%broadcast_in_dim3A_3219, %add3A_3237], %mul3A_3239 : memref<32x64xf32, #tpu.memory_space<vmem>>[vector<16xi32>, vector<16xi32>], vector<16xf32>,
    %dma_wait3A_3240 = arith.constant 2 : i32
    %dma_wait3A_3241 = arith.constant 0 : i32
    %dma_wait3A_3242 = arith.constant 0 : i32
    %dma_wait3A_3243 = tpu.memref_slice %arg7[%dma_wait3A_3240, %dma_wait3A_3241, %dma_wait3A_3242] : memref<8x64x128xf32, #tpu.memory_space<vmem>> -> memref<1x64x128xf32, #tpu.memory_space<vmem>>
    %dma_wait3A_3244 = tpu.memref_squeeze %dma_wait3A_3243 : memref<1x64x128xf32, #tpu.memory_space<vmem>> -> memref<64x128xf32, #tpu.memory_space<vmem>>
    %dma_wait3A_3245 = arith.constant 0 : i32
    %dma_wait3A_3246 = tpu.memref_slice %arg3[%dma_wait3A_3245, %multiple_of3A_2374] : memref<64x100000xf32, #tpu.memory_space<hbm>> -> memref<64x128xf32, #tpu.memory_space<hbm>>
    %dma_wait3A_3247 = arith.constant 0 : i32
    %dma_wait3A_3248 = arith.constant 0 : i32
    %dma_wait3A_3249 = tpu.memref_slice %arg7[%dma_wait3A_3240, %dma_wait3A_3247, %dma_wait3A_3248] : memref<8x64x128xf32, #tpu.memory_space<vmem>> -> memref<1x64x128xf32, #tpu.memory_space<vmem>>
    %dma_wait3A_3250 = tpu.memref_squeeze %dma_wait3A_3249 : memref<1x64x128xf32, #tpu.memory_space<vmem>> -> memref<64x128xf32, #tpu.memory_space<vmem>>
    %dma_wait3A_3251 = arith.constant 0 : i32
    %dma_wait3A_3252 = tpu.memref_slice %arg3[%dma_wait3A_3251, %multiple_of3A_2374] : memref<64x100000xf32, #tpu.memory_space<hbm>> -> memref<64x128xf32, #tpu.memory_space<hbm>>
    tpu.wait_dma2 semaphore(%arg12 : memref<!tpu.dma_semaphore, #tpu.memory_space<semaphore_mem>>) src(%dma_wait3A_3252 : memref<64x128xf32, #tpu.memory_space<hbm>>) dst(%dma_wait3A_3250 : memref<64x128xf32, #tpu.memory_space<vmem>>)
    %and3A_3253 = arith.constant 127 : i32
    %and3A_3254 = arith.andi %squeeze3A_57, %and3A_3253 : i32
    %broadcast_in_dim3A_3255 = vector.broadcast %and3A_3254 : i32 to vector<16xi32>
    %broadcast_in_dim3A_3256 = arith.constant 2 : i32
    %broadcast_in_dim3A_3257 = vector.broadcast %broadcast_in_dim3A_3256 : i32 to vector<16xi32>
    %add3A_3258 = arith.constant 0 : i32
    %add3A_3259 = vector.broadcast %add3A_3258 : i32 to vector<16xi32>
    %add3A_3260 = arith.addi %add3A_3259, %iota3A : vector<16xi32>
    %gather3A_3261 = tpu.vector_load_idx %arg7[%broadcast_in_dim3A_3257, %add3A_3260, %broadcast_in_dim3A_3255] : memref<8x64x128xf32, #tpu.memory_space<vmem>>[vector<16xi32>, vector<16xi32>, vector<16xi32>], vector<16xf32>,
    %add3A_3262 = arith.addf %gather3A_3261, %get3A_209 : vector<16xf32>
    %add3A_3263 = arith.constant 16 : i32
    %add3A_3264 = vector.broadcast %add3A_3263 : i32 to vector<16xi32>
    %add3A_3265 = arith.addi %add3A_3264, %iota3A : vector<16xi32>
    %gather3A_3266 = tpu.vector_load_idx %arg7[%broadcast_in_dim3A_3257, %add3A_3265, %broadcast_in_dim3A_3255] : memref<8x64x128xf32, #tpu.memory_space<vmem>>[vector<16xi32>, vector<16xi32>, vector<16xi32>], vector<16xf32>,
    %add3A_3267 = arith.addf %gather3A_3266, %get3A_211 : vector<16xf32>
    %add3A_3268 = arith.constant 32 : i32
    %add3A_3269 = vector.broadcast %add3A_3268 : i32 to vector<16xi32>
    %add3A_3270 = arith.addi %add3A_3269, %iota3A : vector<16xi32>
    %gather3A_3271 = tpu.vector_load_idx %arg7[%broadcast_in_dim3A_3257, %add3A_3270, %broadcast_in_dim3A_3255] : memref<8x64x128xf32, #tpu.memory_space<vmem>>[vector<16xi32>, vector<16xi32>, vector<16xi32>], vector<16xf32>,
    %add3A_3272 = arith.addf %gather3A_3271, %get3A_213 : vector<16xf32>
    %add3A_3273 = arith.constant 48 : i32
    %add3A_3274 = vector.broadcast %add3A_3273 : i32 to vector<16xi32>
    %add3A_3275 = arith.addi %add3A_3274, %iota3A : vector<16xi32>
    %gather3A_3276 = tpu.vector_load_idx %arg7[%broadcast_in_dim3A_3257, %add3A_3275, %broadcast_in_dim3A_3255] : memref<8x64x128xf32, #tpu.memory_space<vmem>>[vector<16xi32>, vector<16xi32>, vector<16xi32>], vector<16xf32>,
    %add3A_3277 = arith.addf %gather3A_3276, %get3A_215 : vector<16xf32>
    %mul3A_3278 = arith.mulf %add3A_3262, %add3A_3262 : vector<16xf32>
    %mul3A_3279 = arith.mulf %add3A_3267, %add3A_3267 : vector<16xf32>
    %add3A_3280 = arith.addf %mul3A_3278, %mul3A_3279 : vector<16xf32>
    %mul3A_3281 = arith.mulf %add3A_3272, %add3A_3272 : vector<16xf32>
    %mul3A_3282 = arith.mulf %add3A_3277, %add3A_3277 : vector<16xf32>
    %add3A_3283 = arith.addf %mul3A_3281, %mul3A_3282 : vector<16xf32>
    %add3A_3284 = arith.addf %add3A_3280, %add3A_3283 : vector<16xf32>
    %reduce_sum3A_3285 = arith.constant true
    %reduce_sum3A_3286 = vector.broadcast %reduce_sum3A_3285 : i1 to vector<16xi1>
    %reduce_sum3A_3287 = tpu.scan <sum>, %add3A_3284 masked %reduce_sum3A_3286 : vector<16xf32>, vector<16xi1> -> vector<16xf32>
    %reduce_sum3A_3288 = vector.extract %reduce_sum3A_3287[15] : f32 from vector<16xf32>
    %max3A_3289 = arith.constant 1.000000e-24 : f32
    %max3A_3290 = arith.maximumf %reduce_sum3A_3288, %max3A_3289 : f32
    %bitcast_convert_type3A_3291 = arith.bitcast %max3A_3290 : f32 to i32
    %shift_right_arithmetic3A_3292 = arith.constant 1 : i32
    %shift_right_arithmetic3A_3293 = arith.shrsi %bitcast_convert_type3A_3291, %shift_right_arithmetic3A_3292 : i32
    %sub3A_3294 = arith.constant 1597463007 : i32
    %sub3A_3295 = arith.subi %sub3A_3294, %shift_right_arithmetic3A_3293 : i32
    %bitcast_convert_type3A_3296 = arith.bitcast %sub3A_3295 : i32 to f32
    %mul3A_3297 = arith.constant 5.000000e-01 : f32
    %mul3A_3298 = arith.mulf %mul3A_3297, %max3A_3290 : f32
    %mul3A_3299 = arith.mulf %mul3A_3298, %bitcast_convert_type3A_3296 : f32
    %mul3A_3300 = arith.mulf %mul3A_3299, %bitcast_convert_type3A_3296 : f32
    %sub3A_3301 = arith.constant 1.500000e+00 : f32
    %sub3A_3302 = arith.subf %sub3A_3301, %mul3A_3300 : f32
    %mul3A_3303 = arith.mulf %bitcast_convert_type3A_3296, %sub3A_3302 : f32
    %mul3A_3304 = arith.constant 5.000000e-01 : f32
    %mul3A_3305 = arith.mulf %mul3A_3304, %max3A_3290 : f32
    %mul3A_3306 = arith.mulf %mul3A_3305, %mul3A_3303 : f32
    %mul3A_3307 = arith.mulf %mul3A_3306, %mul3A_3303 : f32
    %sub3A_3308 = arith.constant 1.500000e+00 : f32
    %sub3A_3309 = arith.subf %sub3A_3308, %mul3A_3307 : f32
    %mul3A_3310 = arith.mulf %mul3A_3303, %sub3A_3309 : f32
    %mul3A_3311 = arith.constant 5.000000e-01 : f32
    %mul3A_3312 = arith.mulf %mul3A_3311, %max3A_3290 : f32
    %mul3A_3313 = arith.mulf %mul3A_3312, %mul3A_3310 : f32
    %mul3A_3314 = arith.mulf %mul3A_3313, %mul3A_3310 : f32
    %sub3A_3315 = arith.constant 1.500000e+00 : f32
    %sub3A_3316 = arith.subf %sub3A_3315, %mul3A_3314 : f32
    %mul3A_3317 = arith.mulf %mul3A_3310, %sub3A_3316 : f32
    %broadcast_in_dim3A_3318 = arith.constant 26 : i32
    %broadcast_in_dim3A_3319 = vector.broadcast %broadcast_in_dim3A_3318 : i32 to vector<16xi32>
    %add3A_3320 = arith.constant 0 : i32
    %add3A_3321 = vector.broadcast %add3A_3320 : i32 to vector<16xi32>
    %add3A_3322 = arith.addi %add3A_3321, %iota3A : vector<16xi32>
    %mul3A_3323 = vector.broadcast %mul3A_3317 : f32 to vector<16xf32>
    %mul3A_3324 = arith.mulf %add3A_3262, %mul3A_3323 : vector<16xf32>
    tpu.vector_store_idx %arg9[%broadcast_in_dim3A_3319, %add3A_3322], %mul3A_3324 : memref<32x64xf32, #tpu.memory_space<vmem>>[vector<16xi32>, vector<16xi32>], vector<16xf32>,
    %add3A_3325 = arith.constant 16 : i32
    %add3A_3326 = vector.broadcast %add3A_3325 : i32 to vector<16xi32>
    %add3A_3327 = arith.addi %add3A_3326, %iota3A : vector<16xi32>
    %mul3A_3328 = vector.broadcast %mul3A_3317 : f32 to vector<16xf32>
    %mul3A_3329 = arith.mulf %add3A_3267, %mul3A_3328 : vector<16xf32>
    tpu.vector_store_idx %arg9[%broadcast_in_dim3A_3319, %add3A_3327], %mul3A_3329 : memref<32x64xf32, #tpu.memory_space<vmem>>[vector<16xi32>, vector<16xi32>], vector<16xf32>,
    %add3A_3330 = arith.constant 32 : i32
    %add3A_3331 = vector.broadcast %add3A_3330 : i32 to vector<16xi32>
    %add3A_3332 = arith.addi %add3A_3331, %iota3A : vector<16xi32>
    %mul3A_3333 = vector.broadcast %mul3A_3317 : f32 to vector<16xf32>
    %mul3A_3334 = arith.mulf %add3A_3272, %mul3A_3333 : vector<16xf32>
    tpu.vector_store_idx %arg9[%broadcast_in_dim3A_3319, %add3A_3332], %mul3A_3334 : memref<32x64xf32, #tpu.memory_space<vmem>>[vector<16xi32>, vector<16xi32>], vector<16xf32>,
    %add3A_3335 = arith.constant 48 : i32
    %add3A_3336 = vector.broadcast %add3A_3335 : i32 to vector<16xi32>
    %add3A_3337 = arith.addi %add3A_3336, %iota3A : vector<16xi32>
    %mul3A_3338 = vector.broadcast %mul3A_3317 : f32 to vector<16xf32>
    %mul3A_3339 = arith.mulf %add3A_3277, %mul3A_3338 : vector<16xf32>
    tpu.vector_store_idx %arg9[%broadcast_in_dim3A_3319, %add3A_3337], %mul3A_3339 : memref<32x64xf32, #tpu.memory_space<vmem>>[vector<16xi32>, vector<16xi32>], vector<16xf32>,
    %dma_wait3A_3340 = arith.constant 3 : i32
    %dma_wait3A_3341 = arith.constant 0 : i32
    %dma_wait3A_3342 = arith.constant 0 : i32
    %dma_wait3A_3343 = tpu.memref_slice %arg7[%dma_wait3A_3340, %dma_wait3A_3341, %dma_wait3A_3342] : memref<8x64x128xf32, #tpu.memory_space<vmem>> -> memref<1x64x128xf32, #tpu.memory_space<vmem>>
    %dma_wait3A_3344 = tpu.memref_squeeze %dma_wait3A_3343 : memref<1x64x128xf32, #tpu.memory_space<vmem>> -> memref<64x128xf32, #tpu.memory_space<vmem>>
    %dma_wait3A_3345 = arith.constant 0 : i32
    %dma_wait3A_3346 = tpu.memref_slice %arg3[%dma_wait3A_3345, %multiple_of3A_2492] : memref<64x100000xf32, #tpu.memory_space<hbm>> -> memref<64x128xf32, #tpu.memory_space<hbm>>
    %dma_wait3A_3347 = arith.constant 0 : i32
    %dma_wait3A_3348 = arith.constant 0 : i32
    %dma_wait3A_3349 = tpu.memref_slice %arg7[%dma_wait3A_3340, %dma_wait3A_3347, %dma_wait3A_3348] : memref<8x64x128xf32, #tpu.memory_space<vmem>> -> memref<1x64x128xf32, #tpu.memory_space<vmem>>
    %dma_wait3A_3350 = tpu.memref_squeeze %dma_wait3A_3349 : memref<1x64x128xf32, #tpu.memory_space<vmem>> -> memref<64x128xf32, #tpu.memory_space<vmem>>
    %dma_wait3A_3351 = arith.constant 0 : i32
    %dma_wait3A_3352 = tpu.memref_slice %arg3[%dma_wait3A_3351, %multiple_of3A_2492] : memref<64x100000xf32, #tpu.memory_space<hbm>> -> memref<64x128xf32, #tpu.memory_space<hbm>>
    tpu.wait_dma2 semaphore(%arg13 : memref<!tpu.dma_semaphore, #tpu.memory_space<semaphore_mem>>) src(%dma_wait3A_3352 : memref<64x128xf32, #tpu.memory_space<hbm>>) dst(%dma_wait3A_3350 : memref<64x128xf32, #tpu.memory_space<vmem>>)
    %and3A_3353 = arith.constant 127 : i32
    %and3A_3354 = arith.andi %squeeze3A_59, %and3A_3353 : i32
    %broadcast_in_dim3A_3355 = vector.broadcast %and3A_3354 : i32 to vector<16xi32>
    %broadcast_in_dim3A_3356 = arith.constant 3 : i32
    %broadcast_in_dim3A_3357 = vector.broadcast %broadcast_in_dim3A_3356 : i32 to vector<16xi32>
    %add3A_3358 = arith.constant 0 : i32
    %add3A_3359 = vector.broadcast %add3A_3358 : i32 to vector<16xi32>
    %add3A_3360 = arith.addi %add3A_3359, %iota3A : vector<16xi32>
    %gather3A_3361 = tpu.vector_load_idx %arg7[%broadcast_in_dim3A_3357, %add3A_3360, %broadcast_in_dim3A_3355] : memref<8x64x128xf32, #tpu.memory_space<vmem>>[vector<16xi32>, vector<16xi32>, vector<16xi32>], vector<16xf32>,
    %add3A_3362 = arith.addf %gather3A_3361, %get3A_209 : vector<16xf32>
    %add3A_3363 = arith.constant 16 : i32
    %add3A_3364 = vector.broadcast %add3A_3363 : i32 to vector<16xi32>
    %add3A_3365 = arith.addi %add3A_3364, %iota3A : vector<16xi32>
    %gather3A_3366 = tpu.vector_load_idx %arg7[%broadcast_in_dim3A_3357, %add3A_3365, %broadcast_in_dim3A_3355] : memref<8x64x128xf32, #tpu.memory_space<vmem>>[vector<16xi32>, vector<16xi32>, vector<16xi32>], vector<16xf32>,
    %add3A_3367 = arith.addf %gather3A_3366, %get3A_211 : vector<16xf32>
    %add3A_3368 = arith.constant 32 : i32
    %add3A_3369 = vector.broadcast %add3A_3368 : i32 to vector<16xi32>
    %add3A_3370 = arith.addi %add3A_3369, %iota3A : vector<16xi32>
    %gather3A_3371 = tpu.vector_load_idx %arg7[%broadcast_in_dim3A_3357, %add3A_3370, %broadcast_in_dim3A_3355] : memref<8x64x128xf32, #tpu.memory_space<vmem>>[vector<16xi32>, vector<16xi32>, vector<16xi32>], vector<16xf32>,
    %add3A_3372 = arith.addf %gather3A_3371, %get3A_213 : vector<16xf32>
    %add3A_3373 = arith.constant 48 : i32
    %add3A_3374 = vector.broadcast %add3A_3373 : i32 to vector<16xi32>
    %add3A_3375 = arith.addi %add3A_3374, %iota3A : vector<16xi32>
    %gather3A_3376 = tpu.vector_load_idx %arg7[%broadcast_in_dim3A_3357, %add3A_3375, %broadcast_in_dim3A_3355] : memref<8x64x128xf32, #tpu.memory_space<vmem>>[vector<16xi32>, vector<16xi32>, vector<16xi32>], vector<16xf32>,
    %add3A_3377 = arith.addf %gather3A_3376, %get3A_215 : vector<16xf32>
    %mul3A_3378 = arith.mulf %add3A_3362, %add3A_3362 : vector<16xf32>
    %mul3A_3379 = arith.mulf %add3A_3367, %add3A_3367 : vector<16xf32>
    %add3A_3380 = arith.addf %mul3A_3378, %mul3A_3379 : vector<16xf32>
    %mul3A_3381 = arith.mulf %add3A_3372, %add3A_3372 : vector<16xf32>
    %mul3A_3382 = arith.mulf %add3A_3377, %add3A_3377 : vector<16xf32>
    %add3A_3383 = arith.addf %mul3A_3381, %mul3A_3382 : vector<16xf32>
    %add3A_3384 = arith.addf %add3A_3380, %add3A_3383 : vector<16xf32>
    %reduce_sum3A_3385 = arith.constant true
    %reduce_sum3A_3386 = vector.broadcast %reduce_sum3A_3385 : i1 to vector<16xi1>
    %reduce_sum3A_3387 = tpu.scan <sum>, %add3A_3384 masked %reduce_sum3A_3386 : vector<16xf32>, vector<16xi1> -> vector<16xf32>
    %reduce_sum3A_3388 = vector.extract %reduce_sum3A_3387[15] : f32 from vector<16xf32>
    %max3A_3389 = arith.constant 1.000000e-24 : f32
    %max3A_3390 = arith.maximumf %reduce_sum3A_3388, %max3A_3389 : f32
    %bitcast_convert_type3A_3391 = arith.bitcast %max3A_3390 : f32 to i32
    %shift_right_arithmetic3A_3392 = arith.constant 1 : i32
    %shift_right_arithmetic3A_3393 = arith.shrsi %bitcast_convert_type3A_3391, %shift_right_arithmetic3A_3392 : i32
    %sub3A_3394 = arith.constant 1597463007 : i32
    %sub3A_3395 = arith.subi %sub3A_3394, %shift_right_arithmetic3A_3393 : i32
    %bitcast_convert_type3A_3396 = arith.bitcast %sub3A_3395 : i32 to f32
    %mul3A_3397 = arith.constant 5.000000e-01 : f32
    %mul3A_3398 = arith.mulf %mul3A_3397, %max3A_3390 : f32
    %mul3A_3399 = arith.mulf %mul3A_3398, %bitcast_convert_type3A_3396 : f32
    %mul3A_3400 = arith.mulf %mul3A_3399, %bitcast_convert_type3A_3396 : f32
    %sub3A_3401 = arith.constant 1.500000e+00 : f32
    %sub3A_3402 = arith.subf %sub3A_3401, %mul3A_3400 : f32
    %mul3A_3403 = arith.mulf %bitcast_convert_type3A_3396, %sub3A_3402 : f32
    %mul3A_3404 = arith.constant 5.000000e-01 : f32
    %mul3A_3405 = arith.mulf %mul3A_3404, %max3A_3390 : f32
    %mul3A_3406 = arith.mulf %mul3A_3405, %mul3A_3403 : f32
    %mul3A_3407 = arith.mulf %mul3A_3406, %mul3A_3403 : f32
    %sub3A_3408 = arith.constant 1.500000e+00 : f32
    %sub3A_3409 = arith.subf %sub3A_3408, %mul3A_3407 : f32
    %mul3A_3410 = arith.mulf %mul3A_3403, %sub3A_3409 : f32
    %mul3A_3411 = arith.constant 5.000000e-01 : f32
    %mul3A_3412 = arith.mulf %mul3A_3411, %max3A_3390 : f32
    %mul3A_3413 = arith.mulf %mul3A_3412, %mul3A_3410 : f32
    %mul3A_3414 = arith.mulf %mul3A_3413, %mul3A_3410 : f32
    %sub3A_3415 = arith.constant 1.500000e+00 : f32
    %sub3A_3416 = arith.subf %sub3A_3415, %mul3A_3414 : f32
    %mul3A_3417 = arith.mulf %mul3A_3410, %sub3A_3416 : f32
    %broadcast_in_dim3A_3418 = arith.constant 27 : i32
    %broadcast_in_dim3A_3419 = vector.broadcast %broadcast_in_dim3A_3418 : i32 to vector<16xi32>
    %add3A_3420 = arith.constant 0 : i32
    %add3A_3421 = vector.broadcast %add3A_3420 : i32 to vector<16xi32>
    %add3A_3422 = arith.addi %add3A_3421, %iota3A : vector<16xi32>
    %mul3A_3423 = vector.broadcast %mul3A_3417 : f32 to vector<16xf32>
    %mul3A_3424 = arith.mulf %add3A_3362, %mul3A_3423 : vector<16xf32>
    tpu.vector_store_idx %arg9[%broadcast_in_dim3A_3419, %add3A_3422], %mul3A_3424 : memref<32x64xf32, #tpu.memory_space<vmem>>[vector<16xi32>, vector<16xi32>], vector<16xf32>,
    %add3A_3425 = arith.constant 16 : i32
    %add3A_3426 = vector.broadcast %add3A_3425 : i32 to vector<16xi32>
    %add3A_3427 = arith.addi %add3A_3426, %iota3A : vector<16xi32>
    %mul3A_3428 = vector.broadcast %mul3A_3417 : f32 to vector<16xf32>
    %mul3A_3429 = arith.mulf %add3A_3367, %mul3A_3428 : vector<16xf32>
    tpu.vector_store_idx %arg9[%broadcast_in_dim3A_3419, %add3A_3427], %mul3A_3429 : memref<32x64xf32, #tpu.memory_space<vmem>>[vector<16xi32>, vector<16xi32>], vector<16xf32>,
    %add3A_3430 = arith.constant 32 : i32
    %add3A_3431 = vector.broadcast %add3A_3430 : i32 to vector<16xi32>
    %add3A_3432 = arith.addi %add3A_3431, %iota3A : vector<16xi32>
    %mul3A_3433 = vector.broadcast %mul3A_3417 : f32 to vector<16xf32>
    %mul3A_3434 = arith.mulf %add3A_3372, %mul3A_3433 : vector<16xf32>
    tpu.vector_store_idx %arg9[%broadcast_in_dim3A_3419, %add3A_3432], %mul3A_3434 : memref<32x64xf32, #tpu.memory_space<vmem>>[vector<16xi32>, vector<16xi32>], vector<16xf32>,
    %add3A_3435 = arith.constant 48 : i32
    %add3A_3436 = vector.broadcast %add3A_3435 : i32 to vector<16xi32>
    %add3A_3437 = arith.addi %add3A_3436, %iota3A : vector<16xi32>
    %mul3A_3438 = vector.broadcast %mul3A_3417 : f32 to vector<16xf32>
    %mul3A_3439 = arith.mulf %add3A_3377, %mul3A_3438 : vector<16xf32>
    tpu.vector_store_idx %arg9[%broadcast_in_dim3A_3419, %add3A_3437], %mul3A_3439 : memref<32x64xf32, #tpu.memory_space<vmem>>[vector<16xi32>, vector<16xi32>], vector<16xf32>,
    %dma_wait3A_3440 = arith.constant 4 : i32
    %dma_wait3A_3441 = arith.constant 0 : i32
    %dma_wait3A_3442 = arith.constant 0 : i32
    %dma_wait3A_3443 = tpu.memref_slice %arg7[%dma_wait3A_3440, %dma_wait3A_3441, %dma_wait3A_3442] : memref<8x64x128xf32, #tpu.memory_space<vmem>> -> memref<1x64x128xf32, #tpu.memory_space<vmem>>
    %dma_wait3A_3444 = tpu.memref_squeeze %dma_wait3A_3443 : memref<1x64x128xf32, #tpu.memory_space<vmem>> -> memref<64x128xf32, #tpu.memory_space<vmem>>
    %dma_wait3A_3445 = arith.constant 0 : i32
    %dma_wait3A_3446 = tpu.memref_slice %arg3[%dma_wait3A_3445, %multiple_of3A_2610] : memref<64x100000xf32, #tpu.memory_space<hbm>> -> memref<64x128xf32, #tpu.memory_space<hbm>>
    %dma_wait3A_3447 = arith.constant 0 : i32
    %dma_wait3A_3448 = arith.constant 0 : i32
    %dma_wait3A_3449 = tpu.memref_slice %arg7[%dma_wait3A_3440, %dma_wait3A_3447, %dma_wait3A_3448] : memref<8x64x128xf32, #tpu.memory_space<vmem>> -> memref<1x64x128xf32, #tpu.memory_space<vmem>>
    %dma_wait3A_3450 = tpu.memref_squeeze %dma_wait3A_3449 : memref<1x64x128xf32, #tpu.memory_space<vmem>> -> memref<64x128xf32, #tpu.memory_space<vmem>>
    %dma_wait3A_3451 = arith.constant 0 : i32
    %dma_wait3A_3452 = tpu.memref_slice %arg3[%dma_wait3A_3451, %multiple_of3A_2610] : memref<64x100000xf32, #tpu.memory_space<hbm>> -> memref<64x128xf32, #tpu.memory_space<hbm>>
    tpu.wait_dma2 semaphore(%arg14 : memref<!tpu.dma_semaphore, #tpu.memory_space<semaphore_mem>>) src(%dma_wait3A_3452 : memref<64x128xf32, #tpu.memory_space<hbm>>) dst(%dma_wait3A_3450 : memref<64x128xf32, #tpu.memory_space<vmem>>)
    %and3A_3453 = arith.constant 127 : i32
    %and3A_3454 = arith.andi %squeeze3A_61, %and3A_3453 : i32
    %broadcast_in_dim3A_3455 = vector.broadcast %and3A_3454 : i32 to vector<16xi32>
    %broadcast_in_dim3A_3456 = arith.constant 4 : i32
    %broadcast_in_dim3A_3457 = vector.broadcast %broadcast_in_dim3A_3456 : i32 to vector<16xi32>
    %add3A_3458 = arith.constant 0 : i32
    %add3A_3459 = vector.broadcast %add3A_3458 : i32 to vector<16xi32>
    %add3A_3460 = arith.addi %add3A_3459, %iota3A : vector<16xi32>
    %gather3A_3461 = tpu.vector_load_idx %arg7[%broadcast_in_dim3A_3457, %add3A_3460, %broadcast_in_dim3A_3455] : memref<8x64x128xf32, #tpu.memory_space<vmem>>[vector<16xi32>, vector<16xi32>, vector<16xi32>], vector<16xf32>,
    %add3A_3462 = arith.addf %gather3A_3461, %get3A_209 : vector<16xf32>
    %add3A_3463 = arith.constant 16 : i32
    %add3A_3464 = vector.broadcast %add3A_3463 : i32 to vector<16xi32>
    %add3A_3465 = arith.addi %add3A_3464, %iota3A : vector<16xi32>
    %gather3A_3466 = tpu.vector_load_idx %arg7[%broadcast_in_dim3A_3457, %add3A_3465, %broadcast_in_dim3A_3455] : memref<8x64x128xf32, #tpu.memory_space<vmem>>[vector<16xi32>, vector<16xi32>, vector<16xi32>], vector<16xf32>,
    %add3A_3467 = arith.addf %gather3A_3466, %get3A_211 : vector<16xf32>
    %add3A_3468 = arith.constant 32 : i32
    %add3A_3469 = vector.broadcast %add3A_3468 : i32 to vector<16xi32>
    %add3A_3470 = arith.addi %add3A_3469, %iota3A : vector<16xi32>
    %gather3A_3471 = tpu.vector_load_idx %arg7[%broadcast_in_dim3A_3457, %add3A_3470, %broadcast_in_dim3A_3455] : memref<8x64x128xf32, #tpu.memory_space<vmem>>[vector<16xi32>, vector<16xi32>, vector<16xi32>], vector<16xf32>,
    %add3A_3472 = arith.addf %gather3A_3471, %get3A_213 : vector<16xf32>
    %add3A_3473 = arith.constant 48 : i32
    %add3A_3474 = vector.broadcast %add3A_3473 : i32 to vector<16xi32>
    %add3A_3475 = arith.addi %add3A_3474, %iota3A : vector<16xi32>
    %gather3A_3476 = tpu.vector_load_idx %arg7[%broadcast_in_dim3A_3457, %add3A_3475, %broadcast_in_dim3A_3455] : memref<8x64x128xf32, #tpu.memory_space<vmem>>[vector<16xi32>, vector<16xi32>, vector<16xi32>], vector<16xf32>,
    %add3A_3477 = arith.addf %gather3A_3476, %get3A_215 : vector<16xf32>
    %mul3A_3478 = arith.mulf %add3A_3462, %add3A_3462 : vector<16xf32>
    %mul3A_3479 = arith.mulf %add3A_3467, %add3A_3467 : vector<16xf32>
    %add3A_3480 = arith.addf %mul3A_3478, %mul3A_3479 : vector<16xf32>
    %mul3A_3481 = arith.mulf %add3A_3472, %add3A_3472 : vector<16xf32>
    %mul3A_3482 = arith.mulf %add3A_3477, %add3A_3477 : vector<16xf32>
    %add3A_3483 = arith.addf %mul3A_3481, %mul3A_3482 : vector<16xf32>
    %add3A_3484 = arith.addf %add3A_3480, %add3A_3483 : vector<16xf32>
    %reduce_sum3A_3485 = arith.constant true
    %reduce_sum3A_3486 = vector.broadcast %reduce_sum3A_3485 : i1 to vector<16xi1>
    %reduce_sum3A_3487 = tpu.scan <sum>, %add3A_3484 masked %reduce_sum3A_3486 : vector<16xf32>, vector<16xi1> -> vector<16xf32>
    %reduce_sum3A_3488 = vector.extract %reduce_sum3A_3487[15] : f32 from vector<16xf32>
    %max3A_3489 = arith.constant 1.000000e-24 : f32
    %max3A_3490 = arith.maximumf %reduce_sum3A_3488, %max3A_3489 : f32
    %bitcast_convert_type3A_3491 = arith.bitcast %max3A_3490 : f32 to i32
    %shift_right_arithmetic3A_3492 = arith.constant 1 : i32
    %shift_right_arithmetic3A_3493 = arith.shrsi %bitcast_convert_type3A_3491, %shift_right_arithmetic3A_3492 : i32
    %sub3A_3494 = arith.constant 1597463007 : i32
    %sub3A_3495 = arith.subi %sub3A_3494, %shift_right_arithmetic3A_3493 : i32
    %bitcast_convert_type3A_3496 = arith.bitcast %sub3A_3495 : i32 to f32
    %mul3A_3497 = arith.constant 5.000000e-01 : f32
    %mul3A_3498 = arith.mulf %mul3A_3497, %max3A_3490 : f32
    %mul3A_3499 = arith.mulf %mul3A_3498, %bitcast_convert_type3A_3496 : f32
    %mul3A_3500 = arith.mulf %mul3A_3499, %bitcast_convert_type3A_3496 : f32
    %sub3A_3501 = arith.constant 1.500000e+00 : f32
    %sub3A_3502 = arith.subf %sub3A_3501, %mul3A_3500 : f32
    %mul3A_3503 = arith.mulf %bitcast_convert_type3A_3496, %sub3A_3502 : f32
    %mul3A_3504 = arith.constant 5.000000e-01 : f32
    %mul3A_3505 = arith.mulf %mul3A_3504, %max3A_3490 : f32
    %mul3A_3506 = arith.mulf %mul3A_3505, %mul3A_3503 : f32
    %mul3A_3507 = arith.mulf %mul3A_3506, %mul3A_3503 : f32
    %sub3A_3508 = arith.constant 1.500000e+00 : f32
    %sub3A_3509 = arith.subf %sub3A_3508, %mul3A_3507 : f32
    %mul3A_3510 = arith.mulf %mul3A_3503, %sub3A_3509 : f32
    %mul3A_3511 = arith.constant 5.000000e-01 : f32
    %mul3A_3512 = arith.mulf %mul3A_3511, %max3A_3490 : f32
    %mul3A_3513 = arith.mulf %mul3A_3512, %mul3A_3510 : f32
    %mul3A_3514 = arith.mulf %mul3A_3513, %mul3A_3510 : f32
    %sub3A_3515 = arith.constant 1.500000e+00 : f32
    %sub3A_3516 = arith.subf %sub3A_3515, %mul3A_3514 : f32
    %mul3A_3517 = arith.mulf %mul3A_3510, %sub3A_3516 : f32
    %broadcast_in_dim3A_3518 = arith.constant 28 : i32
    %broadcast_in_dim3A_3519 = vector.broadcast %broadcast_in_dim3A_3518 : i32 to vector<16xi32>
    %add3A_3520 = arith.constant 0 : i32
    %add3A_3521 = vector.broadcast %add3A_3520 : i32 to vector<16xi32>
    %add3A_3522 = arith.addi %add3A_3521, %iota3A : vector<16xi32>
    %mul3A_3523 = vector.broadcast %mul3A_3517 : f32 to vector<16xf32>
    %mul3A_3524 = arith.mulf %add3A_3462, %mul3A_3523 : vector<16xf32>
    tpu.vector_store_idx %arg9[%broadcast_in_dim3A_3519, %add3A_3522], %mul3A_3524 : memref<32x64xf32, #tpu.memory_space<vmem>>[vector<16xi32>, vector<16xi32>], vector<16xf32>,
    %add3A_3525 = arith.constant 16 : i32
    %add3A_3526 = vector.broadcast %add3A_3525 : i32 to vector<16xi32>
    %add3A_3527 = arith.addi %add3A_3526, %iota3A : vector<16xi32>
    %mul3A_3528 = vector.broadcast %mul3A_3517 : f32 to vector<16xf32>
    %mul3A_3529 = arith.mulf %add3A_3467, %mul3A_3528 : vector<16xf32>
    tpu.vector_store_idx %arg9[%broadcast_in_dim3A_3519, %add3A_3527], %mul3A_3529 : memref<32x64xf32, #tpu.memory_space<vmem>>[vector<16xi32>, vector<16xi32>], vector<16xf32>,
    %add3A_3530 = arith.constant 32 : i32
    %add3A_3531 = vector.broadcast %add3A_3530 : i32 to vector<16xi32>
    %add3A_3532 = arith.addi %add3A_3531, %iota3A : vector<16xi32>
    %mul3A_3533 = vector.broadcast %mul3A_3517 : f32 to vector<16xf32>
    %mul3A_3534 = arith.mulf %add3A_3472, %mul3A_3533 : vector<16xf32>
    tpu.vector_store_idx %arg9[%broadcast_in_dim3A_3519, %add3A_3532], %mul3A_3534 : memref<32x64xf32, #tpu.memory_space<vmem>>[vector<16xi32>, vector<16xi32>], vector<16xf32>,
    %add3A_3535 = arith.constant 48 : i32
    %add3A_3536 = vector.broadcast %add3A_3535 : i32 to vector<16xi32>
    %add3A_3537 = arith.addi %add3A_3536, %iota3A : vector<16xi32>
    %mul3A_3538 = vector.broadcast %mul3A_3517 : f32 to vector<16xf32>
    %mul3A_3539 = arith.mulf %add3A_3477, %mul3A_3538 : vector<16xf32>
    tpu.vector_store_idx %arg9[%broadcast_in_dim3A_3519, %add3A_3537], %mul3A_3539 : memref<32x64xf32, #tpu.memory_space<vmem>>[vector<16xi32>, vector<16xi32>], vector<16xf32>,
    %dma_wait3A_3540 = arith.constant 5 : i32
    %dma_wait3A_3541 = arith.constant 0 : i32
    %dma_wait3A_3542 = arith.constant 0 : i32
    %dma_wait3A_3543 = tpu.memref_slice %arg7[%dma_wait3A_3540, %dma_wait3A_3541, %dma_wait3A_3542] : memref<8x64x128xf32, #tpu.memory_space<vmem>> -> memref<1x64x128xf32, #tpu.memory_space<vmem>>
    %dma_wait3A_3544 = tpu.memref_squeeze %dma_wait3A_3543 : memref<1x64x128xf32, #tpu.memory_space<vmem>> -> memref<64x128xf32, #tpu.memory_space<vmem>>
    %dma_wait3A_3545 = arith.constant 0 : i32
    %dma_wait3A_3546 = tpu.memref_slice %arg3[%dma_wait3A_3545, %multiple_of3A_2728] : memref<64x100000xf32, #tpu.memory_space<hbm>> -> memref<64x128xf32, #tpu.memory_space<hbm>>
    %dma_wait3A_3547 = arith.constant 0 : i32
    %dma_wait3A_3548 = arith.constant 0 : i32
    %dma_wait3A_3549 = tpu.memref_slice %arg7[%dma_wait3A_3540, %dma_wait3A_3547, %dma_wait3A_3548] : memref<8x64x128xf32, #tpu.memory_space<vmem>> -> memref<1x64x128xf32, #tpu.memory_space<vmem>>
    %dma_wait3A_3550 = tpu.memref_squeeze %dma_wait3A_3549 : memref<1x64x128xf32, #tpu.memory_space<vmem>> -> memref<64x128xf32, #tpu.memory_space<vmem>>
    %dma_wait3A_3551 = arith.constant 0 : i32
    %dma_wait3A_3552 = tpu.memref_slice %arg3[%dma_wait3A_3551, %multiple_of3A_2728] : memref<64x100000xf32, #tpu.memory_space<hbm>> -> memref<64x128xf32, #tpu.memory_space<hbm>>
    tpu.wait_dma2 semaphore(%arg15 : memref<!tpu.dma_semaphore, #tpu.memory_space<semaphore_mem>>) src(%dma_wait3A_3552 : memref<64x128xf32, #tpu.memory_space<hbm>>) dst(%dma_wait3A_3550 : memref<64x128xf32, #tpu.memory_space<vmem>>)
    %and3A_3553 = arith.constant 127 : i32
    %and3A_3554 = arith.andi %squeeze3A_63, %and3A_3553 : i32
    %broadcast_in_dim3A_3555 = vector.broadcast %and3A_3554 : i32 to vector<16xi32>
    %broadcast_in_dim3A_3556 = arith.constant 5 : i32
    %broadcast_in_dim3A_3557 = vector.broadcast %broadcast_in_dim3A_3556 : i32 to vector<16xi32>
    %add3A_3558 = arith.constant 0 : i32
    %add3A_3559 = vector.broadcast %add3A_3558 : i32 to vector<16xi32>
    %add3A_3560 = arith.addi %add3A_3559, %iota3A : vector<16xi32>
    %gather3A_3561 = tpu.vector_load_idx %arg7[%broadcast_in_dim3A_3557, %add3A_3560, %broadcast_in_dim3A_3555] : memref<8x64x128xf32, #tpu.memory_space<vmem>>[vector<16xi32>, vector<16xi32>, vector<16xi32>], vector<16xf32>,
    %add3A_3562 = arith.addf %gather3A_3561, %get3A_209 : vector<16xf32>
    %add3A_3563 = arith.constant 16 : i32
    %add3A_3564 = vector.broadcast %add3A_3563 : i32 to vector<16xi32>
    %add3A_3565 = arith.addi %add3A_3564, %iota3A : vector<16xi32>
    %gather3A_3566 = tpu.vector_load_idx %arg7[%broadcast_in_dim3A_3557, %add3A_3565, %broadcast_in_dim3A_3555] : memref<8x64x128xf32, #tpu.memory_space<vmem>>[vector<16xi32>, vector<16xi32>, vector<16xi32>], vector<16xf32>,
    %add3A_3567 = arith.addf %gather3A_3566, %get3A_211 : vector<16xf32>
    %add3A_3568 = arith.constant 32 : i32
    %add3A_3569 = vector.broadcast %add3A_3568 : i32 to vector<16xi32>
    %add3A_3570 = arith.addi %add3A_3569, %iota3A : vector<16xi32>
    %gather3A_3571 = tpu.vector_load_idx %arg7[%broadcast_in_dim3A_3557, %add3A_3570, %broadcast_in_dim3A_3555] : memref<8x64x128xf32, #tpu.memory_space<vmem>>[vector<16xi32>, vector<16xi32>, vector<16xi32>], vector<16xf32>,
    %add3A_3572 = arith.addf %gather3A_3571, %get3A_213 : vector<16xf32>
    %add3A_3573 = arith.constant 48 : i32
    %add3A_3574 = vector.broadcast %add3A_3573 : i32 to vector<16xi32>
    %add3A_3575 = arith.addi %add3A_3574, %iota3A : vector<16xi32>
    %gather3A_3576 = tpu.vector_load_idx %arg7[%broadcast_in_dim3A_3557, %add3A_3575, %broadcast_in_dim3A_3555] : memref<8x64x128xf32, #tpu.memory_space<vmem>>[vector<16xi32>, vector<16xi32>, vector<16xi32>], vector<16xf32>,
    %add3A_3577 = arith.addf %gather3A_3576, %get3A_215 : vector<16xf32>
    %mul3A_3578 = arith.mulf %add3A_3562, %add3A_3562 : vector<16xf32>
    %mul3A_3579 = arith.mulf %add3A_3567, %add3A_3567 : vector<16xf32>
    %add3A_3580 = arith.addf %mul3A_3578, %mul3A_3579 : vector<16xf32>
    %mul3A_3581 = arith.mulf %add3A_3572, %add3A_3572 : vector<16xf32>
    %mul3A_3582 = arith.mulf %add3A_3577, %add3A_3577 : vector<16xf32>
    %add3A_3583 = arith.addf %mul3A_3581, %mul3A_3582 : vector<16xf32>
    %add3A_3584 = arith.addf %add3A_3580, %add3A_3583 : vector<16xf32>
    %reduce_sum3A_3585 = arith.constant true
    %reduce_sum3A_3586 = vector.broadcast %reduce_sum3A_3585 : i1 to vector<16xi1>
    %reduce_sum3A_3587 = tpu.scan <sum>, %add3A_3584 masked %reduce_sum3A_3586 : vector<16xf32>, vector<16xi1> -> vector<16xf32>
    %reduce_sum3A_3588 = vector.extract %reduce_sum3A_3587[15] : f32 from vector<16xf32>
    %max3A_3589 = arith.constant 1.000000e-24 : f32
    %max3A_3590 = arith.maximumf %reduce_sum3A_3588, %max3A_3589 : f32
    %bitcast_convert_type3A_3591 = arith.bitcast %max3A_3590 : f32 to i32
    %shift_right_arithmetic3A_3592 = arith.constant 1 : i32
    %shift_right_arithmetic3A_3593 = arith.shrsi %bitcast_convert_type3A_3591, %shift_right_arithmetic3A_3592 : i32
    %sub3A_3594 = arith.constant 1597463007 : i32
    %sub3A_3595 = arith.subi %sub3A_3594, %shift_right_arithmetic3A_3593 : i32
    %bitcast_convert_type3A_3596 = arith.bitcast %sub3A_3595 : i32 to f32
    %mul3A_3597 = arith.constant 5.000000e-01 : f32
    %mul3A_3598 = arith.mulf %mul3A_3597, %max3A_3590 : f32
    %mul3A_3599 = arith.mulf %mul3A_3598, %bitcast_convert_type3A_3596 : f32
    %mul3A_3600 = arith.mulf %mul3A_3599, %bitcast_convert_type3A_3596 : f32
    %sub3A_3601 = arith.constant 1.500000e+00 : f32
    %sub3A_3602 = arith.subf %sub3A_3601, %mul3A_3600 : f32
    %mul3A_3603 = arith.mulf %bitcast_convert_type3A_3596, %sub3A_3602 : f32
    %mul3A_3604 = arith.constant 5.000000e-01 : f32
    %mul3A_3605 = arith.mulf %mul3A_3604, %max3A_3590 : f32
    %mul3A_3606 = arith.mulf %mul3A_3605, %mul3A_3603 : f32
    %mul3A_3607 = arith.mulf %mul3A_3606, %mul3A_3603 : f32
    %sub3A_3608 = arith.constant 1.500000e+00 : f32
    %sub3A_3609 = arith.subf %sub3A_3608, %mul3A_3607 : f32
    %mul3A_3610 = arith.mulf %mul3A_3603, %sub3A_3609 : f32
    %mul3A_3611 = arith.constant 5.000000e-01 : f32
    %mul3A_3612 = arith.mulf %mul3A_3611, %max3A_3590 : f32
    %mul3A_3613 = arith.mulf %mul3A_3612, %mul3A_3610 : f32
    %mul3A_3614 = arith.mulf %mul3A_3613, %mul3A_3610 : f32
    %sub3A_3615 = arith.constant 1.500000e+00 : f32
    %sub3A_3616 = arith.subf %sub3A_3615, %mul3A_3614 : f32
    %mul3A_3617 = arith.mulf %mul3A_3610, %sub3A_3616 : f32
    %broadcast_in_dim3A_3618 = arith.constant 29 : i32
    %broadcast_in_dim3A_3619 = vector.broadcast %broadcast_in_dim3A_3618 : i32 to vector<16xi32>
    %add3A_3620 = arith.constant 0 : i32
    %add3A_3621 = vector.broadcast %add3A_3620 : i32 to vector<16xi32>
    %add3A_3622 = arith.addi %add3A_3621, %iota3A : vector<16xi32>
    %mul3A_3623 = vector.broadcast %mul3A_3617 : f32 to vector<16xf32>
    %mul3A_3624 = arith.mulf %add3A_3562, %mul3A_3623 : vector<16xf32>
    tpu.vector_store_idx %arg9[%broadcast_in_dim3A_3619, %add3A_3622], %mul3A_3624 : memref<32x64xf32, #tpu.memory_space<vmem>>[vector<16xi32>, vector<16xi32>], vector<16xf32>,
    %add3A_3625 = arith.constant 16 : i32
    %add3A_3626 = vector.broadcast %add3A_3625 : i32 to vector<16xi32>
    %add3A_3627 = arith.addi %add3A_3626, %iota3A : vector<16xi32>
    %mul3A_3628 = vector.broadcast %mul3A_3617 : f32 to vector<16xf32>
    %mul3A_3629 = arith.mulf %add3A_3567, %mul3A_3628 : vector<16xf32>
    tpu.vector_store_idx %arg9[%broadcast_in_dim3A_3619, %add3A_3627], %mul3A_3629 : memref<32x64xf32, #tpu.memory_space<vmem>>[vector<16xi32>, vector<16xi32>], vector<16xf32>,
    %add3A_3630 = arith.constant 32 : i32
    %add3A_3631 = vector.broadcast %add3A_3630 : i32 to vector<16xi32>
    %add3A_3632 = arith.addi %add3A_3631, %iota3A : vector<16xi32>
    %mul3A_3633 = vector.broadcast %mul3A_3617 : f32 to vector<16xf32>
    %mul3A_3634 = arith.mulf %add3A_3572, %mul3A_3633 : vector<16xf32>
    tpu.vector_store_idx %arg9[%broadcast_in_dim3A_3619, %add3A_3632], %mul3A_3634 : memref<32x64xf32, #tpu.memory_space<vmem>>[vector<16xi32>, vector<16xi32>], vector<16xf32>,
    %add3A_3635 = arith.constant 48 : i32
    %add3A_3636 = vector.broadcast %add3A_3635 : i32 to vector<16xi32>
    %add3A_3637 = arith.addi %add3A_3636, %iota3A : vector<16xi32>
    %mul3A_3638 = vector.broadcast %mul3A_3617 : f32 to vector<16xf32>
    %mul3A_3639 = arith.mulf %add3A_3577, %mul3A_3638 : vector<16xf32>
    tpu.vector_store_idx %arg9[%broadcast_in_dim3A_3619, %add3A_3637], %mul3A_3639 : memref<32x64xf32, #tpu.memory_space<vmem>>[vector<16xi32>, vector<16xi32>], vector<16xf32>,
    %dma_wait3A_3640 = arith.constant 6 : i32
    %dma_wait3A_3641 = arith.constant 0 : i32
    %dma_wait3A_3642 = arith.constant 0 : i32
    %dma_wait3A_3643 = tpu.memref_slice %arg7[%dma_wait3A_3640, %dma_wait3A_3641, %dma_wait3A_3642] : memref<8x64x128xf32, #tpu.memory_space<vmem>> -> memref<1x64x128xf32, #tpu.memory_space<vmem>>
    %dma_wait3A_3644 = tpu.memref_squeeze %dma_wait3A_3643 : memref<1x64x128xf32, #tpu.memory_space<vmem>> -> memref<64x128xf32, #tpu.memory_space<vmem>>
    %dma_wait3A_3645 = arith.constant 0 : i32
    %dma_wait3A_3646 = tpu.memref_slice %arg3[%dma_wait3A_3645, %multiple_of3A_2846] : memref<64x100000xf32, #tpu.memory_space<hbm>> -> memref<64x128xf32, #tpu.memory_space<hbm>>
    %dma_wait3A_3647 = arith.constant 0 : i32
    %dma_wait3A_3648 = arith.constant 0 : i32
    %dma_wait3A_3649 = tpu.memref_slice %arg7[%dma_wait3A_3640, %dma_wait3A_3647, %dma_wait3A_3648] : memref<8x64x128xf32, #tpu.memory_space<vmem>> -> memref<1x64x128xf32, #tpu.memory_space<vmem>>
    %dma_wait3A_3650 = tpu.memref_squeeze %dma_wait3A_3649 : memref<1x64x128xf32, #tpu.memory_space<vmem>> -> memref<64x128xf32, #tpu.memory_space<vmem>>
    %dma_wait3A_3651 = arith.constant 0 : i32
    %dma_wait3A_3652 = tpu.memref_slice %arg3[%dma_wait3A_3651, %multiple_of3A_2846] : memref<64x100000xf32, #tpu.memory_space<hbm>> -> memref<64x128xf32, #tpu.memory_space<hbm>>
    tpu.wait_dma2 semaphore(%arg16 : memref<!tpu.dma_semaphore, #tpu.memory_space<semaphore_mem>>) src(%dma_wait3A_3652 : memref<64x128xf32, #tpu.memory_space<hbm>>) dst(%dma_wait3A_3650 : memref<64x128xf32, #tpu.memory_space<vmem>>)
    %and3A_3653 = arith.constant 127 : i32
    %and3A_3654 = arith.andi %squeeze3A_65, %and3A_3653 : i32
    %broadcast_in_dim3A_3655 = vector.broadcast %and3A_3654 : i32 to vector<16xi32>
    %broadcast_in_dim3A_3656 = arith.constant 6 : i32
    %broadcast_in_dim3A_3657 = vector.broadcast %broadcast_in_dim3A_3656 : i32 to vector<16xi32>
    %add3A_3658 = arith.constant 0 : i32
    %add3A_3659 = vector.broadcast %add3A_3658 : i32 to vector<16xi32>
    %add3A_3660 = arith.addi %add3A_3659, %iota3A : vector<16xi32>
    %gather3A_3661 = tpu.vector_load_idx %arg7[%broadcast_in_dim3A_3657, %add3A_3660, %broadcast_in_dim3A_3655] : memref<8x64x128xf32, #tpu.memory_space<vmem>>[vector<16xi32>, vector<16xi32>, vector<16xi32>], vector<16xf32>,
    %add3A_3662 = arith.addf %gather3A_3661, %get3A_209 : vector<16xf32>
    %add3A_3663 = arith.constant 16 : i32
    %add3A_3664 = vector.broadcast %add3A_3663 : i32 to vector<16xi32>
    %add3A_3665 = arith.addi %add3A_3664, %iota3A : vector<16xi32>
    %gather3A_3666 = tpu.vector_load_idx %arg7[%broadcast_in_dim3A_3657, %add3A_3665, %broadcast_in_dim3A_3655] : memref<8x64x128xf32, #tpu.memory_space<vmem>>[vector<16xi32>, vector<16xi32>, vector<16xi32>], vector<16xf32>,
    %add3A_3667 = arith.addf %gather3A_3666, %get3A_211 : vector<16xf32>
    %add3A_3668 = arith.constant 32 : i32
    %add3A_3669 = vector.broadcast %add3A_3668 : i32 to vector<16xi32>
    %add3A_3670 = arith.addi %add3A_3669, %iota3A : vector<16xi32>
    %gather3A_3671 = tpu.vector_load_idx %arg7[%broadcast_in_dim3A_3657, %add3A_3670, %broadcast_in_dim3A_3655] : memref<8x64x128xf32, #tpu.memory_space<vmem>>[vector<16xi32>, vector<16xi32>, vector<16xi32>], vector<16xf32>,
    %add3A_3672 = arith.addf %gather3A_3671, %get3A_213 : vector<16xf32>
    %add3A_3673 = arith.constant 48 : i32
    %add3A_3674 = vector.broadcast %add3A_3673 : i32 to vector<16xi32>
    %add3A_3675 = arith.addi %add3A_3674, %iota3A : vector<16xi32>
    %gather3A_3676 = tpu.vector_load_idx %arg7[%broadcast_in_dim3A_3657, %add3A_3675, %broadcast_in_dim3A_3655] : memref<8x64x128xf32, #tpu.memory_space<vmem>>[vector<16xi32>, vector<16xi32>, vector<16xi32>], vector<16xf32>,
    %add3A_3677 = arith.addf %gather3A_3676, %get3A_215 : vector<16xf32>
    %mul3A_3678 = arith.mulf %add3A_3662, %add3A_3662 : vector<16xf32>
    %mul3A_3679 = arith.mulf %add3A_3667, %add3A_3667 : vector<16xf32>
    %add3A_3680 = arith.addf %mul3A_3678, %mul3A_3679 : vector<16xf32>
    %mul3A_3681 = arith.mulf %add3A_3672, %add3A_3672 : vector<16xf32>
    %mul3A_3682 = arith.mulf %add3A_3677, %add3A_3677 : vector<16xf32>
    %add3A_3683 = arith.addf %mul3A_3681, %mul3A_3682 : vector<16xf32>
    %add3A_3684 = arith.addf %add3A_3680, %add3A_3683 : vector<16xf32>
    %reduce_sum3A_3685 = arith.constant true
    %reduce_sum3A_3686 = vector.broadcast %reduce_sum3A_3685 : i1 to vector<16xi1>
    %reduce_sum3A_3687 = tpu.scan <sum>, %add3A_3684 masked %reduce_sum3A_3686 : vector<16xf32>, vector<16xi1> -> vector<16xf32>
    %reduce_sum3A_3688 = vector.extract %reduce_sum3A_3687[15] : f32 from vector<16xf32>
    %max3A_3689 = arith.constant 1.000000e-24 : f32
    %max3A_3690 = arith.maximumf %reduce_sum3A_3688, %max3A_3689 : f32
    %bitcast_convert_type3A_3691 = arith.bitcast %max3A_3690 : f32 to i32
    %shift_right_arithmetic3A_3692 = arith.constant 1 : i32
    %shift_right_arithmetic3A_3693 = arith.shrsi %bitcast_convert_type3A_3691, %shift_right_arithmetic3A_3692 : i32
    %sub3A_3694 = arith.constant 1597463007 : i32
    %sub3A_3695 = arith.subi %sub3A_3694, %shift_right_arithmetic3A_3693 : i32
    %bitcast_convert_type3A_3696 = arith.bitcast %sub3A_3695 : i32 to f32
    %mul3A_3697 = arith.constant 5.000000e-01 : f32
    %mul3A_3698 = arith.mulf %mul3A_3697, %max3A_3690 : f32
    %mul3A_3699 = arith.mulf %mul3A_3698, %bitcast_convert_type3A_3696 : f32
    %mul3A_3700 = arith.mulf %mul3A_3699, %bitcast_convert_type3A_3696 : f32
    %sub3A_3701 = arith.constant 1.500000e+00 : f32
    %sub3A_3702 = arith.subf %sub3A_3701, %mul3A_3700 : f32
    %mul3A_3703 = arith.mulf %bitcast_convert_type3A_3696, %sub3A_3702 : f32
    %mul3A_3704 = arith.constant 5.000000e-01 : f32
    %mul3A_3705 = arith.mulf %mul3A_3704, %max3A_3690 : f32
    %mul3A_3706 = arith.mulf %mul3A_3705, %mul3A_3703 : f32
    %mul3A_3707 = arith.mulf %mul3A_3706, %mul3A_3703 : f32
    %sub3A_3708 = arith.constant 1.500000e+00 : f32
    %sub3A_3709 = arith.subf %sub3A_3708, %mul3A_3707 : f32
    %mul3A_3710 = arith.mulf %mul3A_3703, %sub3A_3709 : f32
    %mul3A_3711 = arith.constant 5.000000e-01 : f32
    %mul3A_3712 = arith.mulf %mul3A_3711, %max3A_3690 : f32
    %mul3A_3713 = arith.mulf %mul3A_3712, %mul3A_3710 : f32
    %mul3A_3714 = arith.mulf %mul3A_3713, %mul3A_3710 : f32
    %sub3A_3715 = arith.constant 1.500000e+00 : f32
    %sub3A_3716 = arith.subf %sub3A_3715, %mul3A_3714 : f32
    %mul3A_3717 = arith.mulf %mul3A_3710, %sub3A_3716 : f32
    %broadcast_in_dim3A_3718 = arith.constant 30 : i32
    %broadcast_in_dim3A_3719 = vector.broadcast %broadcast_in_dim3A_3718 : i32 to vector<16xi32>
    %add3A_3720 = arith.constant 0 : i32
    %add3A_3721 = vector.broadcast %add3A_3720 : i32 to vector<16xi32>
    %add3A_3722 = arith.addi %add3A_3721, %iota3A : vector<16xi32>
    %mul3A_3723 = vector.broadcast %mul3A_3717 : f32 to vector<16xf32>
    %mul3A_3724 = arith.mulf %add3A_3662, %mul3A_3723 : vector<16xf32>
    tpu.vector_store_idx %arg9[%broadcast_in_dim3A_3719, %add3A_3722], %mul3A_3724 : memref<32x64xf32, #tpu.memory_space<vmem>>[vector<16xi32>, vector<16xi32>], vector<16xf32>,
    %add3A_3725 = arith.constant 16 : i32
    %add3A_3726 = vector.broadcast %add3A_3725 : i32 to vector<16xi32>
    %add3A_3727 = arith.addi %add3A_3726, %iota3A : vector<16xi32>
    %mul3A_3728 = vector.broadcast %mul3A_3717 : f32 to vector<16xf32>
    %mul3A_3729 = arith.mulf %add3A_3667, %mul3A_3728 : vector<16xf32>
    tpu.vector_store_idx %arg9[%broadcast_in_dim3A_3719, %add3A_3727], %mul3A_3729 : memref<32x64xf32, #tpu.memory_space<vmem>>[vector<16xi32>, vector<16xi32>], vector<16xf32>,
    %add3A_3730 = arith.constant 32 : i32
    %add3A_3731 = vector.broadcast %add3A_3730 : i32 to vector<16xi32>
    %add3A_3732 = arith.addi %add3A_3731, %iota3A : vector<16xi32>
    %mul3A_3733 = vector.broadcast %mul3A_3717 : f32 to vector<16xf32>
    %mul3A_3734 = arith.mulf %add3A_3672, %mul3A_3733 : vector<16xf32>
    tpu.vector_store_idx %arg9[%broadcast_in_dim3A_3719, %add3A_3732], %mul3A_3734 : memref<32x64xf32, #tpu.memory_space<vmem>>[vector<16xi32>, vector<16xi32>], vector<16xf32>,
    %add3A_3735 = arith.constant 48 : i32
    %add3A_3736 = vector.broadcast %add3A_3735 : i32 to vector<16xi32>
    %add3A_3737 = arith.addi %add3A_3736, %iota3A : vector<16xi32>
    %mul3A_3738 = vector.broadcast %mul3A_3717 : f32 to vector<16xf32>
    %mul3A_3739 = arith.mulf %add3A_3677, %mul3A_3738 : vector<16xf32>
    tpu.vector_store_idx %arg9[%broadcast_in_dim3A_3719, %add3A_3737], %mul3A_3739 : memref<32x64xf32, #tpu.memory_space<vmem>>[vector<16xi32>, vector<16xi32>], vector<16xf32>,
    %dma_wait3A_3740 = arith.constant 7 : i32
    %dma_wait3A_3741 = arith.constant 0 : i32
    %dma_wait3A_3742 = arith.constant 0 : i32
    %dma_wait3A_3743 = tpu.memref_slice %arg7[%dma_wait3A_3740, %dma_wait3A_3741, %dma_wait3A_3742] : memref<8x64x128xf32, #tpu.memory_space<vmem>> -> memref<1x64x128xf32, #tpu.memory_space<vmem>>
    %dma_wait3A_3744 = tpu.memref_squeeze %dma_wait3A_3743 : memref<1x64x128xf32, #tpu.memory_space<vmem>> -> memref<64x128xf32, #tpu.memory_space<vmem>>
    %dma_wait3A_3745 = arith.constant 0 : i32
    %dma_wait3A_3746 = tpu.memref_slice %arg3[%dma_wait3A_3745, %multiple_of3A_2964] : memref<64x100000xf32, #tpu.memory_space<hbm>> -> memref<64x128xf32, #tpu.memory_space<hbm>>
    %dma_wait3A_3747 = arith.constant 0 : i32
    %dma_wait3A_3748 = arith.constant 0 : i32
    %dma_wait3A_3749 = tpu.memref_slice %arg7[%dma_wait3A_3740, %dma_wait3A_3747, %dma_wait3A_3748] : memref<8x64x128xf32, #tpu.memory_space<vmem>> -> memref<1x64x128xf32, #tpu.memory_space<vmem>>
    %dma_wait3A_3750 = tpu.memref_squeeze %dma_wait3A_3749 : memref<1x64x128xf32, #tpu.memory_space<vmem>> -> memref<64x128xf32, #tpu.memory_space<vmem>>
    %dma_wait3A_3751 = arith.constant 0 : i32
    %dma_wait3A_3752 = tpu.memref_slice %arg3[%dma_wait3A_3751, %multiple_of3A_2964] : memref<64x100000xf32, #tpu.memory_space<hbm>> -> memref<64x128xf32, #tpu.memory_space<hbm>>
    tpu.wait_dma2 semaphore(%arg17 : memref<!tpu.dma_semaphore, #tpu.memory_space<semaphore_mem>>) src(%dma_wait3A_3752 : memref<64x128xf32, #tpu.memory_space<hbm>>) dst(%dma_wait3A_3750 : memref<64x128xf32, #tpu.memory_space<vmem>>)
    %and3A_3753 = arith.constant 127 : i32
    %and3A_3754 = arith.andi %squeeze3A_67, %and3A_3753 : i32
    %broadcast_in_dim3A_3755 = vector.broadcast %and3A_3754 : i32 to vector<16xi32>
    %broadcast_in_dim3A_3756 = arith.constant 7 : i32
    %broadcast_in_dim3A_3757 = vector.broadcast %broadcast_in_dim3A_3756 : i32 to vector<16xi32>
    %add3A_3758 = arith.constant 0 : i32
    %add3A_3759 = vector.broadcast %add3A_3758 : i32 to vector<16xi32>
    %add3A_3760 = arith.addi %add3A_3759, %iota3A : vector<16xi32>
    %gather3A_3761 = tpu.vector_load_idx %arg7[%broadcast_in_dim3A_3757, %add3A_3760, %broadcast_in_dim3A_3755] : memref<8x64x128xf32, #tpu.memory_space<vmem>>[vector<16xi32>, vector<16xi32>, vector<16xi32>], vector<16xf32>,
    %add3A_3762 = arith.addf %gather3A_3761, %get3A_209 : vector<16xf32>
    %add3A_3763 = arith.constant 16 : i32
    %add3A_3764 = vector.broadcast %add3A_3763 : i32 to vector<16xi32>
    %add3A_3765 = arith.addi %add3A_3764, %iota3A : vector<16xi32>
    %gather3A_3766 = tpu.vector_load_idx %arg7[%broadcast_in_dim3A_3757, %add3A_3765, %broadcast_in_dim3A_3755] : memref<8x64x128xf32, #tpu.memory_space<vmem>>[vector<16xi32>, vector<16xi32>, vector<16xi32>], vector<16xf32>,
    %add3A_3767 = arith.addf %gather3A_3766, %get3A_211 : vector<16xf32>
    %add3A_3768 = arith.constant 32 : i32
    %add3A_3769 = vector.broadcast %add3A_3768 : i32 to vector<16xi32>
    %add3A_3770 = arith.addi %add3A_3769, %iota3A : vector<16xi32>
    %gather3A_3771 = tpu.vector_load_idx %arg7[%broadcast_in_dim3A_3757, %add3A_3770, %broadcast_in_dim3A_3755] : memref<8x64x128xf32, #tpu.memory_space<vmem>>[vector<16xi32>, vector<16xi32>, vector<16xi32>], vector<16xf32>,
    %add3A_3772 = arith.addf %gather3A_3771, %get3A_213 : vector<16xf32>
    %add3A_3773 = arith.constant 48 : i32
    %add3A_3774 = vector.broadcast %add3A_3773 : i32 to vector<16xi32>
    %add3A_3775 = arith.addi %add3A_3774, %iota3A : vector<16xi32>
    %gather3A_3776 = tpu.vector_load_idx %arg7[%broadcast_in_dim3A_3757, %add3A_3775, %broadcast_in_dim3A_3755] : memref<8x64x128xf32, #tpu.memory_space<vmem>>[vector<16xi32>, vector<16xi32>, vector<16xi32>], vector<16xf32>,
    %add3A_3777 = arith.addf %gather3A_3776, %get3A_215 : vector<16xf32>
    %mul3A_3778 = arith.mulf %add3A_3762, %add3A_3762 : vector<16xf32>
    %mul3A_3779 = arith.mulf %add3A_3767, %add3A_3767 : vector<16xf32>
    %add3A_3780 = arith.addf %mul3A_3778, %mul3A_3779 : vector<16xf32>
    %mul3A_3781 = arith.mulf %add3A_3772, %add3A_3772 : vector<16xf32>
    %mul3A_3782 = arith.mulf %add3A_3777, %add3A_3777 : vector<16xf32>
    %add3A_3783 = arith.addf %mul3A_3781, %mul3A_3782 : vector<16xf32>
    %add3A_3784 = arith.addf %add3A_3780, %add3A_3783 : vector<16xf32>
    %reduce_sum3A_3785 = arith.constant true
    %reduce_sum3A_3786 = vector.broadcast %reduce_sum3A_3785 : i1 to vector<16xi1>
    %reduce_sum3A_3787 = tpu.scan <sum>, %add3A_3784 masked %reduce_sum3A_3786 : vector<16xf32>, vector<16xi1> -> vector<16xf32>
    %reduce_sum3A_3788 = vector.extract %reduce_sum3A_3787[15] : f32 from vector<16xf32>
    %max3A_3789 = arith.constant 1.000000e-24 : f32
    %max3A_3790 = arith.maximumf %reduce_sum3A_3788, %max3A_3789 : f32
    %bitcast_convert_type3A_3791 = arith.bitcast %max3A_3790 : f32 to i32
    %shift_right_arithmetic3A_3792 = arith.constant 1 : i32
    %shift_right_arithmetic3A_3793 = arith.shrsi %bitcast_convert_type3A_3791, %shift_right_arithmetic3A_3792 : i32
    %sub3A_3794 = arith.constant 1597463007 : i32
    %sub3A_3795 = arith.subi %sub3A_3794, %shift_right_arithmetic3A_3793 : i32
    %bitcast_convert_type3A_3796 = arith.bitcast %sub3A_3795 : i32 to f32
    %mul3A_3797 = arith.constant 5.000000e-01 : f32
    %mul3A_3798 = arith.mulf %mul3A_3797, %max3A_3790 : f32
    %mul3A_3799 = arith.mulf %mul3A_3798, %bitcast_convert_type3A_3796 : f32
    %mul3A_3800 = arith.mulf %mul3A_3799, %bitcast_convert_type3A_3796 : f32
    %sub3A_3801 = arith.constant 1.500000e+00 : f32
    %sub3A_3802 = arith.subf %sub3A_3801, %mul3A_3800 : f32
    %mul3A_3803 = arith.mulf %bitcast_convert_type3A_3796, %sub3A_3802 : f32
    %mul3A_3804 = arith.constant 5.000000e-01 : f32
    %mul3A_3805 = arith.mulf %mul3A_3804, %max3A_3790 : f32
    %mul3A_3806 = arith.mulf %mul3A_3805, %mul3A_3803 : f32
    %mul3A_3807 = arith.mulf %mul3A_3806, %mul3A_3803 : f32
    %sub3A_3808 = arith.constant 1.500000e+00 : f32
    %sub3A_3809 = arith.subf %sub3A_3808, %mul3A_3807 : f32
    %mul3A_3810 = arith.mulf %mul3A_3803, %sub3A_3809 : f32
    %mul3A_3811 = arith.constant 5.000000e-01 : f32
    %mul3A_3812 = arith.mulf %mul3A_3811, %max3A_3790 : f32
    %mul3A_3813 = arith.mulf %mul3A_3812, %mul3A_3810 : f32
    %mul3A_3814 = arith.mulf %mul3A_3813, %mul3A_3810 : f32
    %sub3A_3815 = arith.constant 1.500000e+00 : f32
    %sub3A_3816 = arith.subf %sub3A_3815, %mul3A_3814 : f32
    %mul3A_3817 = arith.mulf %mul3A_3810, %sub3A_3816 : f32
    %broadcast_in_dim3A_3818 = arith.constant 31 : i32
    %broadcast_in_dim3A_3819 = vector.broadcast %broadcast_in_dim3A_3818 : i32 to vector<16xi32>
    %add3A_3820 = arith.constant 0 : i32
    %add3A_3821 = vector.broadcast %add3A_3820 : i32 to vector<16xi32>
    %add3A_3822 = arith.addi %add3A_3821, %iota3A : vector<16xi32>
    %mul3A_3823 = vector.broadcast %mul3A_3817 : f32 to vector<16xf32>
    %mul3A_3824 = arith.mulf %add3A_3762, %mul3A_3823 : vector<16xf32>
    tpu.vector_store_idx %arg9[%broadcast_in_dim3A_3819, %add3A_3822], %mul3A_3824 : memref<32x64xf32, #tpu.memory_space<vmem>>[vector<16xi32>, vector<16xi32>], vector<16xf32>,
    %add3A_3825 = arith.constant 16 : i32
    %add3A_3826 = vector.broadcast %add3A_3825 : i32 to vector<16xi32>
    %add3A_3827 = arith.addi %add3A_3826, %iota3A : vector<16xi32>
    %mul3A_3828 = vector.broadcast %mul3A_3817 : f32 to vector<16xf32>
    %mul3A_3829 = arith.mulf %add3A_3767, %mul3A_3828 : vector<16xf32>
    tpu.vector_store_idx %arg9[%broadcast_in_dim3A_3819, %add3A_3827], %mul3A_3829 : memref<32x64xf32, #tpu.memory_space<vmem>>[vector<16xi32>, vector<16xi32>], vector<16xf32>,
    %add3A_3830 = arith.constant 32 : i32
    %add3A_3831 = vector.broadcast %add3A_3830 : i32 to vector<16xi32>
    %add3A_3832 = arith.addi %add3A_3831, %iota3A : vector<16xi32>
    %mul3A_3833 = vector.broadcast %mul3A_3817 : f32 to vector<16xf32>
    %mul3A_3834 = arith.mulf %add3A_3772, %mul3A_3833 : vector<16xf32>
    tpu.vector_store_idx %arg9[%broadcast_in_dim3A_3819, %add3A_3832], %mul3A_3834 : memref<32x64xf32, #tpu.memory_space<vmem>>[vector<16xi32>, vector<16xi32>], vector<16xf32>,
    %add3A_3835 = arith.constant 48 : i32
    %add3A_3836 = vector.broadcast %add3A_3835 : i32 to vector<16xi32>
    %add3A_3837 = arith.addi %add3A_3836, %iota3A : vector<16xi32>
    %mul3A_3838 = vector.broadcast %mul3A_3817 : f32 to vector<16xf32>
    %mul3A_3839 = arith.mulf %add3A_3777, %mul3A_3838 : vector<16xf32>
    tpu.vector_store_idx %arg9[%broadcast_in_dim3A_3819, %add3A_3837], %mul3A_3839 : memref<32x64xf32, #tpu.memory_space<vmem>>[vector<16xi32>, vector<16xi32>], vector<16xf32>,
    "tpu.region"() ({
      %run_scoped3A = tpu.sem_alloc : memref<!tpu.dma_semaphore, #tpu.memory_space<semaphore_mem>>
      %dma_start3A_3840 = arith.constant 0 : i32
      %dma_start3A_3841 = tpu.memref_slice %arg5[%mul3A_2, %dma_start3A_3840] : memref<1024x64xf32, #tpu.memory_space<hbm>> -> memref<32x64xf32, #tpu.memory_space<hbm>>
      %dma_start3A_3842 = arith.constant 0 : i32
      %dma_start3A_3843 = tpu.memref_slice %arg5[%mul3A_2, %dma_start3A_3842] : memref<1024x64xf32, #tpu.memory_space<hbm>> -> memref<32x64xf32, #tpu.memory_space<hbm>>
      tpu.enqueue_dma source(%arg9 : memref<32x64xf32, #tpu.memory_space<vmem>>) target(%dma_start3A_3843 : memref<32x64xf32, #tpu.memory_space<hbm>>) target_semaphore(%run_scoped3A : memref<!tpu.dma_semaphore, #tpu.memory_space<semaphore_mem>>)
      %dma_wait3A_3844 = arith.constant 0 : i32
      %dma_wait3A_3845 = tpu.memref_slice %arg5[%mul3A_2, %dma_wait3A_3844] : memref<1024x64xf32, #tpu.memory_space<hbm>> -> memref<32x64xf32, #tpu.memory_space<hbm>>
      %dma_wait3A_3846 = arith.constant 0 : i32
      %dma_wait3A_3847 = tpu.memref_slice %arg5[%mul3A_2, %dma_wait3A_3846] : memref<1024x64xf32, #tpu.memory_space<hbm>> -> memref<32x64xf32, #tpu.memory_space<hbm>>
      tpu.wait_dma2 semaphore(%run_scoped3A : memref<!tpu.dma_semaphore, #tpu.memory_space<semaphore_mem>>) src(%arg9 : memref<32x64xf32, #tpu.memory_space<vmem>>) dst(%dma_wait3A_3847 : memref<32x64xf32, #tpu.memory_space<hbm>>)
      tpu.yield
    }) : () -> ()
    return
  }
}

</mosaic_0001>

<sc_bundles>
// kernel: _road2vec_sc.3.cloned.1.call-start
scs
__scs_entry_jumppad:
0x0: {  	(pc) =	sbr.rel $0x88, $3  }
0x1: {  	(tag) =	ssettag $0x0;
	lr =	simm.s32 $0x1  }
0x2: {  	[smem:$0x3F9E] =	sst lr;
	_ =	strace $0xD0000000  }
0x3: {  	_ = 	snop  }
0x4: {  	_ = 	snop  }
0x5: {  	_ = 	snop  }
0x6: {  	_ = 	snop  }
0x7: {  	_ = 	snop  }
__scs_overlays_trampoline_lowered:
0x8: {  	[smem:$0x3FAD] =	sst s0  }
0x9: {  	[smem:$0x3FAE] =	sst s1  }
0xa: {  	[smem:$0x3FAF] =	sst s2  }
0xb: {  	[smem:$0x3FB0] =	sst s3  }
0xc: {  	[smem:$0x3FB1] =	sst s4  }
0xd: {  	[smem:$0x3FB2] =	sst s5  }
0xe: {  	[smem:$0x3FB3] =	sst s6  }
0xf: {  	[smem:$0x3FB4] =	sst s7  }
0x10: {  	[smem:$0x3FB5] =	sst s8  }
0x11: {  	[smem:$0x3FB6] =	sst s9;
	s0 =	simm.s32 @!p0 $0x0  }
0x12: {  	s1 =	sld [smem:$0x3F9C];
	s0 =	simm.s32 @p0 $0x1  }
0x13: {  	[smem:$0x3FB7] =	sst s0;
	s0 =	simm.s32 @!p1 $0x0  }
0x14: {  	s2 =	sld [smem:$0x3F9B];
	s0 =	simm.s32 @p1 $0x1  }
0x15: {  	[smem:$0x3FB8] =	sst s0;
	s0 =	simm.s32 @!p2 $0x0  }
0x16: {  	s3 =	sld [smem:$0x3FDB];
	s0 =	simm.s32 @p2 $0x1  }
0x17: {  	s4 =	simm.s32 $0x1BF5;
	[smem:$0x3FBA] =	sst s0  }
0x18: {  	s0 =	sld [smem:$0x3F9D];
	_ =	swait.ge [sflag:s4], $0x0  }
0x19: {  	s7 =	sld [smem:$0x3F9E]  }
0x1a: {  	s8 =	sadd.s32 $0xFFFFE003, lr  }
0x1b: {  	s9 =	sadd.s32 $0xFFFFFEF7, lr;
	s5 =	simm.s32 $0xFFFFFFFF;
	p2 =	slt.u32 s8, $0xFFFFF086  }
0x1c: {  	p1 =	slt.u32 s9, $0xF7A;
	s5 =	simm.s32 @!p2 $0x0  }
0x1d: {  	s5 =	simm.s32 @p1 $0x1;
	p0 =	seq.s32 s7, s2  }
0x1e: {  	s7 =	smul.u32 @!p0 $0xF7A, s2;
	p2 =	seq.s32 @!p0 s5, $0x0  }
0x1f: {  	s9 =	smul.u32 $0xF7A, s1;
	s8 =	simm.s32 @!p0 $0x1BF5;
	p2 =	por !p2, p0  }
0x20: {  	[sflag:s8] =	ssyncset.s32 @!p0 $0xFFFFF086;
	s6 =	sadd.s32 @!p0 s3, s7;
	s7 =	simm.s32 @!p0 $0x108  }
0x21: {  	s3 =	sadd.s32 s3, s9;
	s6 =	sadd.s32 @!p0 $0x88, s6;
	s7 =	simm.s32 @p2 $0x1082  }
0x22: {  	[simem:s7], [sflag:s8] =	dma.local @!p0 [hbm:s6], $0xF7A  }
0x23: {  	s9 =	sor.u32 $0xD0000000, s2;
	s6 =	simm.s32 $0x108;
	_ =	swait.ge @!p0 [sflag:s8], $0x0  }
0x24: {  	s3 =	sadd.s32 $0x88, s3;
	s6 =	simm.s32 @!p1 $0x1082;
	[sflag:s4] =	ssyncset.s32 $0xFFFFF086  }
0x25: {  	[simem:s6], [sflag:s4] =	dma.local [hbm:s3], $0xF7A  }
0x26: {  	[smem:$0x3F9E] =	sst s1;
	(tag) =	ssettag s2;
	_ =	strace s9  }
0x27: {  	s1 =	sld [smem:$0x3FAE]  }
0x28: {  	s2 =	sld [smem:$0x3FAF]  }
0x29: {  	s4 =	sld [smem:$0x3FB1]  }
0x2a: {  	p0 =	seq.s32 s5, $0x0;
	s5 =	sld [smem:$0x3FB2]  }
0x2b: {  	s6 =	sld [smem:$0x3FB3]  }
0x2c: {  	s7 =	sld [smem:$0x3FB4]  }
0x2d: {  	s3 =	simm.s32 $0x108;
	s8 =	sld [smem:$0x3FB5]  }
0x2e: {  	s3 =	simm.s32 @!p0 $0x1082;
	s9 =	sld [smem:$0x3FB6]  }
0x2f: {  	lr =	sadd.s32 s0, s3;
	s0 =	sld [smem:$0x3FAD]  }
0x30: {  	s3 =	sld [smem:$0x3FB0]  }
0x31: {  	[smem:$0x3FB9] =	sst s10  }
0x32: {  	s10 =	sld [smem:$0x3FB7];
	_ =	sdelay $0x3  }
0x33: {  	p0 =	seq.s32 s10, $0x1;
	s10 =	sld [smem:$0x3FB9];
	_ =	sdelay $0x3  }
0x34: {  	[smem:$0x3FB9] =	sst s10  }
0x35: {  	s10 =	sld [smem:$0x3FB8];
	_ =	sdelay $0x3  }
0x36: {  	p1 =	seq.s32 s10, $0x1;
	s10 =	sld [smem:$0x3FB9];
	_ =	sdelay $0x3  }
0x37: {  	[smem:$0x3FB9] =	sst s10  }
0x38: {  	s10 =	sld [smem:$0x3FBA]  }
0x39: {  	_ = 	snop;
	(pc) =	sbr.ind lr, $3  }
0x3a: {  	_ = 	snop  }
0x3b: {  	_ = 	snop  }
0x3c: {  	p2 =	seq.s32 s10, $0x1;
	s10 =	sld [smem:$0x3FB9]  }
0x3d: {  	_ =	shalt  }
0x3e: {  	_ =	shalt  }
0x3f: {  	_ =	shalt  }
0x40: {  	_ =	shalt  }
0x41: {  	_ =	shalt  }
0x42: {  	_ =	shalt  }
0x43: {  	_ =	shalt  }
0x44: {  	_ =	shalt  }
0x45: {  	_ =	shalt  }
0x46: {  	_ =	shalt  }
0x47: {  	_ =	shalt  }
0x48: {  	_ =	shalt  }
0x49: {  	_ =	shalt  }
0x4a: {  	_ =	shalt  }
0x4b: {  	_ =	shalt  }
0x4c: {  	_ =	shalt  }
0x4d: {  	_ =	shalt  }
0x4e: {  	_ =	shalt  }
0x4f: {  	_ =	shalt  }
0x50: {  	_ =	shalt  }
0x51: {  	_ =	shalt  }
0x52: {  	_ =	shalt  }
0x53: {  	_ =	shalt  }
0x54: {  	_ =	shalt  }
0x55: {  	_ =	shalt  }
0x56: {  	_ =	shalt  }
0x57: {  	_ =	shalt  }
0x58: {  	_ =	shalt  }
0x59: {  	_ =	shalt  }
0x5a: {  	_ =	shalt  }
0x5b: {  	_ =	shalt  }
0x5c: {  	_ =	shalt  }
0x5d: {  	_ =	shalt  }
0x5e: {  	_ =	shalt  }
0x5f: {  	_ =	shalt  }
0x60: {  	_ =	shalt  }
0x61: {  	_ =	shalt  }
0x62: {  	_ =	shalt  }
0x63: {  	_ =	shalt  }
0x64: {  	_ =	shalt  }
0x65: {  	_ =	shalt  }
0x66: {  	_ =	shalt  }
0x67: {  	_ =	shalt  }
0x68: {  	_ =	shalt  }
0x69: {  	_ =	shalt  }
0x6a: {  	_ =	shalt  }
0x6b: {  	_ =	shalt  }
0x6c: {  	_ =	shalt  }
0x6d: {  	_ =	shalt  }
0x6e: {  	_ =	shalt  }
0x6f: {  	_ =	shalt  }
0x70: {  	_ =	shalt  }
0x71: {  	_ =	shalt  }
0x72: {  	_ =	shalt  }
0x73: {  	_ =	shalt  }
0x74: {  	_ =	shalt  }
0x75: {  	_ =	shalt  }
0x76: {  	_ =	shalt  }
0x77: {  	_ =	shalt  }
0x78: {  	_ =	shalt  }
0x79: {  	_ =	shalt  }
0x7a: {  	_ =	shalt  }
0x7b: {  	_ =	shalt  }
0x7c: {  	_ =	shalt  }
0x7d: {  	_ =	shalt  }
0x7e: {  	_ =	shalt  }
0x7f: {  	_ =	shalt  }
0x80: {  	_ =	shalt  }
0x81: {  	_ =	shalt  }
0x82: {  	_ =	shalt  }
0x83: {  	_ =	shalt  }
0x84: {  	_ =	shalt  }
0x85: {  	_ =	shalt  }
0x86: {  	_ =	shalt  }
0x87: {  	_ =	shalt  }
.Lfunc_end0:
.L_simem_size_0:
called_computation_lowered:
.L_overlay_start_0:
0x88: {  	s2 =	sld [smem:$0x3FD9]  }
0x89: {  	s3 =	sld [smem:$0x3FFE];
	_ =	sdelay $0x1  }
0x8a: {  	s1 =	srdreg.scid  }
0x8b: {  	s0 =	sand.u32 $0x1, s1  }
0x8c: {  	s17 =	sshll.u32 s0, $0xA;
	s2 =	sadd.s32 s3, s2  }
0x8d: {  	s2 =	sadd.s32 s2, s17  }
0x8e: {  	[smem:$0x3FC5] =	sst s2  }
0x8f: {  	_ = 	snop  }
0x90: {  	s2 =	sld [smem:$0x3FC9]  }
0x91: {  	s18 =	sld [smem:$0x3FC8]  }
0x92: {  	s4 =	sld [smem:$0x3FC7];
	(tm) =	ssettm $0x1  }
0x93: {  	s5 =	sld [smem:$0x3FFB];
	_ =	sdelay $0x3  }
0x94: {  	_ =	strace s5  }
0x95: {  	s5 =	sld [smem:$0x3FFC];
	_ =	sdelay $0x3  }
0x96: {  	_ =	strace s5  }
0x97: {  	s5 =	sld [smem:$0x3FFD];
	_ =	sdelay $0x3  }
0x98: {  	_ =	strace s5  }
0x99: {  	_ =	strace $0x8FFFFFFF  }
0x9a: {  	s19 =	sld [smem:$0x3FDB];
	_ =	sdelay $0x1  }
0x9b: {  	s6 =	simm.s32 $_scs_section_size  }
0x9c: {  	s7 =	simm.s32 $_size__tile_overlayer_lowered;
	s8 =	simm.s32 $_tile_overlayer_lowered  }
0x9d: {  	s22 =	simm.s32 $0x1BFF;
	s21 =	sshll.u32 s8, $0x1;
	s5 =	sadd.s32 s6, s19  }
0x9e: {  	s9 =	simm.s32 $0x0;
	s20 =	sshll.u32 s7, $0x1;
	s7 =	sadd.s32 s21, s5  }
0x9f: {  	[timem:s9], [sflag:s22] =	dma.local [hbm:s7], s20  }
0xa0: {  	_ =	swait.ge [sflag:s22], s20  }
0xa1: {  	s6 =	ssub.s32 $0x0, s20;
	[sflag:s22] =	ssyncset.done $0x0  }
0xa2: {  	[sflag:s22] =	ssyncadd.s32 s6;
	_ =	sdelay $0x1  }
0xa3: {  	s23 =	simm.s32 $0x1B8B  }
0xa4: {  	_ =	swait.ge [sflag:s23], $0x1  }
0xa5: {  	[sflag:s23] =	ssyncset.done $0x0  }
0xa6: {  	s25 =	simm.s32 $0x1B8E;
	s24 =	sld [smem:$0x3FFE];
	[sflag:s23] =	ssyncadd.s32 $0xFFFFFFFF  }
0xa7: {  	s26 =	simm.s32 $execute0_lowered;
	[smem:$0x3FD2] =	sst s25  }
0xa8: {  	s7 =	sshll.u32 s26, $0x1;
	_ =	strace $0x80000046;
	[dreg:$0x1] =	wrdreg $0xFFFFFFFF  }
0xa9: {  	s28 =	simm.s32 $_size_execute0_lowered;
	s5 =	sadd.s32 s5, s7;
	[dreg:$0x0] =	wrdreg $0x0  }
0xaa: {  	s7 =	sshll.u32 s28, $0x1;
	[dreg:$0x2] =	wrdreg s5  }
0xab: {  	[dreg:$0x3] =	wrdreg s7  }
0xac: {  	[dreg:$0x4] =	wrdreg $0xC0  }
0xad: {  	_ =	task [dreg:s9], $0x5FFFF  }
0xae: {  	[dreg:$0x1] =	wrdreg $0xFFFFFFFF  }
0xaf: {  	[dreg:$0x0] =	wrdreg $0x60  }
0xb0: {  	[dreg:$0x2] =	wrdreg s2  }
0xb1: {  	[dreg:$0x3] =	wrdreg s18  }
0xb2: {  	[dreg:$0x4] =	wrdreg s4  }
0xb3: {  	[dreg:$0x5] =	wrdreg s24  }
0xb4: {  	[dreg:$0x6] =	wrdreg $0x9  }
0xb5: {  	_ =	task.clear_ibuf [dreg:s9], $0x7FFFF;
	_ =	strace $0x90000046  }
0xb6: {  	s29 =	simm.s32 $0x9;
	_ =	strace $0x80000048  }
0xb7: {  	_ =	swait.ge [sflag:s29], $0x1  }
0xb8: {  	[sflag:s29] =	ssyncadd.s32 $0xFFFFFFFF  }
0xb9: {  	_ =	strace $0x90000048  }
0xba: {  	_ =	sfence  }
0xbb: {  	s30 =	sld [smem:$0x0];
	_ =	sdelay $0x2  }
0xbc: {  	s31 =	sshll.u32 s1, $0xD;
	s1 =	sshrl.u32 s1, $0x2  }
0xbd: {  	s3 =	sand.u32 $0x4000, s31;
	s1 =	sadd.s32 s1, s30  }
0xbe: {  	s0 =	sor.u32 s3, s0;
	s1 =	sshll.u32 s1, $0x11  }
0xbf: {  	s0 =	sor.u32 s1, s0  }
0xc0: {  	s0 =	sadd.s32 $0x8F2B, s0  }
0xc1: {  	[sflag:s0] =	ssyncadd.remote.s32 $0x1  }
0xc2: {  	_ =	sfence.sel $0xFFFF  }
0xc3: {  	[dreg:$0x0] =	wrdreg $0xFFFFFFFF;
	(pc) =	sbr.abs _section_cstart, $3  }
0xc4: {  	[dreg:$0x1] =	wrdreg $0xFFFFFFFF  }
0xc5: {  	_ =	task.clear_ibuf [dreg:s9], $0x2FFFF;
	_ =	strace $0x9FFFFFFF  }
0xc6: {  	(tm) =	ssettm $0x7FFFFFFF  }
0xc7: {  	_ =	shalt  }
tec
execute0_lowered:
.L_overlay_start_1:
0x0: {  	(tag) =	ssettag $0x1  }
0x1: {  	v0 =	vlaneseq.u32  }
0x2: {  	v1 =	vmul.u32 $0x80, v0;
	v5 =	vor.u32 $0x10, v0;
	v29 =	vor.u32 $0x190, v0  }
0x3: {  	v30 =	vor.u32 $0x1A0, v0;
	v31 =	vor.u32 $0x1B0, v0;
	v36 =	vor.u32 $0x200, v0  }
0x4: {  	v37 =	vor.u32 $0x210, v0;
	v38 =	vor.u32 $0x220, v0;
	v39 =	vor.u32 $0x230, v0  }
0x5: {  	v44 =	vor.u32 $0x280, v0;
	v45 =	vor.u32 $0x290, v0;
	v46 =	vor.u32 $0x2A0, v0  }
0x6: {  	v47 =	vor.u32 $0x2B0, v0;
	v52 =	vor.u32 $0x300, v0;
	v53 =	vor.u32 $0x310, v0  }
0x7: {  	v54 =	vor.u32 $0x320, v0;
	v55 =	vor.u32 $0x330, v0;
	v60 =	vor.u32 $0x380, v0  }
0x8: {  	v61 =	vor.u32 $0x390, v0;
	v62 =	vor.u32 $0x3A0, v0;
	v63 =	vor.u32 $0x3B0, v0  }
0x9: {  	[tilespmem:$0x1FF40] =	vst v5;
	v5 =	vor.u32 $0x20, v0;
	v2 =	vor.u32 $0x800, v1;
	v3 =	vor.u32 $0x1000, v1  }
0xa: {  	s1 =	rddreg [dreg:$0x0];
	v4 =	vor.u32 $0x1800, v1;
	[tilespmem:$0x1FF50] =	vst v5;
	v5 =	vor.u32 $0x30, v0;
	v8 =	vor.u32 $0x2000, v1  }
0xb: {  	s0 =	rddreg [dreg:$0x1];
	v9 =	vor.u32 $0x2800, v1;
	v10 =	vor.u32 $0x3000, v1;
	[tilespmem:$0x1FF60] =	vst v5;
	v5 =	vor.u32 $0x80, v0  }
0xc: {  	s2 =	rddreg [dreg:$0x2];
	v11 =	vor.u32 $0x3800, v1;
	v16 =	vor.u32 $0x4000, v1;
	[tilespmem:$0x1FF70] =	vst v5;
	v5 =	vor.u32 $0x90, v0  }
0xd: {  	s26 =	rddreg [dreg:$0x3];
	v17 =	vor.u32 $0x4800, v1;
	v18 =	vor.u32 $0x5000, v1;
	[tilespmem:$0x1FF80] =	vst v5;
	v5 =	vor.u32 $0xA0, v0  }
0xe: {  	s3 =	srdreg.scid;
	s5 =	simm.s32 $0x0;
	s4 =	stileid.u32;
	v19 =	vor.u32 $0x5800, v1;
	v24 =	vor.u32 $0x6000, v1;
	[tilespmem:$0x1FF90] =	vst v5;
	v5 =	vor.u32 $0xB0, v0  }
0xf: {  	s6 =	simm.s32 $0x400;
	s7 =	simm.s32 $0xC3800;
	s3 =	sand.u32 $0x1, s3;
	v25 =	vor.u32 $0x6800, v1;
	v26 =	vor.u32 $0x7000, v1;
	[tilespmem:$0x1FFA0] =	vst v5;
	v5 =	vor.u32 $0x100, v0  }
0x10: {  	[dreg:$0x5] =	wrdreg s2;
	s4 =	sshll.u32 s4, $0x6;
	s28 =	sshll.u32 s3, $0x5;
	v27 =	vor.u32 $0x7800, v1;
	v32 =	vor.u32 $0x8000, v1;
	[tilespmem:$0x1FFB0] =	vst v5;
	v5 =	vor.u32 $0x110, v0  }
0x11: {  	s8 =	simm.s32 $0x80;
	[smem:$0x7FF] =	sst s5;
	s4 =	sor.u32 s28, s4;
	v33 =	vor.u32 $0x8800, v1;
	v34 =	vor.u32 $0x9000, v1;
	[tilespmem:$0x1FFC0] =	vst v5;
	v5 =	vor.u32 $0x120, v0  }
0x12: {  	s3 =	ssub.s32 $0x2, s3;
	v35 =	vor.u32 $0x9800, v1;
	v40 =	vor.u32 $0xA000, v1;
	s5 =	sshll.u32 s4, $0x4;
	s4 =	sshrl.u32 s4, $0x3;
	[tilespmem:$0x1FFD0] =	vst v5;
	v5 =	vor.u32 $0x130, v0  }
0x13: {  	s29 =	sshrl.u32 s3, $0x1;
	v41 =	vor.u32 $0xA800, v1;
	v42 =	vor.u32 $0xB000, v1;
	v43 =	vor.u32 $0xB800, v1;
	s2 =	sadd.s32 s5, s26;
	s1 =	sadd.s32 s1, s4;
	[tilespmem:$0x1FFE0] =	vst v5  }
0x14: {  	v48 =	vor.u32 $0xC000, v1;
	v49 =	vor.u32 $0xC800, v1;
	v50 =	vor.u32 $0xD000, v1;
	s30 =	sadd.s32 $0x400, s2;
	_ =	strace $0x80000047;
	[dreg:$0x6] =	wrdreg s1  }
0x15: {  	s31 =	simm.s32 $0x10080;
	v51 =	vor.u32 $0xD800, v1;
	v56 =	vor.u32 $0xE000, v1;
	s3 =	ssub.s32 s3, s29;
	v5 =	vor.u32 $0x180, v0;
	[dreg:$0x7] =	wrdreg s30  }
0x16: {  	s17 =	simm.s32 $0x10100;
	v57 =	vor.u32 $0xE800, v1;
	v58 =	vor.u32 $0xF000, v1;
	v59 =	vor.u32 $0xF800, v1;
	s2 =	smax.u32 s3, $0x1;
	[tilespmem:$0x1FFF0] =	vst v5;
	[dreg:$0x8] =	wrdreg s31  }
.LBB2_1:
0x17: {  	[dreg:$0xe] =	wrdreg s2  }
0x18: {  	s1 =	rddreg [dreg:$0x6];
	s20 =	simm.s32 $0x0;
	s21 =	simm.s32 $0x9  }
0x19: {  	[tilespmem:s20], [sflag:$0x9] =	stream.linear.gather [hbm4b:s1+s20], $0x20, $0x38;
	[tilespmem:$0x11100] =	vst v63  }
0x1a: {  	_ =	swait.ge [sflag:s21], $0x20  }
0x1b: {  	[sflag:s21] =	ssyncset.done $0x0  }
0x1c: {  	[sflag:s21] =	ssyncadd.s32 $0xFFFFFFE0  }
0x1d: {  	v5 =	vld [tilespmem:$0x0];
	_ =	sdelay $0x4  }
0x1e: {  	(v2sf) =	vpush v5, $0x0  }
0x1f: {  	(v2sf) =	vpush v5, $0x1  }
0x20: {  	(v2sf) =	vpush v5, $0x2  }
0x21: {  	(v2sf) =	vpush v5, $0x3  }
0x22: {  	(v2sf) =	vpush v5, $0x4  }
0x23: {  	(v2sf) =	vpush v5, $0x5  }
0x24: {  	(v2sf) =	vpush v5, $0x6  }
0x25: {  	(v2sf) =	vpush v5, $0x7  }
0x26: {  	(v2sf) =	vpush v5, $0x8  }
0x27: {  	(v2sf) =	vpush v5, $0x9  }
0x28: {  	(v2sf) =	vpush v5, $0xA  }
0x29: {  	v6 =	vld [tilespmem:$0x10];
	(v2sf) =	vpush v5, $0xB  }
0x2a: {  	(v2sf) =	vpush v5, $0xC  }
0x2b: {  	(v2sf) =	vpush v5, $0xD  }
0x2c: {  	(v2sf) =	vpush v5, $0xE  }
0x2d: {  	s13 =	spop (v2sf);
	(v2sf) =	vpush v5, $0xF  }
0x2e: {  	s12 =	spop (v2sf);
	(v2sf) =	vpush v6, $0x0  }
0x2f: {  	s11 =	spop (v2sf);
	(v2sf) =	vpush v6, $0x1  }
0x30: {  	s10 =	spop (v2sf);
	(v2sf) =	vpush v6, $0x2  }
0x31: {  	s9 =	spop (v2sf);
	(v2sf) =	vpush v6, $0x3  }
0x32: {  	s16 =	spop (v2sf);
	(v2sf) =	vpush v6, $0x4  }
0x33: {  	s3 =	spop (v2sf);
	(v2sf) =	vpush v6, $0x5  }
0x34: {  	s2 =	spop (v2sf);
	(v2sf) =	vpush v6, $0x6  }
0x35: {  	s25 =	spop (v2sf);
	(v2sf) =	vpush v6, $0x7  }
0x36: {  	s31 =	spop (v2sf);
	(v2sf) =	vpush v6, $0x8  }
0x37: {  	s30 =	spop (v2sf);
	(v2sf) =	vpush v6, $0x9  }
0x38: {  	s29 =	spop (v2sf);
	(v2sf) =	vpush v6, $0xA  }
0x39: {  	s26 =	spop (v2sf);
	(v2sf) =	vpush v6, $0xB  }
0x3a: {  	s24 =	spop (v2sf);
	(v2sf) =	vpush v6, $0xC  }
0x3b: {  	s28 =	spop (v2sf)  }
0x3c: {  	s1 =	spop (v2sf)  }
0x3d: {  	s5 =	spop (v2sf)  }
0x3e: {  	s15 =	spop (v2sf)  }
0x3f: {  	s4 =	spop (v2sf)  }
0x40: {  	s22 =	spop (v2sf)  }
0x41: {  	s23 =	spop (v2sf)  }
0x42: {  	s14 =	spop (v2sf)  }
0x43: {  	[dreg:$0x17] =	wrdreg s4;
	s18 =	spop (v2sf)  }
0x44: {  	[dreg:$0x16] =	wrdreg s22;
	s19 =	spop (v2sf)  }
0x45: {  	[dreg:$0x15] =	wrdreg s23;
	s21 =	spop (v2sf)  }
0x46: {  	[dreg:$0x14] =	wrdreg s14;
	s22 =	spop (v2sf)  }
0x47: {  	s4 =	sand.u32 $0xFFFFF80, s10;
	[dreg:$0x13] =	wrdreg s18;
	s23 =	spop (v2sf)  }
0x48: {  	[dreg:$0x12] =	wrdreg s19;
	s19 =	simm.s32 $0x2080;
	s14 =	spop (v2sf)  }
0x49: {  	[dreg:$0xc] =	wrdreg s14;
	s14 =	sand.u32 $0xFFFFF80, s13;
	s18 =	spop (v2sf)  }
0x4a: {  	s14 =	sadd.s32 s0, s14;
	[dreg:$0xb] =	wrdreg s18;
	s18 =	sand.u32 $0xFFFFF80, s12  }
0x4b: {  	[tilespmem:s8], [sflag:$0x1] =	stream.strided.gather [hbm4b:s14+s6], $0x2000, s7, s6, $0x38;
	[tilespmem:$0x11100] =	vst v63  }
0x4c: {  	[dreg:$0x11] =	wrdreg s21;
	s21 =	sand.u32 $0xFFFFF80, s11;
	s14 =	sadd.s32 s0, s18  }
0x4d: {  	(v2sf) =	vpush v6, $0xD;
	[tilespmem:s19], [sflag:$0x2] =	stream.strided.gather [hbm4b:s14+s6], $0x2000, s7, s6, $0x38;
	[tilespmem:$0x11100] =	vst v63  }
0x4e: {  	(v2sf) =	vpush v6, $0xE;
	[dreg:$0x10] =	wrdreg s22;
	s22 =	simm.s32 $0x4080;
	s14 =	sadd.s32 s0, s21  }
0x4f: {  	(v2sf) =	vpush v6, $0xF;
	[tilespmem:s22], [sflag:$0x3] =	stream.strided.gather [hbm4b:s14+s6], $0x2000, s7, s6, $0x38;
	[tilespmem:$0x11100] =	vst v63  }
0x50: {  	s18 =	simm.s32 $0x6080;
	s19 =	sand.u32 $0xFFFFF80, s9;
	s14 =	sadd.s32 s0, s4  }
0x51: {  	[tilespmem:s18], [sflag:$0x4] =	stream.strided.gather [hbm4b:s14+s6], $0x2000, s7, s6, $0x38;
	[tilespmem:$0x11100] =	vst v63  }
0x52: {  	s21 =	simm.s32 $0x8080;
	s14 =	sadd.s32 s0, s19;
	s19 =	sand.u32 $0xFFFFF80, s16  }
0x53: {  	[tilespmem:s21], [sflag:$0x5] =	stream.strided.gather [hbm4b:s14+s6], $0x2000, s7, s6, $0x38;
	[tilespmem:$0x11100] =	vst v63  }
0x54: {  	s18 =	sand.u32 $0xFFFFF80, s3;
	s14 =	sadd.s32 s0, s19;
	s21 =	simm.s32 $0xA080  }
0x55: {  	[tilespmem:s21], [sflag:$0x6] =	stream.strided.gather [hbm4b:s14+s6], $0x2000, s7, s6, $0x38;
	[tilespmem:$0x11100] =	vst v63  }
0x56: {  	s19 =	simm.s32 $0xC080;
	s14 =	sadd.s32 s0, s18;
	s21 =	sand.u32 $0xFFFFF80, s2  }
0x57: {  	[tilespmem:s19], [sflag:$0x7] =	stream.strided.gather [hbm4b:s14+s6], $0x2000, s7, s6, $0x38;
	[tilespmem:$0x11100] =	vst v63  }
0x58: {  	s18 =	rddreg [dreg:$0x5];
	s14 =	sadd.s32 s0, s21;
	s21 =	simm.s32 $0xE080  }
0x59: {  	[tilespmem:s21], [sflag:$0x8] =	stream.strided.gather [hbm4b:s14+s6], $0x2000, s7, s6, $0x38;
	[tilespmem:$0x11100] =	vst v63  }
0x5a: {  	s20 =	simm.s32 $0x0;
	s19 =	rddreg [dreg:$0x8]  }
0x5b: {  	[tilespmem:s19], [sflag:$0x9] =	stream.linear.gather [hbm4b:s18+s20], $0x80, $0x38;
	[tilespmem:$0x11100] =	vst v63  }
0x5c: {  	[dreg:$0xf] =	wrdreg s23;
	s18 =	spop (v2sf)  }
0x5d: {  	[dreg:$0xd] =	wrdreg s18;
	s19 =	spop (v2sf)  }
0x5e: {  	[dreg:$0xa] =	wrdreg s19;
	s20 =	spop (v2sf)  }
0x5f: {  	s21 =	simm.s32 $0x9;
	[dreg:$0x9] =	wrdreg s20  }
0x60: {  	_ =	swait.ge [sflag:s21], $0x80  }
0x61: {  	[sflag:s21] =	ssyncset.done $0x0  }
0x62: {  	[sflag:s21] =	ssyncadd.s32 $0xFFFFFF80  }
0x63: {  	s13 =	sand.u32 $0x7F, s13;
	v5 =	vld [tilespmem:$0x10080]  }
0x64: {  	v13 =	vor.u32 s13, v1;
	v6 =	vld [tilespmem:$0x10090]  }
0x65: {  	v14 =	vor.u32 s13, v2;
	s19 =	simm.s32 $0x1;
	v7 =	vld [tilespmem:$0x100A0]  }
0x66: {  	v15 =	vor.u32 s13, v3;
	v12 =	vld [tilespmem:$0x100B0];
	_ =	swait.ge [sflag:s19], $0x2000  }
0x67: {  	v20 =	vor.u32 s13, v4;
	[sflag:s19] =	ssyncset.done $0x0  }
0x68: {  	[sflag:s19] =	ssyncadd.s32 $0xFFFFE000  }
0x69: {  	v13 =	vld.idx.msk [tilespmem:v13+s8+$0x0], $0xffff  }
0x6a: {  	v14 =	vld.idx.msk [tilespmem:v14+s8+$0x0], $0xffff  }
0x6b: {  	v15 =	vld.idx.msk [tilespmem:v15+s8+$0x0], $0xffff  }
0x6c: {  	v20 =	vld.idx.msk [tilespmem:v20+s8+$0x0], $0xffff;
	_ =	sdelay $0x3  }
0x6d: {  	v14 =	vadd.f32 v14, v6;
	v13 =	vadd.f32 v13, v5  }
0x6e: {  	v20 =	vadd.f32 v20, v12;
	v15 =	vadd.f32 v15, v7  }
0x6f: {  	v21 =	vmul.f32 v13, v13;
	v22 =	vmul.f32 v14, v14  }
0x70: {  	v23 =	vmul.f32 v15, v15;
	v28 =	vmul.f32 v20, v20;
	_ =	sdelay $0x1  }
0x71: {  	v21 =	vadd.f32 v22, v21;
	v22 =	vadd.f32 v28, v23;
	_ =	sdelay $0x1  }
0x72: {  	v21 =	vadd.f32 v22, v21;
	_ =	sdelay $0x1  }
0x73: {  	(xrf2) =	vadd.scan.msk.f32 $0xffff, v21;
	_ =	sdelay $0x9  }
0x74: {  	v21, _, _ =	vpop (xrf2)  }
0x75: {  	(v2sf) =	vpush v21, $0xF;
	_ =	sdelay $0xe  }
0x76: {  	s14 =	spop (v2sf)  }
0x77: {  	s13 =	smax.f32 s14, $1.000000020e-24  }
0x78: {  	s18 =	sshra.s32 s13, $0x1;
	s13 =	smul.f32 $5.000000000e-01, s13  }
0x79: {  	s14 =	ssub.s32 $0x5F3759DF, s18  }
0x7a: {  	s20 =	smul.f32 s14, s13;
	_ =	sdelay $0x1  }
0x7b: {  	s18 =	smul.f32 s14, s20;
	_ =	sdelay $0x1  }
0x7c: {  	s18 =	ssub.f32 $1.500000000e+00, s18;
	_ =	sdelay $0x1  }
0x7d: {  	s14 =	smul.f32 s14, s18;
	_ =	sdelay $0x1  }
0x7e: {  	s18 =	smul.f32 s14, s13;
	_ =	sdelay $0x1  }
0x7f: {  	s18 =	smul.f32 s18, s14;
	_ =	sdelay $0x1  }
0x80: {  	s18 =	ssub.f32 $1.500000000e+00, s18;
	_ =	sdelay $0x1  }
0x81: {  	s14 =	smul.f32 s18, s14;
	_ =	sdelay $0x1  }
0x82: {  	s13 =	smul.f32 s14, s13;
	_ =	sdelay $0x1  }
0x83: {  	s13 =	smul.f32 s13, s14;
	_ =	sdelay $0x1  }
0x84: {  	s13 =	ssub.f32 $1.500000000e+00, s13;
	_ =	sdelay $0x1  }
0x85: {  	s13 =	smul.f32 s13, s14  }
0x86: {  	s21 =	sand.u32 $0xFFFFF80, s25  }
0x87: {  	s14 =	sadd.s32 s0, s21;
	v13 =	vmul.f32 s13, v13  }
0x88: {  	[tilespmem:s8], [sflag:$0x1] =	stream.strided.gather [hbm4b:s14+s6], $0x2000, s7, s6, $0x38;
	[tilespmem:$0x11100] =	vst v63  }
0x89: {  	[tilespmem:v0+s17+$0x0] =	vst.idx.msk $0xffff, v13;
	v13 =	vmul.f32 s13, v15;
	v15 =	vmul.f32 s13, v20;
	v20 =	vld [tilespmem:$0x1FF40]  }
0x8a: {  	v23 =	vld [tilespmem:$0x1FF50]  }
0x8b: {  	v21 =	vld [tilespmem:$0x1FF60];
	_ =	sdelay $0x3  }
0x8c: {  	v14 =	vmul.f32 s13, v14;
	_ =	sdelay $0x1  }
0x8d: {  	s12 =	sand.u32 $0x7F, s12;
	[tilespmem:v20+s17+$0x0] =	vst.idx.msk $0xffff, v14  }
0x8e: {  	[tilespmem:v23+s17+$0x0] =	vst.idx.msk $0xffff, v13;
	v13 =	vor.u32 s12, v8  }
0x8f: {  	s18 =	simm.s32 $0x2;
	v14 =	vor.u32 s12, v9;
	[tilespmem:v21+s17+$0x0] =	vst.idx.msk $0xffff, v15  }
0x90: {  	v20 =	vor.u32 s12, v11;
	_ =	swait.ge [sflag:s18], $0x2000  }
0x91: {  	v15 =	vor.u32 s12, v10;
	[sflag:s18] =	ssyncset.done $0x0  }
0x92: {  	[sflag:s18] =	ssyncadd.s32 $0xFFFFE000  }
0x93: {  	v13 =	vld.idx.msk [tilespmem:v13+s8+$0x0], $0xffff  }
0x94: {  	v14 =	vld.idx.msk [tilespmem:v14+s8+$0x0], $0xffff  }
0x95: {  	v20 =	vld.idx.msk [tilespmem:v20+s8+$0x0], $0xffff  }
0x96: {  	v15 =	vld.idx.msk [tilespmem:v15+s8+$0x0], $0xffff;
	_ =	sdelay $0x3  }
0x97: {  	v14 =	vadd.f32 v14, v6;
	v13 =	vadd.f32 v13, v5  }
0x98: {  	v20 =	vadd.f32 v20, v12;
	v15 =	vadd.f32 v15, v7  }
0x99: {  	v21 =	vmul.f32 v13, v13;
	v22 =	vmul.f32 v14, v14  }
0x9a: {  	v28 =	vmul.f32 v20, v20;
	v23 =	vmul.f32 v15, v15;
	_ =	sdelay $0x1  }
0x9b: {  	v21 =	vadd.f32 v22, v21;
	v22 =	vadd.f32 v28, v23;
	_ =	sdelay $0x1  }
0x9c: {  	v21 =	vadd.f32 v22, v21;
	_ =	sdelay $0x1  }
0x9d: {  	(xrf2) =	vadd.scan.msk.f32 $0xffff, v21;
	_ =	sdelay $0x9  }
0x9e: {  	v21, _, _ =	vpop (xrf2)  }
0x9f: {  	(v2sf) =	vpush v21, $0xF;
	_ =	sdelay $0xe  }
0xa0: {  	s13 =	spop (v2sf)  }
0xa1: {  	s12 =	smax.f32 s13, $1.000000020e-24  }
0xa2: {  	s14 =	sshra.s32 s12, $0x1;
	s12 =	smul.f32 $5.000000000e-01, s12  }
0xa3: {  	s13 =	ssub.s32 $0x5F3759DF, s14  }
0xa4: {  	s20 =	smul.f32 s13, s12;
	_ =	sdelay $0x1  }
0xa5: {  	s14 =	smul.f32 s13, s20;
	_ =	sdelay $0x1  }
0xa6: {  	s14 =	ssub.f32 $1.500000000e+00, s14;
	_ =	sdelay $0x1  }
0xa7: {  	s13 =	smul.f32 s13, s14;
	_ =	sdelay $0x1  }
0xa8: {  	s14 =	smul.f32 s13, s12;
	_ =	sdelay $0x1  }
0xa9: {  	s14 =	smul.f32 s14, s13;
	_ =	sdelay $0x1  }
0xaa: {  	s14 =	ssub.f32 $1.500000000e+00, s14;
	_ =	sdelay $0x1  }
0xab: {  	s13 =	smul.f32 s14, s13;
	_ =	sdelay $0x1  }
0xac: {  	s12 =	smul.f32 s13, s12;
	_ =	sdelay $0x1  }
0xad: {  	v21 =	vld [tilespmem:$0x1FF70];
	s12 =	smul.f32 s12, s13;
	_ =	sdelay $0x1  }
0xae: {  	s12 =	ssub.f32 $1.500000000e+00, s12;
	_ =	sdelay $0x1  }
0xaf: {  	s12 =	smul.f32 s12, s13  }
0xb0: {  	s21 =	sand.u32 $0xFFFFF80, s31  }
0xb1: {  	s23 =	simm.s32 $0x2080;
	s13 =	sadd.s32 s0, s21;
	v13 =	vmul.f32 s12, v13  }
0xb2: {  	[tilespmem:s23], [sflag:$0x2] =	stream.strided.gather [hbm4b:s13+s6], $0x2000, s7, s6, $0x38;
	[tilespmem:$0x11100] =	vst v63  }
0xb3: {  	[tilespmem:v21+s17+$0x0] =	vst.idx.msk $0xffff, v13;
	v13 =	vmul.f32 s12, v15;
	v15 =	vmul.f32 s12, v20;
	v20 =	vld [tilespmem:$0x1FF80]  }
0xb4: {  	v22 =	vld [tilespmem:$0x1FF90]  }
0xb5: {  	v23 =	vld [tilespmem:$0x1FFA0];
	_ =	sdelay $0x3  }
0xb6: {  	v14 =	vmul.f32 s12, v14;
	_ =	sdelay $0x1  }
0xb7: {  	s11 =	sand.u32 $0x7F, s11;
	[tilespmem:v20+s17+$0x0] =	vst.idx.msk $0xffff, v14  }
0xb8: {  	[tilespmem:v22+s17+$0x0] =	vst.idx.msk $0xffff, v13;
	v13 =	vor.u32 s11, v16  }
0xb9: {  	s14 =	simm.s32 $0x3;
	v14 =	vor.u32 s11, v17;
	[tilespmem:v23+s17+$0x0] =	vst.idx.msk $0xffff, v15  }
0xba: {  	v20 =	vor.u32 s11, v19;
	_ =	swait.ge [sflag:s14], $0x2000  }
0xbb: {  	v15 =	vor.u32 s11, v18;
	[sflag:s14] =	ssyncset.done $0x0  }
0xbc: {  	[sflag:s14] =	ssyncadd.s32 $0xFFFFE000  }
0xbd: {  	v13 =	vld.idx.msk [tilespmem:v13+s8+$0x0], $0xffff  }
0xbe: {  	v14 =	vld.idx.msk [tilespmem:v14+s8+$0x0], $0xffff  }
0xbf: {  	v20 =	vld.idx.msk [tilespmem:v20+s8+$0x0], $0xffff  }
0xc0: {  	v15 =	vld.idx.msk [tilespmem:v15+s8+$0x0], $0xffff;
	_ =	sdelay $0x3  }
0xc1: {  	v14 =	vadd.f32 v14, v6;
	v13 =	vadd.f32 v13, v5  }
0xc2: {  	v20 =	vadd.f32 v20, v12;
	v15 =	vadd.f32 v15, v7  }
0xc3: {  	v21 =	vmul.f32 v13, v13;
	v22 =	vmul.f32 v14, v14  }
0xc4: {  	v28 =	vmul.f32 v20, v20;
	v23 =	vmul.f32 v15, v15;
	_ =	sdelay $0x1  }
0xc5: {  	v21 =	vadd.f32 v22, v21;
	v22 =	vadd.f32 v28, v23;
	_ =	sdelay $0x1  }
0xc6: {  	v21 =	vadd.f32 v22, v21;
	_ =	sdelay $0x1  }
0xc7: {  	(xrf2) =	vadd.scan.msk.f32 $0xffff, v21;
	_ =	sdelay $0x9  }
0xc8: {  	v21, _, _ =	vpop (xrf2)  }
0xc9: {  	(v2sf) =	vpush v21, $0xF;
	_ =	sdelay $0xe  }
0xca: {  	s13 =	spop (v2sf)  }
0xcb: {  	s11 =	smax.f32 s13, $1.000000020e-24  }
0xcc: {  	s20 =	sshra.s32 s11, $0x1;
	s11 =	smul.f32 $5.000000000e-01, s11  }
0xcd: {  	s12 =	ssub.s32 $0x5F3759DF, s20  }
0xce: {  	s21 =	smul.f32 s12, s11;
	_ =	sdelay $0x1  }
0xcf: {  	s13 =	smul.f32 s12, s21;
	_ =	sdelay $0x1  }
0xd0: {  	s13 =	ssub.f32 $1.500000000e+00, s13;
	_ =	sdelay $0x1  }
0xd1: {  	s12 =	smul.f32 s12, s13;
	_ =	sdelay $0x1  }
0xd2: {  	s13 =	smul.f32 s12, s11;
	_ =	sdelay $0x1  }
0xd3: {  	s13 =	smul.f32 s13, s12;
	_ =	sdelay $0x1  }
0xd4: {  	s13 =	ssub.f32 $1.500000000e+00, s13;
	_ =	sdelay $0x1  }
0xd5: {  	s12 =	smul.f32 s13, s12;
	_ =	sdelay $0x1  }
0xd6: {  	s11 =	smul.f32 s12, s11;
	_ =	sdelay $0x1  }
0xd7: {  	v21 =	vld [tilespmem:$0x1FFB0];
	s11 =	smul.f32 s11, s12;
	_ =	sdelay $0x1  }
0xd8: {  	s11 =	ssub.f32 $1.500000000e+00, s11;
	_ =	sdelay $0x1  }
0xd9: {  	s11 =	smul.f32 s11, s12  }
0xda: {  	s23 =	sand.u32 $0xFFFFF80, s30  }
0xdb: {  	s22 =	simm.s32 $0x4080;
	s12 =	sadd.s32 s0, s23;
	v13 =	vmul.f32 s11, v13  }
0xdc: {  	[tilespmem:s22], [sflag:$0x3] =	stream.strided.gather [hbm4b:s12+s6], $0x2000, s7, s6, $0x38;
	[tilespmem:$0x11100] =	vst v63  }
0xdd: {  	[tilespmem:v21+s17+$0x0] =	vst.idx.msk $0xffff, v13;
	v13 =	vmul.f32 s11, v15;
	v15 =	vmul.f32 s11, v20;
	v20 =	vld [tilespmem:$0x1FFC0]  }
0xde: {  	v21 =	vld [tilespmem:$0x1FFD0]  }
0xdf: {  	v22 =	vld [tilespmem:$0x1FFE0];
	_ =	sdelay $0x3  }
0xe0: {  	v14 =	vmul.f32 s11, v14;
	_ =	sdelay $0x1  }
0xe1: {  	s10 =	sand.u32 $0x7F, s10;
	[tilespmem:v20+s17+$0x0] =	vst.idx.msk $0xffff, v14  }
0xe2: {  	[tilespmem:v21+s17+$0x0] =	vst.idx.msk $0xffff, v13;
	v13 =	vor.u32 s10, v24  }
0xe3: {  	s13 =	simm.s32 $0x4;
	v14 =	vor.u32 s10, v25;
	[tilespmem:v22+s17+$0x0] =	vst.idx.msk $0xffff, v15  }
0xe4: {  	v20 =	vor.u32 s10, v27;
	_ =	swait.ge [sflag:s13], $0x2000  }
0xe5: {  	v15 =	vor.u32 s10, v26;
	[sflag:s13] =	ssyncset.done $0x0  }
0xe6: {  	[sflag:s13] =	ssyncadd.s32 $0xFFFFE000  }
0xe7: {  	v13 =	vld.idx.msk [tilespmem:v13+s8+$0x0], $0xffff  }
0xe8: {  	v14 =	vld.idx.msk [tilespmem:v14+s8+$0x0], $0xffff  }
0xe9: {  	v20 =	vld.idx.msk [tilespmem:v20+s8+$0x0], $0xffff  }
0xea: {  	v15 =	vld.idx.msk [tilespmem:v15+s8+$0x0], $0xffff;
	_ =	sdelay $0x3  }
0xeb: {  	v14 =	vadd.f32 v14, v6;
	v13 =	vadd.f32 v13, v5  }
0xec: {  	v20 =	vadd.f32 v20, v12;
	v15 =	vadd.f32 v15, v7  }
0xed: {  	v21 =	vmul.f32 v13, v13;
	v22 =	vmul.f32 v14, v14  }
0xee: {  	v28 =	vmul.f32 v20, v20;
	v23 =	vmul.f32 v15, v15;
	_ =	sdelay $0x1  }
0xef: {  	v21 =	vadd.f32 v22, v21;
	v22 =	vadd.f32 v28, v23;
	_ =	sdelay $0x1  }
0xf0: {  	v21 =	vadd.f32 v22, v21;
	_ =	sdelay $0x1  }
0xf1: {  	(xrf2) =	vadd.scan.msk.f32 $0xffff, v21;
	_ =	sdelay $0x9  }
0xf2: {  	v21, _, _ =	vpop (xrf2)  }
0xf3: {  	(v2sf) =	vpush v21, $0xF;
	_ =	sdelay $0xe  }
0xf4: {  	s12 =	spop (v2sf)  }
0xf5: {  	s10 =	smax.f32 s12, $1.000000020e-24  }
0xf6: {  	s20 =	sshra.s32 s10, $0x1;
	s10 =	smul.f32 $5.000000000e-01, s10  }
0xf7: {  	s11 =	ssub.s32 $0x5F3759DF, s20  }
0xf8: {  	s21 =	smul.f32 s11, s10;
	_ =	sdelay $0x1  }
0xf9: {  	s12 =	smul.f32 s11, s21;
	_ =	sdelay $0x1  }
0xfa: {  	s12 =	ssub.f32 $1.500000000e+00, s12;
	_ =	sdelay $0x1  }
0xfb: {  	s11 =	smul.f32 s11, s12;
	_ =	sdelay $0x1  }
0xfc: {  	s12 =	smul.f32 s11, s10;
	_ =	sdelay $0x1  }
0xfd: {  	s12 =	smul.f32 s12, s11;
	_ =	sdelay $0x1  }
0xfe: {  	s12 =	ssub.f32 $1.500000000e+00, s12;
	_ =	sdelay $0x1  }
0xff: {  	s11 =	smul.f32 s12, s11;
	_ =	sdelay $0x1  }
0x100: {  	s10 =	smul.f32 s11, s10;
	_ =	sdelay $0x1  }
0x101: {  	v21 =	vld [tilespmem:$0x1FFF0];
	s10 =	smul.f32 s10, s11;
	_ =	sdelay $0x1  }
0x102: {  	s10 =	ssub.f32 $1.500000000e+00, s10;
	_ =	sdelay $0x1  }
0x103: {  	s10 =	smul.f32 s10, s11  }
0x104: {  	s23 =	sand.u32 $0xFFFFF80, s29  }
0x105: {  	s4 =	simm.s32 $0x6080;
	s11 =	sadd.s32 s0, s23;
	v13 =	vmul.f32 s10, v13  }
0x106: {  	[tilespmem:s4], [sflag:$0x4] =	stream.strided.gather [hbm4b:s11+s6], $0x2000, s7, s6, $0x38;
	v14 =	vmul.f32 s10, v14;
	[tilespmem:$0x11100] =	vst v63  }
0x107: {  	v23 =	vmul.f32 s10, v15;
	[tilespmem:v21+s17+$0x0] =	vst.idx.msk $0xffff, v13  }
0x108: {  	s9 =	sand.u32 $0x7F, s9;
	v15 =	vmul.f32 s10, v20;
	[tilespmem:v29+s17+$0x0] =	vst.idx.msk $0xffff, v14  }
0x109: {  	v13 =	vor.u32 s9, v32;
	[tilespmem:v30+s17+$0x0] =	vst.idx.msk $0xffff, v23  }
0x10a: {  	s21 =	simm.s32 $0x5;
	v14 =	vor.u32 s9, v33;
	[tilespmem:v31+s17+$0x0] =	vst.idx.msk $0xffff, v15  }
0x10b: {  	v20 =	vor.u32 s9, v35;
	_ =	swait.ge [sflag:s21], $0x2000  }
0x10c: {  	v15 =	vor.u32 s9, v34;
	[sflag:s21] =	ssyncset.done $0x0  }
0x10d: {  	[sflag:s21] =	ssyncadd.s32 $0xFFFFE000  }
0x10e: {  	v13 =	vld.idx.msk [tilespmem:v13+s8+$0x0], $0xffff  }
0x10f: {  	v14 =	vld.idx.msk [tilespmem:v14+s8+$0x0], $0xffff  }
0x110: {  	v20 =	vld.idx.msk [tilespmem:v20+s8+$0x0], $0xffff  }
0x111: {  	v15 =	vld.idx.msk [tilespmem:v15+s8+$0x0], $0xffff;
	_ =	sdelay $0x3  }
0x112: {  	v14 =	vadd.f32 v14, v6;
	v13 =	vadd.f32 v13, v5  }
0x113: {  	v20 =	vadd.f32 v20, v12;
	v15 =	vadd.f32 v15, v7  }
0x114: {  	v21 =	vmul.f32 v13, v13;
	v22 =	vmul.f32 v14, v14  }
0x115: {  	v28 =	vmul.f32 v20, v20;
	v23 =	vmul.f32 v15, v15;
	_ =	sdelay $0x1  }
0x116: {  	v21 =	vadd.f32 v22, v21;
	v22 =	vadd.f32 v28, v23;
	_ =	sdelay $0x1  }
0x117: {  	v21 =	vadd.f32 v22, v21;
	_ =	sdelay $0x1  }
0x118: {  	(xrf2) =	vadd.scan.msk.f32 $0xffff, v21;
	_ =	sdelay $0x9  }
0x119: {  	v21, _, _ =	vpop (xrf2)  }
0x11a: {  	(v2sf) =	vpush v21, $0xF;
	_ =	sdelay $0xe  }
0x11b: {  	s12 =	spop (v2sf)  }
0x11c: {  	s9 =	smax.f32 s12, $1.000000020e-24  }
0x11d: {  	s20 =	sshra.s32 s9, $0x1;
	s9 =	smul.f32 $5.000000000e-01, s9  }
0x11e: {  	s10 =	ssub.s32 $0x5F3759DF, s20  }
0x11f: {  	s23 =	smul.f32 s10, s9;
	_ =	sdelay $0x1  }
0x120: {  	s11 =	smul.f32 s10, s23;
	_ =	sdelay $0x1  }
0x121: {  	s11 =	ssub.f32 $1.500000000e+00, s11;
	_ =	sdelay $0x1  }
0x122: {  	s10 =	smul.f32 s10, s11;
	_ =	sdelay $0x1  }
0x123: {  	s11 =	smul.f32 s10, s9;
	_ =	sdelay $0x1  }
0x124: {  	s11 =	smul.f32 s11, s10;
	_ =	sdelay $0x1  }
0x125: {  	s11 =	ssub.f32 $1.500000000e+00, s11;
	_ =	sdelay $0x1  }
0x126: {  	s10 =	smul.f32 s11, s10;
	_ =	sdelay $0x1  }
0x127: {  	s9 =	smul.f32 s10, s9;
	_ =	sdelay $0x1  }
0x128: {  	s9 =	smul.f32 s9, s10;
	_ =	sdelay $0x1  }
0x129: {  	s9 =	ssub.f32 $1.500000000e+00, s9;
	_ =	sdelay $0x1  }
0x12a: {  	s9 =	smul.f32 s9, s10  }
0x12b: {  	s4 =	sand.u32 $0xFFFFF80, s26  }
0x12c: {  	s20 =	simm.s32 $0x8080;
	s10 =	sadd.s32 s0, s4;
	v13 =	vmul.f32 s9, v13  }
0x12d: {  	[tilespmem:s20], [sflag:$0x5] =	stream.strided.gather [hbm4b:s10+s6], $0x2000, s7, s6, $0x38;
	v14 =	vmul.f32 s9, v14;
	[tilespmem:$0x11100] =	vst v63  }
0x12e: {  	v21 =	vmul.f32 s9, v15;
	[tilespmem:v36+s17+$0x0] =	vst.idx.msk $0xffff, v13  }
0x12f: {  	s10 =	sand.u32 $0x7F, s16;
	v15 =	vmul.f32 s9, v20;
	[tilespmem:v37+s17+$0x0] =	vst.idx.msk $0xffff, v14  }
0x130: {  	v13 =	vor.u32 s10, v40;
	[tilespmem:v38+s17+$0x0] =	vst.idx.msk $0xffff, v21  }
0x131: {  	s23 =	simm.s32 $0x6;
	v14 =	vor.u32 s10, v41;
	[tilespmem:v39+s17+$0x0] =	vst.idx.msk $0xffff, v15  }
0x132: {  	v20 =	vor.u32 s10, v43;
	_ =	swait.ge [sflag:s23], $0x2000  }
0x133: {  	v15 =	vor.u32 s10, v42;
	[sflag:s23] =	ssyncset.done $0x0  }
0x134: {  	[sflag:s23] =	ssyncadd.s32 $0xFFFFE000  }
0x135: {  	v13 =	vld.idx.msk [tilespmem:v13+s8+$0x0], $0xffff  }
0x136: {  	v14 =	vld.idx.msk [tilespmem:v14+s8+$0x0], $0xffff  }
0x137: {  	v20 =	vld.idx.msk [tilespmem:v20+s8+$0x0], $0xffff  }
0x138: {  	v15 =	vld.idx.msk [tilespmem:v15+s8+$0x0], $0xffff;
	_ =	sdelay $0x3  }
0x139: {  	v14 =	vadd.f32 v14, v6;
	v13 =	vadd.f32 v13, v5  }
0x13a: {  	v20 =	vadd.f32 v20, v12;
	v15 =	vadd.f32 v15, v7  }
0x13b: {  	v21 =	vmul.f32 v13, v13;
	v22 =	vmul.f32 v14, v14  }
0x13c: {  	v28 =	vmul.f32 v20, v20;
	v23 =	vmul.f32 v15, v15;
	_ =	sdelay $0x1  }
0x13d: {  	v21 =	vadd.f32 v22, v21;
	v22 =	vadd.f32 v28, v23;
	_ =	sdelay $0x1  }
0x13e: {  	v21 =	vadd.f32 v22, v21;
	_ =	sdelay $0x1  }
0x13f: {  	(xrf2) =	vadd.scan.msk.f32 $0xffff, v21;
	_ =	sdelay $0x9  }
0x140: {  	v21, _, _ =	vpop (xrf2)  }
0x141: {  	(v2sf) =	vpush v21, $0xF;
	_ =	sdelay $0xe  }
0x142: {  	s11 =	spop (v2sf)  }
0x143: {  	s9 =	smax.f32 s11, $1.000000020e-24  }
0x144: {  	s12 =	sshra.s32 s9, $0x1;
	s9 =	smul.f32 $5.000000000e-01, s9  }
0x145: {  	s10 =	ssub.s32 $0x5F3759DF, s12  }
0x146: {  	s16 =	smul.f32 s10, s9;
	_ =	sdelay $0x1  }
0x147: {  	s11 =	smul.f32 s10, s16;
	_ =	sdelay $0x1  }
0x148: {  	s11 =	ssub.f32 $1.500000000e+00, s11;
	_ =	sdelay $0x1  }
0x149: {  	s10 =	smul.f32 s10, s11;
	_ =	sdelay $0x1  }
0x14a: {  	s11 =	smul.f32 s10, s9;
	_ =	sdelay $0x1  }
0x14b: {  	s11 =	smul.f32 s11, s10;
	_ =	sdelay $0x1  }
0x14c: {  	s11 =	ssub.f32 $1.500000000e+00, s11;
	_ =	sdelay $0x1  }
0x14d: {  	s10 =	smul.f32 s11, s10;
	_ =	sdelay $0x1  }
0x14e: {  	s9 =	smul.f32 s10, s9;
	_ =	sdelay $0x1  }
0x14f: {  	s9 =	smul.f32 s9, s10;
	_ =	sdelay $0x1  }
0x150: {  	s9 =	ssub.f32 $1.500000000e+00, s9;
	_ =	sdelay $0x1  }
0x151: {  	s9 =	smul.f32 s9, s10  }
0x152: {  	s4 =	sand.u32 $0xFFFFF80, s24  }
0x153: {  	s16 =	simm.s32 $0xA080;
	s10 =	sadd.s32 s0, s4;
	v13 =	vmul.f32 s9, v13  }
0x154: {  	[tilespmem:s16], [sflag:$0x6] =	stream.strided.gather [hbm4b:s10+s6], $0x2000, s7, s6, $0x38;
	v14 =	vmul.f32 s9, v14;
	[tilespmem:$0x11100] =	vst v63  }
0x155: {  	v22 =	vmul.f32 s9, v15;
	[tilespmem:v44+s17+$0x0] =	vst.idx.msk $0xffff, v13  }
0x156: {  	s3 =	sand.u32 $0x7F, s3;
	v15 =	vmul.f32 s9, v20;
	[tilespmem:v45+s17+$0x0] =	vst.idx.msk $0xffff, v14  }
0x157: {  	v13 =	vor.u32 s3, v48;
	[tilespmem:v46+s17+$0x0] =	vst.idx.msk $0xffff, v22  }
0x158: {  	s11 =	smov.u32 s24;
	s24 =	simm.s32 $0x7;
	v14 =	vor.u32 s3, v49;
	[tilespmem:v47+s17+$0x0] =	vst.idx.msk $0xffff, v15  }
0x159: {  	v20 =	vor.u32 s3, v51;
	_ =	swait.ge [sflag:s24], $0x2000  }
0x15a: {  	v15 =	vor.u32 s3, v50;
	[sflag:s24] =	ssyncset.done $0x0  }
0x15b: {  	[sflag:s24] =	ssyncadd.s32 $0xFFFFE000  }
0x15c: {  	v13 =	vld.idx.msk [tilespmem:v13+s8+$0x0], $0xffff  }
0x15d: {  	v14 =	vld.idx.msk [tilespmem:v14+s8+$0x0], $0xffff  }
0x15e: {  	v20 =	vld.idx.msk [tilespmem:v20+s8+$0x0], $0xffff  }
0x15f: {  	v15 =	vld.idx.msk [tilespmem:v15+s8+$0x0], $0xffff;
	_ =	sdelay $0x3  }
0x160: {  	v14 =	vadd.f32 v14, v6;
	v13 =	vadd.f32 v13, v5  }
0x161: {  	v20 =	vadd.f32 v20, v12;
	v15 =	vadd.f32 v15, v7  }
0x162: {  	v21 =	vmul.f32 v13, v13;
	v22 =	vmul.f32 v14, v14  }
0x163: {  	v28 =	vmul.f32 v20, v20;
	v23 =	vmul.f32 v15, v15;
	_ =	sdelay $0x1  }
0x164: {  	v21 =	vadd.f32 v22, v21;
	v22 =	vadd.f32 v28, v23;
	_ =	sdelay $0x1  }
0x165: {  	v21 =	vadd.f32 v22, v21;
	_ =	sdelay $0x1  }
0x166: {  	(xrf2) =	vadd.scan.msk.f32 $0xffff, v21;
	_ =	sdelay $0x9  }
0x167: {  	v21, _, _ =	vpop (xrf2)  }
0x168: {  	(v2sf) =	vpush v21, $0xF;
	_ =	sdelay $0xe  }
0x169: {  	s10 =	spop (v2sf)  }
0x16a: {  	s3 =	smax.f32 s10, $1.000000020e-24  }
0x16b: {  	s12 =	sshra.s32 s3, $0x1;
	s3 =	smul.f32 $5.000000000e-01, s3  }
0x16c: {  	s9 =	ssub.s32 $0x5F3759DF, s12  }
0x16d: {  	s4 =	smul.f32 s9, s3;
	_ =	sdelay $0x1  }
0x16e: {  	s10 =	smul.f32 s9, s4;
	_ =	sdelay $0x1  }
0x16f: {  	s10 =	ssub.f32 $1.500000000e+00, s10;
	_ =	sdelay $0x1  }
0x170: {  	s9 =	smul.f32 s9, s10;
	_ =	sdelay $0x1  }
0x171: {  	s10 =	smul.f32 s9, s3;
	_ =	sdelay $0x1  }
0x172: {  	s10 =	smul.f32 s10, s9;
	_ =	sdelay $0x1  }
0x173: {  	s10 =	ssub.f32 $1.500000000e+00, s10;
	_ =	sdelay $0x1  }
0x174: {  	s9 =	smul.f32 s10, s9;
	_ =	sdelay $0x1  }
0x175: {  	s3 =	smul.f32 s9, s3;
	_ =	sdelay $0x1  }
0x176: {  	s3 =	smul.f32 s3, s9;
	_ =	sdelay $0x1  }
0x177: {  	s3 =	ssub.f32 $1.500000000e+00, s3;
	_ =	sdelay $0x1  }
0x178: {  	s3 =	smul.f32 s3, s9  }
0x179: {  	s10 =	sand.u32 $0xFFFFF80, s28  }
0x17a: {  	s12 =	smov.u32 s28;
	s28 =	simm.s32 $0xC080;
	s9 =	sadd.s32 s0, s10;
	v13 =	vmul.f32 s3, v13  }
0x17b: {  	[tilespmem:s28], [sflag:$0x7] =	stream.strided.gather [hbm4b:s9+s6], $0x2000, s7, s6, $0x38;
	v14 =	vmul.f32 s3, v14;
	[tilespmem:$0x11100] =	vst v63  }
0x17c: {  	v23 =	vmul.f32 s3, v15;
	[tilespmem:v52+s17+$0x0] =	vst.idx.msk $0xffff, v13  }
0x17d: {  	s2 =	sand.u32 $0x7F, s2;
	v21 =	vmul.f32 s3, v20;
	[tilespmem:v53+s17+$0x0] =	vst.idx.msk $0xffff, v14  }
0x17e: {  	v13 =	vor.u32 s2, v56;
	[tilespmem:v54+s17+$0x0] =	vst.idx.msk $0xffff, v23  }
0x17f: {  	s28 =	simm.s32 $0x8;
	v14 =	vor.u32 s2, v57;
	[tilespmem:v55+s17+$0x0] =	vst.idx.msk $0xffff, v21  }
0x180: {  	v15 =	vor.u32 s2, v58;
	_ =	swait.ge [sflag:s28], $0x2000  }
0x181: {  	v20 =	vor.u32 s2, v59;
	[sflag:s28] =	ssyncset.done $0x0  }
0x182: {  	[sflag:s28] =	ssyncadd.s32 $0xFFFFE000  }
0x183: {  	v13 =	vld.idx.msk [tilespmem:v13+s8+$0x0], $0xffff  }
0x184: {  	v14 =	vld.idx.msk [tilespmem:v14+s8+$0x0], $0xffff  }
0x185: {  	v15 =	vld.idx.msk [tilespmem:v15+s8+$0x0], $0xffff  }
0x186: {  	v20 =	vld.idx.msk [tilespmem:v20+s8+$0x0], $0xffff;
	_ =	sdelay $0x3  }
0x187: {  	v14 =	vadd.f32 v14, v6;
	v13 =	vadd.f32 v13, v5  }
0x188: {  	v20 =	vadd.f32 v20, v12;
	v15 =	vadd.f32 v15, v7  }
0x189: {  	v21 =	vmul.f32 v13, v13;
	v22 =	vmul.f32 v14, v14  }
0x18a: {  	v23 =	vmul.f32 v15, v15;
	v28 =	vmul.f32 v20, v20;
	_ =	sdelay $0x1  }
0x18b: {  	v21 =	vadd.f32 v22, v21;
	v22 =	vadd.f32 v28, v23;
	_ =	sdelay $0x1  }
0x18c: {  	v21 =	vadd.f32 v22, v21;
	_ =	sdelay $0x1  }
0x18d: {  	(xrf2) =	vadd.scan.msk.f32 $0xffff, v21;
	_ =	sdelay $0x9  }
0x18e: {  	v21, _, _ =	vpop (xrf2)  }
0x18f: {  	(v2sf) =	vpush v21, $0xF;
	_ =	sdelay $0xe  }
0x190: {  	s9 =	spop (v2sf)  }
0x191: {  	s2 =	smax.f32 s9, $1.000000020e-24  }
0x192: {  	s10 =	sshra.s32 s2, $0x1;
	s2 =	smul.f32 $5.000000000e-01, s2  }
0x193: {  	s3 =	ssub.s32 $0x5F3759DF, s10  }
0x194: {  	s4 =	smul.f32 s3, s2;
	_ =	sdelay $0x1  }
0x195: {  	s9 =	smul.f32 s3, s4;
	_ =	sdelay $0x1  }
0x196: {  	s9 =	ssub.f32 $1.500000000e+00, s9;
	_ =	sdelay $0x1  }
0x197: {  	s3 =	smul.f32 s3, s9;
	_ =	sdelay $0x1  }
0x198: {  	s9 =	smul.f32 s3, s2;
	_ =	sdelay $0x1  }
0x199: {  	s9 =	smul.f32 s9, s3;
	_ =	sdelay $0x1  }
0x19a: {  	s9 =	ssub.f32 $1.500000000e+00, s9;
	_ =	sdelay $0x1  }
0x19b: {  	s3 =	smul.f32 s9, s3;
	_ =	sdelay $0x1  }
0x19c: {  	s2 =	smul.f32 s3, s2;
	_ =	sdelay $0x1  }
0x19d: {  	s2 =	smul.f32 s2, s3;
	_ =	sdelay $0x1  }
0x19e: {  	s2 =	ssub.f32 $1.500000000e+00, s2;
	_ =	sdelay $0x1  }
0x19f: {  	s2 =	smul.f32 s2, s3  }
0x1a0: {  	s9 =	sand.u32 $0xFFFFF80, s1  }
0x1a1: {  	s10 =	simm.s32 $0xE080;
	s3 =	sadd.s32 s0, s9;
	v13 =	vmul.f32 s2, v13  }
0x1a2: {  	[tilespmem:s10], [sflag:$0x8] =	stream.strided.gather [hbm4b:s3+s6], $0x2000, s7, s6, $0x38;
	v14 =	vmul.f32 s2, v14;
	[tilespmem:$0x11100] =	vst v63  }
0x1a3: {  	v22 =	vmul.f32 s2, v15;
	[tilespmem:v60+s17+$0x0] =	vst.idx.msk $0xffff, v13  }
0x1a4: {  	s3 =	sand.u32 $0x7F, s25;
	v23 =	vmul.f32 s2, v20;
	[tilespmem:v61+s17+$0x0] =	vst.idx.msk $0xffff, v14  }
0x1a5: {  	v13 =	vor.u32 s3, v1;
	[tilespmem:v62+s17+$0x0] =	vst.idx.msk $0xffff, v22  }
0x1a6: {  	v14 =	vor.u32 s3, v2;
	[tilespmem:v63+s17+$0x0] =	vst.idx.msk $0xffff, v23  }
0x1a7: {  	v15 =	vor.u32 s3, v3;
	_ =	swait.ge [sflag:s19], $0x2000  }
0x1a8: {  	v20 =	vor.u32 s3, v4;
	[sflag:s19] =	ssyncset.done $0x0  }
0x1a9: {  	[sflag:s19] =	ssyncadd.s32 $0xFFFFE000  }
0x1aa: {  	v13 =	vld.idx.msk [tilespmem:v13+s8+$0x0], $0xffff  }
0x1ab: {  	v14 =	vld.idx.msk [tilespmem:v14+s8+$0x0], $0xffff  }
0x1ac: {  	v15 =	vld.idx.msk [tilespmem:v15+s8+$0x0], $0xffff  }
0x1ad: {  	v20 =	vld.idx.msk [tilespmem:v20+s8+$0x0], $0xffff;
	_ =	sdelay $0x3  }
0x1ae: {  	v14 =	vadd.f32 v14, v6;
	v13 =	vadd.f32 v13, v5  }
0x1af: {  	v20 =	vadd.f32 v20, v12;
	v15 =	vadd.f32 v15, v7  }
0x1b0: {  	v21 =	vmul.f32 v13, v13;
	v22 =	vmul.f32 v14, v14  }
0x1b1: {  	v23 =	vmul.f32 v15, v15;
	v28 =	vmul.f32 v20, v20;
	_ =	sdelay $0x1  }
0x1b2: {  	v21 =	vadd.f32 v22, v21;
	v22 =	vadd.f32 v28, v23;
	_ =	sdelay $0x1  }
0x1b3: {  	v21 =	vadd.f32 v22, v21;
	_ =	sdelay $0x1  }
0x1b4: {  	(xrf2) =	vadd.scan.msk.f32 $0xffff, v21;
	_ =	sdelay $0x9  }
0x1b5: {  	v21, _, _ =	vpop (xrf2)  }
0x1b6: {  	(v2sf) =	vpush v21, $0xF;
	_ =	sdelay $0xe  }
0x1b7: {  	s4 =	spop (v2sf)  }
0x1b8: {  	s2 =	smax.f32 s4, $1.000000020e-24  }
0x1b9: {  	s9 =	sshra.s32 s2, $0x1;
	s2 =	smul.f32 $5.000000000e-01, s2  }
0x1ba: {  	s3 =	ssub.s32 $0x5F3759DF, s9  }
0x1bb: {  	s10 =	smul.f32 s3, s2;
	_ =	sdelay $0x1  }
0x1bc: {  	s9 =	smul.f32 s3, s10;
	_ =	sdelay $0x1  }
0x1bd: {  	s9 =	ssub.f32 $1.500000000e+00, s9;
	_ =	sdelay $0x1  }
0x1be: {  	s3 =	smul.f32 s3, s9;
	_ =	sdelay $0x1  }
0x1bf: {  	s9 =	smul.f32 s3, s2;
	_ =	sdelay $0x1  }
0x1c0: {  	s9 =	smul.f32 s9, s3;
	_ =	sdelay $0x1  }
0x1c1: {  	s9 =	ssub.f32 $1.500000000e+00, s9;
	_ =	sdelay $0x1  }
0x1c2: {  	s3 =	smul.f32 s9, s3;
	_ =	sdelay $0x1  }
0x1c3: {  	s2 =	smul.f32 s3, s2;
	_ =	sdelay $0x1  }
0x1c4: {  	s2 =	smul.f32 s2, s3;
	_ =	sdelay $0x1  }
0x1c5: {  	s2 =	ssub.f32 $1.500000000e+00, s2  }
0x1c6: {  	v21 =	vor.u32 $0x400, v0  }
0x1c7: {  	v22 =	vor.u32 $0x410, v0;
	s2 =	smul.f32 s2, s3  }
0x1c8: {  	s25 =	sand.u32 $0xFFFFF80, s5;
	v23 =	vor.u32 $0x420, v0  }
0x1c9: {  	v28 =	vor.u32 $0x430, v0;
	s3 =	sadd.s32 s0, s25;
	v13 =	vmul.f32 s2, v13  }
0x1ca: {  	[tilespmem:s8], [sflag:$0x1] =	stream.strided.gather [hbm4b:s3+s6], $0x2000, s7, s6, $0x38;
	v14 =	vmul.f32 s2, v14;
	[tilespmem:$0x11100] =	vst v63  }
0x1cb: {  	[tilespmem:v21+s17+$0x0] =	vst.idx.msk $0xffff, v13;
	v21 =	vmul.f32 s2, v15  }
0x1cc: {  	s31 =	sand.u32 $0x7F, s31;
	[tilespmem:v22+s17+$0x0] =	vst.idx.msk $0xffff, v14;
	v22 =	vmul.f32 s2, v20  }
0x1cd: {  	v13 =	vor.u32 s31, v8;
	[tilespmem:v23+s17+$0x0] =	vst.idx.msk $0xffff, v21  }
0x1ce: {  	v14 =	vor.u32 s31, v9;
	[tilespmem:v28+s17+$0x0] =	vst.idx.msk $0xffff, v22  }
0x1cf: {  	v15 =	vor.u32 s31, v10;
	_ =	swait.ge [sflag:s18], $0x2000  }
0x1d0: {  	v20 =	vor.u32 s31, v11;
	[sflag:s18] =	ssyncset.done $0x0  }
0x1d1: {  	[sflag:s18] =	ssyncadd.s32 $0xFFFFE000  }
0x1d2: {  	v13 =	vld.idx.msk [tilespmem:v13+s8+$0x0], $0xffff  }
0x1d3: {  	v14 =	vld.idx.msk [tilespmem:v14+s8+$0x0], $0xffff  }
0x1d4: {  	v15 =	vld.idx.msk [tilespmem:v15+s8+$0x0], $0xffff  }
0x1d5: {  	v20 =	vld.idx.msk [tilespmem:v20+s8+$0x0], $0xffff;
	_ =	sdelay $0x3  }
0x1d6: {  	v14 =	vadd.f32 v14, v6;
	v13 =	vadd.f32 v13, v5  }
0x1d7: {  	v20 =	vadd.f32 v20, v12;
	v15 =	vadd.f32 v15, v7  }
0x1d8: {  	v21 =	vmul.f32 v13, v13;
	v22 =	vmul.f32 v14, v14  }
0x1d9: {  	v23 =	vmul.f32 v15, v15;
	v28 =	vmul.f32 v20, v20;
	_ =	sdelay $0x1  }
0x1da: {  	v21 =	vadd.f32 v22, v21;
	v22 =	vadd.f32 v28, v23;
	_ =	sdelay $0x1  }
0x1db: {  	v21 =	vadd.f32 v22, v21;
	_ =	sdelay $0x1  }
0x1dc: {  	(xrf2) =	vadd.scan.msk.f32 $0xffff, v21;
	_ =	sdelay $0x9  }
0x1dd: {  	v21, _, _ =	vpop (xrf2)  }
0x1de: {  	(v2sf) =	vpush v21, $0xF;
	_ =	sdelay $0xe  }
0x1df: {  	s3 =	spop (v2sf)  }
0x1e0: {  	s2 =	smax.f32 s3, $1.000000020e-24  }
0x1e1: {  	s4 =	sshra.s32 s2, $0x1;
	s2 =	smul.f32 $5.000000000e-01, s2  }
0x1e2: {  	s3 =	ssub.s32 $0x5F3759DF, s4  }
0x1e3: {  	s10 =	smov.u32 s5;
	s5 =	smul.f32 s3, s2;
	_ =	sdelay $0x1  }
0x1e4: {  	s9 =	smul.f32 s3, s5;
	_ =	sdelay $0x1  }
0x1e5: {  	s9 =	ssub.f32 $1.500000000e+00, s9;
	_ =	sdelay $0x1  }
0x1e6: {  	s3 =	smul.f32 s3, s9;
	_ =	sdelay $0x1  }
0x1e7: {  	s9 =	smul.f32 s3, s2;
	_ =	sdelay $0x1  }
0x1e8: {  	s9 =	smul.f32 s9, s3;
	_ =	sdelay $0x1  }
0x1e9: {  	s9 =	ssub.f32 $1.500000000e+00, s9;
	_ =	sdelay $0x1  }
0x1ea: {  	s3 =	smul.f32 s9, s3;
	_ =	sdelay $0x1  }
0x1eb: {  	s2 =	smul.f32 s3, s2;
	_ =	sdelay $0x1  }
0x1ec: {  	s2 =	smul.f32 s2, s3;
	_ =	sdelay $0x1  }
0x1ed: {  	s2 =	ssub.f32 $1.500000000e+00, s2  }
0x1ee: {  	v21 =	vor.u32 $0x480, v0  }
0x1ef: {  	v22 =	vor.u32 $0x490, v0;
	s2 =	smul.f32 s2, s3  }
0x1f0: {  	v23 =	vor.u32 $0x4A0, v0;
	s9 =	sand.u32 $0xFFFFF80, s15  }
0x1f1: {  	s25 =	simm.s32 $0x2080;
	v28 =	vor.u32 $0x4B0, v0;
	s3 =	sadd.s32 s0, s9;
	v13 =	vmul.f32 s2, v13  }
0x1f2: {  	[tilespmem:s25], [sflag:$0x2] =	stream.strided.gather [hbm4b:s3+s6], $0x2000, s7, s6, $0x38;
	v14 =	vmul.f32 s2, v14;
	[tilespmem:$0x11100] =	vst v63  }
0x1f3: {  	[tilespmem:v21+s17+$0x0] =	vst.idx.msk $0xffff, v13;
	v21 =	vmul.f32 s2, v15  }
0x1f4: {  	s31 =	sand.u32 $0x7F, s30;
	[tilespmem:v22+s17+$0x0] =	vst.idx.msk $0xffff, v14;
	v22 =	vmul.f32 s2, v20  }
0x1f5: {  	v13 =	vor.u32 s31, v16;
	[tilespmem:v23+s17+$0x0] =	vst.idx.msk $0xffff, v21  }
0x1f6: {  	v14 =	vor.u32 s31, v17;
	[tilespmem:v28+s17+$0x0] =	vst.idx.msk $0xffff, v22  }
0x1f7: {  	v15 =	vor.u32 s31, v18;
	_ =	swait.ge [sflag:s14], $0x2000  }
0x1f8: {  	v20 =	vor.u32 s31, v19;
	[sflag:s14] =	ssyncset.done $0x0  }
0x1f9: {  	[sflag:s14] =	ssyncadd.s32 $0xFFFFE000  }
0x1fa: {  	v13 =	vld.idx.msk [tilespmem:v13+s8+$0x0], $0xffff  }
0x1fb: {  	v14 =	vld.idx.msk [tilespmem:v14+s8+$0x0], $0xffff  }
0x1fc: {  	v15 =	vld.idx.msk [tilespmem:v15+s8+$0x0], $0xffff  }
0x1fd: {  	v20 =	vld.idx.msk [tilespmem:v20+s8+$0x0], $0xffff;
	_ =	sdelay $0x3  }
0x1fe: {  	v14 =	vadd.f32 v14, v6;
	v13 =	vadd.f32 v13, v5  }
0x1ff: {  	v20 =	vadd.f32 v20, v12;
	v15 =	vadd.f32 v15, v7  }
0x200: {  	v21 =	vmul.f32 v13, v13;
	v22 =	vmul.f32 v14, v14  }
0x201: {  	v23 =	vmul.f32 v15, v15;
	v28 =	vmul.f32 v20, v20;
	_ =	sdelay $0x1  }
0x202: {  	v21 =	vadd.f32 v22, v21;
	v22 =	vadd.f32 v28, v23;
	_ =	sdelay $0x1  }
0x203: {  	v21 =	vadd.f32 v22, v21;
	_ =	sdelay $0x1  }
0x204: {  	(xrf2) =	vadd.scan.msk.f32 $0xffff, v21;
	_ =	sdelay $0x9  }
0x205: {  	v21, _, _ =	vpop (xrf2)  }
0x206: {  	(v2sf) =	vpush v21, $0xF;
	_ =	sdelay $0xe  }
0x207: {  	s3 =	spop (v2sf)  }
0x208: {  	s2 =	smax.f32 s3, $1.000000020e-24  }
0x209: {  	s4 =	sshra.s32 s2, $0x1;
	s2 =	smul.f32 $5.000000000e-01, s2  }
0x20a: {  	s3 =	ssub.s32 $0x5F3759DF, s4  }
0x20b: {  	s5 =	smul.f32 s3, s2;
	_ =	sdelay $0x1  }
0x20c: {  	s9 =	smul.f32 s3, s5;
	_ =	sdelay $0x1  }
0x20d: {  	s9 =	ssub.f32 $1.500000000e+00, s9;
	_ =	sdelay $0x1  }
0x20e: {  	s3 =	smul.f32 s3, s9;
	_ =	sdelay $0x1  }
0x20f: {  	s9 =	smul.f32 s3, s2;
	_ =	sdelay $0x1  }
0x210: {  	s9 =	smul.f32 s9, s3;
	_ =	sdelay $0x1  }
0x211: {  	s9 =	ssub.f32 $1.500000000e+00, s9;
	_ =	sdelay $0x1  }
0x212: {  	s3 =	smul.f32 s9, s3;
	_ =	sdelay $0x1  }
0x213: {  	s2 =	smul.f32 s3, s2;
	_ =	sdelay $0x1  }
0x214: {  	s2 =	smul.f32 s2, s3;
	_ =	sdelay $0x1  }
0x215: {  	s2 =	ssub.f32 $1.500000000e+00, s2  }
0x216: {  	v21 =	vor.u32 $0x500, v0  }
0x217: {  	v22 =	vor.u32 $0x510, v0;
	s4 =	rddreg [dreg:$0x17];
	s2 =	smul.f32 s2, s3  }
0x218: {  	v23 =	vor.u32 $0x520, v0;
	s25 =	sand.u32 $0xFFFFF80, s4  }
0x219: {  	s22 =	simm.s32 $0x4080;
	v28 =	vor.u32 $0x530, v0;
	s3 =	sadd.s32 s0, s25;
	v13 =	vmul.f32 s2, v13  }
0x21a: {  	[tilespmem:s22], [sflag:$0x3] =	stream.strided.gather [hbm4b:s3+s6], $0x2000, s7, s6, $0x38;
	v14 =	vmul.f32 s2, v14;
	[tilespmem:$0x11100] =	vst v63  }
0x21b: {  	[tilespmem:v21+s17+$0x0] =	vst.idx.msk $0xffff, v13;
	v21 =	vmul.f32 s2, v15  }
0x21c: {  	s29 =	sand.u32 $0x7F, s29;
	[tilespmem:v22+s17+$0x0] =	vst.idx.msk $0xffff, v14;
	v22 =	vmul.f32 s2, v20  }
0x21d: {  	v13 =	vor.u32 s29, v24;
	[tilespmem:v23+s17+$0x0] =	vst.idx.msk $0xffff, v21  }
0x21e: {  	v14 =	vor.u32 s29, v25;
	[tilespmem:v28+s17+$0x0] =	vst.idx.msk $0xffff, v22  }
0x21f: {  	v15 =	vor.u32 s29, v26;
	_ =	swait.ge [sflag:s13], $0x2000  }
0x220: {  	v20 =	vor.u32 s29, v27;
	[sflag:s13] =	ssyncset.done $0x0  }
0x221: {  	[sflag:s13] =	ssyncadd.s32 $0xFFFFE000  }
0x222: {  	v13 =	vld.idx.msk [tilespmem:v13+s8+$0x0], $0xffff  }
0x223: {  	v14 =	vld.idx.msk [tilespmem:v14+s8+$0x0], $0xffff  }
0x224: {  	v15 =	vld.idx.msk [tilespmem:v15+s8+$0x0], $0xffff  }
0x225: {  	v20 =	vld.idx.msk [tilespmem:v20+s8+$0x0], $0xffff;
	_ =	sdelay $0x3  }
0x226: {  	v14 =	vadd.f32 v14, v6;
	v13 =	vadd.f32 v13, v5  }
0x227: {  	v20 =	vadd.f32 v20, v12;
	v15 =	vadd.f32 v15, v7  }
0x228: {  	v21 =	vmul.f32 v13, v13;
	v22 =	vmul.f32 v14, v14  }
0x229: {  	v23 =	vmul.f32 v15, v15;
	v28 =	vmul.f32 v20, v20;
	_ =	sdelay $0x1  }
0x22a: {  	v21 =	vadd.f32 v22, v21;
	v22 =	vadd.f32 v28, v23;
	_ =	sdelay $0x1  }
0x22b: {  	v21 =	vadd.f32 v22, v21;
	_ =	sdelay $0x1  }
0x22c: {  	(xrf2) =	vadd.scan.msk.f32 $0xffff, v21;
	_ =	sdelay $0x9  }
0x22d: {  	v21, _, _ =	vpop (xrf2)  }
0x22e: {  	(v2sf) =	vpush v21, $0xF;
	_ =	sdelay $0xe  }
0x22f: {  	s30 =	spop (v2sf)  }
0x230: {  	s2 =	smax.f32 s30, $1.000000020e-24  }
0x231: {  	s31 =	sshra.s32 s2, $0x1;
	s2 =	smul.f32 $5.000000000e-01, s2  }
0x232: {  	s3 =	ssub.s32 $0x5F3759DF, s31  }
0x233: {  	s5 =	smul.f32 s3, s2;
	_ =	sdelay $0x1  }
0x234: {  	s9 =	smul.f32 s3, s5;
	_ =	sdelay $0x1  }
0x235: {  	s9 =	ssub.f32 $1.500000000e+00, s9;
	_ =	sdelay $0x1  }
0x236: {  	s3 =	smul.f32 s3, s9;
	_ =	sdelay $0x1  }
0x237: {  	s9 =	smul.f32 s3, s2;
	_ =	sdelay $0x1  }
0x238: {  	s9 =	smul.f32 s9, s3;
	_ =	sdelay $0x1  }
0x239: {  	s9 =	ssub.f32 $1.500000000e+00, s9;
	_ =	sdelay $0x1  }
0x23a: {  	s3 =	smul.f32 s9, s3;
	_ =	sdelay $0x1  }
0x23b: {  	s2 =	smul.f32 s3, s2;
	_ =	sdelay $0x1  }
0x23c: {  	s2 =	smul.f32 s2, s3;
	_ =	sdelay $0x1  }
0x23d: {  	s2 =	ssub.f32 $1.500000000e+00, s2  }
0x23e: {  	v21 =	vor.u32 $0x580, v0  }
0x23f: {  	s22 =	rddreg [dreg:$0x16];
	v22 =	vor.u32 $0x590, v0;
	s2 =	smul.f32 s2, s3  }
0x240: {  	v23 =	vor.u32 $0x5A0, v0;
	s9 =	sand.u32 $0xFFFFF80, s22  }
0x241: {  	s25 =	simm.s32 $0x6080;
	v28 =	vor.u32 $0x5B0, v0;
	s3 =	sadd.s32 s0, s9;
	v13 =	vmul.f32 s2, v13  }
0x242: {  	[tilespmem:s25], [sflag:$0x4] =	stream.strided.gather [hbm4b:s3+s6], $0x2000, s7, s6, $0x38;
	v14 =	vmul.f32 s2, v14;
	[tilespmem:$0x11100] =	vst v63  }
0x243: {  	[tilespmem:v21+s17+$0x0] =	vst.idx.msk $0xffff, v13;
	v21 =	vmul.f32 s2, v15  }
0x244: {  	s29 =	sand.u32 $0x7F, s26;
	[tilespmem:v22+s17+$0x0] =	vst.idx.msk $0xffff, v14;
	v22 =	vmul.f32 s2, v20  }
0x245: {  	v13 =	vor.u32 s29, v32;
	[tilespmem:v23+s17+$0x0] =	vst.idx.msk $0xffff, v21  }
0x246: {  	v14 =	vor.u32 s29, v33;
	[tilespmem:v28+s17+$0x0] =	vst.idx.msk $0xffff, v22  }
0x247: {  	v15 =	vor.u32 s29, v34;
	_ =	swait.ge [sflag:s21], $0x2000  }
0x248: {  	v20 =	vor.u32 s29, v35;
	[sflag:s21] =	ssyncset.done $0x0  }
0x249: {  	[sflag:s21] =	ssyncadd.s32 $0xFFFFE000  }
0x24a: {  	v13 =	vld.idx.msk [tilespmem:v13+s8+$0x0], $0xffff  }
0x24b: {  	v14 =	vld.idx.msk [tilespmem:v14+s8+$0x0], $0xffff  }
0x24c: {  	v15 =	vld.idx.msk [tilespmem:v15+s8+$0x0], $0xffff  }
0x24d: {  	v20 =	vld.idx.msk [tilespmem:v20+s8+$0x0], $0xffff;
	_ =	sdelay $0x3  }
0x24e: {  	v14 =	vadd.f32 v14, v6;
	v13 =	vadd.f32 v13, v5  }
0x24f: {  	v20 =	vadd.f32 v20, v12;
	v15 =	vadd.f32 v15, v7  }
0x250: {  	v21 =	vmul.f32 v13, v13;
	v22 =	vmul.f32 v14, v14  }
0x251: {  	v23 =	vmul.f32 v15, v15;
	v28 =	vmul.f32 v20, v20;
	_ =	sdelay $0x1  }
0x252: {  	v21 =	vadd.f32 v22, v21;
	v22 =	vadd.f32 v28, v23;
	_ =	sdelay $0x1  }
0x253: {  	v21 =	vadd.f32 v22, v21;
	_ =	sdelay $0x1  }
0x254: {  	(xrf2) =	vadd.scan.msk.f32 $0xffff, v21;
	_ =	sdelay $0x9  }
0x255: {  	v21, _, _ =	vpop (xrf2)  }
0x256: {  	(v2sf) =	vpush v21, $0xF;
	_ =	sdelay $0xe  }
0x257: {  	s30 =	spop (v2sf)  }
0x258: {  	s2 =	smax.f32 s30, $1.000000020e-24  }
0x259: {  	s31 =	sshra.s32 s2, $0x1;
	s2 =	smul.f32 $5.000000000e-01, s2  }
0x25a: {  	s3 =	ssub.s32 $0x5F3759DF, s31  }
0x25b: {  	s5 =	smul.f32 s3, s2;
	_ =	sdelay $0x1  }
0x25c: {  	s9 =	smul.f32 s3, s5;
	_ =	sdelay $0x1  }
0x25d: {  	s9 =	ssub.f32 $1.500000000e+00, s9;
	_ =	sdelay $0x1  }
0x25e: {  	s3 =	smul.f32 s3, s9;
	_ =	sdelay $0x1  }
0x25f: {  	s9 =	smul.f32 s3, s2;
	_ =	sdelay $0x1  }
0x260: {  	s9 =	smul.f32 s9, s3;
	_ =	sdelay $0x1  }
0x261: {  	s9 =	ssub.f32 $1.500000000e+00, s9;
	_ =	sdelay $0x1  }
0x262: {  	s3 =	smul.f32 s9, s3;
	_ =	sdelay $0x1  }
0x263: {  	s2 =	smul.f32 s3, s2;
	_ =	sdelay $0x1  }
0x264: {  	s2 =	smul.f32 s2, s3;
	_ =	sdelay $0x1  }
0x265: {  	s2 =	ssub.f32 $1.500000000e+00, s2  }
0x266: {  	v21 =	vor.u32 $0x600, v0  }
0x267: {  	v22 =	vor.u32 $0x610, v0;
	s31 =	rddreg [dreg:$0x15];
	s2 =	smul.f32 s2, s3  }
0x268: {  	v23 =	vor.u32 $0x620, v0;
	s9 =	sand.u32 $0xFFFFF80, s31  }
0x269: {  	v28 =	vor.u32 $0x630, v0;
	s3 =	sadd.s32 s0, s9;
	v13 =	vmul.f32 s2, v13  }
0x26a: {  	[tilespmem:s20], [sflag:$0x5] =	stream.strided.gather [hbm4b:s3+s6], $0x2000, s7, s6, $0x38;
	v14 =	vmul.f32 s2, v14;
	[tilespmem:$0x11100] =	vst v63  }
0x26b: {  	[tilespmem:v21+s17+$0x0] =	vst.idx.msk $0xffff, v13;
	v21 =	vmul.f32 s2, v15  }
0x26c: {  	s20 =	sand.u32 $0x7F, s11;
	[tilespmem:v22+s17+$0x0] =	vst.idx.msk $0xffff, v14;
	v22 =	vmul.f32 s2, v20  }
0x26d: {  	v13 =	vor.u32 s20, v40;
	[tilespmem:v23+s17+$0x0] =	vst.idx.msk $0xffff, v21  }
0x26e: {  	v14 =	vor.u32 s20, v41;
	[tilespmem:v28+s17+$0x0] =	vst.idx.msk $0xffff, v22  }
0x26f: {  	v15 =	vor.u32 s20, v42;
	_ =	swait.ge [sflag:s23], $0x2000  }
0x270: {  	v20 =	vor.u32 s20, v43;
	[sflag:s23] =	ssyncset.done $0x0  }
0x271: {  	[sflag:s23] =	ssyncadd.s32 $0xFFFFE000  }
0x272: {  	v13 =	vld.idx.msk [tilespmem:v13+s8+$0x0], $0xffff  }
0x273: {  	v14 =	vld.idx.msk [tilespmem:v14+s8+$0x0], $0xffff  }
0x274: {  	v15 =	vld.idx.msk [tilespmem:v15+s8+$0x0], $0xffff  }
0x275: {  	v20 =	vld.idx.msk [tilespmem:v20+s8+$0x0], $0xffff;
	_ =	sdelay $0x3  }
0x276: {  	v14 =	vadd.f32 v14, v6;
	v13 =	vadd.f32 v13, v5  }
0x277: {  	v20 =	vadd.f32 v20, v12;
	v15 =	vadd.f32 v15, v7  }
0x278: {  	v21 =	vmul.f32 v13, v13;
	v22 =	vmul.f32 v14, v14  }
0x279: {  	v23 =	vmul.f32 v15, v15;
	v28 =	vmul.f32 v20, v20;
	_ =	sdelay $0x1  }
0x27a: {  	v21 =	vadd.f32 v22, v21;
	v22 =	vadd.f32 v28, v23;
	_ =	sdelay $0x1  }
0x27b: {  	v21 =	vadd.f32 v22, v21;
	_ =	sdelay $0x1  }
0x27c: {  	(xrf2) =	vadd.scan.msk.f32 $0xffff, v21;
	_ =	sdelay $0x9  }
0x27d: {  	v21, _, _ =	vpop (xrf2)  }
0x27e: {  	(v2sf) =	vpush v21, $0xF;
	_ =	sdelay $0xe  }
0x27f: {  	s25 =	spop (v2sf)  }
0x280: {  	s2 =	smax.f32 s25, $1.000000020e-24  }
0x281: {  	s26 =	sshra.s32 s2, $0x1;
	s2 =	smul.f32 $5.000000000e-01, s2  }
0x282: {  	s3 =	ssub.s32 $0x5F3759DF, s26  }
0x283: {  	s29 =	smul.f32 s3, s2;
	_ =	sdelay $0x1  }
0x284: {  	s9 =	smul.f32 s3, s29;
	_ =	sdelay $0x1  }
0x285: {  	s9 =	ssub.f32 $1.500000000e+00, s9;
	_ =	sdelay $0x1  }
0x286: {  	s3 =	smul.f32 s3, s9;
	_ =	sdelay $0x1  }
0x287: {  	s9 =	smul.f32 s3, s2;
	_ =	sdelay $0x1  }
0x288: {  	s9 =	smul.f32 s9, s3;
	_ =	sdelay $0x1  }
0x289: {  	s9 =	ssub.f32 $1.500000000e+00, s9;
	_ =	sdelay $0x1  }
0x28a: {  	s3 =	smul.f32 s9, s3;
	_ =	sdelay $0x1  }
0x28b: {  	s2 =	smul.f32 s3, s2;
	_ =	sdelay $0x1  }
0x28c: {  	s2 =	smul.f32 s2, s3;
	_ =	sdelay $0x1  }
0x28d: {  	s2 =	ssub.f32 $1.500000000e+00, s2  }
0x28e: {  	v21 =	vor.u32 $0x680, v0  }
0x28f: {  	v22 =	vor.u32 $0x690, v0;
	s9 =	rddreg [dreg:$0x14];
	s2 =	smul.f32 s2, s3  }
0x290: {  	v23 =	vor.u32 $0x6A0, v0;
	s5 =	sand.u32 $0xFFFFF80, s9  }
0x291: {  	v28 =	vor.u32 $0x6B0, v0;
	s3 =	sadd.s32 s0, s5;
	v13 =	vmul.f32 s2, v13  }
0x292: {  	[tilespmem:s16], [sflag:$0x6] =	stream.strided.gather [hbm4b:s3+s6], $0x2000, s7, s6, $0x38;
	v14 =	vmul.f32 s2, v14;
	[tilespmem:$0x11100] =	vst v63  }
0x293: {  	[tilespmem:v21+s17+$0x0] =	vst.idx.msk $0xffff, v13;
	v21 =	vmul.f32 s2, v15  }
0x294: {  	s11 =	sand.u32 $0x7F, s12;
	[tilespmem:v22+s17+$0x0] =	vst.idx.msk $0xffff, v14;
	v22 =	vmul.f32 s2, v20  }
0x295: {  	v13 =	vor.u32 s11, v48;
	[tilespmem:v23+s17+$0x0] =	vst.idx.msk $0xffff, v21  }
0x296: {  	v14 =	vor.u32 s11, v49;
	[tilespmem:v28+s17+$0x0] =	vst.idx.msk $0xffff, v22  }
0x297: {  	v15 =	vor.u32 s11, v50;
	_ =	swait.ge [sflag:s24], $0x2000  }
0x298: {  	v20 =	vor.u32 s11, v51;
	[sflag:s24] =	ssyncset.done $0x0  }
0x299: {  	[sflag:s24] =	ssyncadd.s32 $0xFFFFE000  }
0x29a: {  	v13 =	vld.idx.msk [tilespmem:v13+s8+$0x0], $0xffff  }
0x29b: {  	v14 =	vld.idx.msk [tilespmem:v14+s8+$0x0], $0xffff  }
0x29c: {  	v15 =	vld.idx.msk [tilespmem:v15+s8+$0x0], $0xffff  }
0x29d: {  	v20 =	vld.idx.msk [tilespmem:v20+s8+$0x0], $0xffff;
	_ =	sdelay $0x3  }
0x29e: {  	v14 =	vadd.f32 v14, v6;
	v13 =	vadd.f32 v13, v5  }
0x29f: {  	v20 =	vadd.f32 v20, v12;
	v15 =	vadd.f32 v15, v7  }
0x2a0: {  	v21 =	vmul.f32 v13, v13;
	v22 =	vmul.f32 v14, v14  }
0x2a1: {  	v23 =	vmul.f32 v15, v15;
	v28 =	vmul.f32 v20, v20;
	_ =	sdelay $0x1  }
0x2a2: {  	v21 =	vadd.f32 v22, v21;
	v22 =	vadd.f32 v28, v23;
	_ =	sdelay $0x1  }
0x2a3: {  	v21 =	vadd.f32 v22, v21;
	_ =	sdelay $0x1  }
0x2a4: {  	(xrf2) =	vadd.scan.msk.f32 $0xffff, v21;
	_ =	sdelay $0x9  }
0x2a5: {  	v21, _, _ =	vpop (xrf2)  }
0x2a6: {  	(v2sf) =	vpush v21, $0xF;
	_ =	sdelay $0xe  }
0x2a7: {  	s12 =	spop (v2sf)  }
0x2a8: {  	s2 =	smax.f32 s12, $1.000000020e-24  }
0x2a9: {  	s16 =	sshra.s32 s2, $0x1;
	s2 =	smul.f32 $5.000000000e-01, s2  }
0x2aa: {  	s3 =	ssub.s32 $0x5F3759DF, s16  }
0x2ab: {  	s20 =	smul.f32 s3, s2;
	_ =	sdelay $0x1  }
0x2ac: {  	s5 =	smul.f32 s3, s20;
	_ =	sdelay $0x1  }
0x2ad: {  	s5 =	ssub.f32 $1.500000000e+00, s5;
	_ =	sdelay $0x1  }
0x2ae: {  	s3 =	smul.f32 s3, s5;
	_ =	sdelay $0x1  }
0x2af: {  	s5 =	smul.f32 s3, s2;
	_ =	sdelay $0x1  }
0x2b0: {  	s5 =	smul.f32 s5, s3;
	_ =	sdelay $0x1  }
0x2b1: {  	s5 =	ssub.f32 $1.500000000e+00, s5;
	_ =	sdelay $0x1  }
0x2b2: {  	s3 =	smul.f32 s5, s3;
	_ =	sdelay $0x1  }
0x2b3: {  	s2 =	smul.f32 s3, s2;
	_ =	sdelay $0x1  }
0x2b4: {  	s2 =	smul.f32 s2, s3;
	_ =	sdelay $0x1  }
0x2b5: {  	s2 =	ssub.f32 $1.500000000e+00, s2  }
0x2b6: {  	v21 =	vor.u32 $0x700, v0  }
0x2b7: {  	v22 =	vor.u32 $0x710, v0;
	s5 =	rddreg [dreg:$0x13];
	s2 =	smul.f32 s2, s3  }
0x2b8: {  	v23 =	vor.u32 $0x720, v0;
	s25 =	sand.u32 $0xFFFFF80, s5  }
0x2b9: {  	s26 =	simm.s32 $0xC080;
	v28 =	vor.u32 $0x730, v0;
	s3 =	sadd.s32 s0, s25;
	v13 =	vmul.f32 s2, v13  }
0x2ba: {  	[tilespmem:s26], [sflag:$0x7] =	stream.strided.gather [hbm4b:s3+s6], $0x2000, s7, s6, $0x38;
	v14 =	vmul.f32 s2, v14;
	[tilespmem:$0x11100] =	vst v63  }
0x2bb: {  	[tilespmem:v21+s17+$0x0] =	vst.idx.msk $0xffff, v13;
	v21 =	vmul.f32 s2, v15  }
0x2bc: {  	s1 =	sand.u32 $0x7F, s1;
	[tilespmem:v22+s17+$0x0] =	vst.idx.msk $0xffff, v14;
	v22 =	vmul.f32 s2, v20  }
0x2bd: {  	v13 =	vor.u32 s1, v56;
	[tilespmem:v23+s17+$0x0] =	vst.idx.msk $0xffff, v21  }
0x2be: {  	v14 =	vor.u32 s1, v57;
	[tilespmem:v28+s17+$0x0] =	vst.idx.msk $0xffff, v22  }
0x2bf: {  	v15 =	vor.u32 s1, v58;
	_ =	swait.ge [sflag:s28], $0x2000  }
0x2c0: {  	v20 =	vor.u32 s1, v59;
	[sflag:s28] =	ssyncset.done $0x0  }
0x2c1: {  	[sflag:s28] =	ssyncadd.s32 $0xFFFFE000  }
0x2c2: {  	v13 =	vld.idx.msk [tilespmem:v13+s8+$0x0], $0xffff  }
0x2c3: {  	v14 =	vld.idx.msk [tilespmem:v14+s8+$0x0], $0xffff  }
0x2c4: {  	v15 =	vld.idx.msk [tilespmem:v15+s8+$0x0], $0xffff  }
0x2c5: {  	v20 =	vld.idx.msk [tilespmem:v20+s8+$0x0], $0xffff;
	_ =	sdelay $0x3  }
0x2c6: {  	v14 =	vadd.f32 v14, v6;
	v13 =	vadd.f32 v13, v5  }
0x2c7: {  	v20 =	vadd.f32 v20, v12;
	v15 =	vadd.f32 v15, v7  }
0x2c8: {  	v21 =	vmul.f32 v13, v13;
	v22 =	vmul.f32 v14, v14  }
0x2c9: {  	v23 =	vmul.f32 v15, v15;
	v28 =	vmul.f32 v20, v20;
	_ =	sdelay $0x1  }
0x2ca: {  	v21 =	vadd.f32 v22, v21;
	v22 =	vadd.f32 v28, v23;
	_ =	sdelay $0x1  }
0x2cb: {  	v21 =	vadd.f32 v22, v21;
	_ =	sdelay $0x1  }
0x2cc: {  	(xrf2) =	vadd.scan.msk.f32 $0xffff, v21;
	_ =	sdelay $0x9  }
0x2cd: {  	v21, _, _ =	vpop (xrf2)  }
0x2ce: {  	(v2sf) =	vpush v21, $0xF;
	_ =	sdelay $0xe  }
0x2cf: {  	s3 =	spop (v2sf)  }
0x2d0: {  	s1 =	smax.f32 s3, $1.000000020e-24  }
0x2d1: {  	s11 =	sshra.s32 s1, $0x1;
	s1 =	smul.f32 $5.000000000e-01, s1  }
0x2d2: {  	s2 =	ssub.s32 $0x5F3759DF, s11  }
0x2d3: {  	s12 =	smul.f32 s2, s1;
	_ =	sdelay $0x1  }
0x2d4: {  	s3 =	smul.f32 s2, s12;
	_ =	sdelay $0x1  }
0x2d5: {  	s3 =	ssub.f32 $1.500000000e+00, s3;
	_ =	sdelay $0x1  }
0x2d6: {  	s2 =	smul.f32 s2, s3;
	_ =	sdelay $0x1  }
0x2d7: {  	s3 =	smul.f32 s2, s1;
	_ =	sdelay $0x1  }
0x2d8: {  	s3 =	smul.f32 s3, s2;
	_ =	sdelay $0x1  }
0x2d9: {  	s3 =	ssub.f32 $1.500000000e+00, s3;
	_ =	sdelay $0x1  }
0x2da: {  	s2 =	smul.f32 s3, s2;
	_ =	sdelay $0x1  }
0x2db: {  	s1 =	smul.f32 s2, s1;
	_ =	sdelay $0x1  }
0x2dc: {  	s1 =	smul.f32 s1, s2;
	_ =	sdelay $0x1  }
0x2dd: {  	s1 =	ssub.f32 $1.500000000e+00, s1  }
0x2de: {  	v21 =	vor.u32 $0x780, v0  }
0x2df: {  	s26 =	rddreg [dreg:$0x12];
	v22 =	vor.u32 $0x790, v0;
	s1 =	smul.f32 s1, s2  }
0x2e0: {  	s16 =	sand.u32 $0xFFFFF80, s26;
	v23 =	vor.u32 $0x7A0, v0  }
0x2e1: {  	s25 =	simm.s32 $0xE080;
	v28 =	vor.u32 $0x7B0, v0;
	s2 =	sadd.s32 s0, s16;
	v13 =	vmul.f32 s1, v13  }
0x2e2: {  	[tilespmem:s25], [sflag:$0x8] =	stream.strided.gather [hbm4b:s2+s6], $0x2000, s7, s6, $0x38;
	v14 =	vmul.f32 s1, v14;
	[tilespmem:$0x11100] =	vst v63  }
0x2e3: {  	[tilespmem:v21+s17+$0x0] =	vst.idx.msk $0xffff, v13;
	v21 =	vmul.f32 s1, v15  }
0x2e4: {  	s10 =	sand.u32 $0x7F, s10;
	[tilespmem:v22+s17+$0x0] =	vst.idx.msk $0xffff, v14;
	v22 =	vmul.f32 s1, v20  }
0x2e5: {  	v13 =	vor.u32 s10, v1;
	[tilespmem:v23+s17+$0x0] =	vst.idx.msk $0xffff, v21  }
0x2e6: {  	v14 =	vor.u32 s10, v2;
	[tilespmem:v28+s17+$0x0] =	vst.idx.msk $0xffff, v22  }
0x2e7: {  	v15 =	vor.u32 s10, v3;
	_ =	swait.ge [sflag:s19], $0x2000  }
0x2e8: {  	v20 =	vor.u32 s10, v4;
	[sflag:s19] =	ssyncset.done $0x0  }
0x2e9: {  	[sflag:s19] =	ssyncadd.s32 $0xFFFFE000  }
0x2ea: {  	v13 =	vld.idx.msk [tilespmem:v13+s8+$0x0], $0xffff  }
0x2eb: {  	v14 =	vld.idx.msk [tilespmem:v14+s8+$0x0], $0xffff  }
0x2ec: {  	v15 =	vld.idx.msk [tilespmem:v15+s8+$0x0], $0xffff  }
0x2ed: {  	v20 =	vld.idx.msk [tilespmem:v20+s8+$0x0], $0xffff;
	_ =	sdelay $0x3  }
0x2ee: {  	v14 =	vadd.f32 v14, v6;
	v13 =	vadd.f32 v13, v5  }
0x2ef: {  	v20 =	vadd.f32 v20, v12;
	v15 =	vadd.f32 v15, v7  }
0x2f0: {  	v21 =	vmul.f32 v13, v13;
	v22 =	vmul.f32 v14, v14  }
0x2f1: {  	v23 =	vmul.f32 v15, v15;
	v28 =	vmul.f32 v20, v20;
	_ =	sdelay $0x1  }
0x2f2: {  	v21 =	vadd.f32 v22, v21;
	v22 =	vadd.f32 v28, v23;
	_ =	sdelay $0x1  }
0x2f3: {  	v21 =	vadd.f32 v22, v21;
	_ =	sdelay $0x1  }
0x2f4: {  	(xrf2) =	vadd.scan.msk.f32 $0xffff, v21;
	_ =	sdelay $0x9  }
0x2f5: {  	v21, _, _ =	vpop (xrf2)  }
0x2f6: {  	(v2sf) =	vpush v21, $0xF;
	_ =	sdelay $0xe  }
0x2f7: {  	s11 =	spop (v2sf)  }
0x2f8: {  	s1 =	smax.f32 s11, $1.000000020e-24  }
0x2f9: {  	s12 =	sshra.s32 s1, $0x1;
	s1 =	smul.f32 $5.000000000e-01, s1  }
0x2fa: {  	s2 =	ssub.s32 $0x5F3759DF, s12  }
0x2fb: {  	s16 =	smul.f32 s2, s1;
	_ =	sdelay $0x1  }
0x2fc: {  	s3 =	smul.f32 s2, s16;
	_ =	sdelay $0x1  }
0x2fd: {  	s3 =	ssub.f32 $1.500000000e+00, s3;
	_ =	sdelay $0x1  }
0x2fe: {  	s2 =	smul.f32 s2, s3;
	_ =	sdelay $0x1  }
0x2ff: {  	s3 =	smul.f32 s2, s1;
	_ =	sdelay $0x1  }
0x300: {  	s3 =	smul.f32 s3, s2;
	_ =	sdelay $0x1  }
0x301: {  	s3 =	ssub.f32 $1.500000000e+00, s3;
	_ =	sdelay $0x1  }
0x302: {  	s2 =	smul.f32 s3, s2;
	_ =	sdelay $0x1  }
0x303: {  	s1 =	smul.f32 s2, s1;
	_ =	sdelay $0x1  }
0x304: {  	s1 =	smul.f32 s1, s2;
	_ =	sdelay $0x1  }
0x305: {  	s1 =	ssub.f32 $1.500000000e+00, s1  }
0x306: {  	v21 =	vor.u32 $0x800, v0  }
0x307: {  	v22 =	vor.u32 $0x810, v0;
	s16 =	rddreg [dreg:$0x11];
	s1 =	smul.f32 s1, s2  }
0x308: {  	v23 =	vor.u32 $0x820, v0;
	s3 =	sand.u32 $0xFFFFF80, s16  }
0x309: {  	v28 =	vor.u32 $0x830, v0;
	s2 =	sadd.s32 s0, s3;
	v13 =	vmul.f32 s1, v13  }
0x30a: {  	[tilespmem:s8], [sflag:$0x1] =	stream.strided.gather [hbm4b:s2+s6], $0x2000, s7, s6, $0x38;
	v14 =	vmul.f32 s1, v14;
	[tilespmem:$0x11100] =	vst v63  }
0x30b: {  	[tilespmem:v21+s17+$0x0] =	vst.idx.msk $0xffff, v13;
	v21 =	vmul.f32 s1, v15  }
0x30c: {  	s10 =	sand.u32 $0x7F, s15;
	[tilespmem:v22+s17+$0x0] =	vst.idx.msk $0xffff, v14;
	v22 =	vmul.f32 s1, v20  }
0x30d: {  	v13 =	vor.u32 s10, v8;
	[tilespmem:v23+s17+$0x0] =	vst.idx.msk $0xffff, v21  }
0x30e: {  	v14 =	vor.u32 s10, v9;
	[tilespmem:v28+s17+$0x0] =	vst.idx.msk $0xffff, v22  }
0x30f: {  	v15 =	vor.u32 s10, v10;
	_ =	swait.ge [sflag:s18], $0x2000  }
0x310: {  	v20 =	vor.u32 s10, v11;
	[sflag:s18] =	ssyncset.done $0x0  }
0x311: {  	[sflag:s18] =	ssyncadd.s32 $0xFFFFE000  }
0x312: {  	v13 =	vld.idx.msk [tilespmem:v13+s8+$0x0], $0xffff  }
0x313: {  	v14 =	vld.idx.msk [tilespmem:v14+s8+$0x0], $0xffff  }
0x314: {  	v15 =	vld.idx.msk [tilespmem:v15+s8+$0x0], $0xffff  }
0x315: {  	v20 =	vld.idx.msk [tilespmem:v20+s8+$0x0], $0xffff;
	_ =	sdelay $0x3  }
0x316: {  	v14 =	vadd.f32 v14, v6;
	v13 =	vadd.f32 v13, v5  }
0x317: {  	v20 =	vadd.f32 v20, v12;
	v15 =	vadd.f32 v15, v7  }
0x318: {  	v21 =	vmul.f32 v13, v13;
	v22 =	vmul.f32 v14, v14  }
0x319: {  	v23 =	vmul.f32 v15, v15;
	v28 =	vmul.f32 v20, v20;
	_ =	sdelay $0x1  }
0x31a: {  	v21 =	vadd.f32 v22, v21;
	v22 =	vadd.f32 v28, v23;
	_ =	sdelay $0x1  }
0x31b: {  	v21 =	vadd.f32 v22, v21;
	_ =	sdelay $0x1  }
0x31c: {  	(xrf2) =	vadd.scan.msk.f32 $0xffff, v21;
	_ =	sdelay $0x9  }
0x31d: {  	v21, _, _ =	vpop (xrf2)  }
0x31e: {  	(v2sf) =	vpush v21, $0xF;
	_ =	sdelay $0xe  }
0x31f: {  	s11 =	spop (v2sf)  }
0x320: {  	s1 =	smax.f32 s11, $1.000000020e-24  }
0x321: {  	s12 =	sshra.s32 s1, $0x1;
	s1 =	smul.f32 $5.000000000e-01, s1  }
0x322: {  	s2 =	ssub.s32 $0x5F3759DF, s12  }
0x323: {  	s15 =	smul.f32 s2, s1;
	_ =	sdelay $0x1  }
0x324: {  	s3 =	smul.f32 s2, s15;
	_ =	sdelay $0x1  }
0x325: {  	s3 =	ssub.f32 $1.500000000e+00, s3;
	_ =	sdelay $0x1  }
0x326: {  	s2 =	smul.f32 s2, s3;
	_ =	sdelay $0x1  }
0x327: {  	s3 =	smul.f32 s2, s1;
	_ =	sdelay $0x1  }
0x328: {  	s3 =	smul.f32 s3, s2;
	_ =	sdelay $0x1  }
0x329: {  	s3 =	ssub.f32 $1.500000000e+00, s3;
	_ =	sdelay $0x1  }
0x32a: {  	s2 =	smul.f32 s3, s2;
	_ =	sdelay $0x1  }
0x32b: {  	s1 =	smul.f32 s2, s1;
	_ =	sdelay $0x1  }
0x32c: {  	s1 =	smul.f32 s1, s2;
	_ =	sdelay $0x1  }
0x32d: {  	s1 =	ssub.f32 $1.500000000e+00, s1  }
0x32e: {  	v21 =	vor.u32 $0x880, v0  }
0x32f: {  	v22 =	vor.u32 $0x890, v0;
	s15 =	rddreg [dreg:$0x10];
	s1 =	smul.f32 s1, s2  }
0x330: {  	v23 =	vor.u32 $0x8A0, v0;
	s10 =	sand.u32 $0xFFFFF80, s15  }
0x331: {  	v28 =	vor.u32 $0x8B0, v0;
	s11 =	simm.s32 $0x2080;
	s2 =	sadd.s32 s0, s10;
	v13 =	vmul.f32 s1, v13  }
0x332: {  	[tilespmem:s11], [sflag:$0x2] =	stream.strided.gather [hbm4b:s2+s6], $0x2000, s7, s6, $0x38;
	v14 =	vmul.f32 s1, v14;
	[tilespmem:$0x11100] =	vst v63  }
0x333: {  	[tilespmem:v21+s17+$0x0] =	vst.idx.msk $0xffff, v13;
	v21 =	vmul.f32 s1, v15  }
0x334: {  	s12 =	sand.u32 $0x7F, s4;
	[tilespmem:v22+s17+$0x0] =	vst.idx.msk $0xffff, v14;
	v22 =	vmul.f32 s1, v20  }
0x335: {  	v13 =	vor.u32 s12, v16;
	[tilespmem:v23+s17+$0x0] =	vst.idx.msk $0xffff, v21  }
0x336: {  	v14 =	vor.u32 s12, v17;
	[tilespmem:v28+s17+$0x0] =	vst.idx.msk $0xffff, v22  }
0x337: {  	v15 =	vor.u32 s12, v18;
	_ =	swait.ge [sflag:s14], $0x2000  }
0x338: {  	v20 =	vor.u32 s12, v19;
	[sflag:s14] =	ssyncset.done $0x0  }
0x339: {  	[sflag:s14] =	ssyncadd.s32 $0xFFFFE000  }
0x33a: {  	v13 =	vld.idx.msk [tilespmem:v13+s8+$0x0], $0xffff  }
0x33b: {  	v14 =	vld.idx.msk [tilespmem:v14+s8+$0x0], $0xffff  }
0x33c: {  	v15 =	vld.idx.msk [tilespmem:v15+s8+$0x0], $0xffff  }
0x33d: {  	v20 =	vld.idx.msk [tilespmem:v20+s8+$0x0], $0xffff;
	_ =	sdelay $0x3  }
0x33e: {  	v14 =	vadd.f32 v14, v6;
	v13 =	vadd.f32 v13, v5  }
0x33f: {  	v20 =	vadd.f32 v20, v12;
	v15 =	vadd.f32 v15, v7  }
0x340: {  	v21 =	vmul.f32 v13, v13;
	v22 =	vmul.f32 v14, v14  }
0x341: {  	v23 =	vmul.f32 v15, v15;
	v28 =	vmul.f32 v20, v20;
	_ =	sdelay $0x1  }
0x342: {  	v21 =	vadd.f32 v22, v21;
	v22 =	vadd.f32 v28, v23;
	_ =	sdelay $0x1  }
0x343: {  	v21 =	vadd.f32 v22, v21;
	_ =	sdelay $0x1  }
0x344: {  	(xrf2) =	vadd.scan.msk.f32 $0xffff, v21;
	_ =	sdelay $0x9  }
0x345: {  	v21, _, _ =	vpop (xrf2)  }
0x346: {  	(v2sf) =	vpush v21, $0xF;
	_ =	sdelay $0xe  }
0x347: {  	s2 =	spop (v2sf)  }
0x348: {  	s1 =	smax.f32 s2, $1.000000020e-24  }
0x349: {  	s3 =	sshra.s32 s1, $0x1;
	s1 =	smul.f32 $5.000000000e-01, s1  }
0x34a: {  	s2 =	ssub.s32 $0x5F3759DF, s3  }
0x34b: {  	s4 =	smul.f32 s2, s1;
	_ =	sdelay $0x1  }
0x34c: {  	s3 =	smul.f32 s2, s4;
	_ =	sdelay $0x1  }
0x34d: {  	s3 =	ssub.f32 $1.500000000e+00, s3;
	_ =	sdelay $0x1  }
0x34e: {  	s2 =	smul.f32 s2, s3;
	_ =	sdelay $0x1  }
0x34f: {  	s3 =	smul.f32 s2, s1;
	_ =	sdelay $0x1  }
0x350: {  	s3 =	smul.f32 s3, s2;
	_ =	sdelay $0x1  }
0x351: {  	s3 =	ssub.f32 $1.500000000e+00, s3;
	_ =	sdelay $0x1  }
0x352: {  	s2 =	smul.f32 s3, s2;
	_ =	sdelay $0x1  }
0x353: {  	s1 =	smul.f32 s2, s1;
	_ =	sdelay $0x1  }
0x354: {  	s1 =	smul.f32 s1, s2;
	_ =	sdelay $0x1  }
0x355: {  	s1 =	ssub.f32 $1.500000000e+00, s1  }
0x356: {  	v21 =	vor.u32 $0x900, v0  }
0x357: {  	s12 =	rddreg [dreg:$0xf];
	v22 =	vor.u32 $0x910, v0;
	s1 =	smul.f32 s1, s2  }
0x358: {  	s10 =	sand.u32 $0xFFFFF80, s12;
	v23 =	vor.u32 $0x920, v0  }
0x359: {  	s11 =	simm.s32 $0x4080;
	v28 =	vor.u32 $0x930, v0;
	s2 =	sadd.s32 s0, s10;
	v13 =	vmul.f32 s1, v13  }
0x35a: {  	[tilespmem:s11], [sflag:$0x3] =	stream.strided.gather [hbm4b:s2+s6], $0x2000, s7, s6, $0x38;
	v14 =	vmul.f32 s1, v14;
	[tilespmem:$0x11100] =	vst v63  }
0x35b: {  	[tilespmem:v21+s17+$0x0] =	vst.idx.msk $0xffff, v13;
	v21 =	vmul.f32 s1, v15  }
0x35c: {  	s22 =	sand.u32 $0x7F, s22;
	[tilespmem:v22+s17+$0x0] =	vst.idx.msk $0xffff, v14;
	v22 =	vmul.f32 s1, v20  }
0x35d: {  	v13 =	vor.u32 s22, v24;
	[tilespmem:v23+s17+$0x0] =	vst.idx.msk $0xffff, v21  }
0x35e: {  	v14 =	vor.u32 s22, v25;
	[tilespmem:v28+s17+$0x0] =	vst.idx.msk $0xffff, v22  }
0x35f: {  	v15 =	vor.u32 s22, v26;
	_ =	swait.ge [sflag:s13], $0x2000  }
0x360: {  	v20 =	vor.u32 s22, v27;
	[sflag:s13] =	ssyncset.done $0x0  }
0x361: {  	[sflag:s13] =	ssyncadd.s32 $0xFFFFE000  }
0x362: {  	v13 =	vld.idx.msk [tilespmem:v13+s8+$0x0], $0xffff  }
0x363: {  	v14 =	vld.idx.msk [tilespmem:v14+s8+$0x0], $0xffff  }
0x364: {  	v15 =	vld.idx.msk [tilespmem:v15+s8+$0x0], $0xffff  }
0x365: {  	v20 =	vld.idx.msk [tilespmem:v20+s8+$0x0], $0xffff;
	_ =	sdelay $0x3  }
0x366: {  	v14 =	vadd.f32 v14, v6;
	v13 =	vadd.f32 v13, v5  }
0x367: {  	v20 =	vadd.f32 v20, v12;
	v15 =	vadd.f32 v15, v7  }
0x368: {  	v21 =	vmul.f32 v13, v13;
	v22 =	vmul.f32 v14, v14  }
0x369: {  	v23 =	vmul.f32 v15, v15;
	v28 =	vmul.f32 v20, v20;
	_ =	sdelay $0x1  }
0x36a: {  	v21 =	vadd.f32 v22, v21;
	v22 =	vadd.f32 v28, v23;
	_ =	sdelay $0x1  }
0x36b: {  	v21 =	vadd.f32 v22, v21;
	_ =	sdelay $0x1  }
0x36c: {  	(xrf2) =	vadd.scan.msk.f32 $0xffff, v21;
	_ =	sdelay $0x9  }
0x36d: {  	v21, _, _ =	vpop (xrf2)  }
0x36e: {  	(v2sf) =	vpush v21, $0xF;
	_ =	sdelay $0xe  }
0x36f: {  	s2 =	spop (v2sf)  }
0x370: {  	s1 =	smax.f32 s2, $1.000000020e-24  }
0x371: {  	s3 =	sshra.s32 s1, $0x1;
	s1 =	smul.f32 $5.000000000e-01, s1  }
0x372: {  	s2 =	ssub.s32 $0x5F3759DF, s3  }
0x373: {  	s4 =	smul.f32 s2, s1;
	_ =	sdelay $0x1  }
0x374: {  	s3 =	smul.f32 s2, s4;
	_ =	sdelay $0x1  }
0x375: {  	s3 =	ssub.f32 $1.500000000e+00, s3;
	_ =	sdelay $0x1  }
0x376: {  	s2 =	smul.f32 s2, s3;
	_ =	sdelay $0x1  }
0x377: {  	s3 =	smul.f32 s2, s1;
	_ =	sdelay $0x1  }
0x378: {  	s3 =	smul.f32 s3, s2;
	_ =	sdelay $0x1  }
0x379: {  	s3 =	ssub.f32 $1.500000000e+00, s3;
	_ =	sdelay $0x1  }
0x37a: {  	s2 =	smul.f32 s3, s2;
	_ =	sdelay $0x1  }
0x37b: {  	s1 =	smul.f32 s2, s1;
	_ =	sdelay $0x1  }
0x37c: {  	s1 =	smul.f32 s1, s2;
	_ =	sdelay $0x1  }
0x37d: {  	s1 =	ssub.f32 $1.500000000e+00, s1  }
0x37e: {  	v21 =	vor.u32 $0x980, v0  }
0x37f: {  	s11 =	rddreg [dreg:$0xc];
	v22 =	vor.u32 $0x990, v0;
	s1 =	smul.f32 s1, s2  }
0x380: {  	s10 =	sand.u32 $0xFFFFF80, s11;
	v23 =	vor.u32 $0x9A0, v0  }
0x381: {  	s22 =	simm.s32 $0x6080;
	v28 =	vor.u32 $0x9B0, v0;
	s2 =	sadd.s32 s0, s10;
	v13 =	vmul.f32 s1, v13  }
0x382: {  	[tilespmem:s22], [sflag:$0x4] =	stream.strided.gather [hbm4b:s2+s6], $0x2000, s7, s6, $0x38;
	v14 =	vmul.f32 s1, v14;
	[tilespmem:$0x11100] =	vst v63  }
0x383: {  	[tilespmem:v21+s17+$0x0] =	vst.idx.msk $0xffff, v13;
	v21 =	vmul.f32 s1, v15  }
0x384: {  	s4 =	sand.u32 $0x7F, s31;
	[tilespmem:v22+s17+$0x0] =	vst.idx.msk $0xffff, v14;
	v22 =	vmul.f32 s1, v20  }
0x385: {  	v13 =	vor.u32 s4, v32;
	[tilespmem:v23+s17+$0x0] =	vst.idx.msk $0xffff, v21  }
0x386: {  	v14 =	vor.u32 s4, v33;
	[tilespmem:v28+s17+$0x0] =	vst.idx.msk $0xffff, v22  }
0x387: {  	v15 =	vor.u32 s4, v34;
	_ =	swait.ge [sflag:s21], $0x2000  }
0x388: {  	v20 =	vor.u32 s4, v35;
	[sflag:s21] =	ssyncset.done $0x0  }
0x389: {  	[sflag:s21] =	ssyncadd.s32 $0xFFFFE000  }
0x38a: {  	v13 =	vld.idx.msk [tilespmem:v13+s8+$0x0], $0xffff  }
0x38b: {  	v14 =	vld.idx.msk [tilespmem:v14+s8+$0x0], $0xffff  }
0x38c: {  	v15 =	vld.idx.msk [tilespmem:v15+s8+$0x0], $0xffff  }
0x38d: {  	v20 =	vld.idx.msk [tilespmem:v20+s8+$0x0], $0xffff;
	_ =	sdelay $0x3  }
0x38e: {  	v14 =	vadd.f32 v14, v6;
	v13 =	vadd.f32 v13, v5  }
0x38f: {  	v20 =	vadd.f32 v20, v12;
	v15 =	vadd.f32 v15, v7  }
0x390: {  	v21 =	vmul.f32 v13, v13;
	v22 =	vmul.f32 v14, v14  }
0x391: {  	v23 =	vmul.f32 v15, v15;
	v28 =	vmul.f32 v20, v20;
	_ =	sdelay $0x1  }
0x392: {  	v21 =	vadd.f32 v22, v21;
	v22 =	vadd.f32 v28, v23;
	_ =	sdelay $0x1  }
0x393: {  	v21 =	vadd.f32 v22, v21;
	_ =	sdelay $0x1  }
0x394: {  	(xrf2) =	vadd.scan.msk.f32 $0xffff, v21;
	_ =	sdelay $0x9  }
0x395: {  	v21, _, _ =	vpop (xrf2)  }
0x396: {  	(v2sf) =	vpush v21, $0xF;
	_ =	sdelay $0xe  }
0x397: {  	s10 =	spop (v2sf)  }
0x398: {  	s1 =	smax.f32 s10, $1.000000020e-24  }
0x399: {  	s22 =	sshra.s32 s1, $0x1;
	s1 =	smul.f32 $5.000000000e-01, s1  }
0x39a: {  	s2 =	ssub.s32 $0x5F3759DF, s22  }
0x39b: {  	s31 =	smul.f32 s2, s1;
	_ =	sdelay $0x1  }
0x39c: {  	s3 =	smul.f32 s2, s31;
	_ =	sdelay $0x1  }
0x39d: {  	s3 =	ssub.f32 $1.500000000e+00, s3;
	_ =	sdelay $0x1  }
0x39e: {  	s2 =	smul.f32 s2, s3;
	_ =	sdelay $0x1  }
0x39f: {  	s3 =	smul.f32 s2, s1;
	_ =	sdelay $0x1  }
0x3a0: {  	s3 =	smul.f32 s3, s2;
	_ =	sdelay $0x1  }
0x3a1: {  	s3 =	ssub.f32 $1.500000000e+00, s3;
	_ =	sdelay $0x1  }
0x3a2: {  	s2 =	smul.f32 s3, s2;
	_ =	sdelay $0x1  }
0x3a3: {  	s1 =	smul.f32 s2, s1;
	_ =	sdelay $0x1  }
0x3a4: {  	s1 =	smul.f32 s1, s2;
	_ =	sdelay $0x1  }
0x3a5: {  	s1 =	ssub.f32 $1.500000000e+00, s1  }
0x3a6: {  	v21 =	vor.u32 $0xA00, v0  }
0x3a7: {  	v22 =	vor.u32 $0xA10, v0;
	s10 =	rddreg [dreg:$0xb];
	s1 =	smul.f32 s1, s2  }
0x3a8: {  	v23 =	vor.u32 $0xA20, v0;
	s4 =	sand.u32 $0xFFFFF80, s10  }
0x3a9: {  	s30 =	simm.s32 $0x8080;
	v28 =	vor.u32 $0xA30, v0;
	s2 =	sadd.s32 s0, s4;
	v13 =	vmul.f32 s1, v13  }
0x3aa: {  	[tilespmem:s30], [sflag:$0x5] =	stream.strided.gather [hbm4b:s2+s6], $0x2000, s7, s6, $0x38;
	v14 =	vmul.f32 s1, v14;
	[tilespmem:$0x11100] =	vst v63  }
0x3ab: {  	[tilespmem:v21+s17+$0x0] =	vst.idx.msk $0xffff, v13;
	v21 =	vmul.f32 s1, v15  }
0x3ac: {  	s9 =	sand.u32 $0x7F, s9;
	[tilespmem:v22+s17+$0x0] =	vst.idx.msk $0xffff, v14;
	v22 =	vmul.f32 s1, v20  }
0x3ad: {  	v13 =	vor.u32 s9, v40;
	[tilespmem:v23+s17+$0x0] =	vst.idx.msk $0xffff, v21  }
0x3ae: {  	v14 =	vor.u32 s9, v41;
	[tilespmem:v28+s17+$0x0] =	vst.idx.msk $0xffff, v22  }
0x3af: {  	v15 =	vor.u32 s9, v42;
	_ =	swait.ge [sflag:s23], $0x2000  }
0x3b0: {  	v20 =	vor.u32 s9, v43;
	[sflag:s23] =	ssyncset.done $0x0  }
0x3b1: {  	[sflag:s23] =	ssyncadd.s32 $0xFFFFE000  }
0x3b2: {  	v13 =	vld.idx.msk [tilespmem:v13+s8+$0x0], $0xffff  }
0x3b3: {  	v14 =	vld.idx.msk [tilespmem:v14+s8+$0x0], $0xffff  }
0x3b4: {  	v15 =	vld.idx.msk [tilespmem:v15+s8+$0x0], $0xffff  }
0x3b5: {  	v20 =	vld.idx.msk [tilespmem:v20+s8+$0x0], $0xffff;
	_ =	sdelay $0x3  }
0x3b6: {  	v14 =	vadd.f32 v14, v6;
	v13 =	vadd.f32 v13, v5  }
0x3b7: {  	v20 =	vadd.f32 v20, v12;
	v15 =	vadd.f32 v15, v7  }
0x3b8: {  	v21 =	vmul.f32 v13, v13;
	v22 =	vmul.f32 v14, v14  }
0x3b9: {  	v23 =	vmul.f32 v15, v15;
	v28 =	vmul.f32 v20, v20;
	_ =	sdelay $0x1  }
0x3ba: {  	v21 =	vadd.f32 v22, v21;
	v22 =	vadd.f32 v28, v23;
	_ =	sdelay $0x1  }
0x3bb: {  	v21 =	vadd.f32 v22, v21;
	_ =	sdelay $0x1  }
0x3bc: {  	(xrf2) =	vadd.scan.msk.f32 $0xffff, v21;
	_ =	sdelay $0x9  }
0x3bd: {  	v21, _, _ =	vpop (xrf2)  }
0x3be: {  	(v2sf) =	vpush v21, $0xF;
	_ =	sdelay $0xe  }
0x3bf: {  	s22 =	spop (v2sf)  }
0x3c0: {  	s1 =	smax.f32 s22, $1.000000020e-24  }
0x3c1: {  	s30 =	sshra.s32 s1, $0x1;
	s1 =	smul.f32 $5.000000000e-01, s1  }
0x3c2: {  	s2 =	ssub.s32 $0x5F3759DF, s30  }
0x3c3: {  	s31 =	smul.f32 s2, s1;
	_ =	sdelay $0x1  }
0x3c4: {  	s3 =	smul.f32 s2, s31;
	_ =	sdelay $0x1  }
0x3c5: {  	s3 =	ssub.f32 $1.500000000e+00, s3;
	_ =	sdelay $0x1  }
0x3c6: {  	s2 =	smul.f32 s2, s3;
	_ =	sdelay $0x1  }
0x3c7: {  	s3 =	smul.f32 s2, s1;
	_ =	sdelay $0x1  }
0x3c8: {  	s3 =	smul.f32 s3, s2;
	_ =	sdelay $0x1  }
0x3c9: {  	s3 =	ssub.f32 $1.500000000e+00, s3;
	_ =	sdelay $0x1  }
0x3ca: {  	s2 =	smul.f32 s3, s2;
	_ =	sdelay $0x1  }
0x3cb: {  	s1 =	smul.f32 s2, s1;
	_ =	sdelay $0x1  }
0x3cc: {  	s1 =	smul.f32 s1, s2;
	_ =	sdelay $0x1  }
0x3cd: {  	s1 =	ssub.f32 $1.500000000e+00, s1  }
0x3ce: {  	v21 =	vor.u32 $0xA80, v0  }
0x3cf: {  	s9 =	rddreg [dreg:$0xd];
	v22 =	vor.u32 $0xA90, v0;
	s1 =	smul.f32 s1, s2  }
0x3d0: {  	s4 =	sand.u32 $0xFFFFF80, s9;
	v23 =	vor.u32 $0xAA0, v0  }
0x3d1: {  	s29 =	simm.s32 $0xA080;
	v28 =	vor.u32 $0xAB0, v0;
	s2 =	sadd.s32 s0, s4;
	v13 =	vmul.f32 s1, v13  }
0x3d2: {  	[tilespmem:s29], [sflag:$0x6] =	stream.strided.gather [hbm4b:s2+s6], $0x2000, s7, s6, $0x38;
	v14 =	vmul.f32 s1, v14;
	[tilespmem:$0x11100] =	vst v63  }
0x3d3: {  	[tilespmem:v21+s17+$0x0] =	vst.idx.msk $0xffff, v13;
	v21 =	vmul.f32 s1, v15  }
0x3d4: {  	s5 =	sand.u32 $0x7F, s5;
	[tilespmem:v22+s17+$0x0] =	vst.idx.msk $0xffff, v14;
	v22 =	vmul.f32 s1, v20  }
0x3d5: {  	v13 =	vor.u32 s5, v48;
	[tilespmem:v23+s17+$0x0] =	vst.idx.msk $0xffff, v21  }
0x3d6: {  	v14 =	vor.u32 s5, v49;
	[tilespmem:v28+s17+$0x0] =	vst.idx.msk $0xffff, v22  }
0x3d7: {  	v15 =	vor.u32 s5, v50;
	_ =	swait.ge [sflag:s24], $0x2000  }
0x3d8: {  	v20 =	vor.u32 s5, v51;
	[sflag:s24] =	ssyncset.done $0x0  }
0x3d9: {  	[sflag:s24] =	ssyncadd.s32 $0xFFFFE000  }
0x3da: {  	v13 =	vld.idx.msk [tilespmem:v13+s8+$0x0], $0xffff  }
0x3db: {  	v14 =	vld.idx.msk [tilespmem:v14+s8+$0x0], $0xffff  }
0x3dc: {  	v15 =	vld.idx.msk [tilespmem:v15+s8+$0x0], $0xffff  }
0x3dd: {  	v20 =	vld.idx.msk [tilespmem:v20+s8+$0x0], $0xffff;
	_ =	sdelay $0x3  }
0x3de: {  	v14 =	vadd.f32 v14, v6;
	v13 =	vadd.f32 v13, v5  }
0x3df: {  	v20 =	vadd.f32 v20, v12;
	v15 =	vadd.f32 v15, v7  }
0x3e0: {  	v21 =	vmul.f32 v13, v13;
	v22 =	vmul.f32 v14, v14  }
0x3e1: {  	v23 =	vmul.f32 v15, v15;
	v28 =	vmul.f32 v20, v20;
	_ =	sdelay $0x1  }
0x3e2: {  	v21 =	vadd.f32 v22, v21;
	v22 =	vadd.f32 v28, v23;
	_ =	sdelay $0x1  }
0x3e3: {  	v21 =	vadd.f32 v22, v21;
	_ =	sdelay $0x1  }
0x3e4: {  	(xrf2) =	vadd.scan.msk.f32 $0xffff, v21;
	_ =	sdelay $0x9  }
0x3e5: {  	v21, _, _ =	vpop (xrf2)  }
0x3e6: {  	(v2sf) =	vpush v21, $0xF;
	_ =	sdelay $0xe  }
0x3e7: {  	s22 =	spop (v2sf)  }
0x3e8: {  	s1 =	smax.f32 s22, $1.000000020e-24  }
0x3e9: {  	s29 =	sshra.s32 s1, $0x1;
	s1 =	smul.f32 $5.000000000e-01, s1  }
0x3ea: {  	s2 =	ssub.s32 $0x5F3759DF, s29  }
0x3eb: {  	s30 =	smul.f32 s2, s1;
	_ =	sdelay $0x1  }
0x3ec: {  	s3 =	smul.f32 s2, s30;
	_ =	sdelay $0x1  }
0x3ed: {  	s3 =	ssub.f32 $1.500000000e+00, s3;
	_ =	sdelay $0x1  }
0x3ee: {  	s2 =	smul.f32 s2, s3;
	_ =	sdelay $0x1  }
0x3ef: {  	s3 =	smul.f32 s2, s1;
	_ =	sdelay $0x1  }
0x3f0: {  	s3 =	smul.f32 s3, s2;
	_ =	sdelay $0x1  }
0x3f1: {  	s3 =	ssub.f32 $1.500000000e+00, s3;
	_ =	sdelay $0x1  }
0x3f2: {  	s2 =	smul.f32 s3, s2;
	_ =	sdelay $0x1  }
0x3f3: {  	s1 =	smul.f32 s2, s1;
	_ =	sdelay $0x1  }
0x3f4: {  	s1 =	smul.f32 s1, s2;
	_ =	sdelay $0x1  }
0x3f5: {  	s1 =	ssub.f32 $1.500000000e+00, s1  }
0x3f6: {  	v21 =	vor.u32 $0xB00, v0  }
0x3f7: {  	s5 =	rddreg [dreg:$0xa];
	v22 =	vor.u32 $0xB10, v0;
	s1 =	smul.f32 s1, s2  }
0x3f8: {  	s31 =	sand.u32 $0xFFFFF80, s5;
	v23 =	vor.u32 $0xB20, v0  }
0x3f9: {  	s20 =	simm.s32 $0xC080;
	v28 =	vor.u32 $0xB30, v0;
	s2 =	sadd.s32 s0, s31;
	v13 =	vmul.f32 s1, v13  }
0x3fa: {  	[tilespmem:s20], [sflag:$0x7] =	stream.strided.gather [hbm4b:s2+s6], $0x2000, s7, s6, $0x38;
	v14 =	vmul.f32 s1, v14;
	[tilespmem:$0x11100] =	vst v63  }
0x3fb: {  	[tilespmem:v21+s17+$0x0] =	vst.idx.msk $0xffff, v13;
	v21 =	vmul.f32 s1, v15  }
0x3fc: {  	s2 =	sand.u32 $0x7F, s26;
	[tilespmem:v22+s17+$0x0] =	vst.idx.msk $0xffff, v14;
	v22 =	vmul.f32 s1, v20  }
0x3fd: {  	v13 =	vor.u32 s2, v56;
	[tilespmem:v23+s17+$0x0] =	vst.idx.msk $0xffff, v21  }
0x3fe: {  	v14 =	vor.u32 s2, v57;
	[tilespmem:v28+s17+$0x0] =	vst.idx.msk $0xffff, v22  }
0x3ff: {  	v15 =	vor.u32 s2, v58;
	_ =	swait.ge [sflag:s28], $0x2000  }
0x400: {  	v20 =	vor.u32 s2, v59;
	[sflag:s28] =	ssyncset.done $0x0  }
0x401: {  	[sflag:s28] =	ssyncadd.s32 $0xFFFFE000  }
0x402: {  	v13 =	vld.idx.msk [tilespmem:v13+s8+$0x0], $0xffff  }
0x403: {  	v14 =	vld.idx.msk [tilespmem:v14+s8+$0x0], $0xffff  }
0x404: {  	v15 =	vld.idx.msk [tilespmem:v15+s8+$0x0], $0xffff  }
0x405: {  	v20 =	vld.idx.msk [tilespmem:v20+s8+$0x0], $0xffff;
	_ =	sdelay $0x3  }
0x406: {  	v14 =	vadd.f32 v14, v6;
	v13 =	vadd.f32 v13, v5  }
0x407: {  	v20 =	vadd.f32 v20, v12;
	v15 =	vadd.f32 v15, v7  }
0x408: {  	v21 =	vmul.f32 v13, v13;
	v22 =	vmul.f32 v14, v14  }
0x409: {  	v23 =	vmul.f32 v15, v15;
	v28 =	vmul.f32 v20, v20;
	_ =	sdelay $0x1  }
0x40a: {  	v21 =	vadd.f32 v22, v21;
	v22 =	vadd.f32 v28, v23;
	_ =	sdelay $0x1  }
0x40b: {  	v21 =	vadd.f32 v22, v21;
	_ =	sdelay $0x1  }
0x40c: {  	(xrf2) =	vadd.scan.msk.f32 $0xffff, v21;
	_ =	sdelay $0x9  }
0x40d: {  	v21, _, _ =	vpop (xrf2)  }
0x40e: {  	(v2sf) =	vpush v21, $0xF;
	_ =	sdelay $0xe  }
0x40f: {  	s3 =	spop (v2sf)  }
0x410: {  	s1 =	smax.f32 s3, $1.000000020e-24  }
0x411: {  	s4 =	sshra.s32 s1, $0x1;
	s1 =	smul.f32 $5.000000000e-01, s1  }
0x412: {  	s2 =	ssub.s32 $0x5F3759DF, s4  }
0x413: {  	s20 =	smul.f32 s2, s1;
	_ =	sdelay $0x1  }
0x414: {  	s3 =	smul.f32 s2, s20;
	_ =	sdelay $0x1  }
0x415: {  	s3 =	ssub.f32 $1.500000000e+00, s3;
	_ =	sdelay $0x1  }
0x416: {  	s2 =	smul.f32 s2, s3;
	_ =	sdelay $0x1  }
0x417: {  	s3 =	smul.f32 s2, s1;
	_ =	sdelay $0x1  }
0x418: {  	s3 =	smul.f32 s3, s2;
	_ =	sdelay $0x1  }
0x419: {  	s3 =	ssub.f32 $1.500000000e+00, s3;
	_ =	sdelay $0x1  }
0x41a: {  	s2 =	smul.f32 s3, s2;
	_ =	sdelay $0x1  }
0x41b: {  	s1 =	smul.f32 s2, s1;
	_ =	sdelay $0x1  }
0x41c: {  	s1 =	smul.f32 s1, s2;
	_ =	sdelay $0x1  }
0x41d: {  	s1 =	ssub.f32 $1.500000000e+00, s1  }
0x41e: {  	v21 =	vor.u32 $0xB80, v0  }
0x41f: {  	v22 =	vor.u32 $0xB90, v0;
	s20 =	rddreg [dreg:$0x9];
	s1 =	smul.f32 s1, s2  }
0x420: {  	v23 =	vor.u32 $0xBA0, v0;
	s22 =	sand.u32 $0xFFFFF80, s20  }
0x421: {  	s25 =	simm.s32 $0xE080;
	v28 =	vor.u32 $0xBB0, v0;
	s2 =	sadd.s32 s0, s22;
	v13 =	vmul.f32 s1, v13  }
0x422: {  	[tilespmem:s25], [sflag:$0x8] =	stream.strided.gather [hbm4b:s2+s6], $0x2000, s7, s6, $0x38;
	v14 =	vmul.f32 s1, v14;
	[tilespmem:$0x11100] =	vst v63  }
0x423: {  	[tilespmem:v21+s17+$0x0] =	vst.idx.msk $0xffff, v13;
	v21 =	vmul.f32 s1, v15  }
0x424: {  	s26 =	sand.u32 $0x7F, s16;
	[tilespmem:v22+s17+$0x0] =	vst.idx.msk $0xffff, v14;
	v22 =	vmul.f32 s1, v20  }
0x425: {  	v13 =	vor.u32 s26, v1;
	[tilespmem:v23+s17+$0x0] =	vst.idx.msk $0xffff, v21  }
0x426: {  	v14 =	vor.u32 s26, v2;
	[tilespmem:v28+s17+$0x0] =	vst.idx.msk $0xffff, v22  }
0x427: {  	v15 =	vor.u32 s26, v3;
	_ =	swait.ge [sflag:s19], $0x2000  }
0x428: {  	v20 =	vor.u32 s26, v4;
	[sflag:s19] =	ssyncset.done $0x0  }
0x429: {  	[sflag:s19] =	ssyncadd.s32 $0xFFFFE000  }
0x42a: {  	v13 =	vld.idx.msk [tilespmem:v13+s8+$0x0], $0xffff  }
0x42b: {  	v14 =	vld.idx.msk [tilespmem:v14+s8+$0x0], $0xffff  }
0x42c: {  	v15 =	vld.idx.msk [tilespmem:v15+s8+$0x0], $0xffff  }
0x42d: {  	v20 =	vld.idx.msk [tilespmem:v20+s8+$0x0], $0xffff;
	_ =	sdelay $0x3  }
0x42e: {  	v13 =	vadd.f32 v13, v5;
	v14 =	vadd.f32 v14, v6  }
0x42f: {  	v15 =	vadd.f32 v15, v7;
	v20 =	vadd.f32 v20, v12  }
0x430: {  	v21 =	vmul.f32 v13, v13;
	v22 =	vmul.f32 v14, v14  }
0x431: {  	v23 =	vmul.f32 v15, v15;
	v28 =	vmul.f32 v20, v20;
	_ =	sdelay $0x1  }
0x432: {  	v21 =	vadd.f32 v22, v21;
	v22 =	vadd.f32 v28, v23;
	_ =	sdelay $0x1  }
0x433: {  	v21 =	vadd.f32 v22, v21;
	_ =	sdelay $0x1  }
0x434: {  	(xrf2) =	vadd.scan.msk.f32 $0xffff, v21;
	_ =	sdelay $0x9  }
0x435: {  	v21, _, _ =	vpop (xrf2)  }
0x436: {  	(v2sf) =	vpush v21, $0xF;
	_ =	sdelay $0xe  }
0x437: {  	s29 =	spop (v2sf)  }
0x438: {  	s1 =	smax.f32 s29, $1.000000020e-24  }
0x439: {  	s30 =	sshra.s32 s1, $0x1;
	s1 =	smul.f32 $5.000000000e-01, s1  }
0x43a: {  	s2 =	ssub.s32 $0x5F3759DF, s30  }
0x43b: {  	s31 =	smul.f32 s2, s1;
	_ =	sdelay $0x1  }
0x43c: {  	s3 =	smul.f32 s2, s31;
	_ =	sdelay $0x1  }
0x43d: {  	s3 =	ssub.f32 $1.500000000e+00, s3;
	_ =	sdelay $0x1  }
0x43e: {  	s2 =	smul.f32 s2, s3;
	_ =	sdelay $0x1  }
0x43f: {  	s3 =	smul.f32 s2, s1;
	_ =	sdelay $0x1  }
0x440: {  	s3 =	smul.f32 s3, s2;
	_ =	sdelay $0x1  }
0x441: {  	s3 =	ssub.f32 $1.500000000e+00, s3;
	_ =	sdelay $0x1  }
0x442: {  	s2 =	smul.f32 s3, s2;
	_ =	sdelay $0x1  }
0x443: {  	s1 =	smul.f32 s2, s1;
	_ =	sdelay $0x1  }
0x444: {  	s1 =	smul.f32 s1, s2;
	_ =	sdelay $0x1  }
0x445: {  	s1 =	ssub.f32 $1.500000000e+00, s1  }
0x446: {  	v21 =	vor.u32 $0xC00, v0  }
0x447: {  	v22 =	vor.u32 $0xC10, v0;
	s1 =	smul.f32 s1, s2  }
0x448: {  	v23 =	vor.u32 $0xC20, v0  }
0x449: {  	v28 =	vor.u32 $0xC30, v0;
	v13 =	vmul.f32 s1, v13  }
0x44a: {  	v14 =	vmul.f32 s1, v14  }
0x44b: {  	[tilespmem:v21+s17+$0x0] =	vst.idx.msk $0xffff, v13;
	v21 =	vmul.f32 s1, v15  }
0x44c: {  	s3 =	sand.u32 $0x7F, s15;
	[tilespmem:v22+s17+$0x0] =	vst.idx.msk $0xffff, v14;
	v22 =	vmul.f32 s1, v20  }
0x44d: {  	v13 =	vor.u32 s3, v8;
	[tilespmem:v23+s17+$0x0] =	vst.idx.msk $0xffff, v21  }
0x44e: {  	v14 =	vor.u32 s3, v9;
	[tilespmem:v28+s17+$0x0] =	vst.idx.msk $0xffff, v22  }
0x44f: {  	v15 =	vor.u32 s3, v10;
	_ =	swait.ge [sflag:s18], $0x2000  }
0x450: {  	v20 =	vor.u32 s3, v11;
	[sflag:s18] =	ssyncset.done $0x0  }
0x451: {  	[sflag:s18] =	ssyncadd.s32 $0xFFFFE000  }
0x452: {  	v13 =	vld.idx.msk [tilespmem:v13+s8+$0x0], $0xffff  }
0x453: {  	v14 =	vld.idx.msk [tilespmem:v14+s8+$0x0], $0xffff  }
0x454: {  	v15 =	vld.idx.msk [tilespmem:v15+s8+$0x0], $0xffff  }
0x455: {  	v20 =	vld.idx.msk [tilespmem:v20+s8+$0x0], $0xffff;
	_ =	sdelay $0x3  }
0x456: {  	v13 =	vadd.f32 v13, v5;
	v14 =	vadd.f32 v14, v6  }
0x457: {  	v15 =	vadd.f32 v15, v7;
	v20 =	vadd.f32 v20, v12  }
0x458: {  	v21 =	vmul.f32 v13, v13;
	v22 =	vmul.f32 v14, v14  }
0x459: {  	v23 =	vmul.f32 v15, v15;
	v28 =	vmul.f32 v20, v20;
	_ =	sdelay $0x1  }
0x45a: {  	v21 =	vadd.f32 v22, v21;
	v22 =	vadd.f32 v28, v23;
	_ =	sdelay $0x1  }
0x45b: {  	v21 =	vadd.f32 v22, v21;
	_ =	sdelay $0x1  }
0x45c: {  	(xrf2) =	vadd.scan.msk.f32 $0xffff, v21;
	_ =	sdelay $0x9  }
0x45d: {  	v21, _, _ =	vpop (xrf2)  }
0x45e: {  	(v2sf) =	vpush v21, $0xF;
	_ =	sdelay $0xe  }
0x45f: {  	s4 =	spop (v2sf)  }
0x460: {  	s1 =	smax.f32 s4, $1.000000020e-24  }
0x461: {  	s15 =	sshra.s32 s1, $0x1;
	s1 =	smul.f32 $5.000000000e-01, s1  }
0x462: {  	s2 =	ssub.s32 $0x5F3759DF, s15  }
0x463: {  	s16 =	smul.f32 s2, s1;
	_ =	sdelay $0x1  }
0x464: {  	s3 =	smul.f32 s2, s16;
	_ =	sdelay $0x1  }
0x465: {  	s3 =	ssub.f32 $1.500000000e+00, s3;
	_ =	sdelay $0x1  }
0x466: {  	s2 =	smul.f32 s2, s3;
	_ =	sdelay $0x1  }
0x467: {  	s3 =	smul.f32 s2, s1;
	_ =	sdelay $0x1  }
0x468: {  	s3 =	smul.f32 s3, s2;
	_ =	sdelay $0x1  }
0x469: {  	s3 =	ssub.f32 $1.500000000e+00, s3;
	_ =	sdelay $0x1  }
0x46a: {  	s2 =	smul.f32 s3, s2;
	_ =	sdelay $0x1  }
0x46b: {  	s1 =	smul.f32 s2, s1;
	_ =	sdelay $0x1  }
0x46c: {  	s1 =	smul.f32 s1, s2;
	_ =	sdelay $0x1  }
0x46d: {  	s1 =	ssub.f32 $1.500000000e+00, s1  }
0x46e: {  	v21 =	vor.u32 $0xC80, v0  }
0x46f: {  	v22 =	vor.u32 $0xC90, v0;
	s1 =	smul.f32 s1, s2  }
0x470: {  	v23 =	vor.u32 $0xCA0, v0  }
0x471: {  	v28 =	vor.u32 $0xCB0, v0;
	v13 =	vmul.f32 s1, v13  }
0x472: {  	v14 =	vmul.f32 s1, v14  }
0x473: {  	[tilespmem:v21+s17+$0x0] =	vst.idx.msk $0xffff, v13;
	v21 =	vmul.f32 s1, v15  }
0x474: {  	s18 =	sand.u32 $0x7F, s12;
	[tilespmem:v22+s17+$0x0] =	vst.idx.msk $0xffff, v14;
	v22 =	vmul.f32 s1, v20  }
0x475: {  	v13 =	vor.u32 s18, v16;
	[tilespmem:v23+s17+$0x0] =	vst.idx.msk $0xffff, v21  }
0x476: {  	v14 =	vor.u32 s18, v17;
	[tilespmem:v28+s17+$0x0] =	vst.idx.msk $0xffff, v22  }
0x477: {  	v15 =	vor.u32 s18, v18;
	_ =	swait.ge [sflag:s14], $0x2000  }
0x478: {  	v20 =	vor.u32 s18, v19;
	[sflag:s14] =	ssyncset.done $0x0  }
0x479: {  	[sflag:s14] =	ssyncadd.s32 $0xFFFFE000  }
0x47a: {  	v13 =	vld.idx.msk [tilespmem:v13+s8+$0x0], $0xffff  }
0x47b: {  	v14 =	vld.idx.msk [tilespmem:v14+s8+$0x0], $0xffff  }
0x47c: {  	v15 =	vld.idx.msk [tilespmem:v15+s8+$0x0], $0xffff  }
0x47d: {  	v20 =	vld.idx.msk [tilespmem:v20+s8+$0x0], $0xffff;
	_ =	sdelay $0x3  }
0x47e: {  	v13 =	vadd.f32 v13, v5;
	v14 =	vadd.f32 v14, v6  }
0x47f: {  	v15 =	vadd.f32 v15, v7;
	v20 =	vadd.f32 v20, v12  }
0x480: {  	v21 =	vmul.f32 v13, v13;
	v22 =	vmul.f32 v14, v14  }
0x481: {  	v23 =	vmul.f32 v15, v15;
	v28 =	vmul.f32 v20, v20;
	_ =	sdelay $0x1  }
0x482: {  	v21 =	vadd.f32 v22, v21;
	v22 =	vadd.f32 v28, v23;
	_ =	sdelay $0x1  }
0x483: {  	v21 =	vadd.f32 v22, v21;
	_ =	sdelay $0x1  }
0x484: {  	(xrf2) =	vadd.scan.msk.f32 $0xffff, v21;
	_ =	sdelay $0x9  }
0x485: {  	v21, _, _ =	vpop (xrf2)  }
0x486: {  	(v2sf) =	vpush v21, $0xF;
	_ =	sdelay $0xe  }
0x487: {  	s19 =	spop (v2sf)  }
0x488: {  	s1 =	smax.f32 s19, $1.000000020e-24  }
0x489: {  	s22 =	sshra.s32 s1, $0x1;
	s1 =	smul.f32 $5.000000000e-01, s1  }
0x48a: {  	s2 =	ssub.s32 $0x5F3759DF, s22  }
0x48b: {  	s25 =	smul.f32 s2, s1;
	_ =	sdelay $0x1  }
0x48c: {  	s3 =	smul.f32 s2, s25;
	_ =	sdelay $0x1  }
0x48d: {  	s3 =	ssub.f32 $1.500000000e+00, s3;
	_ =	sdelay $0x1  }
0x48e: {  	s2 =	smul.f32 s2, s3;
	_ =	sdelay $0x1  }
0x48f: {  	s3 =	smul.f32 s2, s1;
	_ =	sdelay $0x1  }
0x490: {  	s3 =	smul.f32 s3, s2;
	_ =	sdelay $0x1  }
0x491: {  	s3 =	ssub.f32 $1.500000000e+00, s3;
	_ =	sdelay $0x1  }
0x492: {  	s2 =	smul.f32 s3, s2;
	_ =	sdelay $0x1  }
0x493: {  	s1 =	smul.f32 s2, s1;
	_ =	sdelay $0x1  }
0x494: {  	s1 =	smul.f32 s1, s2;
	_ =	sdelay $0x1  }
0x495: {  	s1 =	ssub.f32 $1.500000000e+00, s1  }
0x496: {  	v21 =	vor.u32 $0xD00, v0  }
0x497: {  	v22 =	vor.u32 $0xD10, v0;
	s1 =	smul.f32 s1, s2  }
0x498: {  	v23 =	vor.u32 $0xD20, v0  }
0x499: {  	v28 =	vor.u32 $0xD30, v0;
	v13 =	vmul.f32 s1, v13  }
0x49a: {  	v14 =	vmul.f32 s1, v14  }
0x49b: {  	[tilespmem:v21+s17+$0x0] =	vst.idx.msk $0xffff, v13;
	v21 =	vmul.f32 s1, v15  }
0x49c: {  	s26 =	sand.u32 $0x7F, s11;
	[tilespmem:v22+s17+$0x0] =	vst.idx.msk $0xffff, v14;
	v22 =	vmul.f32 s1, v20  }
0x49d: {  	v13 =	vor.u32 s26, v24;
	[tilespmem:v23+s17+$0x0] =	vst.idx.msk $0xffff, v21  }
0x49e: {  	v14 =	vor.u32 s26, v25;
	[tilespmem:v28+s17+$0x0] =	vst.idx.msk $0xffff, v22  }
0x49f: {  	v15 =	vor.u32 s26, v26;
	_ =	swait.ge [sflag:s13], $0x2000  }
0x4a0: {  	v20 =	vor.u32 s26, v27;
	[sflag:s13] =	ssyncset.done $0x0  }
0x4a1: {  	[sflag:s13] =	ssyncadd.s32 $0xFFFFE000  }
0x4a2: {  	v13 =	vld.idx.msk [tilespmem:v13+s8+$0x0], $0xffff  }
0x4a3: {  	v14 =	vld.idx.msk [tilespmem:v14+s8+$0x0], $0xffff  }
0x4a4: {  	v15 =	vld.idx.msk [tilespmem:v15+s8+$0x0], $0xffff  }
0x4a5: {  	v20 =	vld.idx.msk [tilespmem:v20+s8+$0x0], $0xffff;
	_ =	sdelay $0x3  }
0x4a6: {  	v13 =	vadd.f32 v13, v5;
	v14 =	vadd.f32 v14, v6  }
0x4a7: {  	v15 =	vadd.f32 v15, v7;
	v20 =	vadd.f32 v20, v12  }
0x4a8: {  	v21 =	vmul.f32 v13, v13;
	v22 =	vmul.f32 v14, v14  }
0x4a9: {  	v23 =	vmul.f32 v15, v15;
	v28 =	vmul.f32 v20, v20;
	_ =	sdelay $0x1  }
0x4aa: {  	v21 =	vadd.f32 v22, v21;
	v22 =	vadd.f32 v28, v23;
	_ =	sdelay $0x1  }
0x4ab: {  	v21 =	vadd.f32 v22, v21;
	_ =	sdelay $0x1  }
0x4ac: {  	(xrf2) =	vadd.scan.msk.f32 $0xffff, v21;
	_ =	sdelay $0x9  }
0x4ad: {  	v21, _, _ =	vpop (xrf2)  }
0x4ae: {  	(v2sf) =	vpush v21, $0xF;
	_ =	sdelay $0xe  }
0x4af: {  	s29 =	spop (v2sf)  }
0x4b0: {  	s1 =	smax.f32 s29, $1.000000020e-24  }
0x4b1: {  	s30 =	sshra.s32 s1, $0x1;
	s1 =	smul.f32 $5.000000000e-01, s1  }
0x4b2: {  	s2 =	ssub.s32 $0x5F3759DF, s30  }
0x4b3: {  	s31 =	smul.f32 s2, s1;
	_ =	sdelay $0x1  }
0x4b4: {  	s3 =	smul.f32 s2, s31;
	_ =	sdelay $0x1  }
0x4b5: {  	s3 =	ssub.f32 $1.500000000e+00, s3;
	_ =	sdelay $0x1  }
0x4b6: {  	s2 =	smul.f32 s2, s3;
	_ =	sdelay $0x1  }
0x4b7: {  	s3 =	smul.f32 s2, s1;
	_ =	sdelay $0x1  }
0x4b8: {  	s3 =	smul.f32 s3, s2;
	_ =	sdelay $0x1  }
0x4b9: {  	s3 =	ssub.f32 $1.500000000e+00, s3;
	_ =	sdelay $0x1  }
0x4ba: {  	s2 =	smul.f32 s3, s2;
	_ =	sdelay $0x1  }
0x4bb: {  	s1 =	smul.f32 s2, s1;
	_ =	sdelay $0x1  }
0x4bc: {  	s1 =	smul.f32 s1, s2;
	_ =	sdelay $0x1  }
0x4bd: {  	s1 =	ssub.f32 $1.500000000e+00, s1  }
0x4be: {  	v21 =	vor.u32 $0xD80, v0  }
0x4bf: {  	v22 =	vor.u32 $0xD90, v0;
	s1 =	smul.f32 s1, s2  }
0x4c0: {  	v23 =	vor.u32 $0xDA0, v0  }
0x4c1: {  	v28 =	vor.u32 $0xDB0, v0;
	v13 =	vmul.f32 s1, v13  }
0x4c2: {  	v14 =	vmul.f32 s1, v14  }
0x4c3: {  	[tilespmem:v21+s17+$0x0] =	vst.idx.msk $0xffff, v13;
	v21 =	vmul.f32 s1, v15  }
0x4c4: {  	s3 =	sand.u32 $0x7F, s10;
	[tilespmem:v22+s17+$0x0] =	vst.idx.msk $0xffff, v14;
	v22 =	vmul.f32 s1, v20  }
0x4c5: {  	v13 =	vor.u32 s3, v32;
	[tilespmem:v23+s17+$0x0] =	vst.idx.msk $0xffff, v21  }
0x4c6: {  	v14 =	vor.u32 s3, v33;
	[tilespmem:v28+s17+$0x0] =	vst.idx.msk $0xffff, v22  }
0x4c7: {  	v15 =	vor.u32 s3, v34;
	_ =	swait.ge [sflag:s21], $0x2000  }
0x4c8: {  	v20 =	vor.u32 s3, v35;
	[sflag:s21] =	ssyncset.done $0x0  }
0x4c9: {  	[sflag:s21] =	ssyncadd.s32 $0xFFFFE000  }
0x4ca: {  	v13 =	vld.idx.msk [tilespmem:v13+s8+$0x0], $0xffff  }
0x4cb: {  	v14 =	vld.idx.msk [tilespmem:v14+s8+$0x0], $0xffff  }
0x4cc: {  	v15 =	vld.idx.msk [tilespmem:v15+s8+$0x0], $0xffff  }
0x4cd: {  	v20 =	vld.idx.msk [tilespmem:v20+s8+$0x0], $0xffff;
	_ =	sdelay $0x3  }
0x4ce: {  	v13 =	vadd.f32 v13, v5;
	v14 =	vadd.f32 v14, v6  }
0x4cf: {  	v15 =	vadd.f32 v15, v7;
	v20 =	vadd.f32 v20, v12  }
0x4d0: {  	v21 =	vmul.f32 v13, v13;
	v22 =	vmul.f32 v14, v14  }
0x4d1: {  	v23 =	vmul.f32 v15, v15;
	v28 =	vmul.f32 v20, v20;
	_ =	sdelay $0x1  }
0x4d2: {  	v21 =	vadd.f32 v22, v21;
	v22 =	vadd.f32 v28, v23;
	_ =	sdelay $0x1  }
0x4d3: {  	v21 =	vadd.f32 v22, v21;
	_ =	sdelay $0x1  }
0x4d4: {  	(xrf2) =	vadd.scan.msk.f32 $0xffff, v21;
	_ =	sdelay $0x9  }
0x4d5: {  	v21, _, _ =	vpop (xrf2)  }
0x4d6: {  	(v2sf) =	vpush v21, $0xF;
	_ =	sdelay $0xe  }
0x4d7: {  	s4 =	spop (v2sf)  }
0x4d8: {  	s1 =	smax.f32 s4, $1.000000020e-24  }
0x4d9: {  	s10 =	sshra.s32 s1, $0x1;
	s1 =	smul.f32 $5.000000000e-01, s1  }
0x4da: {  	s2 =	ssub.s32 $0x5F3759DF, s10  }
0x4db: {  	s11 =	smul.f32 s2, s1;
	_ =	sdelay $0x1  }
0x4dc: {  	s3 =	smul.f32 s2, s11;
	_ =	sdelay $0x1  }
0x4dd: {  	s3 =	ssub.f32 $1.500000000e+00, s3;
	_ =	sdelay $0x1  }
0x4de: {  	s2 =	smul.f32 s2, s3;
	_ =	sdelay $0x1  }
0x4df: {  	s3 =	smul.f32 s2, s1;
	_ =	sdelay $0x1  }
0x4e0: {  	s3 =	smul.f32 s3, s2;
	_ =	sdelay $0x1  }
0x4e1: {  	s3 =	ssub.f32 $1.500000000e+00, s3;
	_ =	sdelay $0x1  }
0x4e2: {  	s2 =	smul.f32 s3, s2;
	_ =	sdelay $0x1  }
0x4e3: {  	s1 =	smul.f32 s2, s1;
	_ =	sdelay $0x1  }
0x4e4: {  	s1 =	smul.f32 s1, s2;
	_ =	sdelay $0x1  }
0x4e5: {  	s1 =	ssub.f32 $1.500000000e+00, s1  }
0x4e6: {  	v21 =	vor.u32 $0xE00, v0  }
0x4e7: {  	v22 =	vor.u32 $0xE10, v0;
	s1 =	smul.f32 s1, s2  }
0x4e8: {  	v23 =	vor.u32 $0xE20, v0  }
0x4e9: {  	v28 =	vor.u32 $0xE30, v0;
	v13 =	vmul.f32 s1, v13  }
0x4ea: {  	v14 =	vmul.f32 s1, v14  }
0x4eb: {  	[tilespmem:v21+s17+$0x0] =	vst.idx.msk $0xffff, v13;
	v21 =	vmul.f32 s1, v15  }
0x4ec: {  	s12 =	sand.u32 $0x7F, s9;
	[tilespmem:v22+s17+$0x0] =	vst.idx.msk $0xffff, v14;
	v22 =	vmul.f32 s1, v20  }
0x4ed: {  	v13 =	vor.u32 s12, v40;
	[tilespmem:v23+s17+$0x0] =	vst.idx.msk $0xffff, v21  }
0x4ee: {  	v14 =	vor.u32 s12, v41;
	[tilespmem:v28+s17+$0x0] =	vst.idx.msk $0xffff, v22  }
0x4ef: {  	v15 =	vor.u32 s12, v42;
	_ =	swait.ge [sflag:s23], $0x2000  }
0x4f0: {  	v20 =	vor.u32 s12, v43;
	[sflag:s23] =	ssyncset.done $0x0  }
0x4f1: {  	[sflag:s23] =	ssyncadd.s32 $0xFFFFE000  }
0x4f2: {  	v13 =	vld.idx.msk [tilespmem:v13+s8+$0x0], $0xffff  }
0x4f3: {  	v14 =	vld.idx.msk [tilespmem:v14+s8+$0x0], $0xffff  }
0x4f4: {  	v15 =	vld.idx.msk [tilespmem:v15+s8+$0x0], $0xffff  }
0x4f5: {  	v20 =	vld.idx.msk [tilespmem:v20+s8+$0x0], $0xffff;
	_ =	sdelay $0x3  }
0x4f6: {  	v13 =	vadd.f32 v13, v5;
	v14 =	vadd.f32 v14, v6  }
0x4f7: {  	v15 =	vadd.f32 v15, v7;
	v20 =	vadd.f32 v20, v12  }
0x4f8: {  	v21 =	vmul.f32 v13, v13;
	v22 =	vmul.f32 v14, v14  }
0x4f9: {  	v23 =	vmul.f32 v15, v15;
	v28 =	vmul.f32 v20, v20;
	_ =	sdelay $0x1  }
0x4fa: {  	v21 =	vadd.f32 v22, v21;
	v22 =	vadd.f32 v28, v23;
	_ =	sdelay $0x1  }
0x4fb: {  	v21 =	vadd.f32 v22, v21;
	_ =	sdelay $0x1  }
0x4fc: {  	(xrf2) =	vadd.scan.msk.f32 $0xffff, v21;
	_ =	sdelay $0x9  }
0x4fd: {  	v21, _, _ =	vpop (xrf2)  }
0x4fe: {  	(v2sf) =	vpush v21, $0xF;
	_ =	sdelay $0xe  }
0x4ff: {  	s13 =	spop (v2sf)  }
0x500: {  	s1 =	smax.f32 s13, $1.000000020e-24  }
0x501: {  	s14 =	sshra.s32 s1, $0x1;
	s1 =	smul.f32 $5.000000000e-01, s1  }
0x502: {  	s2 =	ssub.s32 $0x5F3759DF, s14  }
0x503: {  	s15 =	smul.f32 s2, s1;
	_ =	sdelay $0x1  }
0x504: {  	s3 =	smul.f32 s2, s15;
	_ =	sdelay $0x1  }
0x505: {  	s3 =	ssub.f32 $1.500000000e+00, s3;
	_ =	sdelay $0x1  }
0x506: {  	s2 =	smul.f32 s2, s3;
	_ =	sdelay $0x1  }
0x507: {  	s3 =	smul.f32 s2, s1;
	_ =	sdelay $0x1  }
0x508: {  	s3 =	smul.f32 s3, s2;
	_ =	sdelay $0x1  }
0x509: {  	s3 =	ssub.f32 $1.500000000e+00, s3;
	_ =	sdelay $0x1  }
0x50a: {  	s2 =	smul.f32 s3, s2;
	_ =	sdelay $0x1  }
0x50b: {  	s1 =	smul.f32 s2, s1;
	_ =	sdelay $0x1  }
0x50c: {  	s1 =	smul.f32 s1, s2;
	_ =	sdelay $0x1  }
0x50d: {  	s1 =	ssub.f32 $1.500000000e+00, s1  }
0x50e: {  	v21 =	vor.u32 $0xE80, v0  }
0x50f: {  	v22 =	vor.u32 $0xE90, v0;
	s1 =	smul.f32 s1, s2  }
0x510: {  	v23 =	vor.u32 $0xEA0, v0  }
0x511: {  	v28 =	vor.u32 $0xEB0, v0;
	v13 =	vmul.f32 s1, v13  }
0x512: {  	v14 =	vmul.f32 s1, v14  }
0x513: {  	[tilespmem:v21+s17+$0x0] =	vst.idx.msk $0xffff, v13;
	v21 =	vmul.f32 s1, v15  }
0x514: {  	s16 =	sand.u32 $0x7F, s5;
	[tilespmem:v22+s17+$0x0] =	vst.idx.msk $0xffff, v14;
	v22 =	vmul.f32 s1, v20  }
0x515: {  	v13 =	vor.u32 s16, v48;
	[tilespmem:v23+s17+$0x0] =	vst.idx.msk $0xffff, v21  }
0x516: {  	v14 =	vor.u32 s16, v49;
	[tilespmem:v28+s17+$0x0] =	vst.idx.msk $0xffff, v22  }
0x517: {  	v15 =	vor.u32 s16, v50;
	_ =	swait.ge [sflag:s24], $0x2000  }
0x518: {  	v20 =	vor.u32 s16, v51;
	[sflag:s24] =	ssyncset.done $0x0  }
0x519: {  	[sflag:s24] =	ssyncadd.s32 $0xFFFFE000  }
0x51a: {  	v13 =	vld.idx.msk [tilespmem:v13+s8+$0x0], $0xffff  }
0x51b: {  	v14 =	vld.idx.msk [tilespmem:v14+s8+$0x0], $0xffff  }
0x51c: {  	v15 =	vld.idx.msk [tilespmem:v15+s8+$0x0], $0xffff  }
0x51d: {  	v20 =	vld.idx.msk [tilespmem:v20+s8+$0x0], $0xffff;
	_ =	sdelay $0x3  }
0x51e: {  	v13 =	vadd.f32 v13, v5;
	v14 =	vadd.f32 v14, v6  }
0x51f: {  	v15 =	vadd.f32 v15, v7;
	v20 =	vadd.f32 v20, v12  }
0x520: {  	v21 =	vmul.f32 v13, v13;
	v22 =	vmul.f32 v14, v14  }
0x521: {  	v23 =	vmul.f32 v15, v15;
	v28 =	vmul.f32 v20, v20;
	_ =	sdelay $0x1  }
0x522: {  	v21 =	vadd.f32 v22, v21;
	v22 =	vadd.f32 v28, v23;
	_ =	sdelay $0x1  }
0x523: {  	v21 =	vadd.f32 v22, v21;
	_ =	sdelay $0x1  }
0x524: {  	(xrf2) =	vadd.scan.msk.f32 $0xffff, v21;
	_ =	sdelay $0x9  }
0x525: {  	v21, _, _ =	vpop (xrf2)  }
0x526: {  	(v2sf) =	vpush v21, $0xF;
	_ =	sdelay $0xe  }
0x527: {  	s18 =	spop (v2sf)  }
0x528: {  	s1 =	smax.f32 s18, $1.000000020e-24  }
0x529: {  	s19 =	sshra.s32 s1, $0x1;
	s1 =	smul.f32 $5.000000000e-01, s1  }
0x52a: {  	s2 =	ssub.s32 $0x5F3759DF, s19  }
0x52b: {  	s21 =	smul.f32 s2, s1;
	_ =	sdelay $0x1  }
0x52c: {  	s3 =	smul.f32 s2, s21;
	_ =	sdelay $0x1  }
0x52d: {  	s3 =	ssub.f32 $1.500000000e+00, s3;
	_ =	sdelay $0x1  }
0x52e: {  	s2 =	smul.f32 s2, s3;
	_ =	sdelay $0x1  }
0x52f: {  	s3 =	smul.f32 s2, s1;
	_ =	sdelay $0x1  }
0x530: {  	s3 =	smul.f32 s3, s2;
	_ =	sdelay $0x1  }
0x531: {  	s3 =	ssub.f32 $1.500000000e+00, s3;
	_ =	sdelay $0x1  }
0x532: {  	s2 =	smul.f32 s3, s2;
	_ =	sdelay $0x1  }
0x533: {  	s1 =	smul.f32 s2, s1;
	_ =	sdelay $0x1  }
0x534: {  	s1 =	smul.f32 s1, s2;
	_ =	sdelay $0x1  }
0x535: {  	s1 =	ssub.f32 $1.500000000e+00, s1  }
0x536: {  	v21 =	vor.u32 $0xF00, v0  }
0x537: {  	v22 =	vor.u32 $0xF10, v0;
	s1 =	smul.f32 s1, s2  }
0x538: {  	v23 =	vor.u32 $0xF20, v0  }
0x539: {  	v28 =	vor.u32 $0xF30, v0;
	v13 =	vmul.f32 s1, v13  }
0x53a: {  	v14 =	vmul.f32 s1, v14  }
0x53b: {  	[tilespmem:v21+s17+$0x0] =	vst.idx.msk $0xffff, v13;
	v21 =	vmul.f32 s1, v15  }
0x53c: {  	s22 =	sand.u32 $0x7F, s20;
	[tilespmem:v22+s17+$0x0] =	vst.idx.msk $0xffff, v14;
	v22 =	vmul.f32 s1, v20  }
0x53d: {  	v13 =	vor.u32 s22, v56;
	[tilespmem:v23+s17+$0x0] =	vst.idx.msk $0xffff, v21  }
0x53e: {  	v14 =	vor.u32 s22, v57;
	[tilespmem:v28+s17+$0x0] =	vst.idx.msk $0xffff, v22  }
0x53f: {  	v15 =	vor.u32 s22, v58;
	_ =	swait.ge [sflag:s28], $0x2000  }
0x540: {  	v20 =	vor.u32 s22, v59;
	[sflag:s28] =	ssyncset.done $0x0  }
0x541: {  	[sflag:s28] =	ssyncadd.s32 $0xFFFFE000  }
0x542: {  	v13 =	vld.idx.msk [tilespmem:v13+s8+$0x0], $0xffff  }
0x543: {  	v14 =	vld.idx.msk [tilespmem:v14+s8+$0x0], $0xffff  }
0x544: {  	v15 =	vld.idx.msk [tilespmem:v15+s8+$0x0], $0xffff  }
0x545: {  	v20 =	vld.idx.msk [tilespmem:v20+s8+$0x0], $0xffff;
	_ =	sdelay $0x3  }
0x546: {  	v5 =	vadd.f32 v13, v5;
	v6 =	vadd.f32 v14, v6  }
0x547: {  	v7 =	vadd.f32 v15, v7;
	v12 =	vadd.f32 v20, v12  }
0x548: {  	v13 =	vmul.f32 v5, v5;
	v14 =	vmul.f32 v6, v6  }
0x549: {  	v15 =	vmul.f32 v7, v7;
	v20 =	vmul.f32 v12, v12;
	_ =	sdelay $0x1  }
0x54a: {  	v13 =	vadd.f32 v14, v13;
	v23 =	vadd.f32 v20, v15;
	_ =	sdelay $0x1  }
0x54b: {  	v13 =	vadd.f32 v23, v13;
	_ =	sdelay $0x1  }
0x54c: {  	(xrf2) =	vadd.scan.msk.f32 $0xffff, v13;
	_ =	sdelay $0x9  }
0x54d: {  	v13, _, _ =	vpop (xrf2)  }
0x54e: {  	(v2sf) =	vpush v13, $0xF;
	_ =	sdelay $0xe  }
0x54f: {  	s23 =	spop (v2sf)  }
0x550: {  	s1 =	smax.f32 s23, $1.000000020e-24  }
0x551: {  	s24 =	sshra.s32 s1, $0x1;
	s1 =	smul.f32 $5.000000000e-01, s1  }
0x552: {  	s2 =	ssub.s32 $0x5F3759DF, s24  }
0x553: {  	s25 =	smul.f32 s2, s1;
	_ =	sdelay $0x1  }
0x554: {  	s3 =	smul.f32 s2, s25;
	_ =	sdelay $0x1  }
0x555: {  	s3 =	ssub.f32 $1.500000000e+00, s3;
	_ =	sdelay $0x1  }
0x556: {  	s2 =	smul.f32 s2, s3;
	_ =	sdelay $0x1  }
0x557: {  	s3 =	smul.f32 s2, s1;
	_ =	sdelay $0x1  }
0x558: {  	s3 =	smul.f32 s3, s2;
	_ =	sdelay $0x1  }
0x559: {  	s3 =	ssub.f32 $1.500000000e+00, s3;
	_ =	sdelay $0x1  }
0x55a: {  	s2 =	smul.f32 s3, s2;
	_ =	sdelay $0x1  }
0x55b: {  	s1 =	smul.f32 s2, s1;
	_ =	sdelay $0x1  }
0x55c: {  	s1 =	smul.f32 s1, s2;
	_ =	sdelay $0x1  }
0x55d: {  	s1 =	ssub.f32 $1.500000000e+00, s1  }
0x55e: {  	v13 =	vor.u32 $0xF80, v0  }
0x55f: {  	v14 =	vor.u32 $0xF90, v0;
	s1 =	smul.f32 s1, s2  }
0x560: {  	v15 =	vor.u32 $0xFA0, v0  }
0x561: {  	v20 =	vor.u32 $0xFB0, v0;
	v5 =	vmul.f32 s1, v5  }
0x562: {  	v6 =	vmul.f32 s1, v6  }
0x563: {  	[tilespmem:v13+s17+$0x0] =	vst.idx.msk $0xffff, v5;
	v5 =	vmul.f32 s1, v7  }
0x564: {  	s29 =	rddreg [dreg:$0xe];
	[tilespmem:v14+s17+$0x0] =	vst.idx.msk $0xffff, v6;
	v6 =	vmul.f32 s1, v12  }
0x565: {  	s30 =	simm.s32 $0x9;
	p0 =	sne.s32 s29, $0x1;
	[tilespmem:v15+s17+$0x0] =	vst.idx.msk $0xffff, v5  }
.Ltmp0:
0x566: {  	s26 =	rddreg [dreg:$0x7];
	s28 =	simm.s32 $0x0;
	[tilespmem:v20+s17+$0x0] =	vst.idx.msk $0xffff, v6;
	(pc) =	sbr.rel @p0 .LBB2_1-.Ltmp0, $4  }
0x567: {  	[hbm4b:s26+s28] =	stream.linear.scatter [tilespmem:s17], [sflag:$0x9], $0x1000, $0x38;
	[tilespmem:$0x11100] =	vst v63  }
0x568: {  	_ =	swait.ge [sflag:s30], $0x1000  }
0x569: {  	s31 =	simm.s32 $0x9;
	[sflag:s30] =	ssyncset.done $0x0  }
0x56a: {  	s2 =	sadd.s32 $0xFFFFFFFF, s29;
	[sflag:s31] =	ssyncadd.s32 $0xFFFFF000  }
0x56b: {  	_ =	sfence.sel $0x180000  }
0x56c: {  	[bflag:$0x0] =	sbarrier.arrive $0xFFFF  }
0x56d: {  	_ =	strace $0x90000047  }
0x56e: {  	s0 =	stileid.u32;
	[bflag:$0x2] =	sbarrier.arrive $0xFFFF  }
0x56f: {  	p0 =	sne.s32 s0, $0x0;
	s0 =	rddreg [dreg:$0x4]  }
0x570: {  	s0 =	sadd.s32 @!p0 $0x100000, s0  }
0x571: {  	[sflag:s0] =	ssyncadd.tile.s32 @!p0 $0x1;
	_ =	shalt  }
.Lfunc_end2:
_tile_overlayer_lowered:
.L_overlay_start_2:
0x572: {  	(tag) =	ssettag $0x2  }
0x573: {  	s0 =	rddreg [dreg:$0x0];
	s2 =	stileid.u32  }
0x574: {  	s1 =	rddreg [dreg:$0x1];
	p0 =	sne.s32 s2, $0x0  }
0x575: {  	s3 =	rddreg [dreg:$0x2];
	[bflag:$0x3] =	sbarrier.arrive $0xFFFF;
	s2 =	simm.s32 @!p0 $0x1C09  }
0x576: {  	[timem:s3], [sflag:s2] =	dma.local @!p0 [hbm:s0], s1  }
0x577: {  	s0 =	simm.s32 @!p0 $0x9  }
0x578: {  	_ =	swait.ge @!p0 [sflag:s0], s1  }
0x579: {  	s1 =	ssub.s32 @!p0 $0x0, s1;
	[sflag:s0] =	ssyncset.done @!p0 $0x0  }
0x57a: {  	[sflag:s0] =	ssyncadd.s32 @!p0 s1  }
0x57b: {  	[bflag:$0x3] =	sbarrier.arrive $0xFFFF  }
0x57c: {  	_ =	shalt  }

</sc_bundles>
